<compile_context>
chip_gen: v7x
topology: tpu7x:2x2x1
jax: 0.10.2.dev20260603
libtpu: 0.0.44.dev20260713+nightly
codegen_flags: <defaults>
</compile_context>

<pallas_src>
import functools

import jax
import jax.numpy as jnp
from jax import lax
from jax.experimental import pallas as pl
from jax.experimental.pallas import tpu as pltpu
from jax.experimental.pallas import tpu_sc as plsc

_N = 10000
_E = 320000
_NE = 16
_NOUT1 = 32
_NOUT2 = 16
_NIN = _NOUT1 + _NOUT2
_NG = 200
_YW = _NE * _NOUT1

_NCORES = 2
_NSUB = 16
_NW = _NCORES * _NSUB
_EPW = _E // _NW
_C = 80
_NCHUNK = _EPW // _C
_NPAD = 10240
_RPT = _NPAD // _NSUB

_BE = 4000
_BN = 2000


@functools.partial(
    pl.kernel,
    out_type=jax.ShapeDtypeStruct((_NCORES, _NPAD, _NOUT1), jnp.float32),
    mesh=plsc.VectorSubcoreMesh(core_axis_name="c", subcore_axis_name="s"),
    compiler_params=pltpu.CompilerParams(use_tc_tiling_on_sc=False),
    scratch_types=[
        pltpu.VMEM((_C,), jnp.int32),
        pltpu.VMEM((_C,), jnp.int32),
        pltpu.VMEM((_C, _NE), jnp.float32),
        pltpu.VMEM((_C, _YW), jnp.float32),
        pltpu.VMEM((_C,), jnp.int32),
        pltpu.VMEM((_C,), jnp.int32),
        pltpu.VMEM((_C, _NE), jnp.float32),
        pltpu.VMEM((_C, _YW), jnp.float32),
        pltpu.VMEM((_C, _NOUT1), jnp.float32),
        pltpu.VMEM((_RPT, _NOUT1), jnp.float32),
        pltpu.VMEM_SHARED((_NPAD, _NOUT1), jnp.float32),
        pltpu.SemaphoreType.DMA,
        pltpu.SemaphoreType.DMA,
        pltpu.SemaphoreType.DMA,
    ],
)
def _sc_conv(y_hbm, ea_hbm, src_hbm, dst_hbm, out_hbm,
             srcv0, dstv0, eav0, rows0, srcv1, dstv1, eav1, rows1,
             msg, zbuf, acc, gsem0, gsem1, isem):
    cid = lax.axis_index("c")
    sid = lax.axis_index("s")
    wid = cid * _NSUB + sid
    zero16 = jnp.zeros((16,), jnp.float32)
    bufs = ((srcv0, dstv0, eav0, rows0, gsem0),
            (srcv1, dstv1, eav1, rows1, gsem1))

    def zrow(r, carry):
        zbuf[r, pl.ds(0, 16)] = zero16
        zbuf[r, pl.ds(16, 16)] = zero16
        return carry
    lax.fori_loop(0, _RPT, zrow, 0)
    pltpu.sync_copy(zbuf, acc.at[pl.ds(sid * _RPT, _RPT)])
    plsc.subcore_barrier()

    e_base = wid * _EPW

    def eoff(ci):
        return pl.multiple_of(e_base + (ci % _NCHUNK) * _C, 8)

    def fire_idx(ci, buf):
        srcv, dstv, eav, _, _ = buf
        e0 = eoff(ci)
        pltpu.async_copy(src_hbm.at[pl.ds(e0, _C)], srcv, isem)
        pltpu.async_copy(dst_hbm.at[pl.ds(e0, _C)], dstv, isem)
        pltpu.async_copy(ea_hbm.at[pl.ds(e0, _C)], eav, isem)

    def wait_idx(ci, buf):
        srcv, dstv, eav, _, _ = buf
        e0 = eoff(ci)
        pltpu.make_async_copy(src_hbm.at[pl.ds(e0, _C)], srcv, isem).wait()
        pltpu.make_async_copy(dst_hbm.at[pl.ds(e0, _C)], dstv, isem).wait()
        pltpu.make_async_copy(ea_hbm.at[pl.ds(e0, _C)], eav, isem).wait()

    def fire_gather(buf):
        srcv, _, _, rows, gsem = buf
        pltpu.async_copy(y_hbm.at[srcv], rows, gsem)

    def wait_gather(buf):
        srcv, _, _, rows, gsem = buf
        pltpu.make_async_copy(y_hbm.at[srcv], rows, gsem).wait()

    def compute_scatter(buf):
        _, dstv, eav, rows, _ = buf

        def edge(e, ecarry):
            m0 = jnp.zeros((16,), jnp.float32)
            m1 = jnp.zeros((16,), jnp.float32)
            ev = eav[e, pl.ds(0, _NE)]
            for k in range(_NE):
                a = ev[k]
                m0 = m0 + a * rows[e, pl.ds(k * _NOUT1, 16)]
                m1 = m1 + a * rows[e, pl.ds(k * _NOUT1 + 16, 16)]
            msg[e, pl.ds(0, 16)] = m0
            msg[e, pl.ds(16, 16)] = m1
            return ecarry
        lax.fori_loop(0, _C, edge, 0)
        pltpu.sync_copy(msg, acc.at[dstv], add=True)

    def step(ci, cur, nxt):
        wait_idx(ci + 1, nxt)
        wait_gather(cur)
        fire_gather(nxt)
        compute_scatter(cur)
        fire_idx(ci + 2, cur)

    fire_idx(0, bufs[0])
    wait_idx(0, bufs[0])
    fire_gather(bufs[0])
    fire_idx(1, bufs[1])

    def pair(i, carry):
        step(2 * i, bufs[0], bufs[1])
        step(2 * i + 1, bufs[1], bufs[0])
        return carry
    lax.fori_loop(0, (_NCHUNK - 1) // 2, pair, 0)
    step(_NCHUNK - 1, bufs[0], bufs[1])

    wait_gather(bufs[1])
    wait_idx(0, bufs[0])

    plsc.subcore_barrier()
    pltpu.sync_copy(acc.at[pl.ds(sid * _RPT, _RPT)],
                    out_hbm.at[cid, pl.ds(sid * _RPT, _RPT)])


def _edge_mlp3(edge_attr, wfirst, w14_1, w14_2, w14_3):
    def body(e_ref, wf_ref, wa_ref, wb_ref, wc_ref, o1_ref, o2_ref, o3_ref):
        t = jnp.dot(e_ref[...], wf_ref[...], preferred_element_type=jnp.float32)
        for li, (w_ref, o_ref) in enumerate(
                [(wa_ref, o1_ref), (wb_ref, o2_ref), (wc_ref, o3_ref)]):
            s = t[:, li * 96:(li + 1) * 96]
            tmp = jnp.concatenate(
                [jnp.maximum(s[:, :32], 0.0),
                 jnp.maximum(s[:, 32:64], 0.0) * jnp.maximum(s[:, 64:96], 0.0)],
                axis=1)
            o_ref[...] = jnp.maximum(
                jnp.dot(tmp, w_ref[...], preferred_element_type=jnp.float32), 0.0)

    espec = pl.BlockSpec((_BE, _NE), lambda i: (i, 0))
    return pl.pallas_call(
        body,
        grid=(_E // _BE,),
        in_specs=[espec, pl.BlockSpec((_NE, 288), lambda i: (0, 0)),
                  pl.BlockSpec((64, _NE), lambda i: (0, 0)),
                  pl.BlockSpec((64, _NE), lambda i: (0, 0)),
                  pl.BlockSpec((64, _NE), lambda i: (0, 0))],
        out_specs=[espec, espec, espec],
        out_shape=[jax.ShapeDtypeStruct((_E, _NE), jnp.float32)] * 3,
    )(edge_attr, wfirst, w14_1, w14_2, w14_3)


def _dense_stage(x, wc_flat, fcw, fcb):
    ninp = x.shape[1]

    def body(x_ref, wc_ref, fw_ref, fb_ref, y_ref, x2_ref):
        xb = x_ref[...]
        y_ref[...] = jnp.dot(xb, wc_ref[...], preferred_element_type=jnp.float32)
        t = jnp.dot(xb, fw_ref[...], preferred_element_type=jnp.float32) + fb_ref[...]
        x2_ref[...] = jnp.maximum(t[:, :_NOUT2], 0.0) * jnp.maximum(t[:, _NOUT2:], 0.0)

    grid = _N // _BN
    return pl.pallas_call(
        body,
        grid=(grid,),
        in_specs=[pl.BlockSpec((_BN, ninp), lambda i: (i, 0)),
                  pl.BlockSpec((ninp, _YW), lambda i: (0, 0)),
                  pl.BlockSpec((ninp, 2 * _NOUT2), lambda i: (0, 0)),
                  pl.BlockSpec((1, 2 * _NOUT2), lambda i: (0, 0))],
        out_specs=[pl.BlockSpec((_BN, _YW), lambda i: (i, 0)),
                   pl.BlockSpec((_BN, _NOUT2), lambda i: (i, 0))],
        out_shape=[jax.ShapeDtypeStruct((_N, _YW), jnp.float32),
                   jax.ShapeDtypeStruct((_N, _NOUT2), jnp.float32)],
    )(x, wc_flat, fcw, fcb)


def _dense_from_partials(partials, bc, x2prev, wc_flat, fcw, fcb):
    def body(p_ref, bc_ref, x2p_ref, wc_ref, fw_ref, fb_ref, y_ref, x2_ref):
        s = p_ref[0] + p_ref[1] + bc_ref[...]
        xb = jnp.concatenate([jnp.maximum(s, 0.0), x2p_ref[...]], axis=1)
        y_ref[...] = jnp.dot(xb, wc_ref[...], preferred_element_type=jnp.float32)
        t = jnp.dot(xb, fw_ref[...], preferred_element_type=jnp.float32) + fb_ref[...]
        x2_ref[...] = jnp.maximum(t[:, :_NOUT2], 0.0) * jnp.maximum(t[:, _NOUT2:], 0.0)

    return pl.pallas_call(
        body,
        grid=(_N // _BN,),
        in_specs=[pl.BlockSpec((_NCORES, _BN, _NOUT1), lambda i: (0, i, 0)),
                  pl.BlockSpec((1, _NOUT1), lambda i: (0, 0)),
                  pl.BlockSpec((_BN, _NOUT2), lambda i: (i, 0)),
                  pl.BlockSpec((_NIN, _YW), lambda i: (0, 0)),
                  pl.BlockSpec((_NIN, 2 * _NOUT2), lambda i: (0, 0)),
                  pl.BlockSpec((1, 2 * _NOUT2), lambda i: (0, 0))],
        out_specs=[pl.BlockSpec((_BN, _YW), lambda i: (i, 0)),
                   pl.BlockSpec((_BN, _NOUT2), lambda i: (i, 0))],
        out_shape=[jax.ShapeDtypeStruct((_N, _YW), jnp.float32),
                   jax.ShapeDtypeStruct((_N, _NOUT2), jnp.float32)],
    )(partials, bc, x2prev, wc_flat, fcw, fcb)


def _pool_head(partials, bc, x2, batch3d, fc_w, fc_b):
    def body(p_ref, bc_ref, x2_ref, b_ref, fw_ref, fb_ref, o_ref, acc_ref):
        i = pl.program_id(0)

        @pl.when(i == 0)
        def _():
            acc_ref[...] = jnp.zeros_like(acc_ref)

        s = p_ref[0] + p_ref[1] + bc_ref[...]
        xb = jnp.concatenate([jnp.maximum(s, 0.0), x2_ref[...]], axis=1)
        onehot = (b_ref[0] == lax.broadcasted_iota(jnp.int32, (_NG, 1), 0)
                  ).astype(jnp.float32)
        acc_ref[...] += jnp.dot(onehot, xb, preferred_element_type=jnp.float32)

        @pl.when(i == pl.num_programs(0) - 1)
        def _():
            o_ref[...] = jnp.tanh(
                jnp.dot(acc_ref[...], fw_ref[...],
                        preferred_element_type=jnp.float32) + fb_ref[...])

    grid = _N // _BN
    return pl.pallas_call(
        body,
        grid=(grid,),
        in_specs=[pl.BlockSpec((_NCORES, _BN, _NOUT1), lambda i: (0, i, 0)),
                  pl.BlockSpec((1, _NOUT1), lambda i: (0, 0)),
                  pl.BlockSpec((_BN, _NOUT2), lambda i: (i, 0)),
                  pl.BlockSpec((1, 1, _BN), lambda i: (i, 0, 0)),
                  pl.BlockSpec((_NIN, 10), lambda i: (0, 0)),
                  pl.BlockSpec((1, 10), lambda i: (0, 0))],
        out_specs=pl.BlockSpec((_NG, 10), lambda i: (0, 0)),
        out_shape=jax.ShapeDtypeStruct((_NG, 10), jnp.float32),
        scratch_shapes=[pltpu.VMEM((_NG, _NIN), jnp.float32)],
    )(partials, bc, x2, batch3d, fc_w, fc_b)


def kernel(x, edge_index2, edge_attr2, batch,
           l1_W11, l1_W12, l1_W13, l1_W14, l1_Wc, l1_bc,
           l1_fc11_W, l1_fc11_b, l1_fc12_W, l1_fc12_b,
           l2_W11, l2_W12, l2_W13, l2_W14, l2_Wc, l2_bc,
           l2_fc11_W, l2_fc11_b, l2_fc12_W, l2_fc12_b,
           l3_W11, l3_W12, l3_W13, l3_W14, l3_Wc, l3_bc,
           l3_fc11_W, l3_fc11_b, l3_fc12_W, l3_fc12_b,
           fc1_W, fc1_b):
    def prep(wc, f11w, f12w, f11b, f12b):
        wc_flat = jnp.transpose(wc, (1, 0, 2)).reshape(wc.shape[1], _YW)
        fcw = jnp.concatenate([f11w, f12w], axis=1)
        fcb = jnp.concatenate([f11b, f12b]).reshape(1, 2 * _NOUT2)
        return wc_flat, fcw, fcb

    batch3d = batch.reshape(_N // _BN, 1, _BN)
    src_idx = edge_index2[0]
    dst_idx = edge_index2[1]
    wc1, fcw1, fcb1 = prep(l1_Wc, l1_fc11_W, l1_fc12_W, l1_fc11_b, l1_fc12_b)
    wc2, fcw2, fcb2 = prep(l2_Wc, l2_fc11_W, l2_fc12_W, l2_fc11_b, l2_fc12_b)
    wc3, fcw3, fcb3 = prep(l3_Wc, l3_fc11_W, l3_fc12_W, l3_fc11_b, l3_fc12_b)

    wfirst = jnp.concatenate([l1_W11, l1_W12, l1_W13, l2_W11, l2_W12, l2_W13,
                              l3_W11, l3_W12, l3_W13], axis=1)
    ea1, ea2, ea3 = _edge_mlp3(edge_attr2, wfirst, l1_W14, l2_W14, l3_W14)
    y, x2 = _dense_stage(x, wc1, fcw1, fcb1)
    p1 = _sc_conv(y, ea1, src_idx, dst_idx)
    y, x2 = _dense_from_partials(p1, l1_bc.reshape(1, _NOUT1), x2, wc2, fcw2, fcb2)
    p2 = _sc_conv(y, ea2, src_idx, dst_idx)
    y, x2 = _dense_from_partials(p2, l2_bc.reshape(1, _NOUT1), x2, wc3, fcw3, fcb3)
    p3 = _sc_conv(y, ea3, src_idx, dst_idx)
    return _pool_head(p3, l3_bc.reshape(1, _NOUT1), x2, batch3d,
                      fc1_W, fc1_b.reshape(1, 10))

# --- scband reference (transcript-rebuilt; emitter-appended) ---
"""Pipeline reference for scband-gnnml3-35210141893267 (READ-ONLY COPY).

The authoritative reference and input builder live on the scoring server;
editing this copy changes nothing except your own understanding.
"""

import jax, jax.numpy as jnp
import numpy as np

N_NODES = 10000
N_EDGES = 320000
NINP = 128
NE = 16
NOUT1 = 32
NOUT2 = 16
NIN = NOUT1 + NOUT2
NUM_GRAPHS = 200


def _layer_params(key, ninp):
    ks = jax.random.split(key, 10)
    p = {}
    p['W11'] = jax.random.normal(ks[0], (NE, 2 * NE), jnp.float32) * 0.1
    p['W12'] = jax.random.normal(ks[1], (NE, 2 * NE), jnp.float32) * 0.1
    p['W13'] = jax.random.normal(ks[2], (NE, 2 * NE), jnp.float32) * 0.1
    p['W14'] = jax.random.normal(ks[3], (4 * NE, NE), jnp.float32) * 0.1
    p['Wc'] = jax.random.normal(ks[4], (NE, ninp, NOUT1), jnp.float32) * (1.0 / np.sqrt(ninp))
    p['bc'] = jnp.zeros((NOUT1,), jnp.float32)
    p['fc11_W'] = jax.random.normal(ks[5], (ninp, NOUT2), jnp.float32) * (1.0 / np.sqrt(ninp))
    p['fc11_b'] = jnp.zeros((NOUT2,), jnp.float32)
    p['fc12_W'] = jax.random.normal(ks[6], (ninp, NOUT2), jnp.float32) * (1.0 / np.sqrt(ninp))
    p['fc12_b'] = jnp.zeros((NOUT2,), jnp.float32)
    return p


def setup_inputs(seed: int = 0):
    key = jax.random.key(seed)
    ks = jax.random.split(key, 8)
    inp = {}
    inp['x'] = jax.random.normal(ks[0], (N_NODES, NINP), jnp.float32)
    inp['edge_index2'] = jax.random.randint(ks[1], (2, N_EDGES), 0, N_NODES, jnp.int32)
    inp['edge_attr2'] = jax.random.uniform(ks[2], (N_EDGES, NE), jnp.float32)
    inp['batch'] = jnp.sort(jax.random.randint(ks[3], (N_NODES,), 0, NUM_GRAPHS, jnp.int32))
    for i, ninp in enumerate([NINP, NIN, NIN]):
        lp = _layer_params(ks[4 + i], ninp)
        for k, v in lp.items():
            inp['l%d_%s' % (i + 1, k)] = v
    inp['fc1_W'] = jax.random.normal(ks[7], (NIN, 10), jnp.float32) * (1.0 / np.sqrt(NIN))
    inp['fc1_b'] = jnp.zeros((10,), jnp.float32)
    return inp


def _spect_conv(x, edge_index, edge_attr, W, b):
    # SpectConv(ninp, nout1, K=NE, selfconn=False): out = sum_k scatter_add(ea[:,k]*x[src] -> dst) @ W[k] + b
    src = edge_index[0]
    dst = edge_index[1]
    xj = x[src]
    out = jnp.zeros((x.shape[0], W.shape[2]), x.dtype)
    for k in range(W.shape[0]):
        msg = edge_attr[:, k][:, None] * xj
        h = jnp.zeros_like(x).at[dst].add(msg)
        out = out + h @ W[k]
    return out + b


def _ml3(x, edge_index, edge_attr, p, pre):
    r = jax.nn.relu
    tmp = jnp.concatenate([r(edge_attr @ p[pre + '_W11']),
                           r(edge_attr @ p[pre + '_W12']) * r(edge_attr @ p[pre + '_W13'])], axis=1)
    ea = r(tmp @ p[pre + '_W14'])
    x1 = r(_spect_conv(x, edge_index, ea, p[pre + '_Wc'], p[pre + '_bc']))
    x2 = r(x @ p[pre + '_fc11_W'] + p[pre + '_fc11_b']) * r(x @ p[pre + '_fc12_W'] + p[pre + '_fc12_b'])
    return jnp.concatenate([x1, x2], axis=1)


def _forward(p, edge_index, batch):
    x = p['x']
    ea = p['edge_attr2']
    x = _ml3(x, edge_index, ea, p, 'l1')
    x = _ml3(x, edge_index, ea, p, 'l2')
    x = _ml3(x, edge_index, ea, p, 'l3')
    xp = jax.ops.segment_sum(x, batch, num_segments=NUM_GRAPHS)
    return jnp.tanh(xp @ p['fc1_W'] + p['fc1_b'])


def reference(x, edge_index2, edge_attr2, batch,
              l1_W11, l1_W12, l1_W13, l1_W14, l1_Wc, l1_bc,
              l1_fc11_W, l1_fc11_b, l1_fc12_W, l1_fc12_b,
              l2_W11, l2_W12, l2_W13, l2_W14, l2_Wc, l2_bc,
              l2_fc11_W, l2_fc11_b, l2_fc12_W, l2_fc12_b,
              l3_W11, l3_W12, l3_W13, l3_W14, l3_Wc, l3_bc,
              l3_fc11_W, l3_fc11_b, l3_fc12_W, l3_fc12_b,
              fc1_W, fc1_b):
    inp = dict(locals())
    edge_index = inp.pop('edge_index2')
    b = inp.pop('batch')
    return _forward(inp, edge_index, b)

if __name__ == "__main__":
    import jax
    _d = setup_inputs()
    print(jax.jit(kernel)(*tuple(_d.values())))

</pallas_src>

<mosaic_0001>
#map = affine_map<(d0, d1) -> (0, 0)>
#map1 = affine_map<(d0, d1) -> (0)>
#map2 = affine_map<(d0, d1) -> (0, 0, 0)>
module attributes {stable_mosaic.version = 14 : i64} {
  func.func @_sc_conv(%arg0: i32, %arg1: i32, %arg2: memref<10000x512xf32, #tpu.memory_space<hbm>>, %arg3: memref<320000x16xf32, #tpu.memory_space<hbm>>, %arg4: memref<320000xi32, #tpu.memory_space<hbm>>, %arg5: memref<320000xi32, #tpu.memory_space<hbm>>, %arg6: memref<2x10240x32xf32, #tpu.memory_space<hbm>>, %arg7: memref<80xi32, #tpu.memory_space<vmem>>, %arg8: memref<80xi32, #tpu.memory_space<vmem>>, %arg9: memref<80x16xf32, #tpu.memory_space<vmem>>, %arg10: memref<80x512xf32, #tpu.memory_space<vmem>>, %arg11: memref<80xi32, #tpu.memory_space<vmem>>, %arg12: memref<80xi32, #tpu.memory_space<vmem>>, %arg13: memref<80x16xf32, #tpu.memory_space<vmem>>, %arg14: memref<80x512xf32, #tpu.memory_space<vmem>>, %arg15: memref<80x32xf32, #tpu.memory_space<vmem>>, %arg16: memref<640x32xf32, #tpu.memory_space<vmem>>, %arg17: memref<10240x32xf32, #tpu.memory_space<vmem_shared>>, %arg18: memref<!tpu.dma_semaphore, #tpu.memory_space<semaphore_mem>>, %arg19: memref<!tpu.dma_semaphore, #tpu.memory_space<semaphore_mem>>, %arg20: memref<!tpu.dma_semaphore, #tpu.memory_space<semaphore_mem>>) attributes {dimension_semantics = [#tpu.dimension_semantics<core_parallel>, #tpu.dimension_semantics<subcore_parallel>], iteration_bounds = array<i64: 2, 16>, scalar_prefetch = 0 : i64, scratch_operands = 14 : i64, tpu.core_type = #tpu.core_type<sc_vector_subcore>, window_params = [{transform_indices = #map}, {transform_indices = #map}, {transform_indices = #map1}, {transform_indices = #map1}, {transform_indices = #map2}]} {
    %mul3A = arith.constant 16 : i32
    %mul3A_0 = arith.muli %arg0, %mul3A : i32
    %add3A = arith.addi %mul3A_0, %arg1 : i32
    %broadcast_in_dim3A = arith.constant 0.000000e+00 : f32
    %broadcast_in_dim3A_1 = vector.broadcast %broadcast_in_dim3A : f32 to vector<16xf32>
    %scan3A = arith.constant 0 : i32
    %scan3A_2 = arith.constant 0 : i32
    %scan3A_3 = arith.constant 640 : i32
    %scan3A_4 = arith.addi %scan3A_2, %scan3A_3 : i32
    %scan3A_5 = arith.constant 1 : i32
    scf.for %scan3A_103 = %scan3A_2 to %scan3A_4 step %scan3A_5  : i32 {
      %swap3A = arith.index_cast %scan3A_103 : i32 to index
      %swap3A_104 = arith.constant 0 : index
      %swap3A_105 = tpu.vector_load %arg16[%swap3A, %swap3A_104] {strides = array<i32>} : memref<640x32xf32, #tpu.memory_space<vmem>>, vector<1x16xf32>,
      %swap3A_106 = vector.shape_cast %swap3A_105 : vector<1x16xf32> to vector<16xf32>
      %swap3A_107 = vector.shape_cast %broadcast_in_dim3A_1 : vector<16xf32> to vector<1x16xf32>
      tpu.vector_store %arg16[%swap3A, %swap3A_104], %swap3A_107 {strides = array<i32>} : memref<640x32xf32, #tpu.memory_space<vmem>>, vector<1x16xf32>,
      %swap3A_108 = arith.index_cast %scan3A_103 : i32 to index
      %swap3A_109 = arith.constant 16 : index
      %swap3A_110 = tpu.vector_load %arg16[%swap3A_108, %swap3A_109] {strides = array<i32>} : memref<640x32xf32, #tpu.memory_space<vmem>>, vector<1x16xf32>,
      %swap3A_111 = vector.shape_cast %swap3A_110 : vector<1x16xf32> to vector<16xf32>
      %swap3A_112 = vector.shape_cast %broadcast_in_dim3A_1 : vector<16xf32> to vector<1x16xf32>
      tpu.vector_store %arg16[%swap3A_108, %swap3A_109], %swap3A_112 {strides = array<i32>} : memref<640x32xf32, #tpu.memory_space<vmem>>, vector<1x16xf32>,
    }
    %scan3A_6 = arith.constant 640 : i32
    %mul3A_7 = arith.constant 640 : i32
    %mul3A_8 = arith.muli %arg1, %mul3A_7 : i32
    "tpu.region"() ({
      %run_scoped3A = tpu.sem_alloc : memref<!tpu.dma_semaphore, #tpu.memory_space<semaphore_mem>>
      %dma_start3A_103 = arith.constant 0 : i32
      %dma_start3A_104 = tpu.memref_slice %arg17[%mul3A_8, %dma_start3A_103] : memref<10240x32xf32, #tpu.memory_space<vmem_shared>> -> memref<640x32xf32, #tpu.memory_space<vmem_shared>>
      %dma_start3A_105 = arith.constant 0 : i32
      %dma_start3A_106 = tpu.memref_slice %arg17[%mul3A_8, %dma_start3A_105] : memref<10240x32xf32, #tpu.memory_space<vmem_shared>> -> memref<640x32xf32, #tpu.memory_space<vmem_shared>>
      tpu.enqueue_dma source(%arg16 : memref<640x32xf32, #tpu.memory_space<vmem>>) target(%dma_start3A_106 : memref<640x32xf32, #tpu.memory_space<vmem_shared>>) target_semaphore(%run_scoped3A : memref<!tpu.dma_semaphore, #tpu.memory_space<semaphore_mem>>)
      %dma_wait3A_107 = arith.constant 0 : i32
      %dma_wait3A_108 = tpu.memref_slice %arg17[%mul3A_8, %dma_wait3A_107] : memref<10240x32xf32, #tpu.memory_space<vmem_shared>> -> memref<640x32xf32, #tpu.memory_space<vmem_shared>>
      %dma_wait3A_109 = arith.constant 0 : i32
      %dma_wait3A_110 = tpu.memref_slice %arg17[%mul3A_8, %dma_wait3A_109] : memref<10240x32xf32, #tpu.memory_space<vmem_shared>> -> memref<640x32xf32, #tpu.memory_space<vmem_shared>>
      tpu.wait_dma2 semaphore(%run_scoped3A : memref<!tpu.dma_semaphore, #tpu.memory_space<semaphore_mem>>) src(%arg16 : memref<640x32xf32, #tpu.memory_space<vmem>>) dst(%dma_wait3A_110 : memref<640x32xf32, #tpu.memory_space<vmem_shared>>)
      tpu.yield
    }) : () -> ()
    %barrier3A = arith.constant 0 : index
    tpu.barrier barrier_id(%barrier3A)
    %mul3A_9 = arith.constant 10000 : i32
    %mul3A_10 = arith.muli %add3A, %mul3A_9 : i32
    %add3A_11 = arith.constant 0 : i32
    %add3A_12 = arith.addi %mul3A_10, %add3A_11 : i32
    %multiple_of3A = tpu.assume_multiple %add3A_12, 8 : i32
    %dma_start3A = tpu.memref_slice %arg4[%multiple_of3A] : memref<320000xi32, #tpu.memory_space<hbm>> -> memref<80xi32, #tpu.memory_space<hbm>>
    %dma_start3A_13 = tpu.memref_slice %arg4[%multiple_of3A] : memref<320000xi32, #tpu.memory_space<hbm>> -> memref<80xi32, #tpu.memory_space<hbm>>
    tpu.enqueue_dma source(%dma_start3A_13 : memref<80xi32, #tpu.memory_space<hbm>>) target(%arg7 : memref<80xi32, #tpu.memory_space<vmem>>) target_semaphore(%arg20 : memref<!tpu.dma_semaphore, #tpu.memory_space<semaphore_mem>>)
    %dma_start3A_14 = tpu.memref_slice %arg5[%multiple_of3A] : memref<320000xi32, #tpu.memory_space<hbm>> -> memref<80xi32, #tpu.memory_space<hbm>>
    %dma_start3A_15 = tpu.memref_slice %arg5[%multiple_of3A] : memref<320000xi32, #tpu.memory_space<hbm>> -> memref<80xi32, #tpu.memory_space<hbm>>
    tpu.enqueue_dma source(%dma_start3A_15 : memref<80xi32, #tpu.memory_space<hbm>>) target(%arg8 : memref<80xi32, #tpu.memory_space<vmem>>) target_semaphore(%arg20 : memref<!tpu.dma_semaphore, #tpu.memory_space<semaphore_mem>>)
    %dma_start3A_16 = arith.constant 0 : i32
    %dma_start3A_17 = tpu.memref_slice %arg3[%multiple_of3A, %dma_start3A_16] : memref<320000x16xf32, #tpu.memory_space<hbm>> -> memref<80x16xf32, #tpu.memory_space<hbm>>
    %dma_start3A_18 = arith.constant 0 : i32
    %dma_start3A_19 = tpu.memref_slice %arg3[%multiple_of3A, %dma_start3A_18] : memref<320000x16xf32, #tpu.memory_space<hbm>> -> memref<80x16xf32, #tpu.memory_space<hbm>>
    tpu.enqueue_dma source(%dma_start3A_19 : memref<80x16xf32, #tpu.memory_space<hbm>>) target(%arg9 : memref<80x16xf32, #tpu.memory_space<vmem>>) target_semaphore(%arg20 : memref<!tpu.dma_semaphore, #tpu.memory_space<semaphore_mem>>)
    %add3A_20 = arith.constant 0 : i32
    %add3A_21 = arith.addi %mul3A_10, %add3A_20 : i32
    %multiple_of3A_22 = tpu.assume_multiple %add3A_21, 8 : i32
    %dma_wait3A = tpu.memref_slice %arg4[%multiple_of3A_22] : memref<320000xi32, #tpu.memory_space<hbm>> -> memref<80xi32, #tpu.memory_space<hbm>>
    %dma_wait3A_23 = tpu.memref_slice %arg4[%multiple_of3A_22] : memref<320000xi32, #tpu.memory_space<hbm>> -> memref<80xi32, #tpu.memory_space<hbm>>
    tpu.wait_dma2 semaphore(%arg20 : memref<!tpu.dma_semaphore, #tpu.memory_space<semaphore_mem>>) src(%dma_wait3A_23 : memref<80xi32, #tpu.memory_space<hbm>>) dst(%arg7 : memref<80xi32, #tpu.memory_space<vmem>>)
    %dma_wait3A_24 = tpu.memref_slice %arg5[%multiple_of3A_22] : memref<320000xi32, #tpu.memory_space<hbm>> -> memref<80xi32, #tpu.memory_space<hbm>>
    %dma_wait3A_25 = tpu.memref_slice %arg5[%multiple_of3A_22] : memref<320000xi32, #tpu.memory_space<hbm>> -> memref<80xi32, #tpu.memory_space<hbm>>
    tpu.wait_dma2 semaphore(%arg20 : memref<!tpu.dma_semaphore, #tpu.memory_space<semaphore_mem>>) src(%dma_wait3A_25 : memref<80xi32, #tpu.memory_space<hbm>>) dst(%arg8 : memref<80xi32, #tpu.memory_space<vmem>>)
    %dma_wait3A_26 = arith.constant 0 : i32
    %dma_wait3A_27 = tpu.memref_slice %arg3[%multiple_of3A_22, %dma_wait3A_26] : memref<320000x16xf32, #tpu.memory_space<hbm>> -> memref<80x16xf32, #tpu.memory_space<hbm>>
    %dma_wait3A_28 = arith.constant 0 : i32
    %dma_wait3A_29 = tpu.memref_slice %arg3[%multiple_of3A_22, %dma_wait3A_28] : memref<320000x16xf32, #tpu.memory_space<hbm>> -> memref<80x16xf32, #tpu.memory_space<hbm>>
    tpu.wait_dma2 semaphore(%arg20 : memref<!tpu.dma_semaphore, #tpu.memory_space<semaphore_mem>>) src(%dma_wait3A_29 : memref<80x16xf32, #tpu.memory_space<hbm>>) dst(%arg9 : memref<80x16xf32, #tpu.memory_space<vmem>>)
    %dma_start3A_30 = arith.constant 0 : i32
    %dma_start3A_31 = arith.constant 0 : i32
    %dma_start3A_32 = tpu.memref_slice %arg2[%dma_start3A_30, %dma_start3A_31] : memref<10000x512xf32, #tpu.memory_space<hbm>> -> memref<10000x512xf32, #tpu.memory_space<hbm>>
    tpu.enqueue_indirect_dma source(%dma_start3A_32 : memref<10000x512xf32, #tpu.memory_space<hbm>>) target(%arg10 : memref<80x512xf32, #tpu.memory_space<vmem>>) offsets(%arg7 : memref<80xi32, #tpu.memory_space<vmem>>) semaphore(%arg18 : memref<!tpu.dma_semaphore, #tpu.memory_space<semaphore_mem>>)
    %add3A_33 = arith.constant 80 : i32
    %add3A_34 = arith.addi %mul3A_10, %add3A_33 : i32
    %multiple_of3A_35 = tpu.assume_multiple %add3A_34, 8 : i32
    %dma_start3A_36 = tpu.memref_slice %arg4[%multiple_of3A_35] : memref<320000xi32, #tpu.memory_space<hbm>> -> memref<80xi32, #tpu.memory_space<hbm>>
    %dma_start3A_37 = tpu.memref_slice %arg4[%multiple_of3A_35] : memref<320000xi32, #tpu.memory_space<hbm>> -> memref<80xi32, #tpu.memory_space<hbm>>
    tpu.enqueue_dma source(%dma_start3A_37 : memref<80xi32, #tpu.memory_space<hbm>>) target(%arg11 : memref<80xi32, #tpu.memory_space<vmem>>) target_semaphore(%arg20 : memref<!tpu.dma_semaphore, #tpu.memory_space<semaphore_mem>>)
    %dma_start3A_38 = tpu.memref_slice %arg5[%multiple_of3A_35] : memref<320000xi32, #tpu.memory_space<hbm>> -> memref<80xi32, #tpu.memory_space<hbm>>
    %dma_start3A_39 = tpu.memref_slice %arg5[%multiple_of3A_35] : memref<320000xi32, #tpu.memory_space<hbm>> -> memref<80xi32, #tpu.memory_space<hbm>>
    tpu.enqueue_dma source(%dma_start3A_39 : memref<80xi32, #tpu.memory_space<hbm>>) target(%arg12 : memref<80xi32, #tpu.memory_space<vmem>>) target_semaphore(%arg20 : memref<!tpu.dma_semaphore, #tpu.memory_space<semaphore_mem>>)
    %dma_start3A_40 = arith.constant 0 : i32
    %dma_start3A_41 = tpu.memref_slice %arg3[%multiple_of3A_35, %dma_start3A_40] : memref<320000x16xf32, #tpu.memory_space<hbm>> -> memref<80x16xf32, #tpu.memory_space<hbm>>
    %dma_start3A_42 = arith.constant 0 : i32
    %dma_start3A_43 = tpu.memref_slice %arg3[%multiple_of3A_35, %dma_start3A_42] : memref<320000x16xf32, #tpu.memory_space<hbm>> -> memref<80x16xf32, #tpu.memory_space<hbm>>
    tpu.enqueue_dma source(%dma_start3A_43 : memref<80x16xf32, #tpu.memory_space<hbm>>) target(%arg13 : memref<80x16xf32, #tpu.memory_space<vmem>>) target_semaphore(%arg20 : memref<!tpu.dma_semaphore, #tpu.memory_space<semaphore_mem>>)
    %scan3A_44 = arith.constant 0 : i32
    %scan3A_45 = arith.constant 0 : i32
    %scan3A_46 = arith.constant 62 : i32
    %scan3A_47 = arith.addi %scan3A_45, %scan3A_46 : i32
    %scan3A_48 = arith.constant 1 : i32
    scf.for %scan3A_103 = %scan3A_45 to %scan3A_47 step %scan3A_48  : i32 {
      %mul3A_104 = arith.constant 2 : i32
      %mul3A_105 = arith.muli %mul3A_104, %scan3A_103 : i32
      %add3A_106 = arith.constant 1 : i32
      %add3A_107 = arith.addi %mul3A_105, %add3A_106 : i32
      %jit3A = arith.constant 125 : i32
      %eq3A = arith.constant 0 : i32
      %eq3A_108 = arith.cmpi eq, %jit3A, %eq3A : i32
      %jit3A_109 = arith.constant 1 : i32
      %select_n3A = arith.select %eq3A_108, %jit3A_109, %jit3A : i32
      %rem3A = arith.remsi %add3A_107, %select_n3A : i32
      %ne3A = arith.constant 0 : i32
      %ne3A_110 = arith.cmpi ne, %rem3A, %ne3A : i32
      %lt3A = arith.constant 0 : i32
      %lt3A_111 = arith.cmpi slt, %rem3A, %lt3A : i32
      %lt3A_112 = arith.constant 0 : i32
      %lt3A_113 = arith.cmpi slt, %select_n3A, %lt3A_112 : i32
      %ne3A_114 = arith.xori %lt3A_111, %lt3A_113 : i1
      %and3A = arith.andi %ne3A_114, %ne3A_110 : i1
      %add3A_115 = arith.addi %rem3A, %select_n3A : i32
      %select_n3A_116 = arith.select %and3A, %add3A_115, %rem3A : i32
      %mul3A_117 = arith.constant 80 : i32
      %mul3A_118 = arith.muli %select_n3A_116, %mul3A_117 : i32
      %add3A_119 = arith.addi %mul3A_10, %mul3A_118 : i32
      %multiple_of3A_120 = tpu.assume_multiple %add3A_119, 8 : i32
      %dma_wait3A_121 = tpu.memref_slice %arg4[%multiple_of3A_120] : memref<320000xi32, #tpu.memory_space<hbm>> -> memref<80xi32, #tpu.memory_space<hbm>>
      %dma_wait3A_122 = tpu.memref_slice %arg4[%multiple_of3A_120] : memref<320000xi32, #tpu.memory_space<hbm>> -> memref<80xi32, #tpu.memory_space<hbm>>
      tpu.wait_dma2 semaphore(%arg20 : memref<!tpu.dma_semaphore, #tpu.memory_space<semaphore_mem>>) src(%dma_wait3A_122 : memref<80xi32, #tpu.memory_space<hbm>>) dst(%arg11 : memref<80xi32, #tpu.memory_space<vmem>>)
      %dma_wait3A_123 = tpu.memref_slice %arg5[%multiple_of3A_120] : memref<320000xi32, #tpu.memory_space<hbm>> -> memref<80xi32, #tpu.memory_space<hbm>>
      %dma_wait3A_124 = tpu.memref_slice %arg5[%multiple_of3A_120] : memref<320000xi32, #tpu.memory_space<hbm>> -> memref<80xi32, #tpu.memory_space<hbm>>
      tpu.wait_dma2 semaphore(%arg20 : memref<!tpu.dma_semaphore, #tpu.memory_space<semaphore_mem>>) src(%dma_wait3A_124 : memref<80xi32, #tpu.memory_space<hbm>>) dst(%arg12 : memref<80xi32, #tpu.memory_space<vmem>>)
      %dma_wait3A_125 = arith.constant 0 : i32
      %dma_wait3A_126 = tpu.memref_slice %arg3[%multiple_of3A_120, %dma_wait3A_125] : memref<320000x16xf32, #tpu.memory_space<hbm>> -> memref<80x16xf32, #tpu.memory_space<hbm>>
      %dma_wait3A_127 = arith.constant 0 : i32
      %dma_wait3A_128 = tpu.memref_slice %arg3[%multiple_of3A_120, %dma_wait3A_127] : memref<320000x16xf32, #tpu.memory_space<hbm>> -> memref<80x16xf32, #tpu.memory_space<hbm>>
      tpu.wait_dma2 semaphore(%arg20 : memref<!tpu.dma_semaphore, #tpu.memory_space<semaphore_mem>>) src(%dma_wait3A_128 : memref<80x16xf32, #tpu.memory_space<hbm>>) dst(%arg13 : memref<80x16xf32, #tpu.memory_space<vmem>>)
      %dma_wait3A_129 = arith.constant 0 : i32
      %dma_wait3A_130 = arith.constant 0 : i32
      %dma_wait3A_131 = tpu.memref_slice %arg2[%dma_wait3A_129, %dma_wait3A_130] : memref<10000x512xf32, #tpu.memory_space<hbm>> -> memref<10000x512xf32, #tpu.memory_space<hbm>>
      tpu.wait_indirect_dma semaphore(%arg18 : memref<!tpu.dma_semaphore, #tpu.memory_space<semaphore_mem>>) src(%dma_wait3A_131 : memref<10000x512xf32, #tpu.memory_space<hbm>>) dst(%arg10 : memref<80x512xf32, #tpu.memory_space<vmem>>)
      %dma_start3A_132 = arith.constant 0 : i32
      %dma_start3A_133 = arith.constant 0 : i32
      %dma_start3A_134 = tpu.memref_slice %arg2[%dma_start3A_132, %dma_start3A_133] : memref<10000x512xf32, #tpu.memory_space<hbm>> -> memref<10000x512xf32, #tpu.memory_space<hbm>>
      tpu.enqueue_indirect_dma source(%dma_start3A_134 : memref<10000x512xf32, #tpu.memory_space<hbm>>) target(%arg14 : memref<80x512xf32, #tpu.memory_space<vmem>>) offsets(%arg11 : memref<80xi32, #tpu.memory_space<vmem>>) semaphore(%arg19 : memref<!tpu.dma_semaphore, #tpu.memory_space<semaphore_mem>>)
      %scan3A_135 = arith.constant 0 : i32
      %scan3A_136 = arith.constant 0 : i32
      %scan3A_137 = arith.constant 80 : i32
      %scan3A_138 = arith.addi %scan3A_136, %scan3A_137 : i32
      %scan3A_139 = arith.constant 1 : i32
      scf.for %scan3A_247 = %scan3A_136 to %scan3A_138 step %scan3A_139  : i32 {
        %broadcast_in_dim3A_248 = arith.constant 0.000000e+00 : f32
        %broadcast_in_dim3A_249 = vector.broadcast %broadcast_in_dim3A_248 : f32 to vector<16xf32>
        %broadcast_in_dim3A_250 = arith.constant 0.000000e+00 : f32
        %broadcast_in_dim3A_251 = vector.broadcast %broadcast_in_dim3A_250 : f32 to vector<16xf32>
        %get3A = arith.index_cast %scan3A_247 : i32 to index
        %get3A_252 = arith.constant 0 : index
        %get3A_253 = tpu.vector_load %arg9[%get3A, %get3A_252] {strides = array<i32>} : memref<80x16xf32, #tpu.memory_space<vmem>>, vector<1x16xf32>,
        %get3A_254 = vector.shape_cast %get3A_253 : vector<1x16xf32> to vector<16xf32>
        %slice3A = vector.extract_strided_slice %get3A_254 {offsets = [0], sizes = [1], strides = [1]} : vector<16xf32> to vector<1xf32>
        %squeeze3A = vector.extract %slice3A[0] : f32 from vector<1xf32>
        %get3A_255 = arith.index_cast %scan3A_247 : i32 to index
        %get3A_256 = arith.constant 0 : index
        %get3A_257 = tpu.vector_load %arg10[%get3A_255, %get3A_256] {strides = array<i32>} : memref<80x512xf32, #tpu.memory_space<vmem>>, vector<1x16xf32>,
        %get3A_258 = vector.shape_cast %get3A_257 : vector<1x16xf32> to vector<16xf32>
        %mul3A_259 = vector.broadcast %squeeze3A : f32 to vector<16xf32>
        %mul3A_260 = arith.mulf %mul3A_259, %get3A_258 : vector<16xf32>
        %add3A_261 = arith.addf %broadcast_in_dim3A_249, %mul3A_260 : vector<16xf32>
        %get3A_262 = arith.index_cast %scan3A_247 : i32 to index
        %get3A_263 = arith.constant 16 : index
        %get3A_264 = tpu.vector_load %arg10[%get3A_262, %get3A_263] {strides = array<i32>} : memref<80x512xf32, #tpu.memory_space<vmem>>, vector<1x16xf32>,
        %get3A_265 = vector.shape_cast %get3A_264 : vector<1x16xf32> to vector<16xf32>
        %mul3A_266 = vector.broadcast %squeeze3A : f32 to vector<16xf32>
        %mul3A_267 = arith.mulf %mul3A_266, %get3A_265 : vector<16xf32>
        %add3A_268 = arith.addf %broadcast_in_dim3A_251, %mul3A_267 : vector<16xf32>
        %slice3A_269 = vector.extract_strided_slice %get3A_254 {offsets = [1], sizes = [1], strides = [1]} : vector<16xf32> to vector<1xf32>
        %squeeze3A_270 = vector.extract %slice3A_269[0] : f32 from vector<1xf32>
        %get3A_271 = arith.index_cast %scan3A_247 : i32 to index
        %get3A_272 = arith.constant 32 : index
        %get3A_273 = tpu.vector_load %arg10[%get3A_271, %get3A_272] {strides = array<i32>} : memref<80x512xf32, #tpu.memory_space<vmem>>, vector<1x16xf32>,
        %get3A_274 = vector.shape_cast %get3A_273 : vector<1x16xf32> to vector<16xf32>
        %mul3A_275 = vector.broadcast %squeeze3A_270 : f32 to vector<16xf32>
        %mul3A_276 = arith.mulf %mul3A_275, %get3A_274 : vector<16xf32>
        %add3A_277 = arith.addf %add3A_261, %mul3A_276 : vector<16xf32>
        %get3A_278 = arith.index_cast %scan3A_247 : i32 to index
        %get3A_279 = arith.constant 48 : index
        %get3A_280 = tpu.vector_load %arg10[%get3A_278, %get3A_279] {strides = array<i32>} : memref<80x512xf32, #tpu.memory_space<vmem>>, vector<1x16xf32>,
        %get3A_281 = vector.shape_cast %get3A_280 : vector<1x16xf32> to vector<16xf32>
        %mul3A_282 = vector.broadcast %squeeze3A_270 : f32 to vector<16xf32>
        %mul3A_283 = arith.mulf %mul3A_282, %get3A_281 : vector<16xf32>
        %add3A_284 = arith.addf %add3A_268, %mul3A_283 : vector<16xf32>
        %slice3A_285 = vector.extract_strided_slice %get3A_254 {offsets = [2], sizes = [1], strides = [1]} : vector<16xf32> to vector<1xf32>
        %squeeze3A_286 = vector.extract %slice3A_285[0] : f32 from vector<1xf32>
        %get3A_287 = arith.index_cast %scan3A_247 : i32 to index
        %get3A_288 = arith.constant 64 : index
        %get3A_289 = tpu.vector_load %arg10[%get3A_287, %get3A_288] {strides = array<i32>} : memref<80x512xf32, #tpu.memory_space<vmem>>, vector<1x16xf32>,
        %get3A_290 = vector.shape_cast %get3A_289 : vector<1x16xf32> to vector<16xf32>
        %mul3A_291 = vector.broadcast %squeeze3A_286 : f32 to vector<16xf32>
        %mul3A_292 = arith.mulf %mul3A_291, %get3A_290 : vector<16xf32>
        %add3A_293 = arith.addf %add3A_277, %mul3A_292 : vector<16xf32>
        %get3A_294 = arith.index_cast %scan3A_247 : i32 to index
        %get3A_295 = arith.constant 80 : index
        %get3A_296 = tpu.vector_load %arg10[%get3A_294, %get3A_295] {strides = array<i32>} : memref<80x512xf32, #tpu.memory_space<vmem>>, vector<1x16xf32>,
        %get3A_297 = vector.shape_cast %get3A_296 : vector<1x16xf32> to vector<16xf32>
        %mul3A_298 = vector.broadcast %squeeze3A_286 : f32 to vector<16xf32>
        %mul3A_299 = arith.mulf %mul3A_298, %get3A_297 : vector<16xf32>
        %add3A_300 = arith.addf %add3A_284, %mul3A_299 : vector<16xf32>
        %slice3A_301 = vector.extract_strided_slice %get3A_254 {offsets = [3], sizes = [1], strides = [1]} : vector<16xf32> to vector<1xf32>
        %squeeze3A_302 = vector.extract %slice3A_301[0] : f32 from vector<1xf32>
        %get3A_303 = arith.index_cast %scan3A_247 : i32 to index
        %get3A_304 = arith.constant 96 : index
        %get3A_305 = tpu.vector_load %arg10[%get3A_303, %get3A_304] {strides = array<i32>} : memref<80x512xf32, #tpu.memory_space<vmem>>, vector<1x16xf32>,
        %get3A_306 = vector.shape_cast %get3A_305 : vector<1x16xf32> to vector<16xf32>
        %mul3A_307 = vector.broadcast %squeeze3A_302 : f32 to vector<16xf32>
        %mul3A_308 = arith.mulf %mul3A_307, %get3A_306 : vector<16xf32>
        %add3A_309 = arith.addf %add3A_293, %mul3A_308 : vector<16xf32>
        %get3A_310 = arith.index_cast %scan3A_247 : i32 to index
        %get3A_311 = arith.constant 112 : index
        %get3A_312 = tpu.vector_load %arg10[%get3A_310, %get3A_311] {strides = array<i32>} : memref<80x512xf32, #tpu.memory_space<vmem>>, vector<1x16xf32>,
        %get3A_313 = vector.shape_cast %get3A_312 : vector<1x16xf32> to vector<16xf32>
        %mul3A_314 = vector.broadcast %squeeze3A_302 : f32 to vector<16xf32>
        %mul3A_315 = arith.mulf %mul3A_314, %get3A_313 : vector<16xf32>
        %add3A_316 = arith.addf %add3A_300, %mul3A_315 : vector<16xf32>
        %slice3A_317 = vector.extract_strided_slice %get3A_254 {offsets = [4], sizes = [1], strides = [1]} : vector<16xf32> to vector<1xf32>
        %squeeze3A_318 = vector.extract %slice3A_317[0] : f32 from vector<1xf32>
        %get3A_319 = arith.index_cast %scan3A_247 : i32 to index
        %get3A_320 = arith.constant 128 : index
        %get3A_321 = tpu.vector_load %arg10[%get3A_319, %get3A_320] {strides = array<i32>} : memref<80x512xf32, #tpu.memory_space<vmem>>, vector<1x16xf32>,
        %get3A_322 = vector.shape_cast %get3A_321 : vector<1x16xf32> to vector<16xf32>
        %mul3A_323 = vector.broadcast %squeeze3A_318 : f32 to vector<16xf32>
        %mul3A_324 = arith.mulf %mul3A_323, %get3A_322 : vector<16xf32>
        %add3A_325 = arith.addf %add3A_309, %mul3A_324 : vector<16xf32>
        %get3A_326 = arith.index_cast %scan3A_247 : i32 to index
        %get3A_327 = arith.constant 144 : index
        %get3A_328 = tpu.vector_load %arg10[%get3A_326, %get3A_327] {strides = array<i32>} : memref<80x512xf32, #tpu.memory_space<vmem>>, vector<1x16xf32>,
        %get3A_329 = vector.shape_cast %get3A_328 : vector<1x16xf32> to vector<16xf32>
        %mul3A_330 = vector.broadcast %squeeze3A_318 : f32 to vector<16xf32>
        %mul3A_331 = arith.mulf %mul3A_330, %get3A_329 : vector<16xf32>
        %add3A_332 = arith.addf %add3A_316, %mul3A_331 : vector<16xf32>
        %slice3A_333 = vector.extract_strided_slice %get3A_254 {offsets = [5], sizes = [1], strides = [1]} : vector<16xf32> to vector<1xf32>
        %squeeze3A_334 = vector.extract %slice3A_333[0] : f32 from vector<1xf32>
        %get3A_335 = arith.index_cast %scan3A_247 : i32 to index
        %get3A_336 = arith.constant 160 : index
        %get3A_337 = tpu.vector_load %arg10[%get3A_335, %get3A_336] {strides = array<i32>} : memref<80x512xf32, #tpu.memory_space<vmem>>, vector<1x16xf32>,
        %get3A_338 = vector.shape_cast %get3A_337 : vector<1x16xf32> to vector<16xf32>
        %mul3A_339 = vector.broadcast %squeeze3A_334 : f32 to vector<16xf32>
        %mul3A_340 = arith.mulf %mul3A_339, %get3A_338 : vector<16xf32>
        %add3A_341 = arith.addf %add3A_325, %mul3A_340 : vector<16xf32>
        %get3A_342 = arith.index_cast %scan3A_247 : i32 to index
        %get3A_343 = arith.constant 176 : index
        %get3A_344 = tpu.vector_load %arg10[%get3A_342, %get3A_343] {strides = array<i32>} : memref<80x512xf32, #tpu.memory_space<vmem>>, vector<1x16xf32>,
        %get3A_345 = vector.shape_cast %get3A_344 : vector<1x16xf32> to vector<16xf32>
        %mul3A_346 = vector.broadcast %squeeze3A_334 : f32 to vector<16xf32>
        %mul3A_347 = arith.mulf %mul3A_346, %get3A_345 : vector<16xf32>
        %add3A_348 = arith.addf %add3A_332, %mul3A_347 : vector<16xf32>
        %slice3A_349 = vector.extract_strided_slice %get3A_254 {offsets = [6], sizes = [1], strides = [1]} : vector<16xf32> to vector<1xf32>
        %squeeze3A_350 = vector.extract %slice3A_349[0] : f32 from vector<1xf32>
        %get3A_351 = arith.index_cast %scan3A_247 : i32 to index
        %get3A_352 = arith.constant 192 : index
        %get3A_353 = tpu.vector_load %arg10[%get3A_351, %get3A_352] {strides = array<i32>} : memref<80x512xf32, #tpu.memory_space<vmem>>, vector<1x16xf32>,
        %get3A_354 = vector.shape_cast %get3A_353 : vector<1x16xf32> to vector<16xf32>
        %mul3A_355 = vector.broadcast %squeeze3A_350 : f32 to vector<16xf32>
        %mul3A_356 = arith.mulf %mul3A_355, %get3A_354 : vector<16xf32>
        %add3A_357 = arith.addf %add3A_341, %mul3A_356 : vector<16xf32>
        %get3A_358 = arith.index_cast %scan3A_247 : i32 to index
        %get3A_359 = arith.constant 208 : index
        %get3A_360 = tpu.vector_load %arg10[%get3A_358, %get3A_359] {strides = array<i32>} : memref<80x512xf32, #tpu.memory_space<vmem>>, vector<1x16xf32>,
        %get3A_361 = vector.shape_cast %get3A_360 : vector<1x16xf32> to vector<16xf32>
        %mul3A_362 = vector.broadcast %squeeze3A_350 : f32 to vector<16xf32>
        %mul3A_363 = arith.mulf %mul3A_362, %get3A_361 : vector<16xf32>
        %add3A_364 = arith.addf %add3A_348, %mul3A_363 : vector<16xf32>
        %slice3A_365 = vector.extract_strided_slice %get3A_254 {offsets = [7], sizes = [1], strides = [1]} : vector<16xf32> to vector<1xf32>
        %squeeze3A_366 = vector.extract %slice3A_365[0] : f32 from vector<1xf32>
        %get3A_367 = arith.index_cast %scan3A_247 : i32 to index
        %get3A_368 = arith.constant 224 : index
        %get3A_369 = tpu.vector_load %arg10[%get3A_367, %get3A_368] {strides = array<i32>} : memref<80x512xf32, #tpu.memory_space<vmem>>, vector<1x16xf32>,
        %get3A_370 = vector.shape_cast %get3A_369 : vector<1x16xf32> to vector<16xf32>
        %mul3A_371 = vector.broadcast %squeeze3A_366 : f32 to vector<16xf32>
        %mul3A_372 = arith.mulf %mul3A_371, %get3A_370 : vector<16xf32>
        %add3A_373 = arith.addf %add3A_357, %mul3A_372 : vector<16xf32>
        %get3A_374 = arith.index_cast %scan3A_247 : i32 to index
        %get3A_375 = arith.constant 240 : index
        %get3A_376 = tpu.vector_load %arg10[%get3A_374, %get3A_375] {strides = array<i32>} : memref<80x512xf32, #tpu.memory_space<vmem>>, vector<1x16xf32>,
        %get3A_377 = vector.shape_cast %get3A_376 : vector<1x16xf32> to vector<16xf32>
        %mul3A_378 = vector.broadcast %squeeze3A_366 : f32 to vector<16xf32>
        %mul3A_379 = arith.mulf %mul3A_378, %get3A_377 : vector<16xf32>
        %add3A_380 = arith.addf %add3A_364, %mul3A_379 : vector<16xf32>
        %slice3A_381 = vector.extract_strided_slice %get3A_254 {offsets = [8], sizes = [1], strides = [1]} : vector<16xf32> to vector<1xf32>
        %squeeze3A_382 = vector.extract %slice3A_381[0] : f32 from vector<1xf32>
        %get3A_383 = arith.index_cast %scan3A_247 : i32 to index
        %get3A_384 = arith.constant 256 : index
        %get3A_385 = tpu.vector_load %arg10[%get3A_383, %get3A_384] {strides = array<i32>} : memref<80x512xf32, #tpu.memory_space<vmem>>, vector<1x16xf32>,
        %get3A_386 = vector.shape_cast %get3A_385 : vector<1x16xf32> to vector<16xf32>
        %mul3A_387 = vector.broadcast %squeeze3A_382 : f32 to vector<16xf32>
        %mul3A_388 = arith.mulf %mul3A_387, %get3A_386 : vector<16xf32>
        %add3A_389 = arith.addf %add3A_373, %mul3A_388 : vector<16xf32>
        %get3A_390 = arith.index_cast %scan3A_247 : i32 to index
        %get3A_391 = arith.constant 272 : index
        %get3A_392 = tpu.vector_load %arg10[%get3A_390, %get3A_391] {strides = array<i32>} : memref<80x512xf32, #tpu.memory_space<vmem>>, vector<1x16xf32>,
        %get3A_393 = vector.shape_cast %get3A_392 : vector<1x16xf32> to vector<16xf32>
        %mul3A_394 = vector.broadcast %squeeze3A_382 : f32 to vector<16xf32>
        %mul3A_395 = arith.mulf %mul3A_394, %get3A_393 : vector<16xf32>
        %add3A_396 = arith.addf %add3A_380, %mul3A_395 : vector<16xf32>
        %slice3A_397 = vector.extract_strided_slice %get3A_254 {offsets = [9], sizes = [1], strides = [1]} : vector<16xf32> to vector<1xf32>
        %squeeze3A_398 = vector.extract %slice3A_397[0] : f32 from vector<1xf32>
        %get3A_399 = arith.index_cast %scan3A_247 : i32 to index
        %get3A_400 = arith.constant 288 : index
        %get3A_401 = tpu.vector_load %arg10[%get3A_399, %get3A_400] {strides = array<i32>} : memref<80x512xf32, #tpu.memory_space<vmem>>, vector<1x16xf32>,
        %get3A_402 = vector.shape_cast %get3A_401 : vector<1x16xf32> to vector<16xf32>
        %mul3A_403 = vector.broadcast %squeeze3A_398 : f32 to vector<16xf32>
        %mul3A_404 = arith.mulf %mul3A_403, %get3A_402 : vector<16xf32>
        %add3A_405 = arith.addf %add3A_389, %mul3A_404 : vector<16xf32>
        %get3A_406 = arith.index_cast %scan3A_247 : i32 to index
        %get3A_407 = arith.constant 304 : index
        %get3A_408 = tpu.vector_load %arg10[%get3A_406, %get3A_407] {strides = array<i32>} : memref<80x512xf32, #tpu.memory_space<vmem>>, vector<1x16xf32>,
        %get3A_409 = vector.shape_cast %get3A_408 : vector<1x16xf32> to vector<16xf32>
        %mul3A_410 = vector.broadcast %squeeze3A_398 : f32 to vector<16xf32>
        %mul3A_411 = arith.mulf %mul3A_410, %get3A_409 : vector<16xf32>
        %add3A_412 = arith.addf %add3A_396, %mul3A_411 : vector<16xf32>
        %slice3A_413 = vector.extract_strided_slice %get3A_254 {offsets = [10], sizes = [1], strides = [1]} : vector<16xf32> to vector<1xf32>
        %squeeze3A_414 = vector.extract %slice3A_413[0] : f32 from vector<1xf32>
        %get3A_415 = arith.index_cast %scan3A_247 : i32 to index
        %get3A_416 = arith.constant 320 : index
        %get3A_417 = tpu.vector_load %arg10[%get3A_415, %get3A_416] {strides = array<i32>} : memref<80x512xf32, #tpu.memory_space<vmem>>, vector<1x16xf32>,
        %get3A_418 = vector.shape_cast %get3A_417 : vector<1x16xf32> to vector<16xf32>
        %mul3A_419 = vector.broadcast %squeeze3A_414 : f32 to vector<16xf32>
        %mul3A_420 = arith.mulf %mul3A_419, %get3A_418 : vector<16xf32>
        %add3A_421 = arith.addf %add3A_405, %mul3A_420 : vector<16xf32>
        %get3A_422 = arith.index_cast %scan3A_247 : i32 to index
        %get3A_423 = arith.constant 336 : index
        %get3A_424 = tpu.vector_load %arg10[%get3A_422, %get3A_423] {strides = array<i32>} : memref<80x512xf32, #tpu.memory_space<vmem>>, vector<1x16xf32>,
        %get3A_425 = vector.shape_cast %get3A_424 : vector<1x16xf32> to vector<16xf32>
        %mul3A_426 = vector.broadcast %squeeze3A_414 : f32 to vector<16xf32>
        %mul3A_427 = arith.mulf %mul3A_426, %get3A_425 : vector<16xf32>
        %add3A_428 = arith.addf %add3A_412, %mul3A_427 : vector<16xf32>
        %slice3A_429 = vector.extract_strided_slice %get3A_254 {offsets = [11], sizes = [1], strides = [1]} : vector<16xf32> to vector<1xf32>
        %squeeze3A_430 = vector.extract %slice3A_429[0] : f32 from vector<1xf32>
        %get3A_431 = arith.index_cast %scan3A_247 : i32 to index
        %get3A_432 = arith.constant 352 : index
        %get3A_433 = tpu.vector_load %arg10[%get3A_431, %get3A_432] {strides = array<i32>} : memref<80x512xf32, #tpu.memory_space<vmem>>, vector<1x16xf32>,
        %get3A_434 = vector.shape_cast %get3A_433 : vector<1x16xf32> to vector<16xf32>
        %mul3A_435 = vector.broadcast %squeeze3A_430 : f32 to vector<16xf32>
        %mul3A_436 = arith.mulf %mul3A_435, %get3A_434 : vector<16xf32>
        %add3A_437 = arith.addf %add3A_421, %mul3A_436 : vector<16xf32>
        %get3A_438 = arith.index_cast %scan3A_247 : i32 to index
        %get3A_439 = arith.constant 368 : index
        %get3A_440 = tpu.vector_load %arg10[%get3A_438, %get3A_439] {strides = array<i32>} : memref<80x512xf32, #tpu.memory_space<vmem>>, vector<1x16xf32>,
        %get3A_441 = vector.shape_cast %get3A_440 : vector<1x16xf32> to vector<16xf32>
        %mul3A_442 = vector.broadcast %squeeze3A_430 : f32 to vector<16xf32>
        %mul3A_443 = arith.mulf %mul3A_442, %get3A_441 : vector<16xf32>
        %add3A_444 = arith.addf %add3A_428, %mul3A_443 : vector<16xf32>
        %slice3A_445 = vector.extract_strided_slice %get3A_254 {offsets = [12], sizes = [1], strides = [1]} : vector<16xf32> to vector<1xf32>
        %squeeze3A_446 = vector.extract %slice3A_445[0] : f32 from vector<1xf32>
        %get3A_447 = arith.index_cast %scan3A_247 : i32 to index
        %get3A_448 = arith.constant 384 : index
        %get3A_449 = tpu.vector_load %arg10[%get3A_447, %get3A_448] {strides = array<i32>} : memref<80x512xf32, #tpu.memory_space<vmem>>, vector<1x16xf32>,
        %get3A_450 = vector.shape_cast %get3A_449 : vector<1x16xf32> to vector<16xf32>
        %mul3A_451 = vector.broadcast %squeeze3A_446 : f32 to vector<16xf32>
        %mul3A_452 = arith.mulf %mul3A_451, %get3A_450 : vector<16xf32>
        %add3A_453 = arith.addf %add3A_437, %mul3A_452 : vector<16xf32>
        %get3A_454 = arith.index_cast %scan3A_247 : i32 to index
        %get3A_455 = arith.constant 400 : index
        %get3A_456 = tpu.vector_load %arg10[%get3A_454, %get3A_455] {strides = array<i32>} : memref<80x512xf32, #tpu.memory_space<vmem>>, vector<1x16xf32>,
        %get3A_457 = vector.shape_cast %get3A_456 : vector<1x16xf32> to vector<16xf32>
        %mul3A_458 = vector.broadcast %squeeze3A_446 : f32 to vector<16xf32>
        %mul3A_459 = arith.mulf %mul3A_458, %get3A_457 : vector<16xf32>
        %add3A_460 = arith.addf %add3A_444, %mul3A_459 : vector<16xf32>
        %slice3A_461 = vector.extract_strided_slice %get3A_254 {offsets = [13], sizes = [1], strides = [1]} : vector<16xf32> to vector<1xf32>
        %squeeze3A_462 = vector.extract %slice3A_461[0] : f32 from vector<1xf32>
        %get3A_463 = arith.index_cast %scan3A_247 : i32 to index
        %get3A_464 = arith.constant 416 : index
        %get3A_465 = tpu.vector_load %arg10[%get3A_463, %get3A_464] {strides = array<i32>} : memref<80x512xf32, #tpu.memory_space<vmem>>, vector<1x16xf32>,
        %get3A_466 = vector.shape_cast %get3A_465 : vector<1x16xf32> to vector<16xf32>
        %mul3A_467 = vector.broadcast %squeeze3A_462 : f32 to vector<16xf32>
        %mul3A_468 = arith.mulf %mul3A_467, %get3A_466 : vector<16xf32>
        %add3A_469 = arith.addf %add3A_453, %mul3A_468 : vector<16xf32>
        %get3A_470 = arith.index_cast %scan3A_247 : i32 to index
        %get3A_471 = arith.constant 432 : index
        %get3A_472 = tpu.vector_load %arg10[%get3A_470, %get3A_471] {strides = array<i32>} : memref<80x512xf32, #tpu.memory_space<vmem>>, vector<1x16xf32>,
        %get3A_473 = vector.shape_cast %get3A_472 : vector<1x16xf32> to vector<16xf32>
        %mul3A_474 = vector.broadcast %squeeze3A_462 : f32 to vector<16xf32>
        %mul3A_475 = arith.mulf %mul3A_474, %get3A_473 : vector<16xf32>
        %add3A_476 = arith.addf %add3A_460, %mul3A_475 : vector<16xf32>
        %slice3A_477 = vector.extract_strided_slice %get3A_254 {offsets = [14], sizes = [1], strides = [1]} : vector<16xf32> to vector<1xf32>
        %squeeze3A_478 = vector.extract %slice3A_477[0] : f32 from vector<1xf32>
        %get3A_479 = arith.index_cast %scan3A_247 : i32 to index
        %get3A_480 = arith.constant 448 : index
        %get3A_481 = tpu.vector_load %arg10[%get3A_479, %get3A_480] {strides = array<i32>} : memref<80x512xf32, #tpu.memory_space<vmem>>, vector<1x16xf32>,
        %get3A_482 = vector.shape_cast %get3A_481 : vector<1x16xf32> to vector<16xf32>
        %mul3A_483 = vector.broadcast %squeeze3A_478 : f32 to vector<16xf32>
        %mul3A_484 = arith.mulf %mul3A_483, %get3A_482 : vector<16xf32>
        %add3A_485 = arith.addf %add3A_469, %mul3A_484 : vector<16xf32>
        %get3A_486 = arith.index_cast %scan3A_247 : i32 to index
        %get3A_487 = arith.constant 464 : index
        %get3A_488 = tpu.vector_load %arg10[%get3A_486, %get3A_487] {strides = array<i32>} : memref<80x512xf32, #tpu.memory_space<vmem>>, vector<1x16xf32>,
        %get3A_489 = vector.shape_cast %get3A_488 : vector<1x16xf32> to vector<16xf32>
        %mul3A_490 = vector.broadcast %squeeze3A_478 : f32 to vector<16xf32>
        %mul3A_491 = arith.mulf %mul3A_490, %get3A_489 : vector<16xf32>
        %add3A_492 = arith.addf %add3A_476, %mul3A_491 : vector<16xf32>
        %slice3A_493 = vector.extract_strided_slice %get3A_254 {offsets = [15], sizes = [1], strides = [1]} : vector<16xf32> to vector<1xf32>
        %squeeze3A_494 = vector.extract %slice3A_493[0] : f32 from vector<1xf32>
        %get3A_495 = arith.index_cast %scan3A_247 : i32 to index
        %get3A_496 = arith.constant 480 : index
        %get3A_497 = tpu.vector_load %arg10[%get3A_495, %get3A_496] {strides = array<i32>} : memref<80x512xf32, #tpu.memory_space<vmem>>, vector<1x16xf32>,
        %get3A_498 = vector.shape_cast %get3A_497 : vector<1x16xf32> to vector<16xf32>
        %mul3A_499 = vector.broadcast %squeeze3A_494 : f32 to vector<16xf32>
        %mul3A_500 = arith.mulf %mul3A_499, %get3A_498 : vector<16xf32>
        %add3A_501 = arith.addf %add3A_485, %mul3A_500 : vector<16xf32>
        %get3A_502 = arith.index_cast %scan3A_247 : i32 to index
        %get3A_503 = arith.constant 496 : index
        %get3A_504 = tpu.vector_load %arg10[%get3A_502, %get3A_503] {strides = array<i32>} : memref<80x512xf32, #tpu.memory_space<vmem>>, vector<1x16xf32>,
        %get3A_505 = vector.shape_cast %get3A_504 : vector<1x16xf32> to vector<16xf32>
        %mul3A_506 = vector.broadcast %squeeze3A_494 : f32 to vector<16xf32>
        %mul3A_507 = arith.mulf %mul3A_506, %get3A_505 : vector<16xf32>
        %add3A_508 = arith.addf %add3A_492, %mul3A_507 : vector<16xf32>
        %swap3A = arith.index_cast %scan3A_247 : i32 to index
        %swap3A_509 = arith.constant 0 : index
        %swap3A_510 = tpu.vector_load %arg15[%swap3A, %swap3A_509] {strides = array<i32>} : memref<80x32xf32, #tpu.memory_space<vmem>>, vector<1x16xf32>,
        %swap3A_511 = vector.shape_cast %swap3A_510 : vector<1x16xf32> to vector<16xf32>
        %swap3A_512 = vector.shape_cast %add3A_501 : vector<16xf32> to vector<1x16xf32>
        tpu.vector_store %arg15[%swap3A, %swap3A_509], %swap3A_512 {strides = array<i32>} : memref<80x32xf32, #tpu.memory_space<vmem>>, vector<1x16xf32>,
        %swap3A_513 = arith.index_cast %scan3A_247 : i32 to index
        %swap3A_514 = arith.constant 16 : index
        %swap3A_515 = tpu.vector_load %arg15[%swap3A_513, %swap3A_514] {strides = array<i32>} : memref<80x32xf32, #tpu.memory_space<vmem>>, vector<1x16xf32>,
        %swap3A_516 = vector.shape_cast %swap3A_515 : vector<1x16xf32> to vector<16xf32>
        %swap3A_517 = vector.shape_cast %add3A_508 : vector<16xf32> to vector<1x16xf32>
        tpu.vector_store %arg15[%swap3A_513, %swap3A_514], %swap3A_517 {strides = array<i32>} : memref<80x32xf32, #tpu.memory_space<vmem>>, vector<1x16xf32>,
      }
      %scan3A_140 = arith.constant 80 : i32
      "tpu.region"() ({
        %run_scoped3A = tpu.sem_alloc : memref<!tpu.dma_semaphore, #tpu.memory_space<semaphore_mem>>
        %dma_start3A_247 = arith.constant 0 : i32
        %dma_start3A_248 = arith.constant 0 : i32
        %dma_start3A_249 = tpu.memref_slice %arg17[%dma_start3A_247, %dma_start3A_248] : memref<10240x32xf32, #tpu.memory_space<vmem_shared>> -> memref<10240x32xf32, #tpu.memory_space<vmem_shared>>
        tpu.enqueue_indirect_dma source(%arg15 : memref<80x32xf32, #tpu.memory_space<vmem>>) target(%dma_start3A_249 : memref<10240x32xf32, #tpu.memory_space<vmem_shared>>) offsets(%arg8 : memref<80xi32, #tpu.memory_space<vmem>>) semaphore(%run_scoped3A : memref<!tpu.dma_semaphore, #tpu.memory_space<semaphore_mem>>) {add = true}
        %dma_wait3A_250 = arith.constant 0 : i32
        %dma_wait3A_251 = arith.constant 0 : i32
        %dma_wait3A_252 = tpu.memref_slice %arg17[%dma_wait3A_250, %dma_wait3A_251] : memref<10240x32xf32, #tpu.memory_space<vmem_shared>> -> memref<10240x32xf32, #tpu.memory_space<vmem_shared>>
        tpu.wait_indirect_dma semaphore(%run_scoped3A : memref<!tpu.dma_semaphore, #tpu.memory_space<semaphore_mem>>) src(%arg15 : memref<80x32xf32, #tpu.memory_space<vmem>>) dst(%dma_wait3A_252 : memref<10240x32xf32, #tpu.memory_space<vmem_shared>>)
        tpu.yield
      }) : () -> ()
      %add3A_141 = arith.constant 2 : i32
      %add3A_142 = arith.addi %mul3A_105, %add3A_141 : i32
      %jit3A_143 = arith.constant 125 : i32
      %eq3A_144 = arith.constant 0 : i32
      %eq3A_145 = arith.cmpi eq, %jit3A_143, %eq3A_144 : i32
      %jit3A_146 = arith.constant 1 : i32
      %select_n3A_147 = arith.select %eq3A_145, %jit3A_146, %jit3A_143 : i32
      %rem3A_148 = arith.remsi %add3A_142, %select_n3A_147 : i32
      %ne3A_149 = arith.constant 0 : i32
      %ne3A_150 = arith.cmpi ne, %rem3A_148, %ne3A_149 : i32
      %lt3A_151 = arith.constant 0 : i32
      %lt3A_152 = arith.cmpi slt, %rem3A_148, %lt3A_151 : i32
      %lt3A_153 = arith.constant 0 : i32
      %lt3A_154 = arith.cmpi slt, %select_n3A_147, %lt3A_153 : i32
      %ne3A_155 = arith.xori %lt3A_152, %lt3A_154 : i1
      %and3A_156 = arith.andi %ne3A_155, %ne3A_150 : i1
      %add3A_157 = arith.addi %rem3A_148, %select_n3A_147 : i32
      %select_n3A_158 = arith.select %and3A_156, %add3A_157, %rem3A_148 : i32
      %mul3A_159 = arith.constant 80 : i32
      %mul3A_160 = arith.muli %select_n3A_158, %mul3A_159 : i32
      %add3A_161 = arith.addi %mul3A_10, %mul3A_160 : i32
      %multiple_of3A_162 = tpu.assume_multiple %add3A_161, 8 : i32
      %dma_start3A_163 = tpu.memref_slice %arg4[%multiple_of3A_162] : memref<320000xi32, #tpu.memory_space<hbm>> -> memref<80xi32, #tpu.memory_space<hbm>>
      %dma_start3A_164 = tpu.memref_slice %arg4[%multiple_of3A_162] : memref<320000xi32, #tpu.memory_space<hbm>> -> memref<80xi32, #tpu.memory_space<hbm>>
      tpu.enqueue_dma source(%dma_start3A_164 : memref<80xi32, #tpu.memory_space<hbm>>) target(%arg7 : memref<80xi32, #tpu.memory_space<vmem>>) target_semaphore(%arg20 : memref<!tpu.dma_semaphore, #tpu.memory_space<semaphore_mem>>)
      %dma_start3A_165 = tpu.memref_slice %arg5[%multiple_of3A_162] : memref<320000xi32, #tpu.memory_space<hbm>> -> memref<80xi32, #tpu.memory_space<hbm>>
      %dma_start3A_166 = tpu.memref_slice %arg5[%multiple_of3A_162] : memref<320000xi32, #tpu.memory_space<hbm>> -> memref<80xi32, #tpu.memory_space<hbm>>
      tpu.enqueue_dma source(%dma_start3A_166 : memref<80xi32, #tpu.memory_space<hbm>>) target(%arg8 : memref<80xi32, #tpu.memory_space<vmem>>) target_semaphore(%arg20 : memref<!tpu.dma_semaphore, #tpu.memory_space<semaphore_mem>>)
      %dma_start3A_167 = arith.constant 0 : i32
      %dma_start3A_168 = tpu.memref_slice %arg3[%multiple_of3A_162, %dma_start3A_167] : memref<320000x16xf32, #tpu.memory_space<hbm>> -> memref<80x16xf32, #tpu.memory_space<hbm>>
      %dma_start3A_169 = arith.constant 0 : i32
      %dma_start3A_170 = tpu.memref_slice %arg3[%multiple_of3A_162, %dma_start3A_169] : memref<320000x16xf32, #tpu.memory_space<hbm>> -> memref<80x16xf32, #tpu.memory_space<hbm>>
      tpu.enqueue_dma source(%dma_start3A_170 : memref<80x16xf32, #tpu.memory_space<hbm>>) target(%arg9 : memref<80x16xf32, #tpu.memory_space<vmem>>) target_semaphore(%arg20 : memref<!tpu.dma_semaphore, #tpu.memory_space<semaphore_mem>>)
      %mul3A_171 = arith.constant 2 : i32
      %mul3A_172 = arith.muli %mul3A_171, %scan3A_103 : i32
      %add3A_173 = arith.constant 1 : i32
      %add3A_174 = arith.addi %mul3A_172, %add3A_173 : i32
      %add3A_175 = arith.constant 1 : i32
      %add3A_176 = arith.addi %add3A_174, %add3A_175 : i32
      %jit3A_177 = arith.constant 125 : i32
      %eq3A_178 = arith.constant 0 : i32
      %eq3A_179 = arith.cmpi eq, %jit3A_177, %eq3A_178 : i32
      %jit3A_180 = arith.constant 1 : i32
      %select_n3A_181 = arith.select %eq3A_179, %jit3A_180, %jit3A_177 : i32
      %rem3A_182 = arith.remsi %add3A_176, %select_n3A_181 : i32
      %ne3A_183 = arith.constant 0 : i32
      %ne3A_184 = arith.cmpi ne, %rem3A_182, %ne3A_183 : i32
      %lt3A_185 = arith.constant 0 : i32
      %lt3A_186 = arith.cmpi slt, %rem3A_182, %lt3A_185 : i32
      %lt3A_187 = arith.constant 0 : i32
      %lt3A_188 = arith.cmpi slt, %select_n3A_181, %lt3A_187 : i32
      %ne3A_189 = arith.xori %lt3A_186, %lt3A_188 : i1
      %and3A_190 = arith.andi %ne3A_189, %ne3A_184 : i1
      %add3A_191 = arith.addi %rem3A_182, %select_n3A_181 : i32
      %select_n3A_192 = arith.select %and3A_190, %add3A_191, %rem3A_182 : i32
      %mul3A_193 = arith.constant 80 : i32
      %mul3A_194 = arith.muli %select_n3A_192, %mul3A_193 : i32
      %add3A_195 = arith.addi %mul3A_10, %mul3A_194 : i32
      %multiple_of3A_196 = tpu.assume_multiple %add3A_195, 8 : i32
      %dma_wait3A_197 = tpu.memref_slice %arg4[%multiple_of3A_196] : memref<320000xi32, #tpu.memory_space<hbm>> -> memref<80xi32, #tpu.memory_space<hbm>>
      %dma_wait3A_198 = tpu.memref_slice %arg4[%multiple_of3A_196] : memref<320000xi32, #tpu.memory_space<hbm>> -> memref<80xi32, #tpu.memory_space<hbm>>
      tpu.wait_dma2 semaphore(%arg20 : memref<!tpu.dma_semaphore, #tpu.memory_space<semaphore_mem>>) src(%dma_wait3A_198 : memref<80xi32, #tpu.memory_space<hbm>>) dst(%arg7 : memref<80xi32, #tpu.memory_space<vmem>>)
      %dma_wait3A_199 = tpu.memref_slice %arg5[%multiple_of3A_196] : memref<320000xi32, #tpu.memory_space<hbm>> -> memref<80xi32, #tpu.memory_space<hbm>>
      %dma_wait3A_200 = tpu.memref_slice %arg5[%multiple_of3A_196] : memref<320000xi32, #tpu.memory_space<hbm>> -> memref<80xi32, #tpu.memory_space<hbm>>
      tpu.wait_dma2 semaphore(%arg20 : memref<!tpu.dma_semaphore, #tpu.memory_space<semaphore_mem>>) src(%dma_wait3A_200 : memref<80xi32, #tpu.memory_space<hbm>>) dst(%arg8 : memref<80xi32, #tpu.memory_space<vmem>>)
      %dma_wait3A_201 = arith.constant 0 : i32
      %dma_wait3A_202 = tpu.memref_slice %arg3[%multiple_of3A_196, %dma_wait3A_201] : memref<320000x16xf32, #tpu.memory_space<hbm>> -> memref<80x16xf32, #tpu.memory_space<hbm>>
      %dma_wait3A_203 = arith.constant 0 : i32
      %dma_wait3A_204 = tpu.memref_slice %arg3[%multiple_of3A_196, %dma_wait3A_203] : memref<320000x16xf32, #tpu.memory_space<hbm>> -> memref<80x16xf32, #tpu.memory_space<hbm>>
      tpu.wait_dma2 semaphore(%arg20 : memref<!tpu.dma_semaphore, #tpu.memory_space<semaphore_mem>>) src(%dma_wait3A_204 : memref<80x16xf32, #tpu.memory_space<hbm>>) dst(%arg9 : memref<80x16xf32, #tpu.memory_space<vmem>>)
      %dma_wait3A_205 = arith.constant 0 : i32
      %dma_wait3A_206 = arith.constant 0 : i32
      %dma_wait3A_207 = tpu.memref_slice %arg2[%dma_wait3A_205, %dma_wait3A_206] : memref<10000x512xf32, #tpu.memory_space<hbm>> -> memref<10000x512xf32, #tpu.memory_space<hbm>>
      tpu.wait_indirect_dma semaphore(%arg19 : memref<!tpu.dma_semaphore, #tpu.memory_space<semaphore_mem>>) src(%dma_wait3A_207 : memref<10000x512xf32, #tpu.memory_space<hbm>>) dst(%arg14 : memref<80x512xf32, #tpu.memory_space<vmem>>)
      %dma_start3A_208 = arith.constant 0 : i32
      %dma_start3A_209 = arith.constant 0 : i32
      %dma_start3A_210 = tpu.memref_slice %arg2[%dma_start3A_208, %dma_start3A_209] : memref<10000x512xf32, #tpu.memory_space<hbm>> -> memref<10000x512xf32, #tpu.memory_space<hbm>>
      tpu.enqueue_indirect_dma source(%dma_start3A_210 : memref<10000x512xf32, #tpu.memory_space<hbm>>) target(%arg10 : memref<80x512xf32, #tpu.memory_space<vmem>>) offsets(%arg7 : memref<80xi32, #tpu.memory_space<vmem>>) semaphore(%arg18 : memref<!tpu.dma_semaphore, #tpu.memory_space<semaphore_mem>>)
      %scan3A_211 = arith.constant 0 : i32
      %scan3A_212 = arith.constant 0 : i32
      %scan3A_213 = arith.constant 80 : i32
      %scan3A_214 = arith.addi %scan3A_212, %scan3A_213 : i32
      %scan3A_215 = arith.constant 1 : i32
      scf.for %scan3A_247 = %scan3A_212 to %scan3A_214 step %scan3A_215  : i32 {
        %broadcast_in_dim3A_248 = arith.constant 0.000000e+00 : f32
        %broadcast_in_dim3A_249 = vector.broadcast %broadcast_in_dim3A_248 : f32 to vector<16xf32>
        %broadcast_in_dim3A_250 = arith.constant 0.000000e+00 : f32
        %broadcast_in_dim3A_251 = vector.broadcast %broadcast_in_dim3A_250 : f32 to vector<16xf32>
        %get3A = arith.index_cast %scan3A_247 : i32 to index
        %get3A_252 = arith.constant 0 : index
        %get3A_253 = tpu.vector_load %arg13[%get3A, %get3A_252] {strides = array<i32>} : memref<80x16xf32, #tpu.memory_space<vmem>>, vector<1x16xf32>,
        %get3A_254 = vector.shape_cast %get3A_253 : vector<1x16xf32> to vector<16xf32>
        %slice3A = vector.extract_strided_slice %get3A_254 {offsets = [0], sizes = [1], strides = [1]} : vector<16xf32> to vector<1xf32>
        %squeeze3A = vector.extract %slice3A[0] : f32 from vector<1xf32>
        %get3A_255 = arith.index_cast %scan3A_247 : i32 to index
        %get3A_256 = arith.constant 0 : index
        %get3A_257 = tpu.vector_load %arg14[%get3A_255, %get3A_256] {strides = array<i32>} : memref<80x512xf32, #tpu.memory_space<vmem>>, vector<1x16xf32>,
        %get3A_258 = vector.shape_cast %get3A_257 : vector<1x16xf32> to vector<16xf32>
        %mul3A_259 = vector.broadcast %squeeze3A : f32 to vector<16xf32>
        %mul3A_260 = arith.mulf %mul3A_259, %get3A_258 : vector<16xf32>
        %add3A_261 = arith.addf %broadcast_in_dim3A_249, %mul3A_260 : vector<16xf32>
        %get3A_262 = arith.index_cast %scan3A_247 : i32 to index
        %get3A_263 = arith.constant 16 : index
        %get3A_264 = tpu.vector_load %arg14[%get3A_262, %get3A_263] {strides = array<i32>} : memref<80x512xf32, #tpu.memory_space<vmem>>, vector<1x16xf32>,
        %get3A_265 = vector.shape_cast %get3A_264 : vector<1x16xf32> to vector<16xf32>
        %mul3A_266 = vector.broadcast %squeeze3A : f32 to vector<16xf32>
        %mul3A_267 = arith.mulf %mul3A_266, %get3A_265 : vector<16xf32>
        %add3A_268 = arith.addf %broadcast_in_dim3A_251, %mul3A_267 : vector<16xf32>
        %slice3A_269 = vector.extract_strided_slice %get3A_254 {offsets = [1], sizes = [1], strides = [1]} : vector<16xf32> to vector<1xf32>
        %squeeze3A_270 = vector.extract %slice3A_269[0] : f32 from vector<1xf32>
        %get3A_271 = arith.index_cast %scan3A_247 : i32 to index
        %get3A_272 = arith.constant 32 : index
        %get3A_273 = tpu.vector_load %arg14[%get3A_271, %get3A_272] {strides = array<i32>} : memref<80x512xf32, #tpu.memory_space<vmem>>, vector<1x16xf32>,
        %get3A_274 = vector.shape_cast %get3A_273 : vector<1x16xf32> to vector<16xf32>
        %mul3A_275 = vector.broadcast %squeeze3A_270 : f32 to vector<16xf32>
        %mul3A_276 = arith.mulf %mul3A_275, %get3A_274 : vector<16xf32>
        %add3A_277 = arith.addf %add3A_261, %mul3A_276 : vector<16xf32>
        %get3A_278 = arith.index_cast %scan3A_247 : i32 to index
        %get3A_279 = arith.constant 48 : index
        %get3A_280 = tpu.vector_load %arg14[%get3A_278, %get3A_279] {strides = array<i32>} : memref<80x512xf32, #tpu.memory_space<vmem>>, vector<1x16xf32>,
        %get3A_281 = vector.shape_cast %get3A_280 : vector<1x16xf32> to vector<16xf32>
        %mul3A_282 = vector.broadcast %squeeze3A_270 : f32 to vector<16xf32>
        %mul3A_283 = arith.mulf %mul3A_282, %get3A_281 : vector<16xf32>
        %add3A_284 = arith.addf %add3A_268, %mul3A_283 : vector<16xf32>
        %slice3A_285 = vector.extract_strided_slice %get3A_254 {offsets = [2], sizes = [1], strides = [1]} : vector<16xf32> to vector<1xf32>
        %squeeze3A_286 = vector.extract %slice3A_285[0] : f32 from vector<1xf32>
        %get3A_287 = arith.index_cast %scan3A_247 : i32 to index
        %get3A_288 = arith.constant 64 : index
        %get3A_289 = tpu.vector_load %arg14[%get3A_287, %get3A_288] {strides = array<i32>} : memref<80x512xf32, #tpu.memory_space<vmem>>, vector<1x16xf32>,
        %get3A_290 = vector.shape_cast %get3A_289 : vector<1x16xf32> to vector<16xf32>
        %mul3A_291 = vector.broadcast %squeeze3A_286 : f32 to vector<16xf32>
        %mul3A_292 = arith.mulf %mul3A_291, %get3A_290 : vector<16xf32>
        %add3A_293 = arith.addf %add3A_277, %mul3A_292 : vector<16xf32>
        %get3A_294 = arith.index_cast %scan3A_247 : i32 to index
        %get3A_295 = arith.constant 80 : index
        %get3A_296 = tpu.vector_load %arg14[%get3A_294, %get3A_295] {strides = array<i32>} : memref<80x512xf32, #tpu.memory_space<vmem>>, vector<1x16xf32>,
        %get3A_297 = vector.shape_cast %get3A_296 : vector<1x16xf32> to vector<16xf32>
        %mul3A_298 = vector.broadcast %squeeze3A_286 : f32 to vector<16xf32>
        %mul3A_299 = arith.mulf %mul3A_298, %get3A_297 : vector<16xf32>
        %add3A_300 = arith.addf %add3A_284, %mul3A_299 : vector<16xf32>
        %slice3A_301 = vector.extract_strided_slice %get3A_254 {offsets = [3], sizes = [1], strides = [1]} : vector<16xf32> to vector<1xf32>
        %squeeze3A_302 = vector.extract %slice3A_301[0] : f32 from vector<1xf32>
        %get3A_303 = arith.index_cast %scan3A_247 : i32 to index
        %get3A_304 = arith.constant 96 : index
        %get3A_305 = tpu.vector_load %arg14[%get3A_303, %get3A_304] {strides = array<i32>} : memref<80x512xf32, #tpu.memory_space<vmem>>, vector<1x16xf32>,
        %get3A_306 = vector.shape_cast %get3A_305 : vector<1x16xf32> to vector<16xf32>
        %mul3A_307 = vector.broadcast %squeeze3A_302 : f32 to vector<16xf32>
        %mul3A_308 = arith.mulf %mul3A_307, %get3A_306 : vector<16xf32>
        %add3A_309 = arith.addf %add3A_293, %mul3A_308 : vector<16xf32>
        %get3A_310 = arith.index_cast %scan3A_247 : i32 to index
        %get3A_311 = arith.constant 112 : index
        %get3A_312 = tpu.vector_load %arg14[%get3A_310, %get3A_311] {strides = array<i32>} : memref<80x512xf32, #tpu.memory_space<vmem>>, vector<1x16xf32>,
        %get3A_313 = vector.shape_cast %get3A_312 : vector<1x16xf32> to vector<16xf32>
        %mul3A_314 = vector.broadcast %squeeze3A_302 : f32 to vector<16xf32>
        %mul3A_315 = arith.mulf %mul3A_314, %get3A_313 : vector<16xf32>
        %add3A_316 = arith.addf %add3A_300, %mul3A_315 : vector<16xf32>
        %slice3A_317 = vector.extract_strided_slice %get3A_254 {offsets = [4], sizes = [1], strides = [1]} : vector<16xf32> to vector<1xf32>
        %squeeze3A_318 = vector.extract %slice3A_317[0] : f32 from vector<1xf32>
        %get3A_319 = arith.index_cast %scan3A_247 : i32 to index
        %get3A_320 = arith.constant 128 : index
        %get3A_321 = tpu.vector_load %arg14[%get3A_319, %get3A_320] {strides = array<i32>} : memref<80x512xf32, #tpu.memory_space<vmem>>, vector<1x16xf32>,
        %get3A_322 = vector.shape_cast %get3A_321 : vector<1x16xf32> to vector<16xf32>
        %mul3A_323 = vector.broadcast %squeeze3A_318 : f32 to vector<16xf32>
        %mul3A_324 = arith.mulf %mul3A_323, %get3A_322 : vector<16xf32>
        %add3A_325 = arith.addf %add3A_309, %mul3A_324 : vector<16xf32>
        %get3A_326 = arith.index_cast %scan3A_247 : i32 to index
        %get3A_327 = arith.constant 144 : index
        %get3A_328 = tpu.vector_load %arg14[%get3A_326, %get3A_327] {strides = array<i32>} : memref<80x512xf32, #tpu.memory_space<vmem>>, vector<1x16xf32>,
        %get3A_329 = vector.shape_cast %get3A_328 : vector<1x16xf32> to vector<16xf32>
        %mul3A_330 = vector.broadcast %squeeze3A_318 : f32 to vector<16xf32>
        %mul3A_331 = arith.mulf %mul3A_330, %get3A_329 : vector<16xf32>
        %add3A_332 = arith.addf %add3A_316, %mul3A_331 : vector<16xf32>
        %slice3A_333 = vector.extract_strided_slice %get3A_254 {offsets = [5], sizes = [1], strides = [1]} : vector<16xf32> to vector<1xf32>
        %squeeze3A_334 = vector.extract %slice3A_333[0] : f32 from vector<1xf32>
        %get3A_335 = arith.index_cast %scan3A_247 : i32 to index
        %get3A_336 = arith.constant 160 : index
        %get3A_337 = tpu.vector_load %arg14[%get3A_335, %get3A_336] {strides = array<i32>} : memref<80x512xf32, #tpu.memory_space<vmem>>, vector<1x16xf32>,
        %get3A_338 = vector.shape_cast %get3A_337 : vector<1x16xf32> to vector<16xf32>
        %mul3A_339 = vector.broadcast %squeeze3A_334 : f32 to vector<16xf32>
        %mul3A_340 = arith.mulf %mul3A_339, %get3A_338 : vector<16xf32>
        %add3A_341 = arith.addf %add3A_325, %mul3A_340 : vector<16xf32>
        %get3A_342 = arith.index_cast %scan3A_247 : i32 to index
        %get3A_343 = arith.constant 176 : index
        %get3A_344 = tpu.vector_load %arg14[%get3A_342, %get3A_343] {strides = array<i32>} : memref<80x512xf32, #tpu.memory_space<vmem>>, vector<1x16xf32>,
        %get3A_345 = vector.shape_cast %get3A_344 : vector<1x16xf32> to vector<16xf32>
        %mul3A_346 = vector.broadcast %squeeze3A_334 : f32 to vector<16xf32>
        %mul3A_347 = arith.mulf %mul3A_346, %get3A_345 : vector<16xf32>
        %add3A_348 = arith.addf %add3A_332, %mul3A_347 : vector<16xf32>
        %slice3A_349 = vector.extract_strided_slice %get3A_254 {offsets = [6], sizes = [1], strides = [1]} : vector<16xf32> to vector<1xf32>
        %squeeze3A_350 = vector.extract %slice3A_349[0] : f32 from vector<1xf32>
        %get3A_351 = arith.index_cast %scan3A_247 : i32 to index
        %get3A_352 = arith.constant 192 : index
        %get3A_353 = tpu.vector_load %arg14[%get3A_351, %get3A_352] {strides = array<i32>} : memref<80x512xf32, #tpu.memory_space<vmem>>, vector<1x16xf32>,
        %get3A_354 = vector.shape_cast %get3A_353 : vector<1x16xf32> to vector<16xf32>
        %mul3A_355 = vector.broadcast %squeeze3A_350 : f32 to vector<16xf32>
        %mul3A_356 = arith.mulf %mul3A_355, %get3A_354 : vector<16xf32>
        %add3A_357 = arith.addf %add3A_341, %mul3A_356 : vector<16xf32>
        %get3A_358 = arith.index_cast %scan3A_247 : i32 to index
        %get3A_359 = arith.constant 208 : index
        %get3A_360 = tpu.vector_load %arg14[%get3A_358, %get3A_359] {strides = array<i32>} : memref<80x512xf32, #tpu.memory_space<vmem>>, vector<1x16xf32>,
        %get3A_361 = vector.shape_cast %get3A_360 : vector<1x16xf32> to vector<16xf32>
        %mul3A_362 = vector.broadcast %squeeze3A_350 : f32 to vector<16xf32>
        %mul3A_363 = arith.mulf %mul3A_362, %get3A_361 : vector<16xf32>
        %add3A_364 = arith.addf %add3A_348, %mul3A_363 : vector<16xf32>
        %slice3A_365 = vector.extract_strided_slice %get3A_254 {offsets = [7], sizes = [1], strides = [1]} : vector<16xf32> to vector<1xf32>
        %squeeze3A_366 = vector.extract %slice3A_365[0] : f32 from vector<1xf32>
        %get3A_367 = arith.index_cast %scan3A_247 : i32 to index
        %get3A_368 = arith.constant 224 : index
        %get3A_369 = tpu.vector_load %arg14[%get3A_367, %get3A_368] {strides = array<i32>} : memref<80x512xf32, #tpu.memory_space<vmem>>, vector<1x16xf32>,
        %get3A_370 = vector.shape_cast %get3A_369 : vector<1x16xf32> to vector<16xf32>
        %mul3A_371 = vector.broadcast %squeeze3A_366 : f32 to vector<16xf32>
        %mul3A_372 = arith.mulf %mul3A_371, %get3A_370 : vector<16xf32>
        %add3A_373 = arith.addf %add3A_357, %mul3A_372 : vector<16xf32>
        %get3A_374 = arith.index_cast %scan3A_247 : i32 to index
        %get3A_375 = arith.constant 240 : index
        %get3A_376 = tpu.vector_load %arg14[%get3A_374, %get3A_375] {strides = array<i32>} : memref<80x512xf32, #tpu.memory_space<vmem>>, vector<1x16xf32>,
        %get3A_377 = vector.shape_cast %get3A_376 : vector<1x16xf32> to vector<16xf32>
        %mul3A_378 = vector.broadcast %squeeze3A_366 : f32 to vector<16xf32>
        %mul3A_379 = arith.mulf %mul3A_378, %get3A_377 : vector<16xf32>
        %add3A_380 = arith.addf %add3A_364, %mul3A_379 : vector<16xf32>
        %slice3A_381 = vector.extract_strided_slice %get3A_254 {offsets = [8], sizes = [1], strides = [1]} : vector<16xf32> to vector<1xf32>
        %squeeze3A_382 = vector.extract %slice3A_381[0] : f32 from vector<1xf32>
        %get3A_383 = arith.index_cast %scan3A_247 : i32 to index
        %get3A_384 = arith.constant 256 : index
        %get3A_385 = tpu.vector_load %arg14[%get3A_383, %get3A_384] {strides = array<i32>} : memref<80x512xf32, #tpu.memory_space<vmem>>, vector<1x16xf32>,
        %get3A_386 = vector.shape_cast %get3A_385 : vector<1x16xf32> to vector<16xf32>
        %mul3A_387 = vector.broadcast %squeeze3A_382 : f32 to vector<16xf32>
        %mul3A_388 = arith.mulf %mul3A_387, %get3A_386 : vector<16xf32>
        %add3A_389 = arith.addf %add3A_373, %mul3A_388 : vector<16xf32>
        %get3A_390 = arith.index_cast %scan3A_247 : i32 to index
        %get3A_391 = arith.constant 272 : index
        %get3A_392 = tpu.vector_load %arg14[%get3A_390, %get3A_391] {strides = array<i32>} : memref<80x512xf32, #tpu.memory_space<vmem>>, vector<1x16xf32>,
        %get3A_393 = vector.shape_cast %get3A_392 : vector<1x16xf32> to vector<16xf32>
        %mul3A_394 = vector.broadcast %squeeze3A_382 : f32 to vector<16xf32>
        %mul3A_395 = arith.mulf %mul3A_394, %get3A_393 : vector<16xf32>
        %add3A_396 = arith.addf %add3A_380, %mul3A_395 : vector<16xf32>
        %slice3A_397 = vector.extract_strided_slice %get3A_254 {offsets = [9], sizes = [1], strides = [1]} : vector<16xf32> to vector<1xf32>
        %squeeze3A_398 = vector.extract %slice3A_397[0] : f32 from vector<1xf32>
        %get3A_399 = arith.index_cast %scan3A_247 : i32 to index
        %get3A_400 = arith.constant 288 : index
        %get3A_401 = tpu.vector_load %arg14[%get3A_399, %get3A_400] {strides = array<i32>} : memref<80x512xf32, #tpu.memory_space<vmem>>, vector<1x16xf32>,
        %get3A_402 = vector.shape_cast %get3A_401 : vector<1x16xf32> to vector<16xf32>
        %mul3A_403 = vector.broadcast %squeeze3A_398 : f32 to vector<16xf32>
        %mul3A_404 = arith.mulf %mul3A_403, %get3A_402 : vector<16xf32>
        %add3A_405 = arith.addf %add3A_389, %mul3A_404 : vector<16xf32>
        %get3A_406 = arith.index_cast %scan3A_247 : i32 to index
        %get3A_407 = arith.constant 304 : index
        %get3A_408 = tpu.vector_load %arg14[%get3A_406, %get3A_407] {strides = array<i32>} : memref<80x512xf32, #tpu.memory_space<vmem>>, vector<1x16xf32>,
        %get3A_409 = vector.shape_cast %get3A_408 : vector<1x16xf32> to vector<16xf32>
        %mul3A_410 = vector.broadcast %squeeze3A_398 : f32 to vector<16xf32>
        %mul3A_411 = arith.mulf %mul3A_410, %get3A_409 : vector<16xf32>
        %add3A_412 = arith.addf %add3A_396, %mul3A_411 : vector<16xf32>
        %slice3A_413 = vector.extract_strided_slice %get3A_254 {offsets = [10], sizes = [1], strides = [1]} : vector<16xf32> to vector<1xf32>
        %squeeze3A_414 = vector.extract %slice3A_413[0] : f32 from vector<1xf32>
        %get3A_415 = arith.index_cast %scan3A_247 : i32 to index
        %get3A_416 = arith.constant 320 : index
        %get3A_417 = tpu.vector_load %arg14[%get3A_415, %get3A_416] {strides = array<i32>} : memref<80x512xf32, #tpu.memory_space<vmem>>, vector<1x16xf32>,
        %get3A_418 = vector.shape_cast %get3A_417 : vector<1x16xf32> to vector<16xf32>
        %mul3A_419 = vector.broadcast %squeeze3A_414 : f32 to vector<16xf32>
        %mul3A_420 = arith.mulf %mul3A_419, %get3A_418 : vector<16xf32>
        %add3A_421 = arith.addf %add3A_405, %mul3A_420 : vector<16xf32>
        %get3A_422 = arith.index_cast %scan3A_247 : i32 to index
        %get3A_423 = arith.constant 336 : index
        %get3A_424 = tpu.vector_load %arg14[%get3A_422, %get3A_423] {strides = array<i32>} : memref<80x512xf32, #tpu.memory_space<vmem>>, vector<1x16xf32>,
        %get3A_425 = vector.shape_cast %get3A_424 : vector<1x16xf32> to vector<16xf32>
        %mul3A_426 = vector.broadcast %squeeze3A_414 : f32 to vector<16xf32>
        %mul3A_427 = arith.mulf %mul3A_426, %get3A_425 : vector<16xf32>
        %add3A_428 = arith.addf %add3A_412, %mul3A_427 : vector<16xf32>
        %slice3A_429 = vector.extract_strided_slice %get3A_254 {offsets = [11], sizes = [1], strides = [1]} : vector<16xf32> to vector<1xf32>
        %squeeze3A_430 = vector.extract %slice3A_429[0] : f32 from vector<1xf32>
        %get3A_431 = arith.index_cast %scan3A_247 : i32 to index
        %get3A_432 = arith.constant 352 : index
        %get3A_433 = tpu.vector_load %arg14[%get3A_431, %get3A_432] {strides = array<i32>} : memref<80x512xf32, #tpu.memory_space<vmem>>, vector<1x16xf32>,
        %get3A_434 = vector.shape_cast %get3A_433 : vector<1x16xf32> to vector<16xf32>
        %mul3A_435 = vector.broadcast %squeeze3A_430 : f32 to vector<16xf32>
        %mul3A_436 = arith.mulf %mul3A_435, %get3A_434 : vector<16xf32>
        %add3A_437 = arith.addf %add3A_421, %mul3A_436 : vector<16xf32>
        %get3A_438 = arith.index_cast %scan3A_247 : i32 to index
        %get3A_439 = arith.constant 368 : index
        %get3A_440 = tpu.vector_load %arg14[%get3A_438, %get3A_439] {strides = array<i32>} : memref<80x512xf32, #tpu.memory_space<vmem>>, vector<1x16xf32>,
        %get3A_441 = vector.shape_cast %get3A_440 : vector<1x16xf32> to vector<16xf32>
        %mul3A_442 = vector.broadcast %squeeze3A_430 : f32 to vector<16xf32>
        %mul3A_443 = arith.mulf %mul3A_442, %get3A_441 : vector<16xf32>
        %add3A_444 = arith.addf %add3A_428, %mul3A_443 : vector<16xf32>
        %slice3A_445 = vector.extract_strided_slice %get3A_254 {offsets = [12], sizes = [1], strides = [1]} : vector<16xf32> to vector<1xf32>
        %squeeze3A_446 = vector.extract %slice3A_445[0] : f32 from vector<1xf32>
        %get3A_447 = arith.index_cast %scan3A_247 : i32 to index
        %get3A_448 = arith.constant 384 : index
        %get3A_449 = tpu.vector_load %arg14[%get3A_447, %get3A_448] {strides = array<i32>} : memref<80x512xf32, #tpu.memory_space<vmem>>, vector<1x16xf32>,
        %get3A_450 = vector.shape_cast %get3A_449 : vector<1x16xf32> to vector<16xf32>
        %mul3A_451 = vector.broadcast %squeeze3A_446 : f32 to vector<16xf32>
        %mul3A_452 = arith.mulf %mul3A_451, %get3A_450 : vector<16xf32>
        %add3A_453 = arith.addf %add3A_437, %mul3A_452 : vector<16xf32>
        %get3A_454 = arith.index_cast %scan3A_247 : i32 to index
        %get3A_455 = arith.constant 400 : index
        %get3A_456 = tpu.vector_load %arg14[%get3A_454, %get3A_455] {strides = array<i32>} : memref<80x512xf32, #tpu.memory_space<vmem>>, vector<1x16xf32>,
        %get3A_457 = vector.shape_cast %get3A_456 : vector<1x16xf32> to vector<16xf32>
        %mul3A_458 = vector.broadcast %squeeze3A_446 : f32 to vector<16xf32>
        %mul3A_459 = arith.mulf %mul3A_458, %get3A_457 : vector<16xf32>
        %add3A_460 = arith.addf %add3A_444, %mul3A_459 : vector<16xf32>
        %slice3A_461 = vector.extract_strided_slice %get3A_254 {offsets = [13], sizes = [1], strides = [1]} : vector<16xf32> to vector<1xf32>
        %squeeze3A_462 = vector.extract %slice3A_461[0] : f32 from vector<1xf32>
        %get3A_463 = arith.index_cast %scan3A_247 : i32 to index
        %get3A_464 = arith.constant 416 : index
        %get3A_465 = tpu.vector_load %arg14[%get3A_463, %get3A_464] {strides = array<i32>} : memref<80x512xf32, #tpu.memory_space<vmem>>, vector<1x16xf32>,
        %get3A_466 = vector.shape_cast %get3A_465 : vector<1x16xf32> to vector<16xf32>
        %mul3A_467 = vector.broadcast %squeeze3A_462 : f32 to vector<16xf32>
        %mul3A_468 = arith.mulf %mul3A_467, %get3A_466 : vector<16xf32>
        %add3A_469 = arith.addf %add3A_453, %mul3A_468 : vector<16xf32>
        %get3A_470 = arith.index_cast %scan3A_247 : i32 to index
        %get3A_471 = arith.constant 432 : index
        %get3A_472 = tpu.vector_load %arg14[%get3A_470, %get3A_471] {strides = array<i32>} : memref<80x512xf32, #tpu.memory_space<vmem>>, vector<1x16xf32>,
        %get3A_473 = vector.shape_cast %get3A_472 : vector<1x16xf32> to vector<16xf32>
        %mul3A_474 = vector.broadcast %squeeze3A_462 : f32 to vector<16xf32>
        %mul3A_475 = arith.mulf %mul3A_474, %get3A_473 : vector<16xf32>
        %add3A_476 = arith.addf %add3A_460, %mul3A_475 : vector<16xf32>
        %slice3A_477 = vector.extract_strided_slice %get3A_254 {offsets = [14], sizes = [1], strides = [1]} : vector<16xf32> to vector<1xf32>
        %squeeze3A_478 = vector.extract %slice3A_477[0] : f32 from vector<1xf32>
        %get3A_479 = arith.index_cast %scan3A_247 : i32 to index
        %get3A_480 = arith.constant 448 : index
        %get3A_481 = tpu.vector_load %arg14[%get3A_479, %get3A_480] {strides = array<i32>} : memref<80x512xf32, #tpu.memory_space<vmem>>, vector<1x16xf32>,
        %get3A_482 = vector.shape_cast %get3A_481 : vector<1x16xf32> to vector<16xf32>
        %mul3A_483 = vector.broadcast %squeeze3A_478 : f32 to vector<16xf32>
        %mul3A_484 = arith.mulf %mul3A_483, %get3A_482 : vector<16xf32>
        %add3A_485 = arith.addf %add3A_469, %mul3A_484 : vector<16xf32>
        %get3A_486 = arith.index_cast %scan3A_247 : i32 to index
        %get3A_487 = arith.constant 464 : index
        %get3A_488 = tpu.vector_load %arg14[%get3A_486, %get3A_487] {strides = array<i32>} : memref<80x512xf32, #tpu.memory_space<vmem>>, vector<1x16xf32>,
        %get3A_489 = vector.shape_cast %get3A_488 : vector<1x16xf32> to vector<16xf32>
        %mul3A_490 = vector.broadcast %squeeze3A_478 : f32 to vector<16xf32>
        %mul3A_491 = arith.mulf %mul3A_490, %get3A_489 : vector<16xf32>
        %add3A_492 = arith.addf %add3A_476, %mul3A_491 : vector<16xf32>
        %slice3A_493 = vector.extract_strided_slice %get3A_254 {offsets = [15], sizes = [1], strides = [1]} : vector<16xf32> to vector<1xf32>
        %squeeze3A_494 = vector.extract %slice3A_493[0] : f32 from vector<1xf32>
        %get3A_495 = arith.index_cast %scan3A_247 : i32 to index
        %get3A_496 = arith.constant 480 : index
        %get3A_497 = tpu.vector_load %arg14[%get3A_495, %get3A_496] {strides = array<i32>} : memref<80x512xf32, #tpu.memory_space<vmem>>, vector<1x16xf32>,
        %get3A_498 = vector.shape_cast %get3A_497 : vector<1x16xf32> to vector<16xf32>
        %mul3A_499 = vector.broadcast %squeeze3A_494 : f32 to vector<16xf32>
        %mul3A_500 = arith.mulf %mul3A_499, %get3A_498 : vector<16xf32>
        %add3A_501 = arith.addf %add3A_485, %mul3A_500 : vector<16xf32>
        %get3A_502 = arith.index_cast %scan3A_247 : i32 to index
        %get3A_503 = arith.constant 496 : index
        %get3A_504 = tpu.vector_load %arg14[%get3A_502, %get3A_503] {strides = array<i32>} : memref<80x512xf32, #tpu.memory_space<vmem>>, vector<1x16xf32>,
        %get3A_505 = vector.shape_cast %get3A_504 : vector<1x16xf32> to vector<16xf32>
        %mul3A_506 = vector.broadcast %squeeze3A_494 : f32 to vector<16xf32>
        %mul3A_507 = arith.mulf %mul3A_506, %get3A_505 : vector<16xf32>
        %add3A_508 = arith.addf %add3A_492, %mul3A_507 : vector<16xf32>
        %swap3A = arith.index_cast %scan3A_247 : i32 to index
        %swap3A_509 = arith.constant 0 : index
        %swap3A_510 = tpu.vector_load %arg15[%swap3A, %swap3A_509] {strides = array<i32>} : memref<80x32xf32, #tpu.memory_space<vmem>>, vector<1x16xf32>,
        %swap3A_511 = vector.shape_cast %swap3A_510 : vector<1x16xf32> to vector<16xf32>
        %swap3A_512 = vector.shape_cast %add3A_501 : vector<16xf32> to vector<1x16xf32>
        tpu.vector_store %arg15[%swap3A, %swap3A_509], %swap3A_512 {strides = array<i32>} : memref<80x32xf32, #tpu.memory_space<vmem>>, vector<1x16xf32>,
        %swap3A_513 = arith.index_cast %scan3A_247 : i32 to index
        %swap3A_514 = arith.constant 16 : index
        %swap3A_515 = tpu.vector_load %arg15[%swap3A_513, %swap3A_514] {strides = array<i32>} : memref<80x32xf32, #tpu.memory_space<vmem>>, vector<1x16xf32>,
        %swap3A_516 = vector.shape_cast %swap3A_515 : vector<1x16xf32> to vector<16xf32>
        %swap3A_517 = vector.shape_cast %add3A_508 : vector<16xf32> to vector<1x16xf32>
        tpu.vector_store %arg15[%swap3A_513, %swap3A_514], %swap3A_517 {strides = array<i32>} : memref<80x32xf32, #tpu.memory_space<vmem>>, vector<1x16xf32>,
      }
      %scan3A_216 = arith.constant 80 : i32
      "tpu.region"() ({
        %run_scoped3A = tpu.sem_alloc : memref<!tpu.dma_semaphore, #tpu.memory_space<semaphore_mem>>
        %dma_start3A_247 = arith.constant 0 : i32
        %dma_start3A_248 = arith.constant 0 : i32
        %dma_start3A_249 = tpu.memref_slice %arg17[%dma_start3A_247, %dma_start3A_248] : memref<10240x32xf32, #tpu.memory_space<vmem_shared>> -> memref<10240x32xf32, #tpu.memory_space<vmem_shared>>
        tpu.enqueue_indirect_dma source(%arg15 : memref<80x32xf32, #tpu.memory_space<vmem>>) target(%dma_start3A_249 : memref<10240x32xf32, #tpu.memory_space<vmem_shared>>) offsets(%arg12 : memref<80xi32, #tpu.memory_space<vmem>>) semaphore(%run_scoped3A : memref<!tpu.dma_semaphore, #tpu.memory_space<semaphore_mem>>) {add = true}
        %dma_wait3A_250 = arith.constant 0 : i32
        %dma_wait3A_251 = arith.constant 0 : i32
        %dma_wait3A_252 = tpu.memref_slice %arg17[%dma_wait3A_250, %dma_wait3A_251] : memref<10240x32xf32, #tpu.memory_space<vmem_shared>> -> memref<10240x32xf32, #tpu.memory_space<vmem_shared>>
        tpu.wait_indirect_dma semaphore(%run_scoped3A : memref<!tpu.dma_semaphore, #tpu.memory_space<semaphore_mem>>) src(%arg15 : memref<80x32xf32, #tpu.memory_space<vmem>>) dst(%dma_wait3A_252 : memref<10240x32xf32, #tpu.memory_space<vmem_shared>>)
        tpu.yield
      }) : () -> ()
      %add3A_217 = arith.constant 2 : i32
      %add3A_218 = arith.addi %add3A_174, %add3A_217 : i32
      %jit3A_219 = arith.constant 125 : i32
      %eq3A_220 = arith.constant 0 : i32
      %eq3A_221 = arith.cmpi eq, %jit3A_219, %eq3A_220 : i32
      %jit3A_222 = arith.constant 1 : i32
      %select_n3A_223 = arith.select %eq3A_221, %jit3A_222, %jit3A_219 : i32
      %rem3A_224 = arith.remsi %add3A_218, %select_n3A_223 : i32
      %ne3A_225 = arith.constant 0 : i32
      %ne3A_226 = arith.cmpi ne, %rem3A_224, %ne3A_225 : i32
      %lt3A_227 = arith.constant 0 : i32
      %lt3A_228 = arith.cmpi slt, %rem3A_224, %lt3A_227 : i32
      %lt3A_229 = arith.constant 0 : i32
      %lt3A_230 = arith.cmpi slt, %select_n3A_223, %lt3A_229 : i32
      %ne3A_231 = arith.xori %lt3A_228, %lt3A_230 : i1
      %and3A_232 = arith.andi %ne3A_231, %ne3A_226 : i1
      %add3A_233 = arith.addi %rem3A_224, %select_n3A_223 : i32
      %select_n3A_234 = arith.select %and3A_232, %add3A_233, %rem3A_224 : i32
      %mul3A_235 = arith.constant 80 : i32
      %mul3A_236 = arith.muli %select_n3A_234, %mul3A_235 : i32
      %add3A_237 = arith.addi %mul3A_10, %mul3A_236 : i32
      %multiple_of3A_238 = tpu.assume_multiple %add3A_237, 8 : i32
      %dma_start3A_239 = tpu.memref_slice %arg4[%multiple_of3A_238] : memref<320000xi32, #tpu.memory_space<hbm>> -> memref<80xi32, #tpu.memory_space<hbm>>
      %dma_start3A_240 = tpu.memref_slice %arg4[%multiple_of3A_238] : memref<320000xi32, #tpu.memory_space<hbm>> -> memref<80xi32, #tpu.memory_space<hbm>>
      tpu.enqueue_dma source(%dma_start3A_240 : memref<80xi32, #tpu.memory_space<hbm>>) target(%arg11 : memref<80xi32, #tpu.memory_space<vmem>>) target_semaphore(%arg20 : memref<!tpu.dma_semaphore, #tpu.memory_space<semaphore_mem>>)
      %dma_start3A_241 = tpu.memref_slice %arg5[%multiple_of3A_238] : memref<320000xi32, #tpu.memory_space<hbm>> -> memref<80xi32, #tpu.memory_space<hbm>>
      %dma_start3A_242 = tpu.memref_slice %arg5[%multiple_of3A_238] : memref<320000xi32, #tpu.memory_space<hbm>> -> memref<80xi32, #tpu.memory_space<hbm>>
      tpu.enqueue_dma source(%dma_start3A_242 : memref<80xi32, #tpu.memory_space<hbm>>) target(%arg12 : memref<80xi32, #tpu.memory_space<vmem>>) target_semaphore(%arg20 : memref<!tpu.dma_semaphore, #tpu.memory_space<semaphore_mem>>)
      %dma_start3A_243 = arith.constant 0 : i32
      %dma_start3A_244 = tpu.memref_slice %arg3[%multiple_of3A_238, %dma_start3A_243] : memref<320000x16xf32, #tpu.memory_space<hbm>> -> memref<80x16xf32, #tpu.memory_space<hbm>>
      %dma_start3A_245 = arith.constant 0 : i32
      %dma_start3A_246 = tpu.memref_slice %arg3[%multiple_of3A_238, %dma_start3A_245] : memref<320000x16xf32, #tpu.memory_space<hbm>> -> memref<80x16xf32, #tpu.memory_space<hbm>>
      tpu.enqueue_dma source(%dma_start3A_246 : memref<80x16xf32, #tpu.memory_space<hbm>>) target(%arg13 : memref<80x16xf32, #tpu.memory_space<vmem>>) target_semaphore(%arg20 : memref<!tpu.dma_semaphore, #tpu.memory_space<semaphore_mem>>)
    }
    %scan3A_49 = arith.constant 62 : i32
    %add3A_50 = arith.constant 0 : i32
    %add3A_51 = arith.addi %mul3A_10, %add3A_50 : i32
    %multiple_of3A_52 = tpu.assume_multiple %add3A_51, 8 : i32
    %dma_wait3A_53 = tpu.memref_slice %arg4[%multiple_of3A_52] : memref<320000xi32, #tpu.memory_space<hbm>> -> memref<80xi32, #tpu.memory_space<hbm>>
    %dma_wait3A_54 = tpu.memref_slice %arg4[%multiple_of3A_52] : memref<320000xi32, #tpu.memory_space<hbm>> -> memref<80xi32, #tpu.memory_space<hbm>>
    tpu.wait_dma2 semaphore(%arg20 : memref<!tpu.dma_semaphore, #tpu.memory_space<semaphore_mem>>) src(%dma_wait3A_54 : memref<80xi32, #tpu.memory_space<hbm>>) dst(%arg11 : memref<80xi32, #tpu.memory_space<vmem>>)
    %dma_wait3A_55 = tpu.memref_slice %arg5[%multiple_of3A_52] : memref<320000xi32, #tpu.memory_space<hbm>> -> memref<80xi32, #tpu.memory_space<hbm>>
    %dma_wait3A_56 = tpu.memref_slice %arg5[%multiple_of3A_52] : memref<320000xi32, #tpu.memory_space<hbm>> -> memref<80xi32, #tpu.memory_space<hbm>>
    tpu.wait_dma2 semaphore(%arg20 : memref<!tpu.dma_semaphore, #tpu.memory_space<semaphore_mem>>) src(%dma_wait3A_56 : memref<80xi32, #tpu.memory_space<hbm>>) dst(%arg12 : memref<80xi32, #tpu.memory_space<vmem>>)
    %dma_wait3A_57 = arith.constant 0 : i32
    %dma_wait3A_58 = tpu.memref_slice %arg3[%multiple_of3A_52, %dma_wait3A_57] : memref<320000x16xf32, #tpu.memory_space<hbm>> -> memref<80x16xf32, #tpu.memory_space<hbm>>
    %dma_wait3A_59 = arith.constant 0 : i32
    %dma_wait3A_60 = tpu.memref_slice %arg3[%multiple_of3A_52, %dma_wait3A_59] : memref<320000x16xf32, #tpu.memory_space<hbm>> -> memref<80x16xf32, #tpu.memory_space<hbm>>
    tpu.wait_dma2 semaphore(%arg20 : memref<!tpu.dma_semaphore, #tpu.memory_space<semaphore_mem>>) src(%dma_wait3A_60 : memref<80x16xf32, #tpu.memory_space<hbm>>) dst(%arg13 : memref<80x16xf32, #tpu.memory_space<vmem>>)
    %dma_wait3A_61 = arith.constant 0 : i32
    %dma_wait3A_62 = arith.constant 0 : i32
    %dma_wait3A_63 = tpu.memref_slice %arg2[%dma_wait3A_61, %dma_wait3A_62] : memref<10000x512xf32, #tpu.memory_space<hbm>> -> memref<10000x512xf32, #tpu.memory_space<hbm>>
    tpu.wait_indirect_dma semaphore(%arg18 : memref<!tpu.dma_semaphore, #tpu.memory_space<semaphore_mem>>) src(%dma_wait3A_63 : memref<10000x512xf32, #tpu.memory_space<hbm>>) dst(%arg10 : memref<80x512xf32, #tpu.memory_space<vmem>>)
    %dma_start3A_64 = arith.constant 0 : i32
    %dma_start3A_65 = arith.constant 0 : i32
    %dma_start3A_66 = tpu.memref_slice %arg2[%dma_start3A_64, %dma_start3A_65] : memref<10000x512xf32, #tpu.memory_space<hbm>> -> memref<10000x512xf32, #tpu.memory_space<hbm>>
    tpu.enqueue_indirect_dma source(%dma_start3A_66 : memref<10000x512xf32, #tpu.memory_space<hbm>>) target(%arg14 : memref<80x512xf32, #tpu.memory_space<vmem>>) offsets(%arg11 : memref<80xi32, #tpu.memory_space<vmem>>) semaphore(%arg19 : memref<!tpu.dma_semaphore, #tpu.memory_space<semaphore_mem>>)
    %scan3A_67 = arith.constant 0 : i32
    %scan3A_68 = arith.constant 0 : i32
    %scan3A_69 = arith.constant 80 : i32
    %scan3A_70 = arith.addi %scan3A_68, %scan3A_69 : i32
    %scan3A_71 = arith.constant 1 : i32
    scf.for %scan3A_103 = %scan3A_68 to %scan3A_70 step %scan3A_71  : i32 {
      %broadcast_in_dim3A_104 = arith.constant 0.000000e+00 : f32
      %broadcast_in_dim3A_105 = vector.broadcast %broadcast_in_dim3A_104 : f32 to vector<16xf32>
      %broadcast_in_dim3A_106 = arith.constant 0.000000e+00 : f32
      %broadcast_in_dim3A_107 = vector.broadcast %broadcast_in_dim3A_106 : f32 to vector<16xf32>
      %get3A = arith.index_cast %scan3A_103 : i32 to index
      %get3A_108 = arith.constant 0 : index
      %get3A_109 = tpu.vector_load %arg9[%get3A, %get3A_108] {strides = array<i32>} : memref<80x16xf32, #tpu.memory_space<vmem>>, vector<1x16xf32>,
      %get3A_110 = vector.shape_cast %get3A_109 : vector<1x16xf32> to vector<16xf32>
      %slice3A = vector.extract_strided_slice %get3A_110 {offsets = [0], sizes = [1], strides = [1]} : vector<16xf32> to vector<1xf32>
      %squeeze3A = vector.extract %slice3A[0] : f32 from vector<1xf32>
      %get3A_111 = arith.index_cast %scan3A_103 : i32 to index
      %get3A_112 = arith.constant 0 : index
      %get3A_113 = tpu.vector_load %arg10[%get3A_111, %get3A_112] {strides = array<i32>} : memref<80x512xf32, #tpu.memory_space<vmem>>, vector<1x16xf32>,
      %get3A_114 = vector.shape_cast %get3A_113 : vector<1x16xf32> to vector<16xf32>
      %mul3A_115 = vector.broadcast %squeeze3A : f32 to vector<16xf32>
      %mul3A_116 = arith.mulf %mul3A_115, %get3A_114 : vector<16xf32>
      %add3A_117 = arith.addf %broadcast_in_dim3A_105, %mul3A_116 : vector<16xf32>
      %get3A_118 = arith.index_cast %scan3A_103 : i32 to index
      %get3A_119 = arith.constant 16 : index
      %get3A_120 = tpu.vector_load %arg10[%get3A_118, %get3A_119] {strides = array<i32>} : memref<80x512xf32, #tpu.memory_space<vmem>>, vector<1x16xf32>,
      %get3A_121 = vector.shape_cast %get3A_120 : vector<1x16xf32> to vector<16xf32>
      %mul3A_122 = vector.broadcast %squeeze3A : f32 to vector<16xf32>
      %mul3A_123 = arith.mulf %mul3A_122, %get3A_121 : vector<16xf32>
      %add3A_124 = arith.addf %broadcast_in_dim3A_107, %mul3A_123 : vector<16xf32>
      %slice3A_125 = vector.extract_strided_slice %get3A_110 {offsets = [1], sizes = [1], strides = [1]} : vector<16xf32> to vector<1xf32>
      %squeeze3A_126 = vector.extract %slice3A_125[0] : f32 from vector<1xf32>
      %get3A_127 = arith.index_cast %scan3A_103 : i32 to index
      %get3A_128 = arith.constant 32 : index
      %get3A_129 = tpu.vector_load %arg10[%get3A_127, %get3A_128] {strides = array<i32>} : memref<80x512xf32, #tpu.memory_space<vmem>>, vector<1x16xf32>,
      %get3A_130 = vector.shape_cast %get3A_129 : vector<1x16xf32> to vector<16xf32>
      %mul3A_131 = vector.broadcast %squeeze3A_126 : f32 to vector<16xf32>
      %mul3A_132 = arith.mulf %mul3A_131, %get3A_130 : vector<16xf32>
      %add3A_133 = arith.addf %add3A_117, %mul3A_132 : vector<16xf32>
      %get3A_134 = arith.index_cast %scan3A_103 : i32 to index
      %get3A_135 = arith.constant 48 : index
      %get3A_136 = tpu.vector_load %arg10[%get3A_134, %get3A_135] {strides = array<i32>} : memref<80x512xf32, #tpu.memory_space<vmem>>, vector<1x16xf32>,
      %get3A_137 = vector.shape_cast %get3A_136 : vector<1x16xf32> to vector<16xf32>
      %mul3A_138 = vector.broadcast %squeeze3A_126 : f32 to vector<16xf32>
      %mul3A_139 = arith.mulf %mul3A_138, %get3A_137 : vector<16xf32>
      %add3A_140 = arith.addf %add3A_124, %mul3A_139 : vector<16xf32>
      %slice3A_141 = vector.extract_strided_slice %get3A_110 {offsets = [2], sizes = [1], strides = [1]} : vector<16xf32> to vector<1xf32>
      %squeeze3A_142 = vector.extract %slice3A_141[0] : f32 from vector<1xf32>
      %get3A_143 = arith.index_cast %scan3A_103 : i32 to index
      %get3A_144 = arith.constant 64 : index
      %get3A_145 = tpu.vector_load %arg10[%get3A_143, %get3A_144] {strides = array<i32>} : memref<80x512xf32, #tpu.memory_space<vmem>>, vector<1x16xf32>,
      %get3A_146 = vector.shape_cast %get3A_145 : vector<1x16xf32> to vector<16xf32>
      %mul3A_147 = vector.broadcast %squeeze3A_142 : f32 to vector<16xf32>
      %mul3A_148 = arith.mulf %mul3A_147, %get3A_146 : vector<16xf32>
      %add3A_149 = arith.addf %add3A_133, %mul3A_148 : vector<16xf32>
      %get3A_150 = arith.index_cast %scan3A_103 : i32 to index
      %get3A_151 = arith.constant 80 : index
      %get3A_152 = tpu.vector_load %arg10[%get3A_150, %get3A_151] {strides = array<i32>} : memref<80x512xf32, #tpu.memory_space<vmem>>, vector<1x16xf32>,
      %get3A_153 = vector.shape_cast %get3A_152 : vector<1x16xf32> to vector<16xf32>
      %mul3A_154 = vector.broadcast %squeeze3A_142 : f32 to vector<16xf32>
      %mul3A_155 = arith.mulf %mul3A_154, %get3A_153 : vector<16xf32>
      %add3A_156 = arith.addf %add3A_140, %mul3A_155 : vector<16xf32>
      %slice3A_157 = vector.extract_strided_slice %get3A_110 {offsets = [3], sizes = [1], strides = [1]} : vector<16xf32> to vector<1xf32>
      %squeeze3A_158 = vector.extract %slice3A_157[0] : f32 from vector<1xf32>
      %get3A_159 = arith.index_cast %scan3A_103 : i32 to index
      %get3A_160 = arith.constant 96 : index
      %get3A_161 = tpu.vector_load %arg10[%get3A_159, %get3A_160] {strides = array<i32>} : memref<80x512xf32, #tpu.memory_space<vmem>>, vector<1x16xf32>,
      %get3A_162 = vector.shape_cast %get3A_161 : vector<1x16xf32> to vector<16xf32>
      %mul3A_163 = vector.broadcast %squeeze3A_158 : f32 to vector<16xf32>
      %mul3A_164 = arith.mulf %mul3A_163, %get3A_162 : vector<16xf32>
      %add3A_165 = arith.addf %add3A_149, %mul3A_164 : vector<16xf32>
      %get3A_166 = arith.index_cast %scan3A_103 : i32 to index
      %get3A_167 = arith.constant 112 : index
      %get3A_168 = tpu.vector_load %arg10[%get3A_166, %get3A_167] {strides = array<i32>} : memref<80x512xf32, #tpu.memory_space<vmem>>, vector<1x16xf32>,
      %get3A_169 = vector.shape_cast %get3A_168 : vector<1x16xf32> to vector<16xf32>
      %mul3A_170 = vector.broadcast %squeeze3A_158 : f32 to vector<16xf32>
      %mul3A_171 = arith.mulf %mul3A_170, %get3A_169 : vector<16xf32>
      %add3A_172 = arith.addf %add3A_156, %mul3A_171 : vector<16xf32>
      %slice3A_173 = vector.extract_strided_slice %get3A_110 {offsets = [4], sizes = [1], strides = [1]} : vector<16xf32> to vector<1xf32>
      %squeeze3A_174 = vector.extract %slice3A_173[0] : f32 from vector<1xf32>
      %get3A_175 = arith.index_cast %scan3A_103 : i32 to index
      %get3A_176 = arith.constant 128 : index
      %get3A_177 = tpu.vector_load %arg10[%get3A_175, %get3A_176] {strides = array<i32>} : memref<80x512xf32, #tpu.memory_space<vmem>>, vector<1x16xf32>,
      %get3A_178 = vector.shape_cast %get3A_177 : vector<1x16xf32> to vector<16xf32>
      %mul3A_179 = vector.broadcast %squeeze3A_174 : f32 to vector<16xf32>
      %mul3A_180 = arith.mulf %mul3A_179, %get3A_178 : vector<16xf32>
      %add3A_181 = arith.addf %add3A_165, %mul3A_180 : vector<16xf32>
      %get3A_182 = arith.index_cast %scan3A_103 : i32 to index
      %get3A_183 = arith.constant 144 : index
      %get3A_184 = tpu.vector_load %arg10[%get3A_182, %get3A_183] {strides = array<i32>} : memref<80x512xf32, #tpu.memory_space<vmem>>, vector<1x16xf32>,
      %get3A_185 = vector.shape_cast %get3A_184 : vector<1x16xf32> to vector<16xf32>
      %mul3A_186 = vector.broadcast %squeeze3A_174 : f32 to vector<16xf32>
      %mul3A_187 = arith.mulf %mul3A_186, %get3A_185 : vector<16xf32>
      %add3A_188 = arith.addf %add3A_172, %mul3A_187 : vector<16xf32>
      %slice3A_189 = vector.extract_strided_slice %get3A_110 {offsets = [5], sizes = [1], strides = [1]} : vector<16xf32> to vector<1xf32>
      %squeeze3A_190 = vector.extract %slice3A_189[0] : f32 from vector<1xf32>
      %get3A_191 = arith.index_cast %scan3A_103 : i32 to index
      %get3A_192 = arith.constant 160 : index
      %get3A_193 = tpu.vector_load %arg10[%get3A_191, %get3A_192] {strides = array<i32>} : memref<80x512xf32, #tpu.memory_space<vmem>>, vector<1x16xf32>,
      %get3A_194 = vector.shape_cast %get3A_193 : vector<1x16xf32> to vector<16xf32>
      %mul3A_195 = vector.broadcast %squeeze3A_190 : f32 to vector<16xf32>
      %mul3A_196 = arith.mulf %mul3A_195, %get3A_194 : vector<16xf32>
      %add3A_197 = arith.addf %add3A_181, %mul3A_196 : vector<16xf32>
      %get3A_198 = arith.index_cast %scan3A_103 : i32 to index
      %get3A_199 = arith.constant 176 : index
      %get3A_200 = tpu.vector_load %arg10[%get3A_198, %get3A_199] {strides = array<i32>} : memref<80x512xf32, #tpu.memory_space<vmem>>, vector<1x16xf32>,
      %get3A_201 = vector.shape_cast %get3A_200 : vector<1x16xf32> to vector<16xf32>
      %mul3A_202 = vector.broadcast %squeeze3A_190 : f32 to vector<16xf32>
      %mul3A_203 = arith.mulf %mul3A_202, %get3A_201 : vector<16xf32>
      %add3A_204 = arith.addf %add3A_188, %mul3A_203 : vector<16xf32>
      %slice3A_205 = vector.extract_strided_slice %get3A_110 {offsets = [6], sizes = [1], strides = [1]} : vector<16xf32> to vector<1xf32>
      %squeeze3A_206 = vector.extract %slice3A_205[0] : f32 from vector<1xf32>
      %get3A_207 = arith.index_cast %scan3A_103 : i32 to index
      %get3A_208 = arith.constant 192 : index
      %get3A_209 = tpu.vector_load %arg10[%get3A_207, %get3A_208] {strides = array<i32>} : memref<80x512xf32, #tpu.memory_space<vmem>>, vector<1x16xf32>,
      %get3A_210 = vector.shape_cast %get3A_209 : vector<1x16xf32> to vector<16xf32>
      %mul3A_211 = vector.broadcast %squeeze3A_206 : f32 to vector<16xf32>
      %mul3A_212 = arith.mulf %mul3A_211, %get3A_210 : vector<16xf32>
      %add3A_213 = arith.addf %add3A_197, %mul3A_212 : vector<16xf32>
      %get3A_214 = arith.index_cast %scan3A_103 : i32 to index
      %get3A_215 = arith.constant 208 : index
      %get3A_216 = tpu.vector_load %arg10[%get3A_214, %get3A_215] {strides = array<i32>} : memref<80x512xf32, #tpu.memory_space<vmem>>, vector<1x16xf32>,
      %get3A_217 = vector.shape_cast %get3A_216 : vector<1x16xf32> to vector<16xf32>
      %mul3A_218 = vector.broadcast %squeeze3A_206 : f32 to vector<16xf32>
      %mul3A_219 = arith.mulf %mul3A_218, %get3A_217 : vector<16xf32>
      %add3A_220 = arith.addf %add3A_204, %mul3A_219 : vector<16xf32>
      %slice3A_221 = vector.extract_strided_slice %get3A_110 {offsets = [7], sizes = [1], strides = [1]} : vector<16xf32> to vector<1xf32>
      %squeeze3A_222 = vector.extract %slice3A_221[0] : f32 from vector<1xf32>
      %get3A_223 = arith.index_cast %scan3A_103 : i32 to index
      %get3A_224 = arith.constant 224 : index
      %get3A_225 = tpu.vector_load %arg10[%get3A_223, %get3A_224] {strides = array<i32>} : memref<80x512xf32, #tpu.memory_space<vmem>>, vector<1x16xf32>,
      %get3A_226 = vector.shape_cast %get3A_225 : vector<1x16xf32> to vector<16xf32>
      %mul3A_227 = vector.broadcast %squeeze3A_222 : f32 to vector<16xf32>
      %mul3A_228 = arith.mulf %mul3A_227, %get3A_226 : vector<16xf32>
      %add3A_229 = arith.addf %add3A_213, %mul3A_228 : vector<16xf32>
      %get3A_230 = arith.index_cast %scan3A_103 : i32 to index
      %get3A_231 = arith.constant 240 : index
      %get3A_232 = tpu.vector_load %arg10[%get3A_230, %get3A_231] {strides = array<i32>} : memref<80x512xf32, #tpu.memory_space<vmem>>, vector<1x16xf32>,
      %get3A_233 = vector.shape_cast %get3A_232 : vector<1x16xf32> to vector<16xf32>
      %mul3A_234 = vector.broadcast %squeeze3A_222 : f32 to vector<16xf32>
      %mul3A_235 = arith.mulf %mul3A_234, %get3A_233 : vector<16xf32>
      %add3A_236 = arith.addf %add3A_220, %mul3A_235 : vector<16xf32>
      %slice3A_237 = vector.extract_strided_slice %get3A_110 {offsets = [8], sizes = [1], strides = [1]} : vector<16xf32> to vector<1xf32>
      %squeeze3A_238 = vector.extract %slice3A_237[0] : f32 from vector<1xf32>
      %get3A_239 = arith.index_cast %scan3A_103 : i32 to index
      %get3A_240 = arith.constant 256 : index
      %get3A_241 = tpu.vector_load %arg10[%get3A_239, %get3A_240] {strides = array<i32>} : memref<80x512xf32, #tpu.memory_space<vmem>>, vector<1x16xf32>,
      %get3A_242 = vector.shape_cast %get3A_241 : vector<1x16xf32> to vector<16xf32>
      %mul3A_243 = vector.broadcast %squeeze3A_238 : f32 to vector<16xf32>
      %mul3A_244 = arith.mulf %mul3A_243, %get3A_242 : vector<16xf32>
      %add3A_245 = arith.addf %add3A_229, %mul3A_244 : vector<16xf32>
      %get3A_246 = arith.index_cast %scan3A_103 : i32 to index
      %get3A_247 = arith.constant 272 : index
      %get3A_248 = tpu.vector_load %arg10[%get3A_246, %get3A_247] {strides = array<i32>} : memref<80x512xf32, #tpu.memory_space<vmem>>, vector<1x16xf32>,
      %get3A_249 = vector.shape_cast %get3A_248 : vector<1x16xf32> to vector<16xf32>
      %mul3A_250 = vector.broadcast %squeeze3A_238 : f32 to vector<16xf32>
      %mul3A_251 = arith.mulf %mul3A_250, %get3A_249 : vector<16xf32>
      %add3A_252 = arith.addf %add3A_236, %mul3A_251 : vector<16xf32>
      %slice3A_253 = vector.extract_strided_slice %get3A_110 {offsets = [9], sizes = [1], strides = [1]} : vector<16xf32> to vector<1xf32>
      %squeeze3A_254 = vector.extract %slice3A_253[0] : f32 from vector<1xf32>
      %get3A_255 = arith.index_cast %scan3A_103 : i32 to index
      %get3A_256 = arith.constant 288 : index
      %get3A_257 = tpu.vector_load %arg10[%get3A_255, %get3A_256] {strides = array<i32>} : memref<80x512xf32, #tpu.memory_space<vmem>>, vector<1x16xf32>,
      %get3A_258 = vector.shape_cast %get3A_257 : vector<1x16xf32> to vector<16xf32>
      %mul3A_259 = vector.broadcast %squeeze3A_254 : f32 to vector<16xf32>
      %mul3A_260 = arith.mulf %mul3A_259, %get3A_258 : vector<16xf32>
      %add3A_261 = arith.addf %add3A_245, %mul3A_260 : vector<16xf32>
      %get3A_262 = arith.index_cast %scan3A_103 : i32 to index
      %get3A_263 = arith.constant 304 : index
      %get3A_264 = tpu.vector_load %arg10[%get3A_262, %get3A_263] {strides = array<i32>} : memref<80x512xf32, #tpu.memory_space<vmem>>, vector<1x16xf32>,
      %get3A_265 = vector.shape_cast %get3A_264 : vector<1x16xf32> to vector<16xf32>
      %mul3A_266 = vector.broadcast %squeeze3A_254 : f32 to vector<16xf32>
      %mul3A_267 = arith.mulf %mul3A_266, %get3A_265 : vector<16xf32>
      %add3A_268 = arith.addf %add3A_252, %mul3A_267 : vector<16xf32>
      %slice3A_269 = vector.extract_strided_slice %get3A_110 {offsets = [10], sizes = [1], strides = [1]} : vector<16xf32> to vector<1xf32>
      %squeeze3A_270 = vector.extract %slice3A_269[0] : f32 from vector<1xf32>
      %get3A_271 = arith.index_cast %scan3A_103 : i32 to index
      %get3A_272 = arith.constant 320 : index
      %get3A_273 = tpu.vector_load %arg10[%get3A_271, %get3A_272] {strides = array<i32>} : memref<80x512xf32, #tpu.memory_space<vmem>>, vector<1x16xf32>,
      %get3A_274 = vector.shape_cast %get3A_273 : vector<1x16xf32> to vector<16xf32>
      %mul3A_275 = vector.broadcast %squeeze3A_270 : f32 to vector<16xf32>
      %mul3A_276 = arith.mulf %mul3A_275, %get3A_274 : vector<16xf32>
      %add3A_277 = arith.addf %add3A_261, %mul3A_276 : vector<16xf32>
      %get3A_278 = arith.index_cast %scan3A_103 : i32 to index
      %get3A_279 = arith.constant 336 : index
      %get3A_280 = tpu.vector_load %arg10[%get3A_278, %get3A_279] {strides = array<i32>} : memref<80x512xf32, #tpu.memory_space<vmem>>, vector<1x16xf32>,
      %get3A_281 = vector.shape_cast %get3A_280 : vector<1x16xf32> to vector<16xf32>
      %mul3A_282 = vector.broadcast %squeeze3A_270 : f32 to vector<16xf32>
      %mul3A_283 = arith.mulf %mul3A_282, %get3A_281 : vector<16xf32>
      %add3A_284 = arith.addf %add3A_268, %mul3A_283 : vector<16xf32>
      %slice3A_285 = vector.extract_strided_slice %get3A_110 {offsets = [11], sizes = [1], strides = [1]} : vector<16xf32> to vector<1xf32>
      %squeeze3A_286 = vector.extract %slice3A_285[0] : f32 from vector<1xf32>
      %get3A_287 = arith.index_cast %scan3A_103 : i32 to index
      %get3A_288 = arith.constant 352 : index
      %get3A_289 = tpu.vector_load %arg10[%get3A_287, %get3A_288] {strides = array<i32>} : memref<80x512xf32, #tpu.memory_space<vmem>>, vector<1x16xf32>,
      %get3A_290 = vector.shape_cast %get3A_289 : vector<1x16xf32> to vector<16xf32>
      %mul3A_291 = vector.broadcast %squeeze3A_286 : f32 to vector<16xf32>
      %mul3A_292 = arith.mulf %mul3A_291, %get3A_290 : vector<16xf32>
      %add3A_293 = arith.addf %add3A_277, %mul3A_292 : vector<16xf32>
      %get3A_294 = arith.index_cast %scan3A_103 : i32 to index
      %get3A_295 = arith.constant 368 : index
      %get3A_296 = tpu.vector_load %arg10[%get3A_294, %get3A_295] {strides = array<i32>} : memref<80x512xf32, #tpu.memory_space<vmem>>, vector<1x16xf32>,
      %get3A_297 = vector.shape_cast %get3A_296 : vector<1x16xf32> to vector<16xf32>
      %mul3A_298 = vector.broadcast %squeeze3A_286 : f32 to vector<16xf32>
      %mul3A_299 = arith.mulf %mul3A_298, %get3A_297 : vector<16xf32>
      %add3A_300 = arith.addf %add3A_284, %mul3A_299 : vector<16xf32>
      %slice3A_301 = vector.extract_strided_slice %get3A_110 {offsets = [12], sizes = [1], strides = [1]} : vector<16xf32> to vector<1xf32>
      %squeeze3A_302 = vector.extract %slice3A_301[0] : f32 from vector<1xf32>
      %get3A_303 = arith.index_cast %scan3A_103 : i32 to index
      %get3A_304 = arith.constant 384 : index
      %get3A_305 = tpu.vector_load %arg10[%get3A_303, %get3A_304] {strides = array<i32>} : memref<80x512xf32, #tpu.memory_space<vmem>>, vector<1x16xf32>,
      %get3A_306 = vector.shape_cast %get3A_305 : vector<1x16xf32> to vector<16xf32>
      %mul3A_307 = vector.broadcast %squeeze3A_302 : f32 to vector<16xf32>
      %mul3A_308 = arith.mulf %mul3A_307, %get3A_306 : vector<16xf32>
      %add3A_309 = arith.addf %add3A_293, %mul3A_308 : vector<16xf32>
      %get3A_310 = arith.index_cast %scan3A_103 : i32 to index
      %get3A_311 = arith.constant 400 : index
      %get3A_312 = tpu.vector_load %arg10[%get3A_310, %get3A_311] {strides = array<i32>} : memref<80x512xf32, #tpu.memory_space<vmem>>, vector<1x16xf32>,
      %get3A_313 = vector.shape_cast %get3A_312 : vector<1x16xf32> to vector<16xf32>
      %mul3A_314 = vector.broadcast %squeeze3A_302 : f32 to vector<16xf32>
      %mul3A_315 = arith.mulf %mul3A_314, %get3A_313 : vector<16xf32>
      %add3A_316 = arith.addf %add3A_300, %mul3A_315 : vector<16xf32>
      %slice3A_317 = vector.extract_strided_slice %get3A_110 {offsets = [13], sizes = [1], strides = [1]} : vector<16xf32> to vector<1xf32>
      %squeeze3A_318 = vector.extract %slice3A_317[0] : f32 from vector<1xf32>
      %get3A_319 = arith.index_cast %scan3A_103 : i32 to index
      %get3A_320 = arith.constant 416 : index
      %get3A_321 = tpu.vector_load %arg10[%get3A_319, %get3A_320] {strides = array<i32>} : memref<80x512xf32, #tpu.memory_space<vmem>>, vector<1x16xf32>,
      %get3A_322 = vector.shape_cast %get3A_321 : vector<1x16xf32> to vector<16xf32>
      %mul3A_323 = vector.broadcast %squeeze3A_318 : f32 to vector<16xf32>
      %mul3A_324 = arith.mulf %mul3A_323, %get3A_322 : vector<16xf32>
      %add3A_325 = arith.addf %add3A_309, %mul3A_324 : vector<16xf32>
      %get3A_326 = arith.index_cast %scan3A_103 : i32 to index
      %get3A_327 = arith.constant 432 : index
      %get3A_328 = tpu.vector_load %arg10[%get3A_326, %get3A_327] {strides = array<i32>} : memref<80x512xf32, #tpu.memory_space<vmem>>, vector<1x16xf32>,
      %get3A_329 = vector.shape_cast %get3A_328 : vector<1x16xf32> to vector<16xf32>
      %mul3A_330 = vector.broadcast %squeeze3A_318 : f32 to vector<16xf32>
      %mul3A_331 = arith.mulf %mul3A_330, %get3A_329 : vector<16xf32>
      %add3A_332 = arith.addf %add3A_316, %mul3A_331 : vector<16xf32>
      %slice3A_333 = vector.extract_strided_slice %get3A_110 {offsets = [14], sizes = [1], strides = [1]} : vector<16xf32> to vector<1xf32>
      %squeeze3A_334 = vector.extract %slice3A_333[0] : f32 from vector<1xf32>
      %get3A_335 = arith.index_cast %scan3A_103 : i32 to index
      %get3A_336 = arith.constant 448 : index
      %get3A_337 = tpu.vector_load %arg10[%get3A_335, %get3A_336] {strides = array<i32>} : memref<80x512xf32, #tpu.memory_space<vmem>>, vector<1x16xf32>,
      %get3A_338 = vector.shape_cast %get3A_337 : vector<1x16xf32> to vector<16xf32>
      %mul3A_339 = vector.broadcast %squeeze3A_334 : f32 to vector<16xf32>
      %mul3A_340 = arith.mulf %mul3A_339, %get3A_338 : vector<16xf32>
      %add3A_341 = arith.addf %add3A_325, %mul3A_340 : vector<16xf32>
      %get3A_342 = arith.index_cast %scan3A_103 : i32 to index
      %get3A_343 = arith.constant 464 : index
      %get3A_344 = tpu.vector_load %arg10[%get3A_342, %get3A_343] {strides = array<i32>} : memref<80x512xf32, #tpu.memory_space<vmem>>, vector<1x16xf32>,
      %get3A_345 = vector.shape_cast %get3A_344 : vector<1x16xf32> to vector<16xf32>
      %mul3A_346 = vector.broadcast %squeeze3A_334 : f32 to vector<16xf32>
      %mul3A_347 = arith.mulf %mul3A_346, %get3A_345 : vector<16xf32>
      %add3A_348 = arith.addf %add3A_332, %mul3A_347 : vector<16xf32>
      %slice3A_349 = vector.extract_strided_slice %get3A_110 {offsets = [15], sizes = [1], strides = [1]} : vector<16xf32> to vector<1xf32>
      %squeeze3A_350 = vector.extract %slice3A_349[0] : f32 from vector<1xf32>
      %get3A_351 = arith.index_cast %scan3A_103 : i32 to index
      %get3A_352 = arith.constant 480 : index
      %get3A_353 = tpu.vector_load %arg10[%get3A_351, %get3A_352] {strides = array<i32>} : memref<80x512xf32, #tpu.memory_space<vmem>>, vector<1x16xf32>,
      %get3A_354 = vector.shape_cast %get3A_353 : vector<1x16xf32> to vector<16xf32>
      %mul3A_355 = vector.broadcast %squeeze3A_350 : f32 to vector<16xf32>
      %mul3A_356 = arith.mulf %mul3A_355, %get3A_354 : vector<16xf32>
      %add3A_357 = arith.addf %add3A_341, %mul3A_356 : vector<16xf32>
      %get3A_358 = arith.index_cast %scan3A_103 : i32 to index
      %get3A_359 = arith.constant 496 : index
      %get3A_360 = tpu.vector_load %arg10[%get3A_358, %get3A_359] {strides = array<i32>} : memref<80x512xf32, #tpu.memory_space<vmem>>, vector<1x16xf32>,
      %get3A_361 = vector.shape_cast %get3A_360 : vector<1x16xf32> to vector<16xf32>
      %mul3A_362 = vector.broadcast %squeeze3A_350 : f32 to vector<16xf32>
      %mul3A_363 = arith.mulf %mul3A_362, %get3A_361 : vector<16xf32>
      %add3A_364 = arith.addf %add3A_348, %mul3A_363 : vector<16xf32>
      %swap3A = arith.index_cast %scan3A_103 : i32 to index
      %swap3A_365 = arith.constant 0 : index
      %swap3A_366 = tpu.vector_load %arg15[%swap3A, %swap3A_365] {strides = array<i32>} : memref<80x32xf32, #tpu.memory_space<vmem>>, vector<1x16xf32>,
      %swap3A_367 = vector.shape_cast %swap3A_366 : vector<1x16xf32> to vector<16xf32>
      %swap3A_368 = vector.shape_cast %add3A_357 : vector<16xf32> to vector<1x16xf32>
      tpu.vector_store %arg15[%swap3A, %swap3A_365], %swap3A_368 {strides = array<i32>} : memref<80x32xf32, #tpu.memory_space<vmem>>, vector<1x16xf32>,
      %swap3A_369 = arith.index_cast %scan3A_103 : i32 to index
      %swap3A_370 = arith.constant 16 : index
      %swap3A_371 = tpu.vector_load %arg15[%swap3A_369, %swap3A_370] {strides = array<i32>} : memref<80x32xf32, #tpu.memory_space<vmem>>, vector<1x16xf32>,
      %swap3A_372 = vector.shape_cast %swap3A_371 : vector<1x16xf32> to vector<16xf32>
      %swap3A_373 = vector.shape_cast %add3A_364 : vector<16xf32> to vector<1x16xf32>
      tpu.vector_store %arg15[%swap3A_369, %swap3A_370], %swap3A_373 {strides = array<i32>} : memref<80x32xf32, #tpu.memory_space<vmem>>, vector<1x16xf32>,
    }
    %scan3A_72 = arith.constant 80 : i32
    "tpu.region"() ({
      %run_scoped3A = tpu.sem_alloc : memref<!tpu.dma_semaphore, #tpu.memory_space<semaphore_mem>>
      %dma_start3A_103 = arith.constant 0 : i32
      %dma_start3A_104 = arith.constant 0 : i32
      %dma_start3A_105 = tpu.memref_slice %arg17[%dma_start3A_103, %dma_start3A_104] : memref<10240x32xf32, #tpu.memory_space<vmem_shared>> -> memref<10240x32xf32, #tpu.memory_space<vmem_shared>>
      tpu.enqueue_indirect_dma source(%arg15 : memref<80x32xf32, #tpu.memory_space<vmem>>) target(%dma_start3A_105 : memref<10240x32xf32, #tpu.memory_space<vmem_shared>>) offsets(%arg8 : memref<80xi32, #tpu.memory_space<vmem>>) semaphore(%run_scoped3A : memref<!tpu.dma_semaphore, #tpu.memory_space<semaphore_mem>>) {add = true}
      %dma_wait3A_106 = arith.constant 0 : i32
      %dma_wait3A_107 = arith.constant 0 : i32
      %dma_wait3A_108 = tpu.memref_slice %arg17[%dma_wait3A_106, %dma_wait3A_107] : memref<10240x32xf32, #tpu.memory_space<vmem_shared>> -> memref<10240x32xf32, #tpu.memory_space<vmem_shared>>
      tpu.wait_indirect_dma semaphore(%run_scoped3A : memref<!tpu.dma_semaphore, #tpu.memory_space<semaphore_mem>>) src(%arg15 : memref<80x32xf32, #tpu.memory_space<vmem>>) dst(%dma_wait3A_108 : memref<10240x32xf32, #tpu.memory_space<vmem_shared>>)
      tpu.yield
    }) : () -> ()
    %add3A_73 = arith.constant 80 : i32
    %add3A_74 = arith.addi %mul3A_10, %add3A_73 : i32
    %multiple_of3A_75 = tpu.assume_multiple %add3A_74, 8 : i32
    %dma_start3A_76 = tpu.memref_slice %arg4[%multiple_of3A_75] : memref<320000xi32, #tpu.memory_space<hbm>> -> memref<80xi32, #tpu.memory_space<hbm>>
    %dma_start3A_77 = tpu.memref_slice %arg4[%multiple_of3A_75] : memref<320000xi32, #tpu.memory_space<hbm>> -> memref<80xi32, #tpu.memory_space<hbm>>
    tpu.enqueue_dma source(%dma_start3A_77 : memref<80xi32, #tpu.memory_space<hbm>>) target(%arg7 : memref<80xi32, #tpu.memory_space<vmem>>) target_semaphore(%arg20 : memref<!tpu.dma_semaphore, #tpu.memory_space<semaphore_mem>>)
    %dma_start3A_78 = tpu.memref_slice %arg5[%multiple_of3A_75] : memref<320000xi32, #tpu.memory_space<hbm>> -> memref<80xi32, #tpu.memory_space<hbm>>
    %dma_start3A_79 = tpu.memref_slice %arg5[%multiple_of3A_75] : memref<320000xi32, #tpu.memory_space<hbm>> -> memref<80xi32, #tpu.memory_space<hbm>>
    tpu.enqueue_dma source(%dma_start3A_79 : memref<80xi32, #tpu.memory_space<hbm>>) target(%arg8 : memref<80xi32, #tpu.memory_space<vmem>>) target_semaphore(%arg20 : memref<!tpu.dma_semaphore, #tpu.memory_space<semaphore_mem>>)
    %dma_start3A_80 = arith.constant 0 : i32
    %dma_start3A_81 = tpu.memref_slice %arg3[%multiple_of3A_75, %dma_start3A_80] : memref<320000x16xf32, #tpu.memory_space<hbm>> -> memref<80x16xf32, #tpu.memory_space<hbm>>
    %dma_start3A_82 = arith.constant 0 : i32
    %dma_start3A_83 = tpu.memref_slice %arg3[%multiple_of3A_75, %dma_start3A_82] : memref<320000x16xf32, #tpu.memory_space<hbm>> -> memref<80x16xf32, #tpu.memory_space<hbm>>
    tpu.enqueue_dma source(%dma_start3A_83 : memref<80x16xf32, #tpu.memory_space<hbm>>) target(%arg9 : memref<80x16xf32, #tpu.memory_space<vmem>>) target_semaphore(%arg20 : memref<!tpu.dma_semaphore, #tpu.memory_space<semaphore_mem>>)
    %dma_wait3A_84 = arith.constant 0 : i32
    %dma_wait3A_85 = arith.constant 0 : i32
    %dma_wait3A_86 = tpu.memref_slice %arg2[%dma_wait3A_84, %dma_wait3A_85] : memref<10000x512xf32, #tpu.memory_space<hbm>> -> memref<10000x512xf32, #tpu.memory_space<hbm>>
    tpu.wait_indirect_dma semaphore(%arg19 : memref<!tpu.dma_semaphore, #tpu.memory_space<semaphore_mem>>) src(%dma_wait3A_86 : memref<10000x512xf32, #tpu.memory_space<hbm>>) dst(%arg14 : memref<80x512xf32, #tpu.memory_space<vmem>>)
    %add3A_87 = arith.constant 0 : i32
    %add3A_88 = arith.addi %mul3A_10, %add3A_87 : i32
    %multiple_of3A_89 = tpu.assume_multiple %add3A_88, 8 : i32
    %dma_wait3A_90 = tpu.memref_slice %arg4[%multiple_of3A_89] : memref<320000xi32, #tpu.memory_space<hbm>> -> memref<80xi32, #tpu.memory_space<hbm>>
    %dma_wait3A_91 = tpu.memref_slice %arg4[%multiple_of3A_89] : memref<320000xi32, #tpu.memory_space<hbm>> -> memref<80xi32, #tpu.memory_space<hbm>>
    tpu.wait_dma2 semaphore(%arg20 : memref<!tpu.dma_semaphore, #tpu.memory_space<semaphore_mem>>) src(%dma_wait3A_91 : memref<80xi32, #tpu.memory_space<hbm>>) dst(%arg7 : memref<80xi32, #tpu.memory_space<vmem>>)
    %dma_wait3A_92 = tpu.memref_slice %arg5[%multiple_of3A_89] : memref<320000xi32, #tpu.memory_space<hbm>> -> memref<80xi32, #tpu.memory_space<hbm>>
    %dma_wait3A_93 = tpu.memref_slice %arg5[%multiple_of3A_89] : memref<320000xi32, #tpu.memory_space<hbm>> -> memref<80xi32, #tpu.memory_space<hbm>>
    tpu.wait_dma2 semaphore(%arg20 : memref<!tpu.dma_semaphore, #tpu.memory_space<semaphore_mem>>) src(%dma_wait3A_93 : memref<80xi32, #tpu.memory_space<hbm>>) dst(%arg8 : memref<80xi32, #tpu.memory_space<vmem>>)
    %dma_wait3A_94 = arith.constant 0 : i32
    %dma_wait3A_95 = tpu.memref_slice %arg3[%multiple_of3A_89, %dma_wait3A_94] : memref<320000x16xf32, #tpu.memory_space<hbm>> -> memref<80x16xf32, #tpu.memory_space<hbm>>
    %dma_wait3A_96 = arith.constant 0 : i32
    %dma_wait3A_97 = tpu.memref_slice %arg3[%multiple_of3A_89, %dma_wait3A_96] : memref<320000x16xf32, #tpu.memory_space<hbm>> -> memref<80x16xf32, #tpu.memory_space<hbm>>
    tpu.wait_dma2 semaphore(%arg20 : memref<!tpu.dma_semaphore, #tpu.memory_space<semaphore_mem>>) src(%dma_wait3A_97 : memref<80x16xf32, #tpu.memory_space<hbm>>) dst(%arg9 : memref<80x16xf32, #tpu.memory_space<vmem>>)
    %barrier3A_98 = arith.constant 0 : index
    tpu.barrier barrier_id(%barrier3A_98)
    %mul3A_99 = arith.constant 640 : i32
    %mul3A_100 = arith.muli %arg1, %mul3A_99 : i32
    %mul3A_101 = arith.constant 640 : i32
    %mul3A_102 = arith.muli %arg1, %mul3A_101 : i32
    "tpu.region"() ({
      %run_scoped3A = tpu.sem_alloc : memref<!tpu.dma_semaphore, #tpu.memory_space<semaphore_mem>>
      %dma_start3A_103 = arith.constant 0 : i32
      %dma_start3A_104 = tpu.memref_slice %arg6[%arg0, %mul3A_102, %dma_start3A_103] : memref<2x10240x32xf32, #tpu.memory_space<hbm>> -> memref<1x640x32xf32, #tpu.memory_space<hbm>>
      %dma_start3A_105 = tpu.memref_squeeze %dma_start3A_104 : memref<1x640x32xf32, #tpu.memory_space<hbm>> -> memref<640x32xf32, #tpu.memory_space<hbm>>
      %dma_start3A_106 = arith.constant 0 : i32
      %dma_start3A_107 = tpu.memref_slice %arg17[%mul3A_100, %dma_start3A_106] : memref<10240x32xf32, #tpu.memory_space<vmem_shared>> -> memref<640x32xf32, #tpu.memory_space<vmem_shared>>
      tpu.enqueue_dma source(%dma_start3A_107 : memref<640x32xf32, #tpu.memory_space<vmem_shared>>) target(%dma_start3A_105 : memref<640x32xf32, #tpu.memory_space<hbm>>) target_semaphore(%run_scoped3A : memref<!tpu.dma_semaphore, #tpu.memory_space<semaphore_mem>>)
      %dma_wait3A_108 = arith.constant 0 : i32
      %dma_wait3A_109 = tpu.memref_slice %arg6[%arg0, %mul3A_102, %dma_wait3A_108] : memref<2x10240x32xf32, #tpu.memory_space<hbm>> -> memref<1x640x32xf32, #tpu.memory_space<hbm>>
      %dma_wait3A_110 = tpu.memref_squeeze %dma_wait3A_109 : memref<1x640x32xf32, #tpu.memory_space<hbm>> -> memref<640x32xf32, #tpu.memory_space<hbm>>
      %dma_wait3A_111 = arith.constant 0 : i32
      %dma_wait3A_112 = tpu.memref_slice %arg17[%mul3A_100, %dma_wait3A_111] : memref<10240x32xf32, #tpu.memory_space<vmem_shared>> -> memref<640x32xf32, #tpu.memory_space<vmem_shared>>
      tpu.wait_dma2 semaphore(%run_scoped3A : memref<!tpu.dma_semaphore, #tpu.memory_space<semaphore_mem>>) src(%dma_wait3A_112 : memref<640x32xf32, #tpu.memory_space<vmem_shared>>) dst(%dma_wait3A_110 : memref<640x32xf32, #tpu.memory_space<hbm>>)
      tpu.yield
    }) : () -> ()
    return
  }
}

#map = affine_map<(d0, d1) -> (0, 0)>
#map1 = affine_map<(d0, d1) -> (0)>
#map2 = affine_map<(d0, d1) -> (0, 0, 0)>
module attributes {stable_mosaic.version = 14 : i64} {
  func.func @_sc_conv(%arg0: i32, %arg1: i32, %arg2: memref<10000x512xf32, #tpu.memory_space<hbm>>, %arg3: memref<320000x16xf32, #tpu.memory_space<hbm>>, %arg4: memref<320000xi32, #tpu.memory_space<hbm>>, %arg5: memref<320000xi32, #tpu.memory_space<hbm>>, %arg6: memref<2x10240x32xf32, #tpu.memory_space<hbm>>, %arg7: memref<80xi32, #tpu.memory_space<vmem>>, %arg8: memref<80xi32, #tpu.memory_space<vmem>>, %arg9: memref<80x16xf32, #tpu.memory_space<vmem>>, %arg10: memref<80x512xf32, #tpu.memory_space<vmem>>, %arg11: memref<80xi32, #tpu.memory_space<vmem>>, %arg12: memref<80xi32, #tpu.memory_space<vmem>>, %arg13: memref<80x16xf32, #tpu.memory_space<vmem>>, %arg14: memref<80x512xf32, #tpu.memory_space<vmem>>, %arg15: memref<80x32xf32, #tpu.memory_space<vmem>>, %arg16: memref<640x32xf32, #tpu.memory_space<vmem>>, %arg17: memref<10240x32xf32, #tpu.memory_space<vmem_shared>>, %arg18: memref<!tpu.dma_semaphore, #tpu.memory_space<semaphore_mem>>, %arg19: memref<!tpu.dma_semaphore, #tpu.memory_space<semaphore_mem>>, %arg20: memref<!tpu.dma_semaphore, #tpu.memory_space<semaphore_mem>>) attributes {dimension_semantics = [#tpu.dimension_semantics<core_parallel>, #tpu.dimension_semantics<subcore_parallel>], iteration_bounds = array<i64: 2, 16>, scalar_prefetch = 0 : i64, scratch_operands = 14 : i64, tpu.core_type = #tpu.core_type<sc_vector_subcore>, window_params = [{transform_indices = #map}, {transform_indices = #map}, {transform_indices = #map1}, {transform_indices = #map1}, {transform_indices = #map2}]} {
    %mul3A = arith.constant 16 : i32
    %mul3A_0 = arith.muli %arg0, %mul3A : i32
    %add3A = arith.addi %mul3A_0, %arg1 : i32
    %broadcast_in_dim3A = arith.constant 0.000000e+00 : f32
    %broadcast_in_dim3A_1 = vector.broadcast %broadcast_in_dim3A : f32 to vector<16xf32>
    %scan3A = arith.constant 0 : i32
    %scan3A_2 = arith.constant 0 : i32
    %scan3A_3 = arith.constant 640 : i32
    %scan3A_4 = arith.addi %scan3A_2, %scan3A_3 : i32
    %scan3A_5 = arith.constant 1 : i32
    scf.for %scan3A_103 = %scan3A_2 to %scan3A_4 step %scan3A_5  : i32 {
      %swap3A = arith.index_cast %scan3A_103 : i32 to index
      %swap3A_104 = arith.constant 0 : index
      %swap3A_105 = tpu.vector_load %arg16[%swap3A, %swap3A_104] {strides = array<i32>} : memref<640x32xf32, #tpu.memory_space<vmem>>, vector<1x16xf32>,
      %swap3A_106 = vector.shape_cast %swap3A_105 : vector<1x16xf32> to vector<16xf32>
      %swap3A_107 = vector.shape_cast %broadcast_in_dim3A_1 : vector<16xf32> to vector<1x16xf32>
      tpu.vector_store %arg16[%swap3A, %swap3A_104], %swap3A_107 {strides = array<i32>} : memref<640x32xf32, #tpu.memory_space<vmem>>, vector<1x16xf32>,
      %swap3A_108 = arith.index_cast %scan3A_103 : i32 to index
      %swap3A_109 = arith.constant 16 : index
      %swap3A_110 = tpu.vector_load %arg16[%swap3A_108, %swap3A_109] {strides = array<i32>} : memref<640x32xf32, #tpu.memory_space<vmem>>, vector<1x16xf32>,
      %swap3A_111 = vector.shape_cast %swap3A_110 : vector<1x16xf32> to vector<16xf32>
      %swap3A_112 = vector.shape_cast %broadcast_in_dim3A_1 : vector<16xf32> to vector<1x16xf32>
      tpu.vector_store %arg16[%swap3A_108, %swap3A_109], %swap3A_112 {strides = array<i32>} : memref<640x32xf32, #tpu.memory_space<vmem>>, vector<1x16xf32>,
    }
    %scan3A_6 = arith.constant 640 : i32
    %mul3A_7 = arith.constant 640 : i32
    %mul3A_8 = arith.muli %arg1, %mul3A_7 : i32
    "tpu.region"() ({
      %run_scoped3A = tpu.sem_alloc : memref<!tpu.dma_semaphore, #tpu.memory_space<semaphore_mem>>
      %dma_start3A_103 = arith.constant 0 : i32
      %dma_start3A_104 = tpu.memref_slice %arg17[%mul3A_8, %dma_start3A_103] : memref<10240x32xf32, #tpu.memory_space<vmem_shared>> -> memref<640x32xf32, #tpu.memory_space<vmem_shared>>
      %dma_start3A_105 = arith.constant 0 : i32
      %dma_start3A_106 = tpu.memref_slice %arg17[%mul3A_8, %dma_start3A_105] : memref<10240x32xf32, #tpu.memory_space<vmem_shared>> -> memref<640x32xf32, #tpu.memory_space<vmem_shared>>
      tpu.enqueue_dma source(%arg16 : memref<640x32xf32, #tpu.memory_space<vmem>>) target(%dma_start3A_106 : memref<640x32xf32, #tpu.memory_space<vmem_shared>>) target_semaphore(%run_scoped3A : memref<!tpu.dma_semaphore, #tpu.memory_space<semaphore_mem>>)
      %dma_wait3A_107 = arith.constant 0 : i32
      %dma_wait3A_108 = tpu.memref_slice %arg17[%mul3A_8, %dma_wait3A_107] : memref<10240x32xf32, #tpu.memory_space<vmem_shared>> -> memref<640x32xf32, #tpu.memory_space<vmem_shared>>
      %dma_wait3A_109 = arith.constant 0 : i32
      %dma_wait3A_110 = tpu.memref_slice %arg17[%mul3A_8, %dma_wait3A_109] : memref<10240x32xf32, #tpu.memory_space<vmem_shared>> -> memref<640x32xf32, #tpu.memory_space<vmem_shared>>
      tpu.wait_dma2 semaphore(%run_scoped3A : memref<!tpu.dma_semaphore, #tpu.memory_space<semaphore_mem>>) src(%arg16 : memref<640x32xf32, #tpu.memory_space<vmem>>) dst(%dma_wait3A_110 : memref<640x32xf32, #tpu.memory_space<vmem_shared>>)
      tpu.yield
    }) : () -> ()
    %barrier3A = arith.constant 0 : index
    tpu.barrier barrier_id(%barrier3A)
    %mul3A_9 = arith.constant 10000 : i32
    %mul3A_10 = arith.muli %add3A, %mul3A_9 : i32
    %add3A_11 = arith.constant 0 : i32
    %add3A_12 = arith.addi %mul3A_10, %add3A_11 : i32
    %multiple_of3A = tpu.assume_multiple %add3A_12, 8 : i32
    %dma_start3A = tpu.memref_slice %arg4[%multiple_of3A] : memref<320000xi32, #tpu.memory_space<hbm>> -> memref<80xi32, #tpu.memory_space<hbm>>
    %dma_start3A_13 = tpu.memref_slice %arg4[%multiple_of3A] : memref<320000xi32, #tpu.memory_space<hbm>> -> memref<80xi32, #tpu.memory_space<hbm>>
    tpu.enqueue_dma source(%dma_start3A_13 : memref<80xi32, #tpu.memory_space<hbm>>) target(%arg7 : memref<80xi32, #tpu.memory_space<vmem>>) target_semaphore(%arg20 : memref<!tpu.dma_semaphore, #tpu.memory_space<semaphore_mem>>)
    %dma_start3A_14 = tpu.memref_slice %arg5[%multiple_of3A] : memref<320000xi32, #tpu.memory_space<hbm>> -> memref<80xi32, #tpu.memory_space<hbm>>
    %dma_start3A_15 = tpu.memref_slice %arg5[%multiple_of3A] : memref<320000xi32, #tpu.memory_space<hbm>> -> memref<80xi32, #tpu.memory_space<hbm>>
    tpu.enqueue_dma source(%dma_start3A_15 : memref<80xi32, #tpu.memory_space<hbm>>) target(%arg8 : memref<80xi32, #tpu.memory_space<vmem>>) target_semaphore(%arg20 : memref<!tpu.dma_semaphore, #tpu.memory_space<semaphore_mem>>)
    %dma_start3A_16 = arith.constant 0 : i32
    %dma_start3A_17 = tpu.memref_slice %arg3[%multiple_of3A, %dma_start3A_16] : memref<320000x16xf32, #tpu.memory_space<hbm>> -> memref<80x16xf32, #tpu.memory_space<hbm>>
    %dma_start3A_18 = arith.constant 0 : i32
    %dma_start3A_19 = tpu.memref_slice %arg3[%multiple_of3A, %dma_start3A_18] : memref<320000x16xf32, #tpu.memory_space<hbm>> -> memref<80x16xf32, #tpu.memory_space<hbm>>
    tpu.enqueue_dma source(%dma_start3A_19 : memref<80x16xf32, #tpu.memory_space<hbm>>) target(%arg9 : memref<80x16xf32, #tpu.memory_space<vmem>>) target_semaphore(%arg20 : memref<!tpu.dma_semaphore, #tpu.memory_space<semaphore_mem>>)
    %add3A_20 = arith.constant 0 : i32
    %add3A_21 = arith.addi %mul3A_10, %add3A_20 : i32
    %multiple_of3A_22 = tpu.assume_multiple %add3A_21, 8 : i32
    %dma_wait3A = tpu.memref_slice %arg4[%multiple_of3A_22] : memref<320000xi32, #tpu.memory_space<hbm>> -> memref<80xi32, #tpu.memory_space<hbm>>
    %dma_wait3A_23 = tpu.memref_slice %arg4[%multiple_of3A_22] : memref<320000xi32, #tpu.memory_space<hbm>> -> memref<80xi32, #tpu.memory_space<hbm>>
    tpu.wait_dma2 semaphore(%arg20 : memref<!tpu.dma_semaphore, #tpu.memory_space<semaphore_mem>>) src(%dma_wait3A_23 : memref<80xi32, #tpu.memory_space<hbm>>) dst(%arg7 : memref<80xi32, #tpu.memory_space<vmem>>)
    %dma_wait3A_24 = tpu.memref_slice %arg5[%multiple_of3A_22] : memref<320000xi32, #tpu.memory_space<hbm>> -> memref<80xi32, #tpu.memory_space<hbm>>
    %dma_wait3A_25 = tpu.memref_slice %arg5[%multiple_of3A_22] : memref<320000xi32, #tpu.memory_space<hbm>> -> memref<80xi32, #tpu.memory_space<hbm>>
    tpu.wait_dma2 semaphore(%arg20 : memref<!tpu.dma_semaphore, #tpu.memory_space<semaphore_mem>>) src(%dma_wait3A_25 : memref<80xi32, #tpu.memory_space<hbm>>) dst(%arg8 : memref<80xi32, #tpu.memory_space<vmem>>)
    %dma_wait3A_26 = arith.constant 0 : i32
    %dma_wait3A_27 = tpu.memref_slice %arg3[%multiple_of3A_22, %dma_wait3A_26] : memref<320000x16xf32, #tpu.memory_space<hbm>> -> memref<80x16xf32, #tpu.memory_space<hbm>>
    %dma_wait3A_28 = arith.constant 0 : i32
    %dma_wait3A_29 = tpu.memref_slice %arg3[%multiple_of3A_22, %dma_wait3A_28] : memref<320000x16xf32, #tpu.memory_space<hbm>> -> memref<80x16xf32, #tpu.memory_space<hbm>>
    tpu.wait_dma2 semaphore(%arg20 : memref<!tpu.dma_semaphore, #tpu.memory_space<semaphore_mem>>) src(%dma_wait3A_29 : memref<80x16xf32, #tpu.memory_space<hbm>>) dst(%arg9 : memref<80x16xf32, #tpu.memory_space<vmem>>)
    %dma_start3A_30 = arith.constant 0 : i32
    %dma_start3A_31 = arith.constant 0 : i32
    %dma_start3A_32 = tpu.memref_slice %arg2[%dma_start3A_30, %dma_start3A_31] : memref<10000x512xf32, #tpu.memory_space<hbm>> -> memref<10000x512xf32, #tpu.memory_space<hbm>>
    tpu.enqueue_indirect_dma source(%dma_start3A_32 : memref<10000x512xf32, #tpu.memory_space<hbm>>) target(%arg10 : memref<80x512xf32, #tpu.memory_space<vmem>>) offsets(%arg7 : memref<80xi32, #tpu.memory_space<vmem>>) semaphore(%arg18 : memref<!tpu.dma_semaphore, #tpu.memory_space<semaphore_mem>>)
    %add3A_33 = arith.constant 80 : i32
    %add3A_34 = arith.addi %mul3A_10, %add3A_33 : i32
    %multiple_of3A_35 = tpu.assume_multiple %add3A_34, 8 : i32
    %dma_start3A_36 = tpu.memref_slice %arg4[%multiple_of3A_35] : memref<320000xi32, #tpu.memory_space<hbm>> -> memref<80xi32, #tpu.memory_space<hbm>>
    %dma_start3A_37 = tpu.memref_slice %arg4[%multiple_of3A_35] : memref<320000xi32, #tpu.memory_space<hbm>> -> memref<80xi32, #tpu.memory_space<hbm>>
    tpu.enqueue_dma source(%dma_start3A_37 : memref<80xi32, #tpu.memory_space<hbm>>) target(%arg11 : memref<80xi32, #tpu.memory_space<vmem>>) target_semaphore(%arg20 : memref<!tpu.dma_semaphore, #tpu.memory_space<semaphore_mem>>)
    %dma_start3A_38 = tpu.memref_slice %arg5[%multiple_of3A_35] : memref<320000xi32, #tpu.memory_space<hbm>> -> memref<80xi32, #tpu.memory_space<hbm>>
    %dma_start3A_39 = tpu.memref_slice %arg5[%multiple_of3A_35] : memref<320000xi32, #tpu.memory_space<hbm>> -> memref<80xi32, #tpu.memory_space<hbm>>
    tpu.enqueue_dma source(%dma_start3A_39 : memref<80xi32, #tpu.memory_space<hbm>>) target(%arg12 : memref<80xi32, #tpu.memory_space<vmem>>) target_semaphore(%arg20 : memref<!tpu.dma_semaphore, #tpu.memory_space<semaphore_mem>>)
    %dma_start3A_40 = arith.constant 0 : i32
    %dma_start3A_41 = tpu.memref_slice %arg3[%multiple_of3A_35, %dma_start3A_40] : memref<320000x16xf32, #tpu.memory_space<hbm>> -> memref<80x16xf32, #tpu.memory_space<hbm>>
    %dma_start3A_42 = arith.constant 0 : i32
    %dma_start3A_43 = tpu.memref_slice %arg3[%multiple_of3A_35, %dma_start3A_42] : memref<320000x16xf32, #tpu.memory_space<hbm>> -> memref<80x16xf32, #tpu.memory_space<hbm>>
    tpu.enqueue_dma source(%dma_start3A_43 : memref<80x16xf32, #tpu.memory_space<hbm>>) target(%arg13 : memref<80x16xf32, #tpu.memory_space<vmem>>) target_semaphore(%arg20 : memref<!tpu.dma_semaphore, #tpu.memory_space<semaphore_mem>>)
    %scan3A_44 = arith.constant 0 : i32
    %scan3A_45 = arith.constant 0 : i32
    %scan3A_46 = arith.constant 62 : i32
    %scan3A_47 = arith.addi %scan3A_45, %scan3A_46 : i32
    %scan3A_48 = arith.constant 1 : i32
    scf.for %scan3A_103 = %scan3A_45 to %scan3A_47 step %scan3A_48  : i32 {
      %mul3A_104 = arith.constant 2 : i32
      %mul3A_105 = arith.muli %mul3A_104, %scan3A_103 : i32
      %add3A_106 = arith.constant 1 : i32
      %add3A_107 = arith.addi %mul3A_105, %add3A_106 : i32
      %jit3A = arith.constant 125 : i32
      %eq3A = arith.constant 0 : i32
      %eq3A_108 = arith.cmpi eq, %jit3A, %eq3A : i32
      %jit3A_109 = arith.constant 1 : i32
      %select_n3A = arith.select %eq3A_108, %jit3A_109, %jit3A : i32
      %rem3A = arith.remsi %add3A_107, %select_n3A : i32
      %ne3A = arith.constant 0 : i32
      %ne3A_110 = arith.cmpi ne, %rem3A, %ne3A : i32
      %lt3A = arith.constant 0 : i32
      %lt3A_111 = arith.cmpi slt, %rem3A, %lt3A : i32
      %lt3A_112 = arith.constant 0 : i32
      %lt3A_113 = arith.cmpi slt, %select_n3A, %lt3A_112 : i32
      %ne3A_114 = arith.xori %lt3A_111, %lt3A_113 : i1
      %and3A = arith.andi %ne3A_114, %ne3A_110 : i1
      %add3A_115 = arith.addi %rem3A, %select_n3A : i32
      %select_n3A_116 = arith.select %and3A, %add3A_115, %rem3A : i32
      %mul3A_117 = arith.constant 80 : i32
      %mul3A_118 = arith.muli %select_n3A_116, %mul3A_117 : i32
      %add3A_119 = arith.addi %mul3A_10, %mul3A_118 : i32
      %multiple_of3A_120 = tpu.assume_multiple %add3A_119, 8 : i32
      %dma_wait3A_121 = tpu.memref_slice %arg4[%multiple_of3A_120] : memref<320000xi32, #tpu.memory_space<hbm>> -> memref<80xi32, #tpu.memory_space<hbm>>
      %dma_wait3A_122 = tpu.memref_slice %arg4[%multiple_of3A_120] : memref<320000xi32, #tpu.memory_space<hbm>> -> memref<80xi32, #tpu.memory_space<hbm>>
      tpu.wait_dma2 semaphore(%arg20 : memref<!tpu.dma_semaphore, #tpu.memory_space<semaphore_mem>>) src(%dma_wait3A_122 : memref<80xi32, #tpu.memory_space<hbm>>) dst(%arg11 : memref<80xi32, #tpu.memory_space<vmem>>)
      %dma_wait3A_123 = tpu.memref_slice %arg5[%multiple_of3A_120] : memref<320000xi32, #tpu.memory_space<hbm>> -> memref<80xi32, #tpu.memory_space<hbm>>
      %dma_wait3A_124 = tpu.memref_slice %arg5[%multiple_of3A_120] : memref<320000xi32, #tpu.memory_space<hbm>> -> memref<80xi32, #tpu.memory_space<hbm>>
      tpu.wait_dma2 semaphore(%arg20 : memref<!tpu.dma_semaphore, #tpu.memory_space<semaphore_mem>>) src(%dma_wait3A_124 : memref<80xi32, #tpu.memory_space<hbm>>) dst(%arg12 : memref<80xi32, #tpu.memory_space<vmem>>)
      %dma_wait3A_125 = arith.constant 0 : i32
      %dma_wait3A_126 = tpu.memref_slice %arg3[%multiple_of3A_120, %dma_wait3A_125] : memref<320000x16xf32, #tpu.memory_space<hbm>> -> memref<80x16xf32, #tpu.memory_space<hbm>>
      %dma_wait3A_127 = arith.constant 0 : i32
      %dma_wait3A_128 = tpu.memref_slice %arg3[%multiple_of3A_120, %dma_wait3A_127] : memref<320000x16xf32, #tpu.memory_space<hbm>> -> memref<80x16xf32, #tpu.memory_space<hbm>>
      tpu.wait_dma2 semaphore(%arg20 : memref<!tpu.dma_semaphore, #tpu.memory_space<semaphore_mem>>) src(%dma_wait3A_128 : memref<80x16xf32, #tpu.memory_space<hbm>>) dst(%arg13 : memref<80x16xf32, #tpu.memory_space<vmem>>)
      %dma_wait3A_129 = arith.constant 0 : i32
      %dma_wait3A_130 = arith.constant 0 : i32
      %dma_wait3A_131 = tpu.memref_slice %arg2[%dma_wait3A_129, %dma_wait3A_130] : memref<10000x512xf32, #tpu.memory_space<hbm>> -> memref<10000x512xf32, #tpu.memory_space<hbm>>
      tpu.wait_indirect_dma semaphore(%arg18 : memref<!tpu.dma_semaphore, #tpu.memory_space<semaphore_mem>>) src(%dma_wait3A_131 : memref<10000x512xf32, #tpu.memory_space<hbm>>) dst(%arg10 : memref<80x512xf32, #tpu.memory_space<vmem>>)
      %dma_start3A_132 = arith.constant 0 : i32
      %dma_start3A_133 = arith.constant 0 : i32
      %dma_start3A_134 = tpu.memref_slice %arg2[%dma_start3A_132, %dma_start3A_133] : memref<10000x512xf32, #tpu.memory_space<hbm>> -> memref<10000x512xf32, #tpu.memory_space<hbm>>
      tpu.enqueue_indirect_dma source(%dma_start3A_134 : memref<10000x512xf32, #tpu.memory_space<hbm>>) target(%arg14 : memref<80x512xf32, #tpu.memory_space<vmem>>) offsets(%arg11 : memref<80xi32, #tpu.memory_space<vmem>>) semaphore(%arg19 : memref<!tpu.dma_semaphore, #tpu.memory_space<semaphore_mem>>)
      %scan3A_135 = arith.constant 0 : i32
      %scan3A_136 = arith.constant 0 : i32
      %scan3A_137 = arith.constant 80 : i32
      %scan3A_138 = arith.addi %scan3A_136, %scan3A_137 : i32
      %scan3A_139 = arith.constant 1 : i32
      scf.for %scan3A_247 = %scan3A_136 to %scan3A_138 step %scan3A_139  : i32 {
        %broadcast_in_dim3A_248 = arith.constant 0.000000e+00 : f32
        %broadcast_in_dim3A_249 = vector.broadcast %broadcast_in_dim3A_248 : f32 to vector<16xf32>
        %broadcast_in_dim3A_250 = arith.constant 0.000000e+00 : f32
        %broadcast_in_dim3A_251 = vector.broadcast %broadcast_in_dim3A_250 : f32 to vector<16xf32>
        %get3A = arith.index_cast %scan3A_247 : i32 to index
        %get3A_252 = arith.constant 0 : index
        %get3A_253 = tpu.vector_load %arg9[%get3A, %get3A_252] {strides = array<i32>} : memref<80x16xf32, #tpu.memory_space<vmem>>, vector<1x16xf32>,
        %get3A_254 = vector.shape_cast %get3A_253 : vector<1x16xf32> to vector<16xf32>
        %slice3A = vector.extract_strided_slice %get3A_254 {offsets = [0], sizes = [1], strides = [1]} : vector<16xf32> to vector<1xf32>
        %squeeze3A = vector.extract %slice3A[0] : f32 from vector<1xf32>
        %get3A_255 = arith.index_cast %scan3A_247 : i32 to index
        %get3A_256 = arith.constant 0 : index
        %get3A_257 = tpu.vector_load %arg10[%get3A_255, %get3A_256] {strides = array<i32>} : memref<80x512xf32, #tpu.memory_space<vmem>>, vector<1x16xf32>,
        %get3A_258 = vector.shape_cast %get3A_257 : vector<1x16xf32> to vector<16xf32>
        %mul3A_259 = vector.broadcast %squeeze3A : f32 to vector<16xf32>
        %mul3A_260 = arith.mulf %mul3A_259, %get3A_258 : vector<16xf32>
        %add3A_261 = arith.addf %broadcast_in_dim3A_249, %mul3A_260 : vector<16xf32>
        %get3A_262 = arith.index_cast %scan3A_247 : i32 to index
        %get3A_263 = arith.constant 16 : index
        %get3A_264 = tpu.vector_load %arg10[%get3A_262, %get3A_263] {strides = array<i32>} : memref<80x512xf32, #tpu.memory_space<vmem>>, vector<1x16xf32>,
        %get3A_265 = vector.shape_cast %get3A_264 : vector<1x16xf32> to vector<16xf32>
        %mul3A_266 = vector.broadcast %squeeze3A : f32 to vector<16xf32>
        %mul3A_267 = arith.mulf %mul3A_266, %get3A_265 : vector<16xf32>
        %add3A_268 = arith.addf %broadcast_in_dim3A_251, %mul3A_267 : vector<16xf32>
        %slice3A_269 = vector.extract_strided_slice %get3A_254 {offsets = [1], sizes = [1], strides = [1]} : vector<16xf32> to vector<1xf32>
        %squeeze3A_270 = vector.extract %slice3A_269[0] : f32 from vector<1xf32>
        %get3A_271 = arith.index_cast %scan3A_247 : i32 to index
        %get3A_272 = arith.constant 32 : index
        %get3A_273 = tpu.vector_load %arg10[%get3A_271, %get3A_272] {strides = array<i32>} : memref<80x512xf32, #tpu.memory_space<vmem>>, vector<1x16xf32>,
        %get3A_274 = vector.shape_cast %get3A_273 : vector<1x16xf32> to vector<16xf32>
        %mul3A_275 = vector.broadcast %squeeze3A_270 : f32 to vector<16xf32>
        %mul3A_276 = arith.mulf %mul3A_275, %get3A_274 : vector<16xf32>
        %add3A_277 = arith.addf %add3A_261, %mul3A_276 : vector<16xf32>
        %get3A_278 = arith.index_cast %scan3A_247 : i32 to index
        %get3A_279 = arith.constant 48 : index
        %get3A_280 = tpu.vector_load %arg10[%get3A_278, %get3A_279] {strides = array<i32>} : memref<80x512xf32, #tpu.memory_space<vmem>>, vector<1x16xf32>,
        %get3A_281 = vector.shape_cast %get3A_280 : vector<1x16xf32> to vector<16xf32>
        %mul3A_282 = vector.broadcast %squeeze3A_270 : f32 to vector<16xf32>
        %mul3A_283 = arith.mulf %mul3A_282, %get3A_281 : vector<16xf32>
        %add3A_284 = arith.addf %add3A_268, %mul3A_283 : vector<16xf32>
        %slice3A_285 = vector.extract_strided_slice %get3A_254 {offsets = [2], sizes = [1], strides = [1]} : vector<16xf32> to vector<1xf32>
        %squeeze3A_286 = vector.extract %slice3A_285[0] : f32 from vector<1xf32>
        %get3A_287 = arith.index_cast %scan3A_247 : i32 to index
        %get3A_288 = arith.constant 64 : index
        %get3A_289 = tpu.vector_load %arg10[%get3A_287, %get3A_288] {strides = array<i32>} : memref<80x512xf32, #tpu.memory_space<vmem>>, vector<1x16xf32>,
        %get3A_290 = vector.shape_cast %get3A_289 : vector<1x16xf32> to vector<16xf32>
        %mul3A_291 = vector.broadcast %squeeze3A_286 : f32 to vector<16xf32>
        %mul3A_292 = arith.mulf %mul3A_291, %get3A_290 : vector<16xf32>
        %add3A_293 = arith.addf %add3A_277, %mul3A_292 : vector<16xf32>
        %get3A_294 = arith.index_cast %scan3A_247 : i32 to index
        %get3A_295 = arith.constant 80 : index
        %get3A_296 = tpu.vector_load %arg10[%get3A_294, %get3A_295] {strides = array<i32>} : memref<80x512xf32, #tpu.memory_space<vmem>>, vector<1x16xf32>,
        %get3A_297 = vector.shape_cast %get3A_296 : vector<1x16xf32> to vector<16xf32>
        %mul3A_298 = vector.broadcast %squeeze3A_286 : f32 to vector<16xf32>
        %mul3A_299 = arith.mulf %mul3A_298, %get3A_297 : vector<16xf32>
        %add3A_300 = arith.addf %add3A_284, %mul3A_299 : vector<16xf32>
        %slice3A_301 = vector.extract_strided_slice %get3A_254 {offsets = [3], sizes = [1], strides = [1]} : vector<16xf32> to vector<1xf32>
        %squeeze3A_302 = vector.extract %slice3A_301[0] : f32 from vector<1xf32>
        %get3A_303 = arith.index_cast %scan3A_247 : i32 to index
        %get3A_304 = arith.constant 96 : index
        %get3A_305 = tpu.vector_load %arg10[%get3A_303, %get3A_304] {strides = array<i32>} : memref<80x512xf32, #tpu.memory_space<vmem>>, vector<1x16xf32>,
        %get3A_306 = vector.shape_cast %get3A_305 : vector<1x16xf32> to vector<16xf32>
        %mul3A_307 = vector.broadcast %squeeze3A_302 : f32 to vector<16xf32>
        %mul3A_308 = arith.mulf %mul3A_307, %get3A_306 : vector<16xf32>
        %add3A_309 = arith.addf %add3A_293, %mul3A_308 : vector<16xf32>
        %get3A_310 = arith.index_cast %scan3A_247 : i32 to index
        %get3A_311 = arith.constant 112 : index
        %get3A_312 = tpu.vector_load %arg10[%get3A_310, %get3A_311] {strides = array<i32>} : memref<80x512xf32, #tpu.memory_space<vmem>>, vector<1x16xf32>,
        %get3A_313 = vector.shape_cast %get3A_312 : vector<1x16xf32> to vector<16xf32>
        %mul3A_314 = vector.broadcast %squeeze3A_302 : f32 to vector<16xf32>
        %mul3A_315 = arith.mulf %mul3A_314, %get3A_313 : vector<16xf32>
        %add3A_316 = arith.addf %add3A_300, %mul3A_315 : vector<16xf32>
        %slice3A_317 = vector.extract_strided_slice %get3A_254 {offsets = [4], sizes = [1], strides = [1]} : vector<16xf32> to vector<1xf32>
        %squeeze3A_318 = vector.extract %slice3A_317[0] : f32 from vector<1xf32>
        %get3A_319 = arith.index_cast %scan3A_247 : i32 to index
        %get3A_320 = arith.constant 128 : index
        %get3A_321 = tpu.vector_load %arg10[%get3A_319, %get3A_320] {strides = array<i32>} : memref<80x512xf32, #tpu.memory_space<vmem>>, vector<1x16xf32>,
        %get3A_322 = vector.shape_cast %get3A_321 : vector<1x16xf32> to vector<16xf32>
        %mul3A_323 = vector.broadcast %squeeze3A_318 : f32 to vector<16xf32>
        %mul3A_324 = arith.mulf %mul3A_323, %get3A_322 : vector<16xf32>
        %add3A_325 = arith.addf %add3A_309, %mul3A_324 : vector<16xf32>
        %get3A_326 = arith.index_cast %scan3A_247 : i32 to index
        %get3A_327 = arith.constant 144 : index
        %get3A_328 = tpu.vector_load %arg10[%get3A_326, %get3A_327] {strides = array<i32>} : memref<80x512xf32, #tpu.memory_space<vmem>>, vector<1x16xf32>,
        %get3A_329 = vector.shape_cast %get3A_328 : vector<1x16xf32> to vector<16xf32>
        %mul3A_330 = vector.broadcast %squeeze3A_318 : f32 to vector<16xf32>
        %mul3A_331 = arith.mulf %mul3A_330, %get3A_329 : vector<16xf32>
        %add3A_332 = arith.addf %add3A_316, %mul3A_331 : vector<16xf32>
        %slice3A_333 = vector.extract_strided_slice %get3A_254 {offsets = [5], sizes = [1], strides = [1]} : vector<16xf32> to vector<1xf32>
        %squeeze3A_334 = vector.extract %slice3A_333[0] : f32 from vector<1xf32>
        %get3A_335 = arith.index_cast %scan3A_247 : i32 to index
        %get3A_336 = arith.constant 160 : index
        %get3A_337 = tpu.vector_load %arg10[%get3A_335, %get3A_336] {strides = array<i32>} : memref<80x512xf32, #tpu.memory_space<vmem>>, vector<1x16xf32>,
        %get3A_338 = vector.shape_cast %get3A_337 : vector<1x16xf32> to vector<16xf32>
        %mul3A_339 = vector.broadcast %squeeze3A_334 : f32 to vector<16xf32>
        %mul3A_340 = arith.mulf %mul3A_339, %get3A_338 : vector<16xf32>
        %add3A_341 = arith.addf %add3A_325, %mul3A_340 : vector<16xf32>
        %get3A_342 = arith.index_cast %scan3A_247 : i32 to index
        %get3A_343 = arith.constant 176 : index
        %get3A_344 = tpu.vector_load %arg10[%get3A_342, %get3A_343] {strides = array<i32>} : memref<80x512xf32, #tpu.memory_space<vmem>>, vector<1x16xf32>,
        %get3A_345 = vector.shape_cast %get3A_344 : vector<1x16xf32> to vector<16xf32>
        %mul3A_346 = vector.broadcast %squeeze3A_334 : f32 to vector<16xf32>
        %mul3A_347 = arith.mulf %mul3A_346, %get3A_345 : vector<16xf32>
        %add3A_348 = arith.addf %add3A_332, %mul3A_347 : vector<16xf32>
        %slice3A_349 = vector.extract_strided_slice %get3A_254 {offsets = [6], sizes = [1], strides = [1]} : vector<16xf32> to vector<1xf32>
        %squeeze3A_350 = vector.extract %slice3A_349[0] : f32 from vector<1xf32>
        %get3A_351 = arith.index_cast %scan3A_247 : i32 to index
        %get3A_352 = arith.constant 192 : index
        %get3A_353 = tpu.vector_load %arg10[%get3A_351, %get3A_352] {strides = array<i32>} : memref<80x512xf32, #tpu.memory_space<vmem>>, vector<1x16xf32>,
        %get3A_354 = vector.shape_cast %get3A_353 : vector<1x16xf32> to vector<16xf32>
        %mul3A_355 = vector.broadcast %squeeze3A_350 : f32 to vector<16xf32>
        %mul3A_356 = arith.mulf %mul3A_355, %get3A_354 : vector<16xf32>
        %add3A_357 = arith.addf %add3A_341, %mul3A_356 : vector<16xf32>
        %get3A_358 = arith.index_cast %scan3A_247 : i32 to index
        %get3A_359 = arith.constant 208 : index
        %get3A_360 = tpu.vector_load %arg10[%get3A_358, %get3A_359] {strides = array<i32>} : memref<80x512xf32, #tpu.memory_space<vmem>>, vector<1x16xf32>,
        %get3A_361 = vector.shape_cast %get3A_360 : vector<1x16xf32> to vector<16xf32>
        %mul3A_362 = vector.broadcast %squeeze3A_350 : f32 to vector<16xf32>
        %mul3A_363 = arith.mulf %mul3A_362, %get3A_361 : vector<16xf32>
        %add3A_364 = arith.addf %add3A_348, %mul3A_363 : vector<16xf32>
        %slice3A_365 = vector.extract_strided_slice %get3A_254 {offsets = [7], sizes = [1], strides = [1]} : vector<16xf32> to vector<1xf32>
        %squeeze3A_366 = vector.extract %slice3A_365[0] : f32 from vector<1xf32>
        %get3A_367 = arith.index_cast %scan3A_247 : i32 to index
        %get3A_368 = arith.constant 224 : index
        %get3A_369 = tpu.vector_load %arg10[%get3A_367, %get3A_368] {strides = array<i32>} : memref<80x512xf32, #tpu.memory_space<vmem>>, vector<1x16xf32>,
        %get3A_370 = vector.shape_cast %get3A_369 : vector<1x16xf32> to vector<16xf32>
        %mul3A_371 = vector.broadcast %squeeze3A_366 : f32 to vector<16xf32>
        %mul3A_372 = arith.mulf %mul3A_371, %get3A_370 : vector<16xf32>
        %add3A_373 = arith.addf %add3A_357, %mul3A_372 : vector<16xf32>
        %get3A_374 = arith.index_cast %scan3A_247 : i32 to index
        %get3A_375 = arith.constant 240 : index
        %get3A_376 = tpu.vector_load %arg10[%get3A_374, %get3A_375] {strides = array<i32>} : memref<80x512xf32, #tpu.memory_space<vmem>>, vector<1x16xf32>,
        %get3A_377 = vector.shape_cast %get3A_376 : vector<1x16xf32> to vector<16xf32>
        %mul3A_378 = vector.broadcast %squeeze3A_366 : f32 to vector<16xf32>
        %mul3A_379 = arith.mulf %mul3A_378, %get3A_377 : vector<16xf32>
        %add3A_380 = arith.addf %add3A_364, %mul3A_379 : vector<16xf32>
        %slice3A_381 = vector.extract_strided_slice %get3A_254 {offsets = [8], sizes = [1], strides = [1]} : vector<16xf32> to vector<1xf32>
        %squeeze3A_382 = vector.extract %slice3A_381[0] : f32 from vector<1xf32>
        %get3A_383 = arith.index_cast %scan3A_247 : i32 to index
        %get3A_384 = arith.constant 256 : index
        %get3A_385 = tpu.vector_load %arg10[%get3A_383, %get3A_384] {strides = array<i32>} : memref<80x512xf32, #tpu.memory_space<vmem>>, vector<1x16xf32>,
        %get3A_386 = vector.shape_cast %get3A_385 : vector<1x16xf32> to vector<16xf32>
        %mul3A_387 = vector.broadcast %squeeze3A_382 : f32 to vector<16xf32>
        %mul3A_388 = arith.mulf %mul3A_387, %get3A_386 : vector<16xf32>
        %add3A_389 = arith.addf %add3A_373, %mul3A_388 : vector<16xf32>
        %get3A_390 = arith.index_cast %scan3A_247 : i32 to index
        %get3A_391 = arith.constant 272 : index
        %get3A_392 = tpu.vector_load %arg10[%get3A_390, %get3A_391] {strides = array<i32>} : memref<80x512xf32, #tpu.memory_space<vmem>>, vector<1x16xf32>,
        %get3A_393 = vector.shape_cast %get3A_392 : vector<1x16xf32> to vector<16xf32>
        %mul3A_394 = vector.broadcast %squeeze3A_382 : f32 to vector<16xf32>
        %mul3A_395 = arith.mulf %mul3A_394, %get3A_393 : vector<16xf32>
        %add3A_396 = arith.addf %add3A_380, %mul3A_395 : vector<16xf32>
        %slice3A_397 = vector.extract_strided_slice %get3A_254 {offsets = [9], sizes = [1], strides = [1]} : vector<16xf32> to vector<1xf32>
        %squeeze3A_398 = vector.extract %slice3A_397[0] : f32 from vector<1xf32>
        %get3A_399 = arith.index_cast %scan3A_247 : i32 to index
        %get3A_400 = arith.constant 288 : index
        %get3A_401 = tpu.vector_load %arg10[%get3A_399, %get3A_400] {strides = array<i32>} : memref<80x512xf32, #tpu.memory_space<vmem>>, vector<1x16xf32>,
        %get3A_402 = vector.shape_cast %get3A_401 : vector<1x16xf32> to vector<16xf32>
        %mul3A_403 = vector.broadcast %squeeze3A_398 : f32 to vector<16xf32>
        %mul3A_404 = arith.mulf %mul3A_403, %get3A_402 : vector<16xf32>
        %add3A_405 = arith.addf %add3A_389, %mul3A_404 : vector<16xf32>
        %get3A_406 = arith.index_cast %scan3A_247 : i32 to index
        %get3A_407 = arith.constant 304 : index
        %get3A_408 = tpu.vector_load %arg10[%get3A_406, %get3A_407] {strides = array<i32>} : memref<80x512xf32, #tpu.memory_space<vmem>>, vector<1x16xf32>,
        %get3A_409 = vector.shape_cast %get3A_408 : vector<1x16xf32> to vector<16xf32>
        %mul3A_410 = vector.broadcast %squeeze3A_398 : f32 to vector<16xf32>
        %mul3A_411 = arith.mulf %mul3A_410, %get3A_409 : vector<16xf32>
        %add3A_412 = arith.addf %add3A_396, %mul3A_411 : vector<16xf32>
        %slice3A_413 = vector.extract_strided_slice %get3A_254 {offsets = [10], sizes = [1], strides = [1]} : vector<16xf32> to vector<1xf32>
        %squeeze3A_414 = vector.extract %slice3A_413[0] : f32 from vector<1xf32>
        %get3A_415 = arith.index_cast %scan3A_247 : i32 to index
        %get3A_416 = arith.constant 320 : index
        %get3A_417 = tpu.vector_load %arg10[%get3A_415, %get3A_416] {strides = array<i32>} : memref<80x512xf32, #tpu.memory_space<vmem>>, vector<1x16xf32>,
        %get3A_418 = vector.shape_cast %get3A_417 : vector<1x16xf32> to vector<16xf32>
        %mul3A_419 = vector.broadcast %squeeze3A_414 : f32 to vector<16xf32>
        %mul3A_420 = arith.mulf %mul3A_419, %get3A_418 : vector<16xf32>
        %add3A_421 = arith.addf %add3A_405, %mul3A_420 : vector<16xf32>
        %get3A_422 = arith.index_cast %scan3A_247 : i32 to index
        %get3A_423 = arith.constant 336 : index
        %get3A_424 = tpu.vector_load %arg10[%get3A_422, %get3A_423] {strides = array<i32>} : memref<80x512xf32, #tpu.memory_space<vmem>>, vector<1x16xf32>,
        %get3A_425 = vector.shape_cast %get3A_424 : vector<1x16xf32> to vector<16xf32>
        %mul3A_426 = vector.broadcast %squeeze3A_414 : f32 to vector<16xf32>
        %mul3A_427 = arith.mulf %mul3A_426, %get3A_425 : vector<16xf32>
        %add3A_428 = arith.addf %add3A_412, %mul3A_427 : vector<16xf32>
        %slice3A_429 = vector.extract_strided_slice %get3A_254 {offsets = [11], sizes = [1], strides = [1]} : vector<16xf32> to vector<1xf32>
        %squeeze3A_430 = vector.extract %slice3A_429[0] : f32 from vector<1xf32>
        %get3A_431 = arith.index_cast %scan3A_247 : i32 to index
        %get3A_432 = arith.constant 352 : index
        %get3A_433 = tpu.vector_load %arg10[%get3A_431, %get3A_432] {strides = array<i32>} : memref<80x512xf32, #tpu.memory_space<vmem>>, vector<1x16xf32>,
        %get3A_434 = vector.shape_cast %get3A_433 : vector<1x16xf32> to vector<16xf32>
        %mul3A_435 = vector.broadcast %squeeze3A_430 : f32 to vector<16xf32>
        %mul3A_436 = arith.mulf %mul3A_435, %get3A_434 : vector<16xf32>
        %add3A_437 = arith.addf %add3A_421, %mul3A_436 : vector<16xf32>
        %get3A_438 = arith.index_cast %scan3A_247 : i32 to index
        %get3A_439 = arith.constant 368 : index
        %get3A_440 = tpu.vector_load %arg10[%get3A_438, %get3A_439] {strides = array<i32>} : memref<80x512xf32, #tpu.memory_space<vmem>>, vector<1x16xf32>,
        %get3A_441 = vector.shape_cast %get3A_440 : vector<1x16xf32> to vector<16xf32>
        %mul3A_442 = vector.broadcast %squeeze3A_430 : f32 to vector<16xf32>
        %mul3A_443 = arith.mulf %mul3A_442, %get3A_441 : vector<16xf32>
        %add3A_444 = arith.addf %add3A_428, %mul3A_443 : vector<16xf32>
        %slice3A_445 = vector.extract_strided_slice %get3A_254 {offsets = [12], sizes = [1], strides = [1]} : vector<16xf32> to vector<1xf32>
        %squeeze3A_446 = vector.extract %slice3A_445[0] : f32 from vector<1xf32>
        %get3A_447 = arith.index_cast %scan3A_247 : i32 to index
        %get3A_448 = arith.constant 384 : index
        %get3A_449 = tpu.vector_load %arg10[%get3A_447, %get3A_448] {strides = array<i32>} : memref<80x512xf32, #tpu.memory_space<vmem>>, vector<1x16xf32>,
        %get3A_450 = vector.shape_cast %get3A_449 : vector<1x16xf32> to vector<16xf32>
        %mul3A_451 = vector.broadcast %squeeze3A_446 : f32 to vector<16xf32>
        %mul3A_452 = arith.mulf %mul3A_451, %get3A_450 : vector<16xf32>
        %add3A_453 = arith.addf %add3A_437, %mul3A_452 : vector<16xf32>
        %get3A_454 = arith.index_cast %scan3A_247 : i32 to index
        %get3A_455 = arith.constant 400 : index
        %get3A_456 = tpu.vector_load %arg10[%get3A_454, %get3A_455] {strides = array<i32>} : memref<80x512xf32, #tpu.memory_space<vmem>>, vector<1x16xf32>,
        %get3A_457 = vector.shape_cast %get3A_456 : vector<1x16xf32> to vector<16xf32>
        %mul3A_458 = vector.broadcast %squeeze3A_446 : f32 to vector<16xf32>
        %mul3A_459 = arith.mulf %mul3A_458, %get3A_457 : vector<16xf32>
        %add3A_460 = arith.addf %add3A_444, %mul3A_459 : vector<16xf32>
        %slice3A_461 = vector.extract_strided_slice %get3A_254 {offsets = [13], sizes = [1], strides = [1]} : vector<16xf32> to vector<1xf32>
        %squeeze3A_462 = vector.extract %slice3A_461[0] : f32 from vector<1xf32>
        %get3A_463 = arith.index_cast %scan3A_247 : i32 to index
        %get3A_464 = arith.constant 416 : index
        %get3A_465 = tpu.vector_load %arg10[%get3A_463, %get3A_464] {strides = array<i32>} : memref<80x512xf32, #tpu.memory_space<vmem>>, vector<1x16xf32>,
        %get3A_466 = vector.shape_cast %get3A_465 : vector<1x16xf32> to vector<16xf32>
        %mul3A_467 = vector.broadcast %squeeze3A_462 : f32 to vector<16xf32>
        %mul3A_468 = arith.mulf %mul3A_467, %get3A_466 : vector<16xf32>
        %add3A_469 = arith.addf %add3A_453, %mul3A_468 : vector<16xf32>
        %get3A_470 = arith.index_cast %scan3A_247 : i32 to index
        %get3A_471 = arith.constant 432 : index
        %get3A_472 = tpu.vector_load %arg10[%get3A_470, %get3A_471] {strides = array<i32>} : memref<80x512xf32, #tpu.memory_space<vmem>>, vector<1x16xf32>,
        %get3A_473 = vector.shape_cast %get3A_472 : vector<1x16xf32> to vector<16xf32>
        %mul3A_474 = vector.broadcast %squeeze3A_462 : f32 to vector<16xf32>
        %mul3A_475 = arith.mulf %mul3A_474, %get3A_473 : vector<16xf32>
        %add3A_476 = arith.addf %add3A_460, %mul3A_475 : vector<16xf32>
        %slice3A_477 = vector.extract_strided_slice %get3A_254 {offsets = [14], sizes = [1], strides = [1]} : vector<16xf32> to vector<1xf32>
        %squeeze3A_478 = vector.extract %slice3A_477[0] : f32 from vector<1xf32>
        %get3A_479 = arith.index_cast %scan3A_247 : i32 to index
        %get3A_480 = arith.constant 448 : index
        %get3A_481 = tpu.vector_load %arg10[%get3A_479, %get3A_480] {strides = array<i32>} : memref<80x512xf32, #tpu.memory_space<vmem>>, vector<1x16xf32>,
        %get3A_482 = vector.shape_cast %get3A_481 : vector<1x16xf32> to vector<16xf32>
        %mul3A_483 = vector.broadcast %squeeze3A_478 : f32 to vector<16xf32>
        %mul3A_484 = arith.mulf %mul3A_483, %get3A_482 : vector<16xf32>
        %add3A_485 = arith.addf %add3A_469, %mul3A_484 : vector<16xf32>
        %get3A_486 = arith.index_cast %scan3A_247 : i32 to index
        %get3A_487 = arith.constant 464 : index
        %get3A_488 = tpu.vector_load %arg10[%get3A_486, %get3A_487] {strides = array<i32>} : memref<80x512xf32, #tpu.memory_space<vmem>>, vector<1x16xf32>,
        %get3A_489 = vector.shape_cast %get3A_488 : vector<1x16xf32> to vector<16xf32>
        %mul3A_490 = vector.broadcast %squeeze3A_478 : f32 to vector<16xf32>
        %mul3A_491 = arith.mulf %mul3A_490, %get3A_489 : vector<16xf32>
        %add3A_492 = arith.addf %add3A_476, %mul3A_491 : vector<16xf32>
        %slice3A_493 = vector.extract_strided_slice %get3A_254 {offsets = [15], sizes = [1], strides = [1]} : vector<16xf32> to vector<1xf32>
        %squeeze3A_494 = vector.extract %slice3A_493[0] : f32 from vector<1xf32>
        %get3A_495 = arith.index_cast %scan3A_247 : i32 to index
        %get3A_496 = arith.constant 480 : index
        %get3A_497 = tpu.vector_load %arg10[%get3A_495, %get3A_496] {strides = array<i32>} : memref<80x512xf32, #tpu.memory_space<vmem>>, vector<1x16xf32>,
        %get3A_498 = vector.shape_cast %get3A_497 : vector<1x16xf32> to vector<16xf32>
        %mul3A_499 = vector.broadcast %squeeze3A_494 : f32 to vector<16xf32>
        %mul3A_500 = arith.mulf %mul3A_499, %get3A_498 : vector<16xf32>
        %add3A_501 = arith.addf %add3A_485, %mul3A_500 : vector<16xf32>
        %get3A_502 = arith.index_cast %scan3A_247 : i32 to index
        %get3A_503 = arith.constant 496 : index
        %get3A_504 = tpu.vector_load %arg10[%get3A_502, %get3A_503] {strides = array<i32>} : memref<80x512xf32, #tpu.memory_space<vmem>>, vector<1x16xf32>,
        %get3A_505 = vector.shape_cast %get3A_504 : vector<1x16xf32> to vector<16xf32>
        %mul3A_506 = vector.broadcast %squeeze3A_494 : f32 to vector<16xf32>
        %mul3A_507 = arith.mulf %mul3A_506, %get3A_505 : vector<16xf32>
        %add3A_508 = arith.addf %add3A_492, %mul3A_507 : vector<16xf32>
        %swap3A = arith.index_cast %scan3A_247 : i32 to index
        %swap3A_509 = arith.constant 0 : index
        %swap3A_510 = tpu.vector_load %arg15[%swap3A, %swap3A_509] {strides = array<i32>} : memref<80x32xf32, #tpu.memory_space<vmem>>, vector<1x16xf32>,
        %swap3A_511 = vector.shape_cast %swap3A_510 : vector<1x16xf32> to vector<16xf32>
        %swap3A_512 = vector.shape_cast %add3A_501 : vector<16xf32> to vector<1x16xf32>
        tpu.vector_store %arg15[%swap3A, %swap3A_509], %swap3A_512 {strides = array<i32>} : memref<80x32xf32, #tpu.memory_space<vmem>>, vector<1x16xf32>,
        %swap3A_513 = arith.index_cast %scan3A_247 : i32 to index
        %swap3A_514 = arith.constant 16 : index
        %swap3A_515 = tpu.vector_load %arg15[%swap3A_513, %swap3A_514] {strides = array<i32>} : memref<80x32xf32, #tpu.memory_space<vmem>>, vector<1x16xf32>,
        %swap3A_516 = vector.shape_cast %swap3A_515 : vector<1x16xf32> to vector<16xf32>
        %swap3A_517 = vector.shape_cast %add3A_508 : vector<16xf32> to vector<1x16xf32>
        tpu.vector_store %arg15[%swap3A_513, %swap3A_514], %swap3A_517 {strides = array<i32>} : memref<80x32xf32, #tpu.memory_space<vmem>>, vector<1x16xf32>,
      }
      %scan3A_140 = arith.constant 80 : i32
      "tpu.region"() ({
        %run_scoped3A = tpu.sem_alloc : memref<!tpu.dma_semaphore, #tpu.memory_space<semaphore_mem>>
        %dma_start3A_247 = arith.constant 0 : i32
        %dma_start3A_248 = arith.constant 0 : i32
        %dma_start3A_249 = tpu.memref_slice %arg17[%dma_start3A_247, %dma_start3A_248] : memref<10240x32xf32, #tpu.memory_space<vmem_shared>> -> memref<10240x32xf32, #tpu.memory_space<vmem_shared>>
        tpu.enqueue_indirect_dma source(%arg15 : memref<80x32xf32, #tpu.memory_space<vmem>>) target(%dma_start3A_249 : memref<10240x32xf32, #tpu.memory_space<vmem_shared>>) offsets(%arg8 : memref<80xi32, #tpu.memory_space<vmem>>) semaphore(%run_scoped3A : memref<!tpu.dma_semaphore, #tpu.memory_space<semaphore_mem>>) {add = true}
        %dma_wait3A_250 = arith.constant 0 : i32
        %dma_wait3A_251 = arith.constant 0 : i32
        %dma_wait3A_252 = tpu.memref_slice %arg17[%dma_wait3A_250, %dma_wait3A_251] : memref<10240x32xf32, #tpu.memory_space<vmem_shared>> -> memref<10240x32xf32, #tpu.memory_space<vmem_shared>>
        tpu.wait_indirect_dma semaphore(%run_scoped3A : memref<!tpu.dma_semaphore, #tpu.memory_space<semaphore_mem>>) src(%arg15 : memref<80x32xf32, #tpu.memory_space<vmem>>) dst(%dma_wait3A_252 : memref<10240x32xf32, #tpu.memory_space<vmem_shared>>)
        tpu.yield
      }) : () -> ()
      %add3A_141 = arith.constant 2 : i32
      %add3A_142 = arith.addi %mul3A_105, %add3A_141 : i32
      %jit3A_143 = arith.constant 125 : i32
      %eq3A_144 = arith.constant 0 : i32
      %eq3A_145 = arith.cmpi eq, %jit3A_143, %eq3A_144 : i32
      %jit3A_146 = arith.constant 1 : i32
      %select_n3A_147 = arith.select %eq3A_145, %jit3A_146, %jit3A_143 : i32
      %rem3A_148 = arith.remsi %add3A_142, %select_n3A_147 : i32
      %ne3A_149 = arith.constant 0 : i32
      %ne3A_150 = arith.cmpi ne, %rem3A_148, %ne3A_149 : i32
      %lt3A_151 = arith.constant 0 : i32
      %lt3A_152 = arith.cmpi slt, %rem3A_148, %lt3A_151 : i32
      %lt3A_153 = arith.constant 0 : i32
      %lt3A_154 = arith.cmpi slt, %select_n3A_147, %lt3A_153 : i32
      %ne3A_155 = arith.xori %lt3A_152, %lt3A_154 : i1
      %and3A_156 = arith.andi %ne3A_155, %ne3A_150 : i1
      %add3A_157 = arith.addi %rem3A_148, %select_n3A_147 : i32
      %select_n3A_158 = arith.select %and3A_156, %add3A_157, %rem3A_148 : i32
      %mul3A_159 = arith.constant 80 : i32
      %mul3A_160 = arith.muli %select_n3A_158, %mul3A_159 : i32
      %add3A_161 = arith.addi %mul3A_10, %mul3A_160 : i32
      %multiple_of3A_162 = tpu.assume_multiple %add3A_161, 8 : i32
      %dma_start3A_163 = tpu.memref_slice %arg4[%multiple_of3A_162] : memref<320000xi32, #tpu.memory_space<hbm>> -> memref<80xi32, #tpu.memory_space<hbm>>
      %dma_start3A_164 = tpu.memref_slice %arg4[%multiple_of3A_162] : memref<320000xi32, #tpu.memory_space<hbm>> -> memref<80xi32, #tpu.memory_space<hbm>>
      tpu.enqueue_dma source(%dma_start3A_164 : memref<80xi32, #tpu.memory_space<hbm>>) target(%arg7 : memref<80xi32, #tpu.memory_space<vmem>>) target_semaphore(%arg20 : memref<!tpu.dma_semaphore, #tpu.memory_space<semaphore_mem>>)
      %dma_start3A_165 = tpu.memref_slice %arg5[%multiple_of3A_162] : memref<320000xi32, #tpu.memory_space<hbm>> -> memref<80xi32, #tpu.memory_space<hbm>>
      %dma_start3A_166 = tpu.memref_slice %arg5[%multiple_of3A_162] : memref<320000xi32, #tpu.memory_space<hbm>> -> memref<80xi32, #tpu.memory_space<hbm>>
      tpu.enqueue_dma source(%dma_start3A_166 : memref<80xi32, #tpu.memory_space<hbm>>) target(%arg8 : memref<80xi32, #tpu.memory_space<vmem>>) target_semaphore(%arg20 : memref<!tpu.dma_semaphore, #tpu.memory_space<semaphore_mem>>)
      %dma_start3A_167 = arith.constant 0 : i32
      %dma_start3A_168 = tpu.memref_slice %arg3[%multiple_of3A_162, %dma_start3A_167] : memref<320000x16xf32, #tpu.memory_space<hbm>> -> memref<80x16xf32, #tpu.memory_space<hbm>>
      %dma_start3A_169 = arith.constant 0 : i32
      %dma_start3A_170 = tpu.memref_slice %arg3[%multiple_of3A_162, %dma_start3A_169] : memref<320000x16xf32, #tpu.memory_space<hbm>> -> memref<80x16xf32, #tpu.memory_space<hbm>>
      tpu.enqueue_dma source(%dma_start3A_170 : memref<80x16xf32, #tpu.memory_space<hbm>>) target(%arg9 : memref<80x16xf32, #tpu.memory_space<vmem>>) target_semaphore(%arg20 : memref<!tpu.dma_semaphore, #tpu.memory_space<semaphore_mem>>)
      %mul3A_171 = arith.constant 2 : i32
      %mul3A_172 = arith.muli %mul3A_171, %scan3A_103 : i32
      %add3A_173 = arith.constant 1 : i32
      %add3A_174 = arith.addi %mul3A_172, %add3A_173 : i32
      %add3A_175 = arith.constant 1 : i32
      %add3A_176 = arith.addi %add3A_174, %add3A_175 : i32
      %jit3A_177 = arith.constant 125 : i32
      %eq3A_178 = arith.constant 0 : i32
      %eq3A_179 = arith.cmpi eq, %jit3A_177, %eq3A_178 : i32
      %jit3A_180 = arith.constant 1 : i32
      %select_n3A_181 = arith.select %eq3A_179, %jit3A_180, %jit3A_177 : i32
      %rem3A_182 = arith.remsi %add3A_176, %select_n3A_181 : i32
      %ne3A_183 = arith.constant 0 : i32
      %ne3A_184 = arith.cmpi ne, %rem3A_182, %ne3A_183 : i32
      %lt3A_185 = arith.constant 0 : i32
      %lt3A_186 = arith.cmpi slt, %rem3A_182, %lt3A_185 : i32
      %lt3A_187 = arith.constant 0 : i32
      %lt3A_188 = arith.cmpi slt, %select_n3A_181, %lt3A_187 : i32
      %ne3A_189 = arith.xori %lt3A_186, %lt3A_188 : i1
      %and3A_190 = arith.andi %ne3A_189, %ne3A_184 : i1
      %add3A_191 = arith.addi %rem3A_182, %select_n3A_181 : i32
      %select_n3A_192 = arith.select %and3A_190, %add3A_191, %rem3A_182 : i32
      %mul3A_193 = arith.constant 80 : i32
      %mul3A_194 = arith.muli %select_n3A_192, %mul3A_193 : i32
      %add3A_195 = arith.addi %mul3A_10, %mul3A_194 : i32
      %multiple_of3A_196 = tpu.assume_multiple %add3A_195, 8 : i32
      %dma_wait3A_197 = tpu.memref_slice %arg4[%multiple_of3A_196] : memref<320000xi32, #tpu.memory_space<hbm>> -> memref<80xi32, #tpu.memory_space<hbm>>
      %dma_wait3A_198 = tpu.memref_slice %arg4[%multiple_of3A_196] : memref<320000xi32, #tpu.memory_space<hbm>> -> memref<80xi32, #tpu.memory_space<hbm>>
      tpu.wait_dma2 semaphore(%arg20 : memref<!tpu.dma_semaphore, #tpu.memory_space<semaphore_mem>>) src(%dma_wait3A_198 : memref<80xi32, #tpu.memory_space<hbm>>) dst(%arg7 : memref<80xi32, #tpu.memory_space<vmem>>)
      %dma_wait3A_199 = tpu.memref_slice %arg5[%multiple_of3A_196] : memref<320000xi32, #tpu.memory_space<hbm>> -> memref<80xi32, #tpu.memory_space<hbm>>
      %dma_wait3A_200 = tpu.memref_slice %arg5[%multiple_of3A_196] : memref<320000xi32, #tpu.memory_space<hbm>> -> memref<80xi32, #tpu.memory_space<hbm>>
      tpu.wait_dma2 semaphore(%arg20 : memref<!tpu.dma_semaphore, #tpu.memory_space<semaphore_mem>>) src(%dma_wait3A_200 : memref<80xi32, #tpu.memory_space<hbm>>) dst(%arg8 : memref<80xi32, #tpu.memory_space<vmem>>)
      %dma_wait3A_201 = arith.constant 0 : i32
      %dma_wait3A_202 = tpu.memref_slice %arg3[%multiple_of3A_196, %dma_wait3A_201] : memref<320000x16xf32, #tpu.memory_space<hbm>> -> memref<80x16xf32, #tpu.memory_space<hbm>>
      %dma_wait3A_203 = arith.constant 0 : i32
      %dma_wait3A_204 = tpu.memref_slice %arg3[%multiple_of3A_196, %dma_wait3A_203] : memref<320000x16xf32, #tpu.memory_space<hbm>> -> memref<80x16xf32, #tpu.memory_space<hbm>>
      tpu.wait_dma2 semaphore(%arg20 : memref<!tpu.dma_semaphore, #tpu.memory_space<semaphore_mem>>) src(%dma_wait3A_204 : memref<80x16xf32, #tpu.memory_space<hbm>>) dst(%arg9 : memref<80x16xf32, #tpu.memory_space<vmem>>)
      %dma_wait3A_205 = arith.constant 0 : i32
      %dma_wait3A_206 = arith.constant 0 : i32
      %dma_wait3A_207 = tpu.memref_slice %arg2[%dma_wait3A_205, %dma_wait3A_206] : memref<10000x512xf32, #tpu.memory_space<hbm>> -> memref<10000x512xf32, #tpu.memory_space<hbm>>
      tpu.wait_indirect_dma semaphore(%arg19 : memref<!tpu.dma_semaphore, #tpu.memory_space<semaphore_mem>>) src(%dma_wait3A_207 : memref<10000x512xf32, #tpu.memory_space<hbm>>) dst(%arg14 : memref<80x512xf32, #tpu.memory_space<vmem>>)
      %dma_start3A_208 = arith.constant 0 : i32
      %dma_start3A_209 = arith.constant 0 : i32
      %dma_start3A_210 = tpu.memref_slice %arg2[%dma_start3A_208, %dma_start3A_209] : memref<10000x512xf32, #tpu.memory_space<hbm>> -> memref<10000x512xf32, #tpu.memory_space<hbm>>
      tpu.enqueue_indirect_dma source(%dma_start3A_210 : memref<10000x512xf32, #tpu.memory_space<hbm>>) target(%arg10 : memref<80x512xf32, #tpu.memory_space<vmem>>) offsets(%arg7 : memref<80xi32, #tpu.memory_space<vmem>>) semaphore(%arg18 : memref<!tpu.dma_semaphore, #tpu.memory_space<semaphore_mem>>)
      %scan3A_211 = arith.constant 0 : i32
      %scan3A_212 = arith.constant 0 : i32
      %scan3A_213 = arith.constant 80 : i32
      %scan3A_214 = arith.addi %scan3A_212, %scan3A_213 : i32
      %scan3A_215 = arith.constant 1 : i32
      scf.for %scan3A_247 = %scan3A_212 to %scan3A_214 step %scan3A_215  : i32 {
        %broadcast_in_dim3A_248 = arith.constant 0.000000e+00 : f32
        %broadcast_in_dim3A_249 = vector.broadcast %broadcast_in_dim3A_248 : f32 to vector<16xf32>
        %broadcast_in_dim3A_250 = arith.constant 0.000000e+00 : f32
        %broadcast_in_dim3A_251 = vector.broadcast %broadcast_in_dim3A_250 : f32 to vector<16xf32>
        %get3A = arith.index_cast %scan3A_247 : i32 to index
        %get3A_252 = arith.constant 0 : index
        %get3A_253 = tpu.vector_load %arg13[%get3A, %get3A_252] {strides = array<i32>} : memref<80x16xf32, #tpu.memory_space<vmem>>, vector<1x16xf32>,
        %get3A_254 = vector.shape_cast %get3A_253 : vector<1x16xf32> to vector<16xf32>
        %slice3A = vector.extract_strided_slice %get3A_254 {offsets = [0], sizes = [1], strides = [1]} : vector<16xf32> to vector<1xf32>
        %squeeze3A = vector.extract %slice3A[0] : f32 from vector<1xf32>
        %get3A_255 = arith.index_cast %scan3A_247 : i32 to index
        %get3A_256 = arith.constant 0 : index
        %get3A_257 = tpu.vector_load %arg14[%get3A_255, %get3A_256] {strides = array<i32>} : memref<80x512xf32, #tpu.memory_space<vmem>>, vector<1x16xf32>,
        %get3A_258 = vector.shape_cast %get3A_257 : vector<1x16xf32> to vector<16xf32>
        %mul3A_259 = vector.broadcast %squeeze3A : f32 to vector<16xf32>
        %mul3A_260 = arith.mulf %mul3A_259, %get3A_258 : vector<16xf32>
        %add3A_261 = arith.addf %broadcast_in_dim3A_249, %mul3A_260 : vector<16xf32>
        %get3A_262 = arith.index_cast %scan3A_247 : i32 to index
        %get3A_263 = arith.constant 16 : index
        %get3A_264 = tpu.vector_load %arg14[%get3A_262, %get3A_263] {strides = array<i32>} : memref<80x512xf32, #tpu.memory_space<vmem>>, vector<1x16xf32>,
        %get3A_265 = vector.shape_cast %get3A_264 : vector<1x16xf32> to vector<16xf32>
        %mul3A_266 = vector.broadcast %squeeze3A : f32 to vector<16xf32>
        %mul3A_267 = arith.mulf %mul3A_266, %get3A_265 : vector<16xf32>
        %add3A_268 = arith.addf %broadcast_in_dim3A_251, %mul3A_267 : vector<16xf32>
        %slice3A_269 = vector.extract_strided_slice %get3A_254 {offsets = [1], sizes = [1], strides = [1]} : vector<16xf32> to vector<1xf32>
        %squeeze3A_270 = vector.extract %slice3A_269[0] : f32 from vector<1xf32>
        %get3A_271 = arith.index_cast %scan3A_247 : i32 to index
        %get3A_272 = arith.constant 32 : index
        %get3A_273 = tpu.vector_load %arg14[%get3A_271, %get3A_272] {strides = array<i32>} : memref<80x512xf32, #tpu.memory_space<vmem>>, vector<1x16xf32>,
        %get3A_274 = vector.shape_cast %get3A_273 : vector<1x16xf32> to vector<16xf32>
        %mul3A_275 = vector.broadcast %squeeze3A_270 : f32 to vector<16xf32>
        %mul3A_276 = arith.mulf %mul3A_275, %get3A_274 : vector<16xf32>
        %add3A_277 = arith.addf %add3A_261, %mul3A_276 : vector<16xf32>
        %get3A_278 = arith.index_cast %scan3A_247 : i32 to index
        %get3A_279 = arith.constant 48 : index
        %get3A_280 = tpu.vector_load %arg14[%get3A_278, %get3A_279] {strides = array<i32>} : memref<80x512xf32, #tpu.memory_space<vmem>>, vector<1x16xf32>,
        %get3A_281 = vector.shape_cast %get3A_280 : vector<1x16xf32> to vector<16xf32>
        %mul3A_282 = vector.broadcast %squeeze3A_270 : f32 to vector<16xf32>
        %mul3A_283 = arith.mulf %mul3A_282, %get3A_281 : vector<16xf32>
        %add3A_284 = arith.addf %add3A_268, %mul3A_283 : vector<16xf32>
        %slice3A_285 = vector.extract_strided_slice %get3A_254 {offsets = [2], sizes = [1], strides = [1]} : vector<16xf32> to vector<1xf32>
        %squeeze3A_286 = vector.extract %slice3A_285[0] : f32 from vector<1xf32>
        %get3A_287 = arith.index_cast %scan3A_247 : i32 to index
        %get3A_288 = arith.constant 64 : index
        %get3A_289 = tpu.vector_load %arg14[%get3A_287, %get3A_288] {strides = array<i32>} : memref<80x512xf32, #tpu.memory_space<vmem>>, vector<1x16xf32>,
        %get3A_290 = vector.shape_cast %get3A_289 : vector<1x16xf32> to vector<16xf32>
        %mul3A_291 = vector.broadcast %squeeze3A_286 : f32 to vector<16xf32>
        %mul3A_292 = arith.mulf %mul3A_291, %get3A_290 : vector<16xf32>
        %add3A_293 = arith.addf %add3A_277, %mul3A_292 : vector<16xf32>
        %get3A_294 = arith.index_cast %scan3A_247 : i32 to index
        %get3A_295 = arith.constant 80 : index
        %get3A_296 = tpu.vector_load %arg14[%get3A_294, %get3A_295] {strides = array<i32>} : memref<80x512xf32, #tpu.memory_space<vmem>>, vector<1x16xf32>,
        %get3A_297 = vector.shape_cast %get3A_296 : vector<1x16xf32> to vector<16xf32>
        %mul3A_298 = vector.broadcast %squeeze3A_286 : f32 to vector<16xf32>
        %mul3A_299 = arith.mulf %mul3A_298, %get3A_297 : vector<16xf32>
        %add3A_300 = arith.addf %add3A_284, %mul3A_299 : vector<16xf32>
        %slice3A_301 = vector.extract_strided_slice %get3A_254 {offsets = [3], sizes = [1], strides = [1]} : vector<16xf32> to vector<1xf32>
        %squeeze3A_302 = vector.extract %slice3A_301[0] : f32 from vector<1xf32>
        %get3A_303 = arith.index_cast %scan3A_247 : i32 to index
        %get3A_304 = arith.constant 96 : index
        %get3A_305 = tpu.vector_load %arg14[%get3A_303, %get3A_304] {strides = array<i32>} : memref<80x512xf32, #tpu.memory_space<vmem>>, vector<1x16xf32>,
        %get3A_306 = vector.shape_cast %get3A_305 : vector<1x16xf32> to vector<16xf32>
        %mul3A_307 = vector.broadcast %squeeze3A_302 : f32 to vector<16xf32>
        %mul3A_308 = arith.mulf %mul3A_307, %get3A_306 : vector<16xf32>
        %add3A_309 = arith.addf %add3A_293, %mul3A_308 : vector<16xf32>
        %get3A_310 = arith.index_cast %scan3A_247 : i32 to index
        %get3A_311 = arith.constant 112 : index
        %get3A_312 = tpu.vector_load %arg14[%get3A_310, %get3A_311] {strides = array<i32>} : memref<80x512xf32, #tpu.memory_space<vmem>>, vector<1x16xf32>,
        %get3A_313 = vector.shape_cast %get3A_312 : vector<1x16xf32> to vector<16xf32>
        %mul3A_314 = vector.broadcast %squeeze3A_302 : f32 to vector<16xf32>
        %mul3A_315 = arith.mulf %mul3A_314, %get3A_313 : vector<16xf32>
        %add3A_316 = arith.addf %add3A_300, %mul3A_315 : vector<16xf32>
        %slice3A_317 = vector.extract_strided_slice %get3A_254 {offsets = [4], sizes = [1], strides = [1]} : vector<16xf32> to vector<1xf32>
        %squeeze3A_318 = vector.extract %slice3A_317[0] : f32 from vector<1xf32>
        %get3A_319 = arith.index_cast %scan3A_247 : i32 to index
        %get3A_320 = arith.constant 128 : index
        %get3A_321 = tpu.vector_load %arg14[%get3A_319, %get3A_320] {strides = array<i32>} : memref<80x512xf32, #tpu.memory_space<vmem>>, vector<1x16xf32>,
        %get3A_322 = vector.shape_cast %get3A_321 : vector<1x16xf32> to vector<16xf32>
        %mul3A_323 = vector.broadcast %squeeze3A_318 : f32 to vector<16xf32>
        %mul3A_324 = arith.mulf %mul3A_323, %get3A_322 : vector<16xf32>
        %add3A_325 = arith.addf %add3A_309, %mul3A_324 : vector<16xf32>
        %get3A_326 = arith.index_cast %scan3A_247 : i32 to index
        %get3A_327 = arith.constant 144 : index
        %get3A_328 = tpu.vector_load %arg14[%get3A_326, %get3A_327] {strides = array<i32>} : memref<80x512xf32, #tpu.memory_space<vmem>>, vector<1x16xf32>,
        %get3A_329 = vector.shape_cast %get3A_328 : vector<1x16xf32> to vector<16xf32>
        %mul3A_330 = vector.broadcast %squeeze3A_318 : f32 to vector<16xf32>
        %mul3A_331 = arith.mulf %mul3A_330, %get3A_329 : vector<16xf32>
        %add3A_332 = arith.addf %add3A_316, %mul3A_331 : vector<16xf32>
        %slice3A_333 = vector.extract_strided_slice %get3A_254 {offsets = [5], sizes = [1], strides = [1]} : vector<16xf32> to vector<1xf32>
        %squeeze3A_334 = vector.extract %slice3A_333[0] : f32 from vector<1xf32>
        %get3A_335 = arith.index_cast %scan3A_247 : i32 to index
        %get3A_336 = arith.constant 160 : index
        %get3A_337 = tpu.vector_load %arg14[%get3A_335, %get3A_336] {strides = array<i32>} : memref<80x512xf32, #tpu.memory_space<vmem>>, vector<1x16xf32>,
        %get3A_338 = vector.shape_cast %get3A_337 : vector<1x16xf32> to vector<16xf32>
        %mul3A_339 = vector.broadcast %squeeze3A_334 : f32 to vector<16xf32>
        %mul3A_340 = arith.mulf %mul3A_339, %get3A_338 : vector<16xf32>
        %add3A_341 = arith.addf %add3A_325, %mul3A_340 : vector<16xf32>
        %get3A_342 = arith.index_cast %scan3A_247 : i32 to index
        %get3A_343 = arith.constant 176 : index
        %get3A_344 = tpu.vector_load %arg14[%get3A_342, %get3A_343] {strides = array<i32>} : memref<80x512xf32, #tpu.memory_space<vmem>>, vector<1x16xf32>,
        %get3A_345 = vector.shape_cast %get3A_344 : vector<1x16xf32> to vector<16xf32>
        %mul3A_346 = vector.broadcast %squeeze3A_334 : f32 to vector<16xf32>
        %mul3A_347 = arith.mulf %mul3A_346, %get3A_345 : vector<16xf32>
        %add3A_348 = arith.addf %add3A_332, %mul3A_347 : vector<16xf32>
        %slice3A_349 = vector.extract_strided_slice %get3A_254 {offsets = [6], sizes = [1], strides = [1]} : vector<16xf32> to vector<1xf32>
        %squeeze3A_350 = vector.extract %slice3A_349[0] : f32 from vector<1xf32>
        %get3A_351 = arith.index_cast %scan3A_247 : i32 to index
        %get3A_352 = arith.constant 192 : index
        %get3A_353 = tpu.vector_load %arg14[%get3A_351, %get3A_352] {strides = array<i32>} : memref<80x512xf32, #tpu.memory_space<vmem>>, vector<1x16xf32>,
        %get3A_354 = vector.shape_cast %get3A_353 : vector<1x16xf32> to vector<16xf32>
        %mul3A_355 = vector.broadcast %squeeze3A_350 : f32 to vector<16xf32>
        %mul3A_356 = arith.mulf %mul3A_355, %get3A_354 : vector<16xf32>
        %add3A_357 = arith.addf %add3A_341, %mul3A_356 : vector<16xf32>
        %get3A_358 = arith.index_cast %scan3A_247 : i32 to index
        %get3A_359 = arith.constant 208 : index
        %get3A_360 = tpu.vector_load %arg14[%get3A_358, %get3A_359] {strides = array<i32>} : memref<80x512xf32, #tpu.memory_space<vmem>>, vector<1x16xf32>,
        %get3A_361 = vector.shape_cast %get3A_360 : vector<1x16xf32> to vector<16xf32>
        %mul3A_362 = vector.broadcast %squeeze3A_350 : f32 to vector<16xf32>
        %mul3A_363 = arith.mulf %mul3A_362, %get3A_361 : vector<16xf32>
        %add3A_364 = arith.addf %add3A_348, %mul3A_363 : vector<16xf32>
        %slice3A_365 = vector.extract_strided_slice %get3A_254 {offsets = [7], sizes = [1], strides = [1]} : vector<16xf32> to vector<1xf32>
        %squeeze3A_366 = vector.extract %slice3A_365[0] : f32 from vector<1xf32>
        %get3A_367 = arith.index_cast %scan3A_247 : i32 to index
        %get3A_368 = arith.constant 224 : index
        %get3A_369 = tpu.vector_load %arg14[%get3A_367, %get3A_368] {strides = array<i32>} : memref<80x512xf32, #tpu.memory_space<vmem>>, vector<1x16xf32>,
        %get3A_370 = vector.shape_cast %get3A_369 : vector<1x16xf32> to vector<16xf32>
        %mul3A_371 = vector.broadcast %squeeze3A_366 : f32 to vector<16xf32>
        %mul3A_372 = arith.mulf %mul3A_371, %get3A_370 : vector<16xf32>
        %add3A_373 = arith.addf %add3A_357, %mul3A_372 : vector<16xf32>
        %get3A_374 = arith.index_cast %scan3A_247 : i32 to index
        %get3A_375 = arith.constant 240 : index
        %get3A_376 = tpu.vector_load %arg14[%get3A_374, %get3A_375] {strides = array<i32>} : memref<80x512xf32, #tpu.memory_space<vmem>>, vector<1x16xf32>,
        %get3A_377 = vector.shape_cast %get3A_376 : vector<1x16xf32> to vector<16xf32>
        %mul3A_378 = vector.broadcast %squeeze3A_366 : f32 to vector<16xf32>
        %mul3A_379 = arith.mulf %mul3A_378, %get3A_377 : vector<16xf32>
        %add3A_380 = arith.addf %add3A_364, %mul3A_379 : vector<16xf32>
        %slice3A_381 = vector.extract_strided_slice %get3A_254 {offsets = [8], sizes = [1], strides = [1]} : vector<16xf32> to vector<1xf32>
        %squeeze3A_382 = vector.extract %slice3A_381[0] : f32 from vector<1xf32>
        %get3A_383 = arith.index_cast %scan3A_247 : i32 to index
        %get3A_384 = arith.constant 256 : index
        %get3A_385 = tpu.vector_load %arg14[%get3A_383, %get3A_384] {strides = array<i32>} : memref<80x512xf32, #tpu.memory_space<vmem>>, vector<1x16xf32>,
        %get3A_386 = vector.shape_cast %get3A_385 : vector<1x16xf32> to vector<16xf32>
        %mul3A_387 = vector.broadcast %squeeze3A_382 : f32 to vector<16xf32>
        %mul3A_388 = arith.mulf %mul3A_387, %get3A_386 : vector<16xf32>
        %add3A_389 = arith.addf %add3A_373, %mul3A_388 : vector<16xf32>
        %get3A_390 = arith.index_cast %scan3A_247 : i32 to index
        %get3A_391 = arith.constant 272 : index
        %get3A_392 = tpu.vector_load %arg14[%get3A_390, %get3A_391] {strides = array<i32>} : memref<80x512xf32, #tpu.memory_space<vmem>>, vector<1x16xf32>,
        %get3A_393 = vector.shape_cast %get3A_392 : vector<1x16xf32> to vector<16xf32>
        %mul3A_394 = vector.broadcast %squeeze3A_382 : f32 to vector<16xf32>
        %mul3A_395 = arith.mulf %mul3A_394, %get3A_393 : vector<16xf32>
        %add3A_396 = arith.addf %add3A_380, %mul3A_395 : vector<16xf32>
        %slice3A_397 = vector.extract_strided_slice %get3A_254 {offsets = [9], sizes = [1], strides = [1]} : vector<16xf32> to vector<1xf32>
        %squeeze3A_398 = vector.extract %slice3A_397[0] : f32 from vector<1xf32>
        %get3A_399 = arith.index_cast %scan3A_247 : i32 to index
        %get3A_400 = arith.constant 288 : index
        %get3A_401 = tpu.vector_load %arg14[%get3A_399, %get3A_400] {strides = array<i32>} : memref<80x512xf32, #tpu.memory_space<vmem>>, vector<1x16xf32>,
        %get3A_402 = vector.shape_cast %get3A_401 : vector<1x16xf32> to vector<16xf32>
        %mul3A_403 = vector.broadcast %squeeze3A_398 : f32 to vector<16xf32>
        %mul3A_404 = arith.mulf %mul3A_403, %get3A_402 : vector<16xf32>
        %add3A_405 = arith.addf %add3A_389, %mul3A_404 : vector<16xf32>
        %get3A_406 = arith.index_cast %scan3A_247 : i32 to index
        %get3A_407 = arith.constant 304 : index
        %get3A_408 = tpu.vector_load %arg14[%get3A_406, %get3A_407] {strides = array<i32>} : memref<80x512xf32, #tpu.memory_space<vmem>>, vector<1x16xf32>,
        %get3A_409 = vector.shape_cast %get3A_408 : vector<1x16xf32> to vector<16xf32>
        %mul3A_410 = vector.broadcast %squeeze3A_398 : f32 to vector<16xf32>
        %mul3A_411 = arith.mulf %mul3A_410, %get3A_409 : vector<16xf32>
        %add3A_412 = arith.addf %add3A_396, %mul3A_411 : vector<16xf32>
        %slice3A_413 = vector.extract_strided_slice %get3A_254 {offsets = [10], sizes = [1], strides = [1]} : vector<16xf32> to vector<1xf32>
        %squeeze3A_414 = vector.extract %slice3A_413[0] : f32 from vector<1xf32>
        %get3A_415 = arith.index_cast %scan3A_247 : i32 to index
        %get3A_416 = arith.constant 320 : index
        %get3A_417 = tpu.vector_load %arg14[%get3A_415, %get3A_416] {strides = array<i32>} : memref<80x512xf32, #tpu.memory_space<vmem>>, vector<1x16xf32>,
        %get3A_418 = vector.shape_cast %get3A_417 : vector<1x16xf32> to vector<16xf32>
        %mul3A_419 = vector.broadcast %squeeze3A_414 : f32 to vector<16xf32>
        %mul3A_420 = arith.mulf %mul3A_419, %get3A_418 : vector<16xf32>
        %add3A_421 = arith.addf %add3A_405, %mul3A_420 : vector<16xf32>
        %get3A_422 = arith.index_cast %scan3A_247 : i32 to index
        %get3A_423 = arith.constant 336 : index
        %get3A_424 = tpu.vector_load %arg14[%get3A_422, %get3A_423] {strides = array<i32>} : memref<80x512xf32, #tpu.memory_space<vmem>>, vector<1x16xf32>,
        %get3A_425 = vector.shape_cast %get3A_424 : vector<1x16xf32> to vector<16xf32>
        %mul3A_426 = vector.broadcast %squeeze3A_414 : f32 to vector<16xf32>
        %mul3A_427 = arith.mulf %mul3A_426, %get3A_425 : vector<16xf32>
        %add3A_428 = arith.addf %add3A_412, %mul3A_427 : vector<16xf32>
        %slice3A_429 = vector.extract_strided_slice %get3A_254 {offsets = [11], sizes = [1], strides = [1]} : vector<16xf32> to vector<1xf32>
        %squeeze3A_430 = vector.extract %slice3A_429[0] : f32 from vector<1xf32>
        %get3A_431 = arith.index_cast %scan3A_247 : i32 to index
        %get3A_432 = arith.constant 352 : index
        %get3A_433 = tpu.vector_load %arg14[%get3A_431, %get3A_432] {strides = array<i32>} : memref<80x512xf32, #tpu.memory_space<vmem>>, vector<1x16xf32>,
        %get3A_434 = vector.shape_cast %get3A_433 : vector<1x16xf32> to vector<16xf32>
        %mul3A_435 = vector.broadcast %squeeze3A_430 : f32 to vector<16xf32>
        %mul3A_436 = arith.mulf %mul3A_435, %get3A_434 : vector<16xf32>
        %add3A_437 = arith.addf %add3A_421, %mul3A_436 : vector<16xf32>
        %get3A_438 = arith.index_cast %scan3A_247 : i32 to index
        %get3A_439 = arith.constant 368 : index
        %get3A_440 = tpu.vector_load %arg14[%get3A_438, %get3A_439] {strides = array<i32>} : memref<80x512xf32, #tpu.memory_space<vmem>>, vector<1x16xf32>,
        %get3A_441 = vector.shape_cast %get3A_440 : vector<1x16xf32> to vector<16xf32>
        %mul3A_442 = vector.broadcast %squeeze3A_430 : f32 to vector<16xf32>
        %mul3A_443 = arith.mulf %mul3A_442, %get3A_441 : vector<16xf32>
        %add3A_444 = arith.addf %add3A_428, %mul3A_443 : vector<16xf32>
        %slice3A_445 = vector.extract_strided_slice %get3A_254 {offsets = [12], sizes = [1], strides = [1]} : vector<16xf32> to vector<1xf32>
        %squeeze3A_446 = vector.extract %slice3A_445[0] : f32 from vector<1xf32>
        %get3A_447 = arith.index_cast %scan3A_247 : i32 to index
        %get3A_448 = arith.constant 384 : index
        %get3A_449 = tpu.vector_load %arg14[%get3A_447, %get3A_448] {strides = array<i32>} : memref<80x512xf32, #tpu.memory_space<vmem>>, vector<1x16xf32>,
        %get3A_450 = vector.shape_cast %get3A_449 : vector<1x16xf32> to vector<16xf32>
        %mul3A_451 = vector.broadcast %squeeze3A_446 : f32 to vector<16xf32>
        %mul3A_452 = arith.mulf %mul3A_451, %get3A_450 : vector<16xf32>
        %add3A_453 = arith.addf %add3A_437, %mul3A_452 : vector<16xf32>
        %get3A_454 = arith.index_cast %scan3A_247 : i32 to index
        %get3A_455 = arith.constant 400 : index
        %get3A_456 = tpu.vector_load %arg14[%get3A_454, %get3A_455] {strides = array<i32>} : memref<80x512xf32, #tpu.memory_space<vmem>>, vector<1x16xf32>,
        %get3A_457 = vector.shape_cast %get3A_456 : vector<1x16xf32> to vector<16xf32>
        %mul3A_458 = vector.broadcast %squeeze3A_446 : f32 to vector<16xf32>
        %mul3A_459 = arith.mulf %mul3A_458, %get3A_457 : vector<16xf32>
        %add3A_460 = arith.addf %add3A_444, %mul3A_459 : vector<16xf32>
        %slice3A_461 = vector.extract_strided_slice %get3A_254 {offsets = [13], sizes = [1], strides = [1]} : vector<16xf32> to vector<1xf32>
        %squeeze3A_462 = vector.extract %slice3A_461[0] : f32 from vector<1xf32>
        %get3A_463 = arith.index_cast %scan3A_247 : i32 to index
        %get3A_464 = arith.constant 416 : index
        %get3A_465 = tpu.vector_load %arg14[%get3A_463, %get3A_464] {strides = array<i32>} : memref<80x512xf32, #tpu.memory_space<vmem>>, vector<1x16xf32>,
        %get3A_466 = vector.shape_cast %get3A_465 : vector<1x16xf32> to vector<16xf32>
        %mul3A_467 = vector.broadcast %squeeze3A_462 : f32 to vector<16xf32>
        %mul3A_468 = arith.mulf %mul3A_467, %get3A_466 : vector<16xf32>
        %add3A_469 = arith.addf %add3A_453, %mul3A_468 : vector<16xf32>
        %get3A_470 = arith.index_cast %scan3A_247 : i32 to index
        %get3A_471 = arith.constant 432 : index
        %get3A_472 = tpu.vector_load %arg14[%get3A_470, %get3A_471] {strides = array<i32>} : memref<80x512xf32, #tpu.memory_space<vmem>>, vector<1x16xf32>,
        %get3A_473 = vector.shape_cast %get3A_472 : vector<1x16xf32> to vector<16xf32>
        %mul3A_474 = vector.broadcast %squeeze3A_462 : f32 to vector<16xf32>
        %mul3A_475 = arith.mulf %mul3A_474, %get3A_473 : vector<16xf32>
        %add3A_476 = arith.addf %add3A_460, %mul3A_475 : vector<16xf32>
        %slice3A_477 = vector.extract_strided_slice %get3A_254 {offsets = [14], sizes = [1], strides = [1]} : vector<16xf32> to vector<1xf32>
        %squeeze3A_478 = vector.extract %slice3A_477[0] : f32 from vector<1xf32>
        %get3A_479 = arith.index_cast %scan3A_247 : i32 to index
        %get3A_480 = arith.constant 448 : index
        %get3A_481 = tpu.vector_load %arg14[%get3A_479, %get3A_480] {strides = array<i32>} : memref<80x512xf32, #tpu.memory_space<vmem>>, vector<1x16xf32>,
        %get3A_482 = vector.shape_cast %get3A_481 : vector<1x16xf32> to vector<16xf32>
        %mul3A_483 = vector.broadcast %squeeze3A_478 : f32 to vector<16xf32>
        %mul3A_484 = arith.mulf %mul3A_483, %get3A_482 : vector<16xf32>
        %add3A_485 = arith.addf %add3A_469, %mul3A_484 : vector<16xf32>
        %get3A_486 = arith.index_cast %scan3A_247 : i32 to index
        %get3A_487 = arith.constant 464 : index
        %get3A_488 = tpu.vector_load %arg14[%get3A_486, %get3A_487] {strides = array<i32>} : memref<80x512xf32, #tpu.memory_space<vmem>>, vector<1x16xf32>,
        %get3A_489 = vector.shape_cast %get3A_488 : vector<1x16xf32> to vector<16xf32>
        %mul3A_490 = vector.broadcast %squeeze3A_478 : f32 to vector<16xf32>
        %mul3A_491 = arith.mulf %mul3A_490, %get3A_489 : vector<16xf32>
        %add3A_492 = arith.addf %add3A_476, %mul3A_491 : vector<16xf32>
        %slice3A_493 = vector.extract_strided_slice %get3A_254 {offsets = [15], sizes = [1], strides = [1]} : vector<16xf32> to vector<1xf32>
        %squeeze3A_494 = vector.extract %slice3A_493[0] : f32 from vector<1xf32>
        %get3A_495 = arith.index_cast %scan3A_247 : i32 to index
        %get3A_496 = arith.constant 480 : index
        %get3A_497 = tpu.vector_load %arg14[%get3A_495, %get3A_496] {strides = array<i32>} : memref<80x512xf32, #tpu.memory_space<vmem>>, vector<1x16xf32>,
        %get3A_498 = vector.shape_cast %get3A_497 : vector<1x16xf32> to vector<16xf32>
        %mul3A_499 = vector.broadcast %squeeze3A_494 : f32 to vector<16xf32>
        %mul3A_500 = arith.mulf %mul3A_499, %get3A_498 : vector<16xf32>
        %add3A_501 = arith.addf %add3A_485, %mul3A_500 : vector<16xf32>
        %get3A_502 = arith.index_cast %scan3A_247 : i32 to index
        %get3A_503 = arith.constant 496 : index
        %get3A_504 = tpu.vector_load %arg14[%get3A_502, %get3A_503] {strides = array<i32>} : memref<80x512xf32, #tpu.memory_space<vmem>>, vector<1x16xf32>,
        %get3A_505 = vector.shape_cast %get3A_504 : vector<1x16xf32> to vector<16xf32>
        %mul3A_506 = vector.broadcast %squeeze3A_494 : f32 to vector<16xf32>
        %mul3A_507 = arith.mulf %mul3A_506, %get3A_505 : vector<16xf32>
        %add3A_508 = arith.addf %add3A_492, %mul3A_507 : vector<16xf32>
        %swap3A = arith.index_cast %scan3A_247 : i32 to index
        %swap3A_509 = arith.constant 0 : index
        %swap3A_510 = tpu.vector_load %arg15[%swap3A, %swap3A_509] {strides = array<i32>} : memref<80x32xf32, #tpu.memory_space<vmem>>, vector<1x16xf32>,
        %swap3A_511 = vector.shape_cast %swap3A_510 : vector<1x16xf32> to vector<16xf32>
        %swap3A_512 = vector.shape_cast %add3A_501 : vector<16xf32> to vector<1x16xf32>
        tpu.vector_store %arg15[%swap3A, %swap3A_509], %swap3A_512 {strides = array<i32>} : memref<80x32xf32, #tpu.memory_space<vmem>>, vector<1x16xf32>,
        %swap3A_513 = arith.index_cast %scan3A_247 : i32 to index
        %swap3A_514 = arith.constant 16 : index
        %swap3A_515 = tpu.vector_load %arg15[%swap3A_513, %swap3A_514] {strides = array<i32>} : memref<80x32xf32, #tpu.memory_space<vmem>>, vector<1x16xf32>,
        %swap3A_516 = vector.shape_cast %swap3A_515 : vector<1x16xf32> to vector<16xf32>
        %swap3A_517 = vector.shape_cast %add3A_508 : vector<16xf32> to vector<1x16xf32>
        tpu.vector_store %arg15[%swap3A_513, %swap3A_514], %swap3A_517 {strides = array<i32>} : memref<80x32xf32, #tpu.memory_space<vmem>>, vector<1x16xf32>,
      }
      %scan3A_216 = arith.constant 80 : i32
      "tpu.region"() ({
        %run_scoped3A = tpu.sem_alloc : memref<!tpu.dma_semaphore, #tpu.memory_space<semaphore_mem>>
        %dma_start3A_247 = arith.constant 0 : i32
        %dma_start3A_248 = arith.constant 0 : i32
        %dma_start3A_249 = tpu.memref_slice %arg17[%dma_start3A_247, %dma_start3A_248] : memref<10240x32xf32, #tpu.memory_space<vmem_shared>> -> memref<10240x32xf32, #tpu.memory_space<vmem_shared>>
        tpu.enqueue_indirect_dma source(%arg15 : memref<80x32xf32, #tpu.memory_space<vmem>>) target(%dma_start3A_249 : memref<10240x32xf32, #tpu.memory_space<vmem_shared>>) offsets(%arg12 : memref<80xi32, #tpu.memory_space<vmem>>) semaphore(%run_scoped3A : memref<!tpu.dma_semaphore, #tpu.memory_space<semaphore_mem>>) {add = true}
        %dma_wait3A_250 = arith.constant 0 : i32
        %dma_wait3A_251 = arith.constant 0 : i32
        %dma_wait3A_252 = tpu.memref_slice %arg17[%dma_wait3A_250, %dma_wait3A_251] : memref<10240x32xf32, #tpu.memory_space<vmem_shared>> -> memref<10240x32xf32, #tpu.memory_space<vmem_shared>>
        tpu.wait_indirect_dma semaphore(%run_scoped3A : memref<!tpu.dma_semaphore, #tpu.memory_space<semaphore_mem>>) src(%arg15 : memref<80x32xf32, #tpu.memory_space<vmem>>) dst(%dma_wait3A_252 : memref<10240x32xf32, #tpu.memory_space<vmem_shared>>)
        tpu.yield
      }) : () -> ()
      %add3A_217 = arith.constant 2 : i32
      %add3A_218 = arith.addi %add3A_174, %add3A_217 : i32
      %jit3A_219 = arith.constant 125 : i32
      %eq3A_220 = arith.constant 0 : i32
      %eq3A_221 = arith.cmpi eq, %jit3A_219, %eq3A_220 : i32
      %jit3A_222 = arith.constant 1 : i32
      %select_n3A_223 = arith.select %eq3A_221, %jit3A_222, %jit3A_219 : i32
      %rem3A_224 = arith.remsi %add3A_218, %select_n3A_223 : i32
      %ne3A_225 = arith.constant 0 : i32
      %ne3A_226 = arith.cmpi ne, %rem3A_224, %ne3A_225 : i32
      %lt3A_227 = arith.constant 0 : i32
      %lt3A_228 = arith.cmpi slt, %rem3A_224, %lt3A_227 : i32
      %lt3A_229 = arith.constant 0 : i32
      %lt3A_230 = arith.cmpi slt, %select_n3A_223, %lt3A_229 : i32
      %ne3A_231 = arith.xori %lt3A_228, %lt3A_230 : i1
      %and3A_232 = arith.andi %ne3A_231, %ne3A_226 : i1
      %add3A_233 = arith.addi %rem3A_224, %select_n3A_223 : i32
      %select_n3A_234 = arith.select %and3A_232, %add3A_233, %rem3A_224 : i32
      %mul3A_235 = arith.constant 80 : i32
      %mul3A_236 = arith.muli %select_n3A_234, %mul3A_235 : i32
      %add3A_237 = arith.addi %mul3A_10, %mul3A_236 : i32
      %multiple_of3A_238 = tpu.assume_multiple %add3A_237, 8 : i32
      %dma_start3A_239 = tpu.memref_slice %arg4[%multiple_of3A_238] : memref<320000xi32, #tpu.memory_space<hbm>> -> memref<80xi32, #tpu.memory_space<hbm>>
      %dma_start3A_240 = tpu.memref_slice %arg4[%multiple_of3A_238] : memref<320000xi32, #tpu.memory_space<hbm>> -> memref<80xi32, #tpu.memory_space<hbm>>
      tpu.enqueue_dma source(%dma_start3A_240 : memref<80xi32, #tpu.memory_space<hbm>>) target(%arg11 : memref<80xi32, #tpu.memory_space<vmem>>) target_semaphore(%arg20 : memref<!tpu.dma_semaphore, #tpu.memory_space<semaphore_mem>>)
      %dma_start3A_241 = tpu.memref_slice %arg5[%multiple_of3A_238] : memref<320000xi32, #tpu.memory_space<hbm>> -> memref<80xi32, #tpu.memory_space<hbm>>
      %dma_start3A_242 = tpu.memref_slice %arg5[%multiple_of3A_238] : memref<320000xi32, #tpu.memory_space<hbm>> -> memref<80xi32, #tpu.memory_space<hbm>>
      tpu.enqueue_dma source(%dma_start3A_242 : memref<80xi32, #tpu.memory_space<hbm>>) target(%arg12 : memref<80xi32, #tpu.memory_space<vmem>>) target_semaphore(%arg20 : memref<!tpu.dma_semaphore, #tpu.memory_space<semaphore_mem>>)
      %dma_start3A_243 = arith.constant 0 : i32
      %dma_start3A_244 = tpu.memref_slice %arg3[%multiple_of3A_238, %dma_start3A_243] : memref<320000x16xf32, #tpu.memory_space<hbm>> -> memref<80x16xf32, #tpu.memory_space<hbm>>
      %dma_start3A_245 = arith.constant 0 : i32
      %dma_start3A_246 = tpu.memref_slice %arg3[%multiple_of3A_238, %dma_start3A_245] : memref<320000x16xf32, #tpu.memory_space<hbm>> -> memref<80x16xf32, #tpu.memory_space<hbm>>
      tpu.enqueue_dma source(%dma_start3A_246 : memref<80x16xf32, #tpu.memory_space<hbm>>) target(%arg13 : memref<80x16xf32, #tpu.memory_space<vmem>>) target_semaphore(%arg20 : memref<!tpu.dma_semaphore, #tpu.memory_space<semaphore_mem>>)
    }
    %scan3A_49 = arith.constant 62 : i32
    %add3A_50 = arith.constant 0 : i32
    %add3A_51 = arith.addi %mul3A_10, %add3A_50 : i32
    %multiple_of3A_52 = tpu.assume_multiple %add3A_51, 8 : i32
    %dma_wait3A_53 = tpu.memref_slice %arg4[%multiple_of3A_52] : memref<320000xi32, #tpu.memory_space<hbm>> -> memref<80xi32, #tpu.memory_space<hbm>>
    %dma_wait3A_54 = tpu.memref_slice %arg4[%multiple_of3A_52] : memref<320000xi32, #tpu.memory_space<hbm>> -> memref<80xi32, #tpu.memory_space<hbm>>
    tpu.wait_dma2 semaphore(%arg20 : memref<!tpu.dma_semaphore, #tpu.memory_space<semaphore_mem>>) src(%dma_wait3A_54 : memref<80xi32, #tpu.memory_space<hbm>>) dst(%arg11 : memref<80xi32, #tpu.memory_space<vmem>>)
    %dma_wait3A_55 = tpu.memref_slice %arg5[%multiple_of3A_52] : memref<320000xi32, #tpu.memory_space<hbm>> -> memref<80xi32, #tpu.memory_space<hbm>>
    %dma_wait3A_56 = tpu.memref_slice %arg5[%multiple_of3A_52] : memref<320000xi32, #tpu.memory_space<hbm>> -> memref<80xi32, #tpu.memory_space<hbm>>
    tpu.wait_dma2 semaphore(%arg20 : memref<!tpu.dma_semaphore, #tpu.memory_space<semaphore_mem>>) src(%dma_wait3A_56 : memref<80xi32, #tpu.memory_space<hbm>>) dst(%arg12 : memref<80xi32, #tpu.memory_space<vmem>>)
    %dma_wait3A_57 = arith.constant 0 : i32
    %dma_wait3A_58 = tpu.memref_slice %arg3[%multiple_of3A_52, %dma_wait3A_57] : memref<320000x16xf32, #tpu.memory_space<hbm>> -> memref<80x16xf32, #tpu.memory_space<hbm>>
    %dma_wait3A_59 = arith.constant 0 : i32
    %dma_wait3A_60 = tpu.memref_slice %arg3[%multiple_of3A_52, %dma_wait3A_59] : memref<320000x16xf32, #tpu.memory_space<hbm>> -> memref<80x16xf32, #tpu.memory_space<hbm>>
    tpu.wait_dma2 semaphore(%arg20 : memref<!tpu.dma_semaphore, #tpu.memory_space<semaphore_mem>>) src(%dma_wait3A_60 : memref<80x16xf32, #tpu.memory_space<hbm>>) dst(%arg13 : memref<80x16xf32, #tpu.memory_space<vmem>>)
    %dma_wait3A_61 = arith.constant 0 : i32
    %dma_wait3A_62 = arith.constant 0 : i32
    %dma_wait3A_63 = tpu.memref_slice %arg2[%dma_wait3A_61, %dma_wait3A_62] : memref<10000x512xf32, #tpu.memory_space<hbm>> -> memref<10000x512xf32, #tpu.memory_space<hbm>>
    tpu.wait_indirect_dma semaphore(%arg18 : memref<!tpu.dma_semaphore, #tpu.memory_space<semaphore_mem>>) src(%dma_wait3A_63 : memref<10000x512xf32, #tpu.memory_space<hbm>>) dst(%arg10 : memref<80x512xf32, #tpu.memory_space<vmem>>)
    %dma_start3A_64 = arith.constant 0 : i32
    %dma_start3A_65 = arith.constant 0 : i32
    %dma_start3A_66 = tpu.memref_slice %arg2[%dma_start3A_64, %dma_start3A_65] : memref<10000x512xf32, #tpu.memory_space<hbm>> -> memref<10000x512xf32, #tpu.memory_space<hbm>>
    tpu.enqueue_indirect_dma source(%dma_start3A_66 : memref<10000x512xf32, #tpu.memory_space<hbm>>) target(%arg14 : memref<80x512xf32, #tpu.memory_space<vmem>>) offsets(%arg11 : memref<80xi32, #tpu.memory_space<vmem>>) semaphore(%arg19 : memref<!tpu.dma_semaphore, #tpu.memory_space<semaphore_mem>>)
    %scan3A_67 = arith.constant 0 : i32
    %scan3A_68 = arith.constant 0 : i32
    %scan3A_69 = arith.constant 80 : i32
    %scan3A_70 = arith.addi %scan3A_68, %scan3A_69 : i32
    %scan3A_71 = arith.constant 1 : i32
    scf.for %scan3A_103 = %scan3A_68 to %scan3A_70 step %scan3A_71  : i32 {
      %broadcast_in_dim3A_104 = arith.constant 0.000000e+00 : f32
      %broadcast_in_dim3A_105 = vector.broadcast %broadcast_in_dim3A_104 : f32 to vector<16xf32>
      %broadcast_in_dim3A_106 = arith.constant 0.000000e+00 : f32
      %broadcast_in_dim3A_107 = vector.broadcast %broadcast_in_dim3A_106 : f32 to vector<16xf32>
      %get3A = arith.index_cast %scan3A_103 : i32 to index
      %get3A_108 = arith.constant 0 : index
      %get3A_109 = tpu.vector_load %arg9[%get3A, %get3A_108] {strides = array<i32>} : memref<80x16xf32, #tpu.memory_space<vmem>>, vector<1x16xf32>,
      %get3A_110 = vector.shape_cast %get3A_109 : vector<1x16xf32> to vector<16xf32>
      %slice3A = vector.extract_strided_slice %get3A_110 {offsets = [0], sizes = [1], strides = [1]} : vector<16xf32> to vector<1xf32>
      %squeeze3A = vector.extract %slice3A[0] : f32 from vector<1xf32>
      %get3A_111 = arith.index_cast %scan3A_103 : i32 to index
      %get3A_112 = arith.constant 0 : index
      %get3A_113 = tpu.vector_load %arg10[%get3A_111, %get3A_112] {strides = array<i32>} : memref<80x512xf32, #tpu.memory_space<vmem>>, vector<1x16xf32>,
      %get3A_114 = vector.shape_cast %get3A_113 : vector<1x16xf32> to vector<16xf32>
      %mul3A_115 = vector.broadcast %squeeze3A : f32 to vector<16xf32>
      %mul3A_116 = arith.mulf %mul3A_115, %get3A_114 : vector<16xf32>
      %add3A_117 = arith.addf %broadcast_in_dim3A_105, %mul3A_116 : vector<16xf32>
      %get3A_118 = arith.index_cast %scan3A_103 : i32 to index
      %get3A_119 = arith.constant 16 : index
      %get3A_120 = tpu.vector_load %arg10[%get3A_118, %get3A_119] {strides = array<i32>} : memref<80x512xf32, #tpu.memory_space<vmem>>, vector<1x16xf32>,
      %get3A_121 = vector.shape_cast %get3A_120 : vector<1x16xf32> to vector<16xf32>
      %mul3A_122 = vector.broadcast %squeeze3A : f32 to vector<16xf32>
      %mul3A_123 = arith.mulf %mul3A_122, %get3A_121 : vector<16xf32>
      %add3A_124 = arith.addf %broadcast_in_dim3A_107, %mul3A_123 : vector<16xf32>
      %slice3A_125 = vector.extract_strided_slice %get3A_110 {offsets = [1], sizes = [1], strides = [1]} : vector<16xf32> to vector<1xf32>
      %squeeze3A_126 = vector.extract %slice3A_125[0] : f32 from vector<1xf32>
      %get3A_127 = arith.index_cast %scan3A_103 : i32 to index
      %get3A_128 = arith.constant 32 : index
      %get3A_129 = tpu.vector_load %arg10[%get3A_127, %get3A_128] {strides = array<i32>} : memref<80x512xf32, #tpu.memory_space<vmem>>, vector<1x16xf32>,
      %get3A_130 = vector.shape_cast %get3A_129 : vector<1x16xf32> to vector<16xf32>
      %mul3A_131 = vector.broadcast %squeeze3A_126 : f32 to vector<16xf32>
      %mul3A_132 = arith.mulf %mul3A_131, %get3A_130 : vector<16xf32>
      %add3A_133 = arith.addf %add3A_117, %mul3A_132 : vector<16xf32>
      %get3A_134 = arith.index_cast %scan3A_103 : i32 to index
      %get3A_135 = arith.constant 48 : index
      %get3A_136 = tpu.vector_load %arg10[%get3A_134, %get3A_135] {strides = array<i32>} : memref<80x512xf32, #tpu.memory_space<vmem>>, vector<1x16xf32>,
      %get3A_137 = vector.shape_cast %get3A_136 : vector<1x16xf32> to vector<16xf32>
      %mul3A_138 = vector.broadcast %squeeze3A_126 : f32 to vector<16xf32>
      %mul3A_139 = arith.mulf %mul3A_138, %get3A_137 : vector<16xf32>
      %add3A_140 = arith.addf %add3A_124, %mul3A_139 : vector<16xf32>
      %slice3A_141 = vector.extract_strided_slice %get3A_110 {offsets = [2], sizes = [1], strides = [1]} : vector<16xf32> to vector<1xf32>
      %squeeze3A_142 = vector.extract %slice3A_141[0] : f32 from vector<1xf32>
      %get3A_143 = arith.index_cast %scan3A_103 : i32 to index
      %get3A_144 = arith.constant 64 : index
      %get3A_145 = tpu.vector_load %arg10[%get3A_143, %get3A_144] {strides = array<i32>} : memref<80x512xf32, #tpu.memory_space<vmem>>, vector<1x16xf32>,
      %get3A_146 = vector.shape_cast %get3A_145 : vector<1x16xf32> to vector<16xf32>
      %mul3A_147 = vector.broadcast %squeeze3A_142 : f32 to vector<16xf32>
      %mul3A_148 = arith.mulf %mul3A_147, %get3A_146 : vector<16xf32>
      %add3A_149 = arith.addf %add3A_133, %mul3A_148 : vector<16xf32>
      %get3A_150 = arith.index_cast %scan3A_103 : i32 to index
      %get3A_151 = arith.constant 80 : index
      %get3A_152 = tpu.vector_load %arg10[%get3A_150, %get3A_151] {strides = array<i32>} : memref<80x512xf32, #tpu.memory_space<vmem>>, vector<1x16xf32>,
      %get3A_153 = vector.shape_cast %get3A_152 : vector<1x16xf32> to vector<16xf32>
      %mul3A_154 = vector.broadcast %squeeze3A_142 : f32 to vector<16xf32>
      %mul3A_155 = arith.mulf %mul3A_154, %get3A_153 : vector<16xf32>
      %add3A_156 = arith.addf %add3A_140, %mul3A_155 : vector<16xf32>
      %slice3A_157 = vector.extract_strided_slice %get3A_110 {offsets = [3], sizes = [1], strides = [1]} : vector<16xf32> to vector<1xf32>
      %squeeze3A_158 = vector.extract %slice3A_157[0] : f32 from vector<1xf32>
      %get3A_159 = arith.index_cast %scan3A_103 : i32 to index
      %get3A_160 = arith.constant 96 : index
      %get3A_161 = tpu.vector_load %arg10[%get3A_159, %get3A_160] {strides = array<i32>} : memref<80x512xf32, #tpu.memory_space<vmem>>, vector<1x16xf32>,
      %get3A_162 = vector.shape_cast %get3A_161 : vector<1x16xf32> to vector<16xf32>
      %mul3A_163 = vector.broadcast %squeeze3A_158 : f32 to vector<16xf32>
      %mul3A_164 = arith.mulf %mul3A_163, %get3A_162 : vector<16xf32>
      %add3A_165 = arith.addf %add3A_149, %mul3A_164 : vector<16xf32>
      %get3A_166 = arith.index_cast %scan3A_103 : i32 to index
      %get3A_167 = arith.constant 112 : index
      %get3A_168 = tpu.vector_load %arg10[%get3A_166, %get3A_167] {strides = array<i32>} : memref<80x512xf32, #tpu.memory_space<vmem>>, vector<1x16xf32>,
      %get3A_169 = vector.shape_cast %get3A_168 : vector<1x16xf32> to vector<16xf32>
      %mul3A_170 = vector.broadcast %squeeze3A_158 : f32 to vector<16xf32>
      %mul3A_171 = arith.mulf %mul3A_170, %get3A_169 : vector<16xf32>
      %add3A_172 = arith.addf %add3A_156, %mul3A_171 : vector<16xf32>
      %slice3A_173 = vector.extract_strided_slice %get3A_110 {offsets = [4], sizes = [1], strides = [1]} : vector<16xf32> to vector<1xf32>
      %squeeze3A_174 = vector.extract %slice3A_173[0] : f32 from vector<1xf32>
      %get3A_175 = arith.index_cast %scan3A_103 : i32 to index
      %get3A_176 = arith.constant 128 : index
      %get3A_177 = tpu.vector_load %arg10[%get3A_175, %get3A_176] {strides = array<i32>} : memref<80x512xf32, #tpu.memory_space<vmem>>, vector<1x16xf32>,
      %get3A_178 = vector.shape_cast %get3A_177 : vector<1x16xf32> to vector<16xf32>
      %mul3A_179 = vector.broadcast %squeeze3A_174 : f32 to vector<16xf32>
      %mul3A_180 = arith.mulf %mul3A_179, %get3A_178 : vector<16xf32>
      %add3A_181 = arith.addf %add3A_165, %mul3A_180 : vector<16xf32>
      %get3A_182 = arith.index_cast %scan3A_103 : i32 to index
      %get3A_183 = arith.constant 144 : index
      %get3A_184 = tpu.vector_load %arg10[%get3A_182, %get3A_183] {strides = array<i32>} : memref<80x512xf32, #tpu.memory_space<vmem>>, vector<1x16xf32>,
      %get3A_185 = vector.shape_cast %get3A_184 : vector<1x16xf32> to vector<16xf32>
      %mul3A_186 = vector.broadcast %squeeze3A_174 : f32 to vector<16xf32>
      %mul3A_187 = arith.mulf %mul3A_186, %get3A_185 : vector<16xf32>
      %add3A_188 = arith.addf %add3A_172, %mul3A_187 : vector<16xf32>
      %slice3A_189 = vector.extract_strided_slice %get3A_110 {offsets = [5], sizes = [1], strides = [1]} : vector<16xf32> to vector<1xf32>
      %squeeze3A_190 = vector.extract %slice3A_189[0] : f32 from vector<1xf32>
      %get3A_191 = arith.index_cast %scan3A_103 : i32 to index
      %get3A_192 = arith.constant 160 : index
      %get3A_193 = tpu.vector_load %arg10[%get3A_191, %get3A_192] {strides = array<i32>} : memref<80x512xf32, #tpu.memory_space<vmem>>, vector<1x16xf32>,
      %get3A_194 = vector.shape_cast %get3A_193 : vector<1x16xf32> to vector<16xf32>
      %mul3A_195 = vector.broadcast %squeeze3A_190 : f32 to vector<16xf32>
      %mul3A_196 = arith.mulf %mul3A_195, %get3A_194 : vector<16xf32>
      %add3A_197 = arith.addf %add3A_181, %mul3A_196 : vector<16xf32>
      %get3A_198 = arith.index_cast %scan3A_103 : i32 to index
      %get3A_199 = arith.constant 176 : index
      %get3A_200 = tpu.vector_load %arg10[%get3A_198, %get3A_199] {strides = array<i32>} : memref<80x512xf32, #tpu.memory_space<vmem>>, vector<1x16xf32>,
      %get3A_201 = vector.shape_cast %get3A_200 : vector<1x16xf32> to vector<16xf32>
      %mul3A_202 = vector.broadcast %squeeze3A_190 : f32 to vector<16xf32>
      %mul3A_203 = arith.mulf %mul3A_202, %get3A_201 : vector<16xf32>
      %add3A_204 = arith.addf %add3A_188, %mul3A_203 : vector<16xf32>
      %slice3A_205 = vector.extract_strided_slice %get3A_110 {offsets = [6], sizes = [1], strides = [1]} : vector<16xf32> to vector<1xf32>
      %squeeze3A_206 = vector.extract %slice3A_205[0] : f32 from vector<1xf32>
      %get3A_207 = arith.index_cast %scan3A_103 : i32 to index
      %get3A_208 = arith.constant 192 : index
      %get3A_209 = tpu.vector_load %arg10[%get3A_207, %get3A_208] {strides = array<i32>} : memref<80x512xf32, #tpu.memory_space<vmem>>, vector<1x16xf32>,
      %get3A_210 = vector.shape_cast %get3A_209 : vector<1x16xf32> to vector<16xf32>
      %mul3A_211 = vector.broadcast %squeeze3A_206 : f32 to vector<16xf32>
      %mul3A_212 = arith.mulf %mul3A_211, %get3A_210 : vector<16xf32>
      %add3A_213 = arith.addf %add3A_197, %mul3A_212 : vector<16xf32>
      %get3A_214 = arith.index_cast %scan3A_103 : i32 to index
      %get3A_215 = arith.constant 208 : index
      %get3A_216 = tpu.vector_load %arg10[%get3A_214, %get3A_215] {strides = array<i32>} : memref<80x512xf32, #tpu.memory_space<vmem>>, vector<1x16xf32>,
      %get3A_217 = vector.shape_cast %get3A_216 : vector<1x16xf32> to vector<16xf32>
      %mul3A_218 = vector.broadcast %squeeze3A_206 : f32 to vector<16xf32>
      %mul3A_219 = arith.mulf %mul3A_218, %get3A_217 : vector<16xf32>
      %add3A_220 = arith.addf %add3A_204, %mul3A_219 : vector<16xf32>
      %slice3A_221 = vector.extract_strided_slice %get3A_110 {offsets = [7], sizes = [1], strides = [1]} : vector<16xf32> to vector<1xf32>
      %squeeze3A_222 = vector.extract %slice3A_221[0] : f32 from vector<1xf32>
      %get3A_223 = arith.index_cast %scan3A_103 : i32 to index
      %get3A_224 = arith.constant 224 : index
      %get3A_225 = tpu.vector_load %arg10[%get3A_223, %get3A_224] {strides = array<i32>} : memref<80x512xf32, #tpu.memory_space<vmem>>, vector<1x16xf32>,
      %get3A_226 = vector.shape_cast %get3A_225 : vector<1x16xf32> to vector<16xf32>
      %mul3A_227 = vector.broadcast %squeeze3A_222 : f32 to vector<16xf32>
      %mul3A_228 = arith.mulf %mul3A_227, %get3A_226 : vector<16xf32>
      %add3A_229 = arith.addf %add3A_213, %mul3A_228 : vector<16xf32>
      %get3A_230 = arith.index_cast %scan3A_103 : i32 to index
      %get3A_231 = arith.constant 240 : index
      %get3A_232 = tpu.vector_load %arg10[%get3A_230, %get3A_231] {strides = array<i32>} : memref<80x512xf32, #tpu.memory_space<vmem>>, vector<1x16xf32>,
      %get3A_233 = vector.shape_cast %get3A_232 : vector<1x16xf32> to vector<16xf32>
      %mul3A_234 = vector.broadcast %squeeze3A_222 : f32 to vector<16xf32>
      %mul3A_235 = arith.mulf %mul3A_234, %get3A_233 : vector<16xf32>
      %add3A_236 = arith.addf %add3A_220, %mul3A_235 : vector<16xf32>
      %slice3A_237 = vector.extract_strided_slice %get3A_110 {offsets = [8], sizes = [1], strides = [1]} : vector<16xf32> to vector<1xf32>
      %squeeze3A_238 = vector.extract %slice3A_237[0] : f32 from vector<1xf32>
      %get3A_239 = arith.index_cast %scan3A_103 : i32 to index
      %get3A_240 = arith.constant 256 : index
      %get3A_241 = tpu.vector_load %arg10[%get3A_239, %get3A_240] {strides = array<i32>} : memref<80x512xf32, #tpu.memory_space<vmem>>, vector<1x16xf32>,
      %get3A_242 = vector.shape_cast %get3A_241 : vector<1x16xf32> to vector<16xf32>
      %mul3A_243 = vector.broadcast %squeeze3A_238 : f32 to vector<16xf32>
      %mul3A_244 = arith.mulf %mul3A_243, %get3A_242 : vector<16xf32>
      %add3A_245 = arith.addf %add3A_229, %mul3A_244 : vector<16xf32>
      %get3A_246 = arith.index_cast %scan3A_103 : i32 to index
      %get3A_247 = arith.constant 272 : index
      %get3A_248 = tpu.vector_load %arg10[%get3A_246, %get3A_247] {strides = array<i32>} : memref<80x512xf32, #tpu.memory_space<vmem>>, vector<1x16xf32>,
      %get3A_249 = vector.shape_cast %get3A_248 : vector<1x16xf32> to vector<16xf32>
      %mul3A_250 = vector.broadcast %squeeze3A_238 : f32 to vector<16xf32>
      %mul3A_251 = arith.mulf %mul3A_250, %get3A_249 : vector<16xf32>
      %add3A_252 = arith.addf %add3A_236, %mul3A_251 : vector<16xf32>
      %slice3A_253 = vector.extract_strided_slice %get3A_110 {offsets = [9], sizes = [1], strides = [1]} : vector<16xf32> to vector<1xf32>
      %squeeze3A_254 = vector.extract %slice3A_253[0] : f32 from vector<1xf32>
      %get3A_255 = arith.index_cast %scan3A_103 : i32 to index
      %get3A_256 = arith.constant 288 : index
      %get3A_257 = tpu.vector_load %arg10[%get3A_255, %get3A_256] {strides = array<i32>} : memref<80x512xf32, #tpu.memory_space<vmem>>, vector<1x16xf32>,
      %get3A_258 = vector.shape_cast %get3A_257 : vector<1x16xf32> to vector<16xf32>
      %mul3A_259 = vector.broadcast %squeeze3A_254 : f32 to vector<16xf32>
      %mul3A_260 = arith.mulf %mul3A_259, %get3A_258 : vector<16xf32>
      %add3A_261 = arith.addf %add3A_245, %mul3A_260 : vector<16xf32>
      %get3A_262 = arith.index_cast %scan3A_103 : i32 to index
      %get3A_263 = arith.constant 304 : index
      %get3A_264 = tpu.vector_load %arg10[%get3A_262, %get3A_263] {strides = array<i32>} : memref<80x512xf32, #tpu.memory_space<vmem>>, vector<1x16xf32>,
      %get3A_265 = vector.shape_cast %get3A_264 : vector<1x16xf32> to vector<16xf32>
      %mul3A_266 = vector.broadcast %squeeze3A_254 : f32 to vector<16xf32>
      %mul3A_267 = arith.mulf %mul3A_266, %get3A_265 : vector<16xf32>
      %add3A_268 = arith.addf %add3A_252, %mul3A_267 : vector<16xf32>
      %slice3A_269 = vector.extract_strided_slice %get3A_110 {offsets = [10], sizes = [1], strides = [1]} : vector<16xf32> to vector<1xf32>
      %squeeze3A_270 = vector.extract %slice3A_269[0] : f32 from vector<1xf32>
      %get3A_271 = arith.index_cast %scan3A_103 : i32 to index
      %get3A_272 = arith.constant 320 : index
      %get3A_273 = tpu.vector_load %arg10[%get3A_271, %get3A_272] {strides = array<i32>} : memref<80x512xf32, #tpu.memory_space<vmem>>, vector<1x16xf32>,
      %get3A_274 = vector.shape_cast %get3A_273 : vector<1x16xf32> to vector<16xf32>
      %mul3A_275 = vector.broadcast %squeeze3A_270 : f32 to vector<16xf32>
      %mul3A_276 = arith.mulf %mul3A_275, %get3A_274 : vector<16xf32>
      %add3A_277 = arith.addf %add3A_261, %mul3A_276 : vector<16xf32>
      %get3A_278 = arith.index_cast %scan3A_103 : i32 to index
      %get3A_279 = arith.constant 336 : index
      %get3A_280 = tpu.vector_load %arg10[%get3A_278, %get3A_279] {strides = array<i32>} : memref<80x512xf32, #tpu.memory_space<vmem>>, vector<1x16xf32>,
      %get3A_281 = vector.shape_cast %get3A_280 : vector<1x16xf32> to vector<16xf32>
      %mul3A_282 = vector.broadcast %squeeze3A_270 : f32 to vector<16xf32>
      %mul3A_283 = arith.mulf %mul3A_282, %get3A_281 : vector<16xf32>
      %add3A_284 = arith.addf %add3A_268, %mul3A_283 : vector<16xf32>
      %slice3A_285 = vector.extract_strided_slice %get3A_110 {offsets = [11], sizes = [1], strides = [1]} : vector<16xf32> to vector<1xf32>
      %squeeze3A_286 = vector.extract %slice3A_285[0] : f32 from vector<1xf32>
      %get3A_287 = arith.index_cast %scan3A_103 : i32 to index
      %get3A_288 = arith.constant 352 : index
      %get3A_289 = tpu.vector_load %arg10[%get3A_287, %get3A_288] {strides = array<i32>} : memref<80x512xf32, #tpu.memory_space<vmem>>, vector<1x16xf32>,
      %get3A_290 = vector.shape_cast %get3A_289 : vector<1x16xf32> to vector<16xf32>
      %mul3A_291 = vector.broadcast %squeeze3A_286 : f32 to vector<16xf32>
      %mul3A_292 = arith.mulf %mul3A_291, %get3A_290 : vector<16xf32>
      %add3A_293 = arith.addf %add3A_277, %mul3A_292 : vector<16xf32>
      %get3A_294 = arith.index_cast %scan3A_103 : i32 to index
      %get3A_295 = arith.constant 368 : index
      %get3A_296 = tpu.vector_load %arg10[%get3A_294, %get3A_295] {strides = array<i32>} : memref<80x512xf32, #tpu.memory_space<vmem>>, vector<1x16xf32>,
      %get3A_297 = vector.shape_cast %get3A_296 : vector<1x16xf32> to vector<16xf32>
      %mul3A_298 = vector.broadcast %squeeze3A_286 : f32 to vector<16xf32>
      %mul3A_299 = arith.mulf %mul3A_298, %get3A_297 : vector<16xf32>
      %add3A_300 = arith.addf %add3A_284, %mul3A_299 : vector<16xf32>
      %slice3A_301 = vector.extract_strided_slice %get3A_110 {offsets = [12], sizes = [1], strides = [1]} : vector<16xf32> to vector<1xf32>
      %squeeze3A_302 = vector.extract %slice3A_301[0] : f32 from vector<1xf32>
      %get3A_303 = arith.index_cast %scan3A_103 : i32 to index
      %get3A_304 = arith.constant 384 : index
      %get3A_305 = tpu.vector_load %arg10[%get3A_303, %get3A_304] {strides = array<i32>} : memref<80x512xf32, #tpu.memory_space<vmem>>, vector<1x16xf32>,
      %get3A_306 = vector.shape_cast %get3A_305 : vector<1x16xf32> to vector<16xf32>
      %mul3A_307 = vector.broadcast %squeeze3A_302 : f32 to vector<16xf32>
      %mul3A_308 = arith.mulf %mul3A_307, %get3A_306 : vector<16xf32>
      %add3A_309 = arith.addf %add3A_293, %mul3A_308 : vector<16xf32>
      %get3A_310 = arith.index_cast %scan3A_103 : i32 to index
      %get3A_311 = arith.constant 400 : index
      %get3A_312 = tpu.vector_load %arg10[%get3A_310, %get3A_311] {strides = array<i32>} : memref<80x512xf32, #tpu.memory_space<vmem>>, vector<1x16xf32>,
      %get3A_313 = vector.shape_cast %get3A_312 : vector<1x16xf32> to vector<16xf32>
      %mul3A_314 = vector.broadcast %squeeze3A_302 : f32 to vector<16xf32>
      %mul3A_315 = arith.mulf %mul3A_314, %get3A_313 : vector<16xf32>
      %add3A_316 = arith.addf %add3A_300, %mul3A_315 : vector<16xf32>
      %slice3A_317 = vector.extract_strided_slice %get3A_110 {offsets = [13], sizes = [1], strides = [1]} : vector<16xf32> to vector<1xf32>
      %squeeze3A_318 = vector.extract %slice3A_317[0] : f32 from vector<1xf32>
      %get3A_319 = arith.index_cast %scan3A_103 : i32 to index
      %get3A_320 = arith.constant 416 : index
      %get3A_321 = tpu.vector_load %arg10[%get3A_319, %get3A_320] {strides = array<i32>} : memref<80x512xf32, #tpu.memory_space<vmem>>, vector<1x16xf32>,
      %get3A_322 = vector.shape_cast %get3A_321 : vector<1x16xf32> to vector<16xf32>
      %mul3A_323 = vector.broadcast %squeeze3A_318 : f32 to vector<16xf32>
      %mul3A_324 = arith.mulf %mul3A_323, %get3A_322 : vector<16xf32>
      %add3A_325 = arith.addf %add3A_309, %mul3A_324 : vector<16xf32>
      %get3A_326 = arith.index_cast %scan3A_103 : i32 to index
      %get3A_327 = arith.constant 432 : index
      %get3A_328 = tpu.vector_load %arg10[%get3A_326, %get3A_327] {strides = array<i32>} : memref<80x512xf32, #tpu.memory_space<vmem>>, vector<1x16xf32>,
      %get3A_329 = vector.shape_cast %get3A_328 : vector<1x16xf32> to vector<16xf32>
      %mul3A_330 = vector.broadcast %squeeze3A_318 : f32 to vector<16xf32>
      %mul3A_331 = arith.mulf %mul3A_330, %get3A_329 : vector<16xf32>
      %add3A_332 = arith.addf %add3A_316, %mul3A_331 : vector<16xf32>
      %slice3A_333 = vector.extract_strided_slice %get3A_110 {offsets = [14], sizes = [1], strides = [1]} : vector<16xf32> to vector<1xf32>
      %squeeze3A_334 = vector.extract %slice3A_333[0] : f32 from vector<1xf32>
      %get3A_335 = arith.index_cast %scan3A_103 : i32 to index
      %get3A_336 = arith.constant 448 : index
      %get3A_337 = tpu.vector_load %arg10[%get3A_335, %get3A_336] {strides = array<i32>} : memref<80x512xf32, #tpu.memory_space<vmem>>, vector<1x16xf32>,
      %get3A_338 = vector.shape_cast %get3A_337 : vector<1x16xf32> to vector<16xf32>
      %mul3A_339 = vector.broadcast %squeeze3A_334 : f32 to vector<16xf32>
      %mul3A_340 = arith.mulf %mul3A_339, %get3A_338 : vector<16xf32>
      %add3A_341 = arith.addf %add3A_325, %mul3A_340 : vector<16xf32>
      %get3A_342 = arith.index_cast %scan3A_103 : i32 to index
      %get3A_343 = arith.constant 464 : index
      %get3A_344 = tpu.vector_load %arg10[%get3A_342, %get3A_343] {strides = array<i32>} : memref<80x512xf32, #tpu.memory_space<vmem>>, vector<1x16xf32>,
      %get3A_345 = vector.shape_cast %get3A_344 : vector<1x16xf32> to vector<16xf32>
      %mul3A_346 = vector.broadcast %squeeze3A_334 : f32 to vector<16xf32>
      %mul3A_347 = arith.mulf %mul3A_346, %get3A_345 : vector<16xf32>
      %add3A_348 = arith.addf %add3A_332, %mul3A_347 : vector<16xf32>
      %slice3A_349 = vector.extract_strided_slice %get3A_110 {offsets = [15], sizes = [1], strides = [1]} : vector<16xf32> to vector<1xf32>
      %squeeze3A_350 = vector.extract %slice3A_349[0] : f32 from vector<1xf32>
      %get3A_351 = arith.index_cast %scan3A_103 : i32 to index
      %get3A_352 = arith.constant 480 : index
      %get3A_353 = tpu.vector_load %arg10[%get3A_351, %get3A_352] {strides = array<i32>} : memref<80x512xf32, #tpu.memory_space<vmem>>, vector<1x16xf32>,
      %get3A_354 = vector.shape_cast %get3A_353 : vector<1x16xf32> to vector<16xf32>
      %mul3A_355 = vector.broadcast %squeeze3A_350 : f32 to vector<16xf32>
      %mul3A_356 = arith.mulf %mul3A_355, %get3A_354 : vector<16xf32>
      %add3A_357 = arith.addf %add3A_341, %mul3A_356 : vector<16xf32>
      %get3A_358 = arith.index_cast %scan3A_103 : i32 to index
      %get3A_359 = arith.constant 496 : index
      %get3A_360 = tpu.vector_load %arg10[%get3A_358, %get3A_359] {strides = array<i32>} : memref<80x512xf32, #tpu.memory_space<vmem>>, vector<1x16xf32>,
      %get3A_361 = vector.shape_cast %get3A_360 : vector<1x16xf32> to vector<16xf32>
      %mul3A_362 = vector.broadcast %squeeze3A_350 : f32 to vector<16xf32>
      %mul3A_363 = arith.mulf %mul3A_362, %get3A_361 : vector<16xf32>
      %add3A_364 = arith.addf %add3A_348, %mul3A_363 : vector<16xf32>
      %swap3A = arith.index_cast %scan3A_103 : i32 to index
      %swap3A_365 = arith.constant 0 : index
      %swap3A_366 = tpu.vector_load %arg15[%swap3A, %swap3A_365] {strides = array<i32>} : memref<80x32xf32, #tpu.memory_space<vmem>>, vector<1x16xf32>,
      %swap3A_367 = vector.shape_cast %swap3A_366 : vector<1x16xf32> to vector<16xf32>
      %swap3A_368 = vector.shape_cast %add3A_357 : vector<16xf32> to vector<1x16xf32>
      tpu.vector_store %arg15[%swap3A, %swap3A_365], %swap3A_368 {strides = array<i32>} : memref<80x32xf32, #tpu.memory_space<vmem>>, vector<1x16xf32>,
      %swap3A_369 = arith.index_cast %scan3A_103 : i32 to index
      %swap3A_370 = arith.constant 16 : index
      %swap3A_371 = tpu.vector_load %arg15[%swap3A_369, %swap3A_370] {strides = array<i32>} : memref<80x32xf32, #tpu.memory_space<vmem>>, vector<1x16xf32>,
      %swap3A_372 = vector.shape_cast %swap3A_371 : vector<1x16xf32> to vector<16xf32>
      %swap3A_373 = vector.shape_cast %add3A_364 : vector<16xf32> to vector<1x16xf32>
      tpu.vector_store %arg15[%swap3A_369, %swap3A_370], %swap3A_373 {strides = array<i32>} : memref<80x32xf32, #tpu.memory_space<vmem>>, vector<1x16xf32>,
    }
    %scan3A_72 = arith.constant 80 : i32
    "tpu.region"() ({
      %run_scoped3A = tpu.sem_alloc : memref<!tpu.dma_semaphore, #tpu.memory_space<semaphore_mem>>
      %dma_start3A_103 = arith.constant 0 : i32
      %dma_start3A_104 = arith.constant 0 : i32
      %dma_start3A_105 = tpu.memref_slice %arg17[%dma_start3A_103, %dma_start3A_104] : memref<10240x32xf32, #tpu.memory_space<vmem_shared>> -> memref<10240x32xf32, #tpu.memory_space<vmem_shared>>
      tpu.enqueue_indirect_dma source(%arg15 : memref<80x32xf32, #tpu.memory_space<vmem>>) target(%dma_start3A_105 : memref<10240x32xf32, #tpu.memory_space<vmem_shared>>) offsets(%arg8 : memref<80xi32, #tpu.memory_space<vmem>>) semaphore(%run_scoped3A : memref<!tpu.dma_semaphore, #tpu.memory_space<semaphore_mem>>) {add = true}
      %dma_wait3A_106 = arith.constant 0 : i32
      %dma_wait3A_107 = arith.constant 0 : i32
      %dma_wait3A_108 = tpu.memref_slice %arg17[%dma_wait3A_106, %dma_wait3A_107] : memref<10240x32xf32, #tpu.memory_space<vmem_shared>> -> memref<10240x32xf32, #tpu.memory_space<vmem_shared>>
      tpu.wait_indirect_dma semaphore(%run_scoped3A : memref<!tpu.dma_semaphore, #tpu.memory_space<semaphore_mem>>) src(%arg15 : memref<80x32xf32, #tpu.memory_space<vmem>>) dst(%dma_wait3A_108 : memref<10240x32xf32, #tpu.memory_space<vmem_shared>>)
      tpu.yield
    }) : () -> ()
    %add3A_73 = arith.constant 80 : i32
    %add3A_74 = arith.addi %mul3A_10, %add3A_73 : i32
    %multiple_of3A_75 = tpu.assume_multiple %add3A_74, 8 : i32
    %dma_start3A_76 = tpu.memref_slice %arg4[%multiple_of3A_75] : memref<320000xi32, #tpu.memory_space<hbm>> -> memref<80xi32, #tpu.memory_space<hbm>>
    %dma_start3A_77 = tpu.memref_slice %arg4[%multiple_of3A_75] : memref<320000xi32, #tpu.memory_space<hbm>> -> memref<80xi32, #tpu.memory_space<hbm>>
    tpu.enqueue_dma source(%dma_start3A_77 : memref<80xi32, #tpu.memory_space<hbm>>) target(%arg7 : memref<80xi32, #tpu.memory_space<vmem>>) target_semaphore(%arg20 : memref<!tpu.dma_semaphore, #tpu.memory_space<semaphore_mem>>)
    %dma_start3A_78 = tpu.memref_slice %arg5[%multiple_of3A_75] : memref<320000xi32, #tpu.memory_space<hbm>> -> memref<80xi32, #tpu.memory_space<hbm>>
    %dma_start3A_79 = tpu.memref_slice %arg5[%multiple_of3A_75] : memref<320000xi32, #tpu.memory_space<hbm>> -> memref<80xi32, #tpu.memory_space<hbm>>
    tpu.enqueue_dma source(%dma_start3A_79 : memref<80xi32, #tpu.memory_space<hbm>>) target(%arg8 : memref<80xi32, #tpu.memory_space<vmem>>) target_semaphore(%arg20 : memref<!tpu.dma_semaphore, #tpu.memory_space<semaphore_mem>>)
    %dma_start3A_80 = arith.constant 0 : i32
    %dma_start3A_81 = tpu.memref_slice %arg3[%multiple_of3A_75, %dma_start3A_80] : memref<320000x16xf32, #tpu.memory_space<hbm>> -> memref<80x16xf32, #tpu.memory_space<hbm>>
    %dma_start3A_82 = arith.constant 0 : i32
    %dma_start3A_83 = tpu.memref_slice %arg3[%multiple_of3A_75, %dma_start3A_82] : memref<320000x16xf32, #tpu.memory_space<hbm>> -> memref<80x16xf32, #tpu.memory_space<hbm>>
    tpu.enqueue_dma source(%dma_start3A_83 : memref<80x16xf32, #tpu.memory_space<hbm>>) target(%arg9 : memref<80x16xf32, #tpu.memory_space<vmem>>) target_semaphore(%arg20 : memref<!tpu.dma_semaphore, #tpu.memory_space<semaphore_mem>>)
    %dma_wait3A_84 = arith.constant 0 : i32
    %dma_wait3A_85 = arith.constant 0 : i32
    %dma_wait3A_86 = tpu.memref_slice %arg2[%dma_wait3A_84, %dma_wait3A_85] : memref<10000x512xf32, #tpu.memory_space<hbm>> -> memref<10000x512xf32, #tpu.memory_space<hbm>>
    tpu.wait_indirect_dma semaphore(%arg19 : memref<!tpu.dma_semaphore, #tpu.memory_space<semaphore_mem>>) src(%dma_wait3A_86 : memref<10000x512xf32, #tpu.memory_space<hbm>>) dst(%arg14 : memref<80x512xf32, #tpu.memory_space<vmem>>)
    %add3A_87 = arith.constant 0 : i32
    %add3A_88 = arith.addi %mul3A_10, %add3A_87 : i32
    %multiple_of3A_89 = tpu.assume_multiple %add3A_88, 8 : i32
    %dma_wait3A_90 = tpu.memref_slice %arg4[%multiple_of3A_89] : memref<320000xi32, #tpu.memory_space<hbm>> -> memref<80xi32, #tpu.memory_space<hbm>>
    %dma_wait3A_91 = tpu.memref_slice %arg4[%multiple_of3A_89] : memref<320000xi32, #tpu.memory_space<hbm>> -> memref<80xi32, #tpu.memory_space<hbm>>
    tpu.wait_dma2 semaphore(%arg20 : memref<!tpu.dma_semaphore, #tpu.memory_space<semaphore_mem>>) src(%dma_wait3A_91 : memref<80xi32, #tpu.memory_space<hbm>>) dst(%arg7 : memref<80xi32, #tpu.memory_space<vmem>>)
    %dma_wait3A_92 = tpu.memref_slice %arg5[%multiple_of3A_89] : memref<320000xi32, #tpu.memory_space<hbm>> -> memref<80xi32, #tpu.memory_space<hbm>>
    %dma_wait3A_93 = tpu.memref_slice %arg5[%multiple_of3A_89] : memref<320000xi32, #tpu.memory_space<hbm>> -> memref<80xi32, #tpu.memory_space<hbm>>
    tpu.wait_dma2 semaphore(%arg20 : memref<!tpu.dma_semaphore, #tpu.memory_space<semaphore_mem>>) src(%dma_wait3A_93 : memref<80xi32, #tpu.memory_space<hbm>>) dst(%arg8 : memref<80xi32, #tpu.memory_space<vmem>>)
    %dma_wait3A_94 = arith.constant 0 : i32
    %dma_wait3A_95 = tpu.memref_slice %arg3[%multiple_of3A_89, %dma_wait3A_94] : memref<320000x16xf32, #tpu.memory_space<hbm>> -> memref<80x16xf32, #tpu.memory_space<hbm>>
    %dma_wait3A_96 = arith.constant 0 : i32
    %dma_wait3A_97 = tpu.memref_slice %arg3[%multiple_of3A_89, %dma_wait3A_96] : memref<320000x16xf32, #tpu.memory_space<hbm>> -> memref<80x16xf32, #tpu.memory_space<hbm>>
    tpu.wait_dma2 semaphore(%arg20 : memref<!tpu.dma_semaphore, #tpu.memory_space<semaphore_mem>>) src(%dma_wait3A_97 : memref<80x16xf32, #tpu.memory_space<hbm>>) dst(%arg9 : memref<80x16xf32, #tpu.memory_space<vmem>>)
    %barrier3A_98 = arith.constant 0 : index
    tpu.barrier barrier_id(%barrier3A_98)
    %mul3A_99 = arith.constant 640 : i32
    %mul3A_100 = arith.muli %arg1, %mul3A_99 : i32
    %mul3A_101 = arith.constant 640 : i32
    %mul3A_102 = arith.muli %arg1, %mul3A_101 : i32
    "tpu.region"() ({
      %run_scoped3A = tpu.sem_alloc : memref<!tpu.dma_semaphore, #tpu.memory_space<semaphore_mem>>
      %dma_start3A_103 = arith.constant 0 : i32
      %dma_start3A_104 = tpu.memref_slice %arg6[%arg0, %mul3A_102, %dma_start3A_103] : memref<2x10240x32xf32, #tpu.memory_space<hbm>> -> memref<1x640x32xf32, #tpu.memory_space<hbm>>
      %dma_start3A_105 = tpu.memref_squeeze %dma_start3A_104 : memref<1x640x32xf32, #tpu.memory_space<hbm>> -> memref<640x32xf32, #tpu.memory_space<hbm>>
      %dma_start3A_106 = arith.constant 0 : i32
      %dma_start3A_107 = tpu.memref_slice %arg17[%mul3A_100, %dma_start3A_106] : memref<10240x32xf32, #tpu.memory_space<vmem_shared>> -> memref<640x32xf32, #tpu.memory_space<vmem_shared>>
      tpu.enqueue_dma source(%dma_start3A_107 : memref<640x32xf32, #tpu.memory_space<vmem_shared>>) target(%dma_start3A_105 : memref<640x32xf32, #tpu.memory_space<hbm>>) target_semaphore(%run_scoped3A : memref<!tpu.dma_semaphore, #tpu.memory_space<semaphore_mem>>)
      %dma_wait3A_108 = arith.constant 0 : i32
      %dma_wait3A_109 = tpu.memref_slice %arg6[%arg0, %mul3A_102, %dma_wait3A_108] : memref<2x10240x32xf32, #tpu.memory_space<hbm>> -> memref<1x640x32xf32, #tpu.memory_space<hbm>>
      %dma_wait3A_110 = tpu.memref_squeeze %dma_wait3A_109 : memref<1x640x32xf32, #tpu.memory_space<hbm>> -> memref<640x32xf32, #tpu.memory_space<hbm>>
      %dma_wait3A_111 = arith.constant 0 : i32
      %dma_wait3A_112 = tpu.memref_slice %arg17[%mul3A_100, %dma_wait3A_111] : memref<10240x32xf32, #tpu.memory_space<vmem_shared>> -> memref<640x32xf32, #tpu.memory_space<vmem_shared>>
      tpu.wait_dma2 semaphore(%run_scoped3A : memref<!tpu.dma_semaphore, #tpu.memory_space<semaphore_mem>>) src(%dma_wait3A_112 : memref<640x32xf32, #tpu.memory_space<vmem_shared>>) dst(%dma_wait3A_110 : memref<640x32xf32, #tpu.memory_space<hbm>>)
      tpu.yield
    }) : () -> ()
    return
  }
}

#map = affine_map<(d0, d1) -> (0, 0)>
#map1 = affine_map<(d0, d1) -> (0)>
#map2 = affine_map<(d0, d1) -> (0, 0, 0)>
module attributes {stable_mosaic.version = 14 : i64} {
  func.func @_sc_conv(%arg0: i32, %arg1: i32, %arg2: memref<10000x512xf32, #tpu.memory_space<hbm>>, %arg3: memref<320000x16xf32, #tpu.memory_space<hbm>>, %arg4: memref<320000xi32, #tpu.memory_space<hbm>>, %arg5: memref<320000xi32, #tpu.memory_space<hbm>>, %arg6: memref<2x10240x32xf32, #tpu.memory_space<hbm>>, %arg7: memref<80xi32, #tpu.memory_space<vmem>>, %arg8: memref<80xi32, #tpu.memory_space<vmem>>, %arg9: memref<80x16xf32, #tpu.memory_space<vmem>>, %arg10: memref<80x512xf32, #tpu.memory_space<vmem>>, %arg11: memref<80xi32, #tpu.memory_space<vmem>>, %arg12: memref<80xi32, #tpu.memory_space<vmem>>, %arg13: memref<80x16xf32, #tpu.memory_space<vmem>>, %arg14: memref<80x512xf32, #tpu.memory_space<vmem>>, %arg15: memref<80x32xf32, #tpu.memory_space<vmem>>, %arg16: memref<640x32xf32, #tpu.memory_space<vmem>>, %arg17: memref<10240x32xf32, #tpu.memory_space<vmem_shared>>, %arg18: memref<!tpu.dma_semaphore, #tpu.memory_space<semaphore_mem>>, %arg19: memref<!tpu.dma_semaphore, #tpu.memory_space<semaphore_mem>>, %arg20: memref<!tpu.dma_semaphore, #tpu.memory_space<semaphore_mem>>) attributes {dimension_semantics = [#tpu.dimension_semantics<core_parallel>, #tpu.dimension_semantics<subcore_parallel>], iteration_bounds = array<i64: 2, 16>, scalar_prefetch = 0 : i64, scratch_operands = 14 : i64, tpu.core_type = #tpu.core_type<sc_vector_subcore>, window_params = [{transform_indices = #map}, {transform_indices = #map}, {transform_indices = #map1}, {transform_indices = #map1}, {transform_indices = #map2}]} {
    %mul3A = arith.constant 16 : i32
    %mul3A_0 = arith.muli %arg0, %mul3A : i32
    %add3A = arith.addi %mul3A_0, %arg1 : i32
    %broadcast_in_dim3A = arith.constant 0.000000e+00 : f32
    %broadcast_in_dim3A_1 = vector.broadcast %broadcast_in_dim3A : f32 to vector<16xf32>
    %scan3A = arith.constant 0 : i32
    %scan3A_2 = arith.constant 0 : i32
    %scan3A_3 = arith.constant 640 : i32
    %scan3A_4 = arith.addi %scan3A_2, %scan3A_3 : i32
    %scan3A_5 = arith.constant 1 : i32
    scf.for %scan3A_103 = %scan3A_2 to %scan3A_4 step %scan3A_5  : i32 {
      %swap3A = arith.index_cast %scan3A_103 : i32 to index
      %swap3A_104 = arith.constant 0 : index
      %swap3A_105 = tpu.vector_load %arg16[%swap3A, %swap3A_104] {strides = array<i32>} : memref<640x32xf32, #tpu.memory_space<vmem>>, vector<1x16xf32>,
      %swap3A_106 = vector.shape_cast %swap3A_105 : vector<1x16xf32> to vector<16xf32>
      %swap3A_107 = vector.shape_cast %broadcast_in_dim3A_1 : vector<16xf32> to vector<1x16xf32>
      tpu.vector_store %arg16[%swap3A, %swap3A_104], %swap3A_107 {strides = array<i32>} : memref<640x32xf32, #tpu.memory_space<vmem>>, vector<1x16xf32>,
      %swap3A_108 = arith.index_cast %scan3A_103 : i32 to index
      %swap3A_109 = arith.constant 16 : index
      %swap3A_110 = tpu.vector_load %arg16[%swap3A_108, %swap3A_109] {strides = array<i32>} : memref<640x32xf32, #tpu.memory_space<vmem>>, vector<1x16xf32>,
      %swap3A_111 = vector.shape_cast %swap3A_110 : vector<1x16xf32> to vector<16xf32>
      %swap3A_112 = vector.shape_cast %broadcast_in_dim3A_1 : vector<16xf32> to vector<1x16xf32>
      tpu.vector_store %arg16[%swap3A_108, %swap3A_109], %swap3A_112 {strides = array<i32>} : memref<640x32xf32, #tpu.memory_space<vmem>>, vector<1x16xf32>,
    }
    %scan3A_6 = arith.constant 640 : i32
    %mul3A_7 = arith.constant 640 : i32
    %mul3A_8 = arith.muli %arg1, %mul3A_7 : i32
    "tpu.region"() ({
      %run_scoped3A = tpu.sem_alloc : memref<!tpu.dma_semaphore, #tpu.memory_space<semaphore_mem>>
      %dma_start3A_103 = arith.constant 0 : i32
      %dma_start3A_104 = tpu.memref_slice %arg17[%mul3A_8, %dma_start3A_103] : memref<10240x32xf32, #tpu.memory_space<vmem_shared>> -> memref<640x32xf32, #tpu.memory_space<vmem_shared>>
      %dma_start3A_105 = arith.constant 0 : i32
      %dma_start3A_106 = tpu.memref_slice %arg17[%mul3A_8, %dma_start3A_105] : memref<10240x32xf32, #tpu.memory_space<vmem_shared>> -> memref<640x32xf32, #tpu.memory_space<vmem_shared>>
      tpu.enqueue_dma source(%arg16 : memref<640x32xf32, #tpu.memory_space<vmem>>) target(%dma_start3A_106 : memref<640x32xf32, #tpu.memory_space<vmem_shared>>) target_semaphore(%run_scoped3A : memref<!tpu.dma_semaphore, #tpu.memory_space<semaphore_mem>>)
      %dma_wait3A_107 = arith.constant 0 : i32
      %dma_wait3A_108 = tpu.memref_slice %arg17[%mul3A_8, %dma_wait3A_107] : memref<10240x32xf32, #tpu.memory_space<vmem_shared>> -> memref<640x32xf32, #tpu.memory_space<vmem_shared>>
      %dma_wait3A_109 = arith.constant 0 : i32
      %dma_wait3A_110 = tpu.memref_slice %arg17[%mul3A_8, %dma_wait3A_109] : memref<10240x32xf32, #tpu.memory_space<vmem_shared>> -> memref<640x32xf32, #tpu.memory_space<vmem_shared>>
      tpu.wait_dma2 semaphore(%run_scoped3A : memref<!tpu.dma_semaphore, #tpu.memory_space<semaphore_mem>>) src(%arg16 : memref<640x32xf32, #tpu.memory_space<vmem>>) dst(%dma_wait3A_110 : memref<640x32xf32, #tpu.memory_space<vmem_shared>>)
      tpu.yield
    }) : () -> ()
    %barrier3A = arith.constant 0 : index
    tpu.barrier barrier_id(%barrier3A)
    %mul3A_9 = arith.constant 10000 : i32
    %mul3A_10 = arith.muli %add3A, %mul3A_9 : i32
    %add3A_11 = arith.constant 0 : i32
    %add3A_12 = arith.addi %mul3A_10, %add3A_11 : i32
    %multiple_of3A = tpu.assume_multiple %add3A_12, 8 : i32
    %dma_start3A = tpu.memref_slice %arg4[%multiple_of3A] : memref<320000xi32, #tpu.memory_space<hbm>> -> memref<80xi32, #tpu.memory_space<hbm>>
    %dma_start3A_13 = tpu.memref_slice %arg4[%multiple_of3A] : memref<320000xi32, #tpu.memory_space<hbm>> -> memref<80xi32, #tpu.memory_space<hbm>>
    tpu.enqueue_dma source(%dma_start3A_13 : memref<80xi32, #tpu.memory_space<hbm>>) target(%arg7 : memref<80xi32, #tpu.memory_space<vmem>>) target_semaphore(%arg20 : memref<!tpu.dma_semaphore, #tpu.memory_space<semaphore_mem>>)
    %dma_start3A_14 = tpu.memref_slice %arg5[%multiple_of3A] : memref<320000xi32, #tpu.memory_space<hbm>> -> memref<80xi32, #tpu.memory_space<hbm>>
    %dma_start3A_15 = tpu.memref_slice %arg5[%multiple_of3A] : memref<320000xi32, #tpu.memory_space<hbm>> -> memref<80xi32, #tpu.memory_space<hbm>>
    tpu.enqueue_dma source(%dma_start3A_15 : memref<80xi32, #tpu.memory_space<hbm>>) target(%arg8 : memref<80xi32, #tpu.memory_space<vmem>>) target_semaphore(%arg20 : memref<!tpu.dma_semaphore, #tpu.memory_space<semaphore_mem>>)
    %dma_start3A_16 = arith.constant 0 : i32
    %dma_start3A_17 = tpu.memref_slice %arg3[%multiple_of3A, %dma_start3A_16] : memref<320000x16xf32, #tpu.memory_space<hbm>> -> memref<80x16xf32, #tpu.memory_space<hbm>>
    %dma_start3A_18 = arith.constant 0 : i32
    %dma_start3A_19 = tpu.memref_slice %arg3[%multiple_of3A, %dma_start3A_18] : memref<320000x16xf32, #tpu.memory_space<hbm>> -> memref<80x16xf32, #tpu.memory_space<hbm>>
    tpu.enqueue_dma source(%dma_start3A_19 : memref<80x16xf32, #tpu.memory_space<hbm>>) target(%arg9 : memref<80x16xf32, #tpu.memory_space<vmem>>) target_semaphore(%arg20 : memref<!tpu.dma_semaphore, #tpu.memory_space<semaphore_mem>>)
    %add3A_20 = arith.constant 0 : i32
    %add3A_21 = arith.addi %mul3A_10, %add3A_20 : i32
    %multiple_of3A_22 = tpu.assume_multiple %add3A_21, 8 : i32
    %dma_wait3A = tpu.memref_slice %arg4[%multiple_of3A_22] : memref<320000xi32, #tpu.memory_space<hbm>> -> memref<80xi32, #tpu.memory_space<hbm>>
    %dma_wait3A_23 = tpu.memref_slice %arg4[%multiple_of3A_22] : memref<320000xi32, #tpu.memory_space<hbm>> -> memref<80xi32, #tpu.memory_space<hbm>>
    tpu.wait_dma2 semaphore(%arg20 : memref<!tpu.dma_semaphore, #tpu.memory_space<semaphore_mem>>) src(%dma_wait3A_23 : memref<80xi32, #tpu.memory_space<hbm>>) dst(%arg7 : memref<80xi32, #tpu.memory_space<vmem>>)
    %dma_wait3A_24 = tpu.memref_slice %arg5[%multiple_of3A_22] : memref<320000xi32, #tpu.memory_space<hbm>> -> memref<80xi32, #tpu.memory_space<hbm>>
    %dma_wait3A_25 = tpu.memref_slice %arg5[%multiple_of3A_22] : memref<320000xi32, #tpu.memory_space<hbm>> -> memref<80xi32, #tpu.memory_space<hbm>>
    tpu.wait_dma2 semaphore(%arg20 : memref<!tpu.dma_semaphore, #tpu.memory_space<semaphore_mem>>) src(%dma_wait3A_25 : memref<80xi32, #tpu.memory_space<hbm>>) dst(%arg8 : memref<80xi32, #tpu.memory_space<vmem>>)
    %dma_wait3A_26 = arith.constant 0 : i32
    %dma_wait3A_27 = tpu.memref_slice %arg3[%multiple_of3A_22, %dma_wait3A_26] : memref<320000x16xf32, #tpu.memory_space<hbm>> -> memref<80x16xf32, #tpu.memory_space<hbm>>
    %dma_wait3A_28 = arith.constant 0 : i32
    %dma_wait3A_29 = tpu.memref_slice %arg3[%multiple_of3A_22, %dma_wait3A_28] : memref<320000x16xf32, #tpu.memory_space<hbm>> -> memref<80x16xf32, #tpu.memory_space<hbm>>
    tpu.wait_dma2 semaphore(%arg20 : memref<!tpu.dma_semaphore, #tpu.memory_space<semaphore_mem>>) src(%dma_wait3A_29 : memref<80x16xf32, #tpu.memory_space<hbm>>) dst(%arg9 : memref<80x16xf32, #tpu.memory_space<vmem>>)
    %dma_start3A_30 = arith.constant 0 : i32
    %dma_start3A_31 = arith.constant 0 : i32
    %dma_start3A_32 = tpu.memref_slice %arg2[%dma_start3A_30, %dma_start3A_31] : memref<10000x512xf32, #tpu.memory_space<hbm>> -> memref<10000x512xf32, #tpu.memory_space<hbm>>
    tpu.enqueue_indirect_dma source(%dma_start3A_32 : memref<10000x512xf32, #tpu.memory_space<hbm>>) target(%arg10 : memref<80x512xf32, #tpu.memory_space<vmem>>) offsets(%arg7 : memref<80xi32, #tpu.memory_space<vmem>>) semaphore(%arg18 : memref<!tpu.dma_semaphore, #tpu.memory_space<semaphore_mem>>)
    %add3A_33 = arith.constant 80 : i32
    %add3A_34 = arith.addi %mul3A_10, %add3A_33 : i32
    %multiple_of3A_35 = tpu.assume_multiple %add3A_34, 8 : i32
    %dma_start3A_36 = tpu.memref_slice %arg4[%multiple_of3A_35] : memref<320000xi32, #tpu.memory_space<hbm>> -> memref<80xi32, #tpu.memory_space<hbm>>
    %dma_start3A_37 = tpu.memref_slice %arg4[%multiple_of3A_35] : memref<320000xi32, #tpu.memory_space<hbm>> -> memref<80xi32, #tpu.memory_space<hbm>>
    tpu.enqueue_dma source(%dma_start3A_37 : memref<80xi32, #tpu.memory_space<hbm>>) target(%arg11 : memref<80xi32, #tpu.memory_space<vmem>>) target_semaphore(%arg20 : memref<!tpu.dma_semaphore, #tpu.memory_space<semaphore_mem>>)
    %dma_start3A_38 = tpu.memref_slice %arg5[%multiple_of3A_35] : memref<320000xi32, #tpu.memory_space<hbm>> -> memref<80xi32, #tpu.memory_space<hbm>>
    %dma_start3A_39 = tpu.memref_slice %arg5[%multiple_of3A_35] : memref<320000xi32, #tpu.memory_space<hbm>> -> memref<80xi32, #tpu.memory_space<hbm>>
    tpu.enqueue_dma source(%dma_start3A_39 : memref<80xi32, #tpu.memory_space<hbm>>) target(%arg12 : memref<80xi32, #tpu.memory_space<vmem>>) target_semaphore(%arg20 : memref<!tpu.dma_semaphore, #tpu.memory_space<semaphore_mem>>)
    %dma_start3A_40 = arith.constant 0 : i32
    %dma_start3A_41 = tpu.memref_slice %arg3[%multiple_of3A_35, %dma_start3A_40] : memref<320000x16xf32, #tpu.memory_space<hbm>> -> memref<80x16xf32, #tpu.memory_space<hbm>>
    %dma_start3A_42 = arith.constant 0 : i32
    %dma_start3A_43 = tpu.memref_slice %arg3[%multiple_of3A_35, %dma_start3A_42] : memref<320000x16xf32, #tpu.memory_space<hbm>> -> memref<80x16xf32, #tpu.memory_space<hbm>>
    tpu.enqueue_dma source(%dma_start3A_43 : memref<80x16xf32, #tpu.memory_space<hbm>>) target(%arg13 : memref<80x16xf32, #tpu.memory_space<vmem>>) target_semaphore(%arg20 : memref<!tpu.dma_semaphore, #tpu.memory_space<semaphore_mem>>)
    %scan3A_44 = arith.constant 0 : i32
    %scan3A_45 = arith.constant 0 : i32
    %scan3A_46 = arith.constant 62 : i32
    %scan3A_47 = arith.addi %scan3A_45, %scan3A_46 : i32
    %scan3A_48 = arith.constant 1 : i32
    scf.for %scan3A_103 = %scan3A_45 to %scan3A_47 step %scan3A_48  : i32 {
      %mul3A_104 = arith.constant 2 : i32
      %mul3A_105 = arith.muli %mul3A_104, %scan3A_103 : i32
      %add3A_106 = arith.constant 1 : i32
      %add3A_107 = arith.addi %mul3A_105, %add3A_106 : i32
      %jit3A = arith.constant 125 : i32
      %eq3A = arith.constant 0 : i32
      %eq3A_108 = arith.cmpi eq, %jit3A, %eq3A : i32
      %jit3A_109 = arith.constant 1 : i32
      %select_n3A = arith.select %eq3A_108, %jit3A_109, %jit3A : i32
      %rem3A = arith.remsi %add3A_107, %select_n3A : i32
      %ne3A = arith.constant 0 : i32
      %ne3A_110 = arith.cmpi ne, %rem3A, %ne3A : i32
      %lt3A = arith.constant 0 : i32
      %lt3A_111 = arith.cmpi slt, %rem3A, %lt3A : i32
      %lt3A_112 = arith.constant 0 : i32
      %lt3A_113 = arith.cmpi slt, %select_n3A, %lt3A_112 : i32
      %ne3A_114 = arith.xori %lt3A_111, %lt3A_113 : i1
      %and3A = arith.andi %ne3A_114, %ne3A_110 : i1
      %add3A_115 = arith.addi %rem3A, %select_n3A : i32
      %select_n3A_116 = arith.select %and3A, %add3A_115, %rem3A : i32
      %mul3A_117 = arith.constant 80 : i32
      %mul3A_118 = arith.muli %select_n3A_116, %mul3A_117 : i32
      %add3A_119 = arith.addi %mul3A_10, %mul3A_118 : i32
      %multiple_of3A_120 = tpu.assume_multiple %add3A_119, 8 : i32
      %dma_wait3A_121 = tpu.memref_slice %arg4[%multiple_of3A_120] : memref<320000xi32, #tpu.memory_space<hbm>> -> memref<80xi32, #tpu.memory_space<hbm>>
      %dma_wait3A_122 = tpu.memref_slice %arg4[%multiple_of3A_120] : memref<320000xi32, #tpu.memory_space<hbm>> -> memref<80xi32, #tpu.memory_space<hbm>>
      tpu.wait_dma2 semaphore(%arg20 : memref<!tpu.dma_semaphore, #tpu.memory_space<semaphore_mem>>) src(%dma_wait3A_122 : memref<80xi32, #tpu.memory_space<hbm>>) dst(%arg11 : memref<80xi32, #tpu.memory_space<vmem>>)
      %dma_wait3A_123 = tpu.memref_slice %arg5[%multiple_of3A_120] : memref<320000xi32, #tpu.memory_space<hbm>> -> memref<80xi32, #tpu.memory_space<hbm>>
      %dma_wait3A_124 = tpu.memref_slice %arg5[%multiple_of3A_120] : memref<320000xi32, #tpu.memory_space<hbm>> -> memref<80xi32, #tpu.memory_space<hbm>>
      tpu.wait_dma2 semaphore(%arg20 : memref<!tpu.dma_semaphore, #tpu.memory_space<semaphore_mem>>) src(%dma_wait3A_124 : memref<80xi32, #tpu.memory_space<hbm>>) dst(%arg12 : memref<80xi32, #tpu.memory_space<vmem>>)
      %dma_wait3A_125 = arith.constant 0 : i32
      %dma_wait3A_126 = tpu.memref_slice %arg3[%multiple_of3A_120, %dma_wait3A_125] : memref<320000x16xf32, #tpu.memory_space<hbm>> -> memref<80x16xf32, #tpu.memory_space<hbm>>
      %dma_wait3A_127 = arith.constant 0 : i32
      %dma_wait3A_128 = tpu.memref_slice %arg3[%multiple_of3A_120, %dma_wait3A_127] : memref<320000x16xf32, #tpu.memory_space<hbm>> -> memref<80x16xf32, #tpu.memory_space<hbm>>
      tpu.wait_dma2 semaphore(%arg20 : memref<!tpu.dma_semaphore, #tpu.memory_space<semaphore_mem>>) src(%dma_wait3A_128 : memref<80x16xf32, #tpu.memory_space<hbm>>) dst(%arg13 : memref<80x16xf32, #tpu.memory_space<vmem>>)
      %dma_wait3A_129 = arith.constant 0 : i32
      %dma_wait3A_130 = arith.constant 0 : i32
      %dma_wait3A_131 = tpu.memref_slice %arg2[%dma_wait3A_129, %dma_wait3A_130] : memref<10000x512xf32, #tpu.memory_space<hbm>> -> memref<10000x512xf32, #tpu.memory_space<hbm>>
      tpu.wait_indirect_dma semaphore(%arg18 : memref<!tpu.dma_semaphore, #tpu.memory_space<semaphore_mem>>) src(%dma_wait3A_131 : memref<10000x512xf32, #tpu.memory_space<hbm>>) dst(%arg10 : memref<80x512xf32, #tpu.memory_space<vmem>>)
      %dma_start3A_132 = arith.constant 0 : i32
      %dma_start3A_133 = arith.constant 0 : i32
      %dma_start3A_134 = tpu.memref_slice %arg2[%dma_start3A_132, %dma_start3A_133] : memref<10000x512xf32, #tpu.memory_space<hbm>> -> memref<10000x512xf32, #tpu.memory_space<hbm>>
      tpu.enqueue_indirect_dma source(%dma_start3A_134 : memref<10000x512xf32, #tpu.memory_space<hbm>>) target(%arg14 : memref<80x512xf32, #tpu.memory_space<vmem>>) offsets(%arg11 : memref<80xi32, #tpu.memory_space<vmem>>) semaphore(%arg19 : memref<!tpu.dma_semaphore, #tpu.memory_space<semaphore_mem>>)
      %scan3A_135 = arith.constant 0 : i32
      %scan3A_136 = arith.constant 0 : i32
      %scan3A_137 = arith.constant 80 : i32
      %scan3A_138 = arith.addi %scan3A_136, %scan3A_137 : i32
      %scan3A_139 = arith.constant 1 : i32
      scf.for %scan3A_247 = %scan3A_136 to %scan3A_138 step %scan3A_139  : i32 {
        %broadcast_in_dim3A_248 = arith.constant 0.000000e+00 : f32
        %broadcast_in_dim3A_249 = vector.broadcast %broadcast_in_dim3A_248 : f32 to vector<16xf32>
        %broadcast_in_dim3A_250 = arith.constant 0.000000e+00 : f32
        %broadcast_in_dim3A_251 = vector.broadcast %broadcast_in_dim3A_250 : f32 to vector<16xf32>
        %get3A = arith.index_cast %scan3A_247 : i32 to index
        %get3A_252 = arith.constant 0 : index
        %get3A_253 = tpu.vector_load %arg9[%get3A, %get3A_252] {strides = array<i32>} : memref<80x16xf32, #tpu.memory_space<vmem>>, vector<1x16xf32>,
        %get3A_254 = vector.shape_cast %get3A_253 : vector<1x16xf32> to vector<16xf32>
        %slice3A = vector.extract_strided_slice %get3A_254 {offsets = [0], sizes = [1], strides = [1]} : vector<16xf32> to vector<1xf32>
        %squeeze3A = vector.extract %slice3A[0] : f32 from vector<1xf32>
        %get3A_255 = arith.index_cast %scan3A_247 : i32 to index
        %get3A_256 = arith.constant 0 : index
        %get3A_257 = tpu.vector_load %arg10[%get3A_255, %get3A_256] {strides = array<i32>} : memref<80x512xf32, #tpu.memory_space<vmem>>, vector<1x16xf32>,
        %get3A_258 = vector.shape_cast %get3A_257 : vector<1x16xf32> to vector<16xf32>
        %mul3A_259 = vector.broadcast %squeeze3A : f32 to vector<16xf32>
        %mul3A_260 = arith.mulf %mul3A_259, %get3A_258 : vector<16xf32>
        %add3A_261 = arith.addf %broadcast_in_dim3A_249, %mul3A_260 : vector<16xf32>
        %get3A_262 = arith.index_cast %scan3A_247 : i32 to index
        %get3A_263 = arith.constant 16 : index
        %get3A_264 = tpu.vector_load %arg10[%get3A_262, %get3A_263] {strides = array<i32>} : memref<80x512xf32, #tpu.memory_space<vmem>>, vector<1x16xf32>,
        %get3A_265 = vector.shape_cast %get3A_264 : vector<1x16xf32> to vector<16xf32>
        %mul3A_266 = vector.broadcast %squeeze3A : f32 to vector<16xf32>
        %mul3A_267 = arith.mulf %mul3A_266, %get3A_265 : vector<16xf32>
        %add3A_268 = arith.addf %broadcast_in_dim3A_251, %mul3A_267 : vector<16xf32>
        %slice3A_269 = vector.extract_strided_slice %get3A_254 {offsets = [1], sizes = [1], strides = [1]} : vector<16xf32> to vector<1xf32>
        %squeeze3A_270 = vector.extract %slice3A_269[0] : f32 from vector<1xf32>
        %get3A_271 = arith.index_cast %scan3A_247 : i32 to index
        %get3A_272 = arith.constant 32 : index
        %get3A_273 = tpu.vector_load %arg10[%get3A_271, %get3A_272] {strides = array<i32>} : memref<80x512xf32, #tpu.memory_space<vmem>>, vector<1x16xf32>,
        %get3A_274 = vector.shape_cast %get3A_273 : vector<1x16xf32> to vector<16xf32>
        %mul3A_275 = vector.broadcast %squeeze3A_270 : f32 to vector<16xf32>
        %mul3A_276 = arith.mulf %mul3A_275, %get3A_274 : vector<16xf32>
        %add3A_277 = arith.addf %add3A_261, %mul3A_276 : vector<16xf32>
        %get3A_278 = arith.index_cast %scan3A_247 : i32 to index
        %get3A_279 = arith.constant 48 : index
        %get3A_280 = tpu.vector_load %arg10[%get3A_278, %get3A_279] {strides = array<i32>} : memref<80x512xf32, #tpu.memory_space<vmem>>, vector<1x16xf32>,
        %get3A_281 = vector.shape_cast %get3A_280 : vector<1x16xf32> to vector<16xf32>
        %mul3A_282 = vector.broadcast %squeeze3A_270 : f32 to vector<16xf32>
        %mul3A_283 = arith.mulf %mul3A_282, %get3A_281 : vector<16xf32>
        %add3A_284 = arith.addf %add3A_268, %mul3A_283 : vector<16xf32>
        %slice3A_285 = vector.extract_strided_slice %get3A_254 {offsets = [2], sizes = [1], strides = [1]} : vector<16xf32> to vector<1xf32>
        %squeeze3A_286 = vector.extract %slice3A_285[0] : f32 from vector<1xf32>
        %get3A_287 = arith.index_cast %scan3A_247 : i32 to index
        %get3A_288 = arith.constant 64 : index
        %get3A_289 = tpu.vector_load %arg10[%get3A_287, %get3A_288] {strides = array<i32>} : memref<80x512xf32, #tpu.memory_space<vmem>>, vector<1x16xf32>,
        %get3A_290 = vector.shape_cast %get3A_289 : vector<1x16xf32> to vector<16xf32>
        %mul3A_291 = vector.broadcast %squeeze3A_286 : f32 to vector<16xf32>
        %mul3A_292 = arith.mulf %mul3A_291, %get3A_290 : vector<16xf32>
        %add3A_293 = arith.addf %add3A_277, %mul3A_292 : vector<16xf32>
        %get3A_294 = arith.index_cast %scan3A_247 : i32 to index
        %get3A_295 = arith.constant 80 : index
        %get3A_296 = tpu.vector_load %arg10[%get3A_294, %get3A_295] {strides = array<i32>} : memref<80x512xf32, #tpu.memory_space<vmem>>, vector<1x16xf32>,
        %get3A_297 = vector.shape_cast %get3A_296 : vector<1x16xf32> to vector<16xf32>
        %mul3A_298 = vector.broadcast %squeeze3A_286 : f32 to vector<16xf32>
        %mul3A_299 = arith.mulf %mul3A_298, %get3A_297 : vector<16xf32>
        %add3A_300 = arith.addf %add3A_284, %mul3A_299 : vector<16xf32>
        %slice3A_301 = vector.extract_strided_slice %get3A_254 {offsets = [3], sizes = [1], strides = [1]} : vector<16xf32> to vector<1xf32>
        %squeeze3A_302 = vector.extract %slice3A_301[0] : f32 from vector<1xf32>
        %get3A_303 = arith.index_cast %scan3A_247 : i32 to index
        %get3A_304 = arith.constant 96 : index
        %get3A_305 = tpu.vector_load %arg10[%get3A_303, %get3A_304] {strides = array<i32>} : memref<80x512xf32, #tpu.memory_space<vmem>>, vector<1x16xf32>,
        %get3A_306 = vector.shape_cast %get3A_305 : vector<1x16xf32> to vector<16xf32>
        %mul3A_307 = vector.broadcast %squeeze3A_302 : f32 to vector<16xf32>
        %mul3A_308 = arith.mulf %mul3A_307, %get3A_306 : vector<16xf32>
        %add3A_309 = arith.addf %add3A_293, %mul3A_308 : vector<16xf32>
        %get3A_310 = arith.index_cast %scan3A_247 : i32 to index
        %get3A_311 = arith.constant 112 : index
        %get3A_312 = tpu.vector_load %arg10[%get3A_310, %get3A_311] {strides = array<i32>} : memref<80x512xf32, #tpu.memory_space<vmem>>, vector<1x16xf32>,
        %get3A_313 = vector.shape_cast %get3A_312 : vector<1x16xf32> to vector<16xf32>
        %mul3A_314 = vector.broadcast %squeeze3A_302 : f32 to vector<16xf32>
        %mul3A_315 = arith.mulf %mul3A_314, %get3A_313 : vector<16xf32>
        %add3A_316 = arith.addf %add3A_300, %mul3A_315 : vector<16xf32>
        %slice3A_317 = vector.extract_strided_slice %get3A_254 {offsets = [4], sizes = [1], strides = [1]} : vector<16xf32> to vector<1xf32>
        %squeeze3A_318 = vector.extract %slice3A_317[0] : f32 from vector<1xf32>
        %get3A_319 = arith.index_cast %scan3A_247 : i32 to index
        %get3A_320 = arith.constant 128 : index
        %get3A_321 = tpu.vector_load %arg10[%get3A_319, %get3A_320] {strides = array<i32>} : memref<80x512xf32, #tpu.memory_space<vmem>>, vector<1x16xf32>,
        %get3A_322 = vector.shape_cast %get3A_321 : vector<1x16xf32> to vector<16xf32>
        %mul3A_323 = vector.broadcast %squeeze3A_318 : f32 to vector<16xf32>
        %mul3A_324 = arith.mulf %mul3A_323, %get3A_322 : vector<16xf32>
        %add3A_325 = arith.addf %add3A_309, %mul3A_324 : vector<16xf32>
        %get3A_326 = arith.index_cast %scan3A_247 : i32 to index
        %get3A_327 = arith.constant 144 : index
        %get3A_328 = tpu.vector_load %arg10[%get3A_326, %get3A_327] {strides = array<i32>} : memref<80x512xf32, #tpu.memory_space<vmem>>, vector<1x16xf32>,
        %get3A_329 = vector.shape_cast %get3A_328 : vector<1x16xf32> to vector<16xf32>
        %mul3A_330 = vector.broadcast %squeeze3A_318 : f32 to vector<16xf32>
        %mul3A_331 = arith.mulf %mul3A_330, %get3A_329 : vector<16xf32>
        %add3A_332 = arith.addf %add3A_316, %mul3A_331 : vector<16xf32>
        %slice3A_333 = vector.extract_strided_slice %get3A_254 {offsets = [5], sizes = [1], strides = [1]} : vector<16xf32> to vector<1xf32>
        %squeeze3A_334 = vector.extract %slice3A_333[0] : f32 from vector<1xf32>
        %get3A_335 = arith.index_cast %scan3A_247 : i32 to index
        %get3A_336 = arith.constant 160 : index
        %get3A_337 = tpu.vector_load %arg10[%get3A_335, %get3A_336] {strides = array<i32>} : memref<80x512xf32, #tpu.memory_space<vmem>>, vector<1x16xf32>,
        %get3A_338 = vector.shape_cast %get3A_337 : vector<1x16xf32> to vector<16xf32>
        %mul3A_339 = vector.broadcast %squeeze3A_334 : f32 to vector<16xf32>
        %mul3A_340 = arith.mulf %mul3A_339, %get3A_338 : vector<16xf32>
        %add3A_341 = arith.addf %add3A_325, %mul3A_340 : vector<16xf32>
        %get3A_342 = arith.index_cast %scan3A_247 : i32 to index
        %get3A_343 = arith.constant 176 : index
        %get3A_344 = tpu.vector_load %arg10[%get3A_342, %get3A_343] {strides = array<i32>} : memref<80x512xf32, #tpu.memory_space<vmem>>, vector<1x16xf32>,
        %get3A_345 = vector.shape_cast %get3A_344 : vector<1x16xf32> to vector<16xf32>
        %mul3A_346 = vector.broadcast %squeeze3A_334 : f32 to vector<16xf32>
        %mul3A_347 = arith.mulf %mul3A_346, %get3A_345 : vector<16xf32>
        %add3A_348 = arith.addf %add3A_332, %mul3A_347 : vector<16xf32>
        %slice3A_349 = vector.extract_strided_slice %get3A_254 {offsets = [6], sizes = [1], strides = [1]} : vector<16xf32> to vector<1xf32>
        %squeeze3A_350 = vector.extract %slice3A_349[0] : f32 from vector<1xf32>
        %get3A_351 = arith.index_cast %scan3A_247 : i32 to index
        %get3A_352 = arith.constant 192 : index
        %get3A_353 = tpu.vector_load %arg10[%get3A_351, %get3A_352] {strides = array<i32>} : memref<80x512xf32, #tpu.memory_space<vmem>>, vector<1x16xf32>,
        %get3A_354 = vector.shape_cast %get3A_353 : vector<1x16xf32> to vector<16xf32>
        %mul3A_355 = vector.broadcast %squeeze3A_350 : f32 to vector<16xf32>
        %mul3A_356 = arith.mulf %mul3A_355, %get3A_354 : vector<16xf32>
        %add3A_357 = arith.addf %add3A_341, %mul3A_356 : vector<16xf32>
        %get3A_358 = arith.index_cast %scan3A_247 : i32 to index
        %get3A_359 = arith.constant 208 : index
        %get3A_360 = tpu.vector_load %arg10[%get3A_358, %get3A_359] {strides = array<i32>} : memref<80x512xf32, #tpu.memory_space<vmem>>, vector<1x16xf32>,
        %get3A_361 = vector.shape_cast %get3A_360 : vector<1x16xf32> to vector<16xf32>
        %mul3A_362 = vector.broadcast %squeeze3A_350 : f32 to vector<16xf32>
        %mul3A_363 = arith.mulf %mul3A_362, %get3A_361 : vector<16xf32>
        %add3A_364 = arith.addf %add3A_348, %mul3A_363 : vector<16xf32>
        %slice3A_365 = vector.extract_strided_slice %get3A_254 {offsets = [7], sizes = [1], strides = [1]} : vector<16xf32> to vector<1xf32>
        %squeeze3A_366 = vector.extract %slice3A_365[0] : f32 from vector<1xf32>
        %get3A_367 = arith.index_cast %scan3A_247 : i32 to index
        %get3A_368 = arith.constant 224 : index
        %get3A_369 = tpu.vector_load %arg10[%get3A_367, %get3A_368] {strides = array<i32>} : memref<80x512xf32, #tpu.memory_space<vmem>>, vector<1x16xf32>,
        %get3A_370 = vector.shape_cast %get3A_369 : vector<1x16xf32> to vector<16xf32>
        %mul3A_371 = vector.broadcast %squeeze3A_366 : f32 to vector<16xf32>
        %mul3A_372 = arith.mulf %mul3A_371, %get3A_370 : vector<16xf32>
        %add3A_373 = arith.addf %add3A_357, %mul3A_372 : vector<16xf32>
        %get3A_374 = arith.index_cast %scan3A_247 : i32 to index
        %get3A_375 = arith.constant 240 : index
        %get3A_376 = tpu.vector_load %arg10[%get3A_374, %get3A_375] {strides = array<i32>} : memref<80x512xf32, #tpu.memory_space<vmem>>, vector<1x16xf32>,
        %get3A_377 = vector.shape_cast %get3A_376 : vector<1x16xf32> to vector<16xf32>
        %mul3A_378 = vector.broadcast %squeeze3A_366 : f32 to vector<16xf32>
        %mul3A_379 = arith.mulf %mul3A_378, %get3A_377 : vector<16xf32>
        %add3A_380 = arith.addf %add3A_364, %mul3A_379 : vector<16xf32>
        %slice3A_381 = vector.extract_strided_slice %get3A_254 {offsets = [8], sizes = [1], strides = [1]} : vector<16xf32> to vector<1xf32>
        %squeeze3A_382 = vector.extract %slice3A_381[0] : f32 from vector<1xf32>
        %get3A_383 = arith.index_cast %scan3A_247 : i32 to index
        %get3A_384 = arith.constant 256 : index
        %get3A_385 = tpu.vector_load %arg10[%get3A_383, %get3A_384] {strides = array<i32>} : memref<80x512xf32, #tpu.memory_space<vmem>>, vector<1x16xf32>,
        %get3A_386 = vector.shape_cast %get3A_385 : vector<1x16xf32> to vector<16xf32>
        %mul3A_387 = vector.broadcast %squeeze3A_382 : f32 to vector<16xf32>
        %mul3A_388 = arith.mulf %mul3A_387, %get3A_386 : vector<16xf32>
        %add3A_389 = arith.addf %add3A_373, %mul3A_388 : vector<16xf32>
        %get3A_390 = arith.index_cast %scan3A_247 : i32 to index
        %get3A_391 = arith.constant 272 : index
        %get3A_392 = tpu.vector_load %arg10[%get3A_390, %get3A_391] {strides = array<i32>} : memref<80x512xf32, #tpu.memory_space<vmem>>, vector<1x16xf32>,
        %get3A_393 = vector.shape_cast %get3A_392 : vector<1x16xf32> to vector<16xf32>
        %mul3A_394 = vector.broadcast %squeeze3A_382 : f32 to vector<16xf32>
        %mul3A_395 = arith.mulf %mul3A_394, %get3A_393 : vector<16xf32>
        %add3A_396 = arith.addf %add3A_380, %mul3A_395 : vector<16xf32>
        %slice3A_397 = vector.extract_strided_slice %get3A_254 {offsets = [9], sizes = [1], strides = [1]} : vector<16xf32> to vector<1xf32>
        %squeeze3A_398 = vector.extract %slice3A_397[0] : f32 from vector<1xf32>
        %get3A_399 = arith.index_cast %scan3A_247 : i32 to index
        %get3A_400 = arith.constant 288 : index
        %get3A_401 = tpu.vector_load %arg10[%get3A_399, %get3A_400] {strides = array<i32>} : memref<80x512xf32, #tpu.memory_space<vmem>>, vector<1x16xf32>,
        %get3A_402 = vector.shape_cast %get3A_401 : vector<1x16xf32> to vector<16xf32>
        %mul3A_403 = vector.broadcast %squeeze3A_398 : f32 to vector<16xf32>
        %mul3A_404 = arith.mulf %mul3A_403, %get3A_402 : vector<16xf32>
        %add3A_405 = arith.addf %add3A_389, %mul3A_404 : vector<16xf32>
        %get3A_406 = arith.index_cast %scan3A_247 : i32 to index
        %get3A_407 = arith.constant 304 : index
        %get3A_408 = tpu.vector_load %arg10[%get3A_406, %get3A_407] {strides = array<i32>} : memref<80x512xf32, #tpu.memory_space<vmem>>, vector<1x16xf32>,
        %get3A_409 = vector.shape_cast %get3A_408 : vector<1x16xf32> to vector<16xf32>
        %mul3A_410 = vector.broadcast %squeeze3A_398 : f32 to vector<16xf32>
        %mul3A_411 = arith.mulf %mul3A_410, %get3A_409 : vector<16xf32>
        %add3A_412 = arith.addf %add3A_396, %mul3A_411 : vector<16xf32>
        %slice3A_413 = vector.extract_strided_slice %get3A_254 {offsets = [10], sizes = [1], strides = [1]} : vector<16xf32> to vector<1xf32>
        %squeeze3A_414 = vector.extract %slice3A_413[0] : f32 from vector<1xf32>
        %get3A_415 = arith.index_cast %scan3A_247 : i32 to index
        %get3A_416 = arith.constant 320 : index
        %get3A_417 = tpu.vector_load %arg10[%get3A_415, %get3A_416] {strides = array<i32>} : memref<80x512xf32, #tpu.memory_space<vmem>>, vector<1x16xf32>,
        %get3A_418 = vector.shape_cast %get3A_417 : vector<1x16xf32> to vector<16xf32>
        %mul3A_419 = vector.broadcast %squeeze3A_414 : f32 to vector<16xf32>
        %mul3A_420 = arith.mulf %mul3A_419, %get3A_418 : vector<16xf32>
        %add3A_421 = arith.addf %add3A_405, %mul3A_420 : vector<16xf32>
        %get3A_422 = arith.index_cast %scan3A_247 : i32 to index
        %get3A_423 = arith.constant 336 : index
        %get3A_424 = tpu.vector_load %arg10[%get3A_422, %get3A_423] {strides = array<i32>} : memref<80x512xf32, #tpu.memory_space<vmem>>, vector<1x16xf32>,
        %get3A_425 = vector.shape_cast %get3A_424 : vector<1x16xf32> to vector<16xf32>
        %mul3A_426 = vector.broadcast %squeeze3A_414 : f32 to vector<16xf32>
        %mul3A_427 = arith.mulf %mul3A_426, %get3A_425 : vector<16xf32>
        %add3A_428 = arith.addf %add3A_412, %mul3A_427 : vector<16xf32>
        %slice3A_429 = vector.extract_strided_slice %get3A_254 {offsets = [11], sizes = [1], strides = [1]} : vector<16xf32> to vector<1xf32>
        %squeeze3A_430 = vector.extract %slice3A_429[0] : f32 from vector<1xf32>
        %get3A_431 = arith.index_cast %scan3A_247 : i32 to index
        %get3A_432 = arith.constant 352 : index
        %get3A_433 = tpu.vector_load %arg10[%get3A_431, %get3A_432] {strides = array<i32>} : memref<80x512xf32, #tpu.memory_space<vmem>>, vector<1x16xf32>,
        %get3A_434 = vector.shape_cast %get3A_433 : vector<1x16xf32> to vector<16xf32>
        %mul3A_435 = vector.broadcast %squeeze3A_430 : f32 to vector<16xf32>
        %mul3A_436 = arith.mulf %mul3A_435, %get3A_434 : vector<16xf32>
        %add3A_437 = arith.addf %add3A_421, %mul3A_436 : vector<16xf32>
        %get3A_438 = arith.index_cast %scan3A_247 : i32 to index
        %get3A_439 = arith.constant 368 : index
        %get3A_440 = tpu.vector_load %arg10[%get3A_438, %get3A_439] {strides = array<i32>} : memref<80x512xf32, #tpu.memory_space<vmem>>, vector<1x16xf32>,
        %get3A_441 = vector.shape_cast %get3A_440 : vector<1x16xf32> to vector<16xf32>
        %mul3A_442 = vector.broadcast %squeeze3A_430 : f32 to vector<16xf32>
        %mul3A_443 = arith.mulf %mul3A_442, %get3A_441 : vector<16xf32>
        %add3A_444 = arith.addf %add3A_428, %mul3A_443 : vector<16xf32>
        %slice3A_445 = vector.extract_strided_slice %get3A_254 {offsets = [12], sizes = [1], strides = [1]} : vector<16xf32> to vector<1xf32>
        %squeeze3A_446 = vector.extract %slice3A_445[0] : f32 from vector<1xf32>
        %get3A_447 = arith.index_cast %scan3A_247 : i32 to index
        %get3A_448 = arith.constant 384 : index
        %get3A_449 = tpu.vector_load %arg10[%get3A_447, %get3A_448] {strides = array<i32>} : memref<80x512xf32, #tpu.memory_space<vmem>>, vector<1x16xf32>,
        %get3A_450 = vector.shape_cast %get3A_449 : vector<1x16xf32> to vector<16xf32>
        %mul3A_451 = vector.broadcast %squeeze3A_446 : f32 to vector<16xf32>
        %mul3A_452 = arith.mulf %mul3A_451, %get3A_450 : vector<16xf32>
        %add3A_453 = arith.addf %add3A_437, %mul3A_452 : vector<16xf32>
        %get3A_454 = arith.index_cast %scan3A_247 : i32 to index
        %get3A_455 = arith.constant 400 : index
        %get3A_456 = tpu.vector_load %arg10[%get3A_454, %get3A_455] {strides = array<i32>} : memref<80x512xf32, #tpu.memory_space<vmem>>, vector<1x16xf32>,
        %get3A_457 = vector.shape_cast %get3A_456 : vector<1x16xf32> to vector<16xf32>
        %mul3A_458 = vector.broadcast %squeeze3A_446 : f32 to vector<16xf32>
        %mul3A_459 = arith.mulf %mul3A_458, %get3A_457 : vector<16xf32>
        %add3A_460 = arith.addf %add3A_444, %mul3A_459 : vector<16xf32>
        %slice3A_461 = vector.extract_strided_slice %get3A_254 {offsets = [13], sizes = [1], strides = [1]} : vector<16xf32> to vector<1xf32>
        %squeeze3A_462 = vector.extract %slice3A_461[0] : f32 from vector<1xf32>
        %get3A_463 = arith.index_cast %scan3A_247 : i32 to index
        %get3A_464 = arith.constant 416 : index
        %get3A_465 = tpu.vector_load %arg10[%get3A_463, %get3A_464] {strides = array<i32>} : memref<80x512xf32, #tpu.memory_space<vmem>>, vector<1x16xf32>,
        %get3A_466 = vector.shape_cast %get3A_465 : vector<1x16xf32> to vector<16xf32>
        %mul3A_467 = vector.broadcast %squeeze3A_462 : f32 to vector<16xf32>
        %mul3A_468 = arith.mulf %mul3A_467, %get3A_466 : vector<16xf32>
        %add3A_469 = arith.addf %add3A_453, %mul3A_468 : vector<16xf32>
        %get3A_470 = arith.index_cast %scan3A_247 : i32 to index
        %get3A_471 = arith.constant 432 : index
        %get3A_472 = tpu.vector_load %arg10[%get3A_470, %get3A_471] {strides = array<i32>} : memref<80x512xf32, #tpu.memory_space<vmem>>, vector<1x16xf32>,
        %get3A_473 = vector.shape_cast %get3A_472 : vector<1x16xf32> to vector<16xf32>
        %mul3A_474 = vector.broadcast %squeeze3A_462 : f32 to vector<16xf32>
        %mul3A_475 = arith.mulf %mul3A_474, %get3A_473 : vector<16xf32>
        %add3A_476 = arith.addf %add3A_460, %mul3A_475 : vector<16xf32>
        %slice3A_477 = vector.extract_strided_slice %get3A_254 {offsets = [14], sizes = [1], strides = [1]} : vector<16xf32> to vector<1xf32>
        %squeeze3A_478 = vector.extract %slice3A_477[0] : f32 from vector<1xf32>
        %get3A_479 = arith.index_cast %scan3A_247 : i32 to index
        %get3A_480 = arith.constant 448 : index
        %get3A_481 = tpu.vector_load %arg10[%get3A_479, %get3A_480] {strides = array<i32>} : memref<80x512xf32, #tpu.memory_space<vmem>>, vector<1x16xf32>,
        %get3A_482 = vector.shape_cast %get3A_481 : vector<1x16xf32> to vector<16xf32>
        %mul3A_483 = vector.broadcast %squeeze3A_478 : f32 to vector<16xf32>
        %mul3A_484 = arith.mulf %mul3A_483, %get3A_482 : vector<16xf32>
        %add3A_485 = arith.addf %add3A_469, %mul3A_484 : vector<16xf32>
        %get3A_486 = arith.index_cast %scan3A_247 : i32 to index
        %get3A_487 = arith.constant 464 : index
        %get3A_488 = tpu.vector_load %arg10[%get3A_486, %get3A_487] {strides = array<i32>} : memref<80x512xf32, #tpu.memory_space<vmem>>, vector<1x16xf32>,
        %get3A_489 = vector.shape_cast %get3A_488 : vector<1x16xf32> to vector<16xf32>
        %mul3A_490 = vector.broadcast %squeeze3A_478 : f32 to vector<16xf32>
        %mul3A_491 = arith.mulf %mul3A_490, %get3A_489 : vector<16xf32>
        %add3A_492 = arith.addf %add3A_476, %mul3A_491 : vector<16xf32>
        %slice3A_493 = vector.extract_strided_slice %get3A_254 {offsets = [15], sizes = [1], strides = [1]} : vector<16xf32> to vector<1xf32>
        %squeeze3A_494 = vector.extract %slice3A_493[0] : f32 from vector<1xf32>
        %get3A_495 = arith.index_cast %scan3A_247 : i32 to index
        %get3A_496 = arith.constant 480 : index
        %get3A_497 = tpu.vector_load %arg10[%get3A_495, %get3A_496] {strides = array<i32>} : memref<80x512xf32, #tpu.memory_space<vmem>>, vector<1x16xf32>,
        %get3A_498 = vector.shape_cast %get3A_497 : vector<1x16xf32> to vector<16xf32>
        %mul3A_499 = vector.broadcast %squeeze3A_494 : f32 to vector<16xf32>
        %mul3A_500 = arith.mulf %mul3A_499, %get3A_498 : vector<16xf32>
        %add3A_501 = arith.addf %add3A_485, %mul3A_500 : vector<16xf32>
        %get3A_502 = arith.index_cast %scan3A_247 : i32 to index
        %get3A_503 = arith.constant 496 : index
        %get3A_504 = tpu.vector_load %arg10[%get3A_502, %get3A_503] {strides = array<i32>} : memref<80x512xf32, #tpu.memory_space<vmem>>, vector<1x16xf32>,
        %get3A_505 = vector.shape_cast %get3A_504 : vector<1x16xf32> to vector<16xf32>
        %mul3A_506 = vector.broadcast %squeeze3A_494 : f32 to vector<16xf32>
        %mul3A_507 = arith.mulf %mul3A_506, %get3A_505 : vector<16xf32>
        %add3A_508 = arith.addf %add3A_492, %mul3A_507 : vector<16xf32>
        %swap3A = arith.index_cast %scan3A_247 : i32 to index
        %swap3A_509 = arith.constant 0 : index
        %swap3A_510 = tpu.vector_load %arg15[%swap3A, %swap3A_509] {strides = array<i32>} : memref<80x32xf32, #tpu.memory_space<vmem>>, vector<1x16xf32>,
        %swap3A_511 = vector.shape_cast %swap3A_510 : vector<1x16xf32> to vector<16xf32>
        %swap3A_512 = vector.shape_cast %add3A_501 : vector<16xf32> to vector<1x16xf32>
        tpu.vector_store %arg15[%swap3A, %swap3A_509], %swap3A_512 {strides = array<i32>} : memref<80x32xf32, #tpu.memory_space<vmem>>, vector<1x16xf32>,
        %swap3A_513 = arith.index_cast %scan3A_247 : i32 to index
        %swap3A_514 = arith.constant 16 : index
        %swap3A_515 = tpu.vector_load %arg15[%swap3A_513, %swap3A_514] {strides = array<i32>} : memref<80x32xf32, #tpu.memory_space<vmem>>, vector<1x16xf32>,
        %swap3A_516 = vector.shape_cast %swap3A_515 : vector<1x16xf32> to vector<16xf32>
        %swap3A_517 = vector.shape_cast %add3A_508 : vector<16xf32> to vector<1x16xf32>
        tpu.vector_store %arg15[%swap3A_513, %swap3A_514], %swap3A_517 {strides = array<i32>} : memref<80x32xf32, #tpu.memory_space<vmem>>, vector<1x16xf32>,
      }
      %scan3A_140 = arith.constant 80 : i32
      "tpu.region"() ({
        %run_scoped3A = tpu.sem_alloc : memref<!tpu.dma_semaphore, #tpu.memory_space<semaphore_mem>>
        %dma_start3A_247 = arith.constant 0 : i32
        %dma_start3A_248 = arith.constant 0 : i32
        %dma_start3A_249 = tpu.memref_slice %arg17[%dma_start3A_247, %dma_start3A_248] : memref<10240x32xf32, #tpu.memory_space<vmem_shared>> -> memref<10240x32xf32, #tpu.memory_space<vmem_shared>>
        tpu.enqueue_indirect_dma source(%arg15 : memref<80x32xf32, #tpu.memory_space<vmem>>) target(%dma_start3A_249 : memref<10240x32xf32, #tpu.memory_space<vmem_shared>>) offsets(%arg8 : memref<80xi32, #tpu.memory_space<vmem>>) semaphore(%run_scoped3A : memref<!tpu.dma_semaphore, #tpu.memory_space<semaphore_mem>>) {add = true}
        %dma_wait3A_250 = arith.constant 0 : i32
        %dma_wait3A_251 = arith.constant 0 : i32
        %dma_wait3A_252 = tpu.memref_slice %arg17[%dma_wait3A_250, %dma_wait3A_251] : memref<10240x32xf32, #tpu.memory_space<vmem_shared>> -> memref<10240x32xf32, #tpu.memory_space<vmem_shared>>
        tpu.wait_indirect_dma semaphore(%run_scoped3A : memref<!tpu.dma_semaphore, #tpu.memory_space<semaphore_mem>>) src(%arg15 : memref<80x32xf32, #tpu.memory_space<vmem>>) dst(%dma_wait3A_252 : memref<10240x32xf32, #tpu.memory_space<vmem_shared>>)
        tpu.yield
      }) : () -> ()
      %add3A_141 = arith.constant 2 : i32
      %add3A_142 = arith.addi %mul3A_105, %add3A_141 : i32
      %jit3A_143 = arith.constant 125 : i32
      %eq3A_144 = arith.constant 0 : i32
      %eq3A_145 = arith.cmpi eq, %jit3A_143, %eq3A_144 : i32
      %jit3A_146 = arith.constant 1 : i32
      %select_n3A_147 = arith.select %eq3A_145, %jit3A_146, %jit3A_143 : i32
      %rem3A_148 = arith.remsi %add3A_142, %select_n3A_147 : i32
      %ne3A_149 = arith.constant 0 : i32
      %ne3A_150 = arith.cmpi ne, %rem3A_148, %ne3A_149 : i32
      %lt3A_151 = arith.constant 0 : i32
      %lt3A_152 = arith.cmpi slt, %rem3A_148, %lt3A_151 : i32
      %lt3A_153 = arith.constant 0 : i32
      %lt3A_154 = arith.cmpi slt, %select_n3A_147, %lt3A_153 : i32
      %ne3A_155 = arith.xori %lt3A_152, %lt3A_154 : i1
      %and3A_156 = arith.andi %ne3A_155, %ne3A_150 : i1
      %add3A_157 = arith.addi %rem3A_148, %select_n3A_147 : i32
      %select_n3A_158 = arith.select %and3A_156, %add3A_157, %rem3A_148 : i32
      %mul3A_159 = arith.constant 80 : i32
      %mul3A_160 = arith.muli %select_n3A_158, %mul3A_159 : i32
      %add3A_161 = arith.addi %mul3A_10, %mul3A_160 : i32
      %multiple_of3A_162 = tpu.assume_multiple %add3A_161, 8 : i32
      %dma_start3A_163 = tpu.memref_slice %arg4[%multiple_of3A_162] : memref<320000xi32, #tpu.memory_space<hbm>> -> memref<80xi32, #tpu.memory_space<hbm>>
      %dma_start3A_164 = tpu.memref_slice %arg4[%multiple_of3A_162] : memref<320000xi32, #tpu.memory_space<hbm>> -> memref<80xi32, #tpu.memory_space<hbm>>
      tpu.enqueue_dma source(%dma_start3A_164 : memref<80xi32, #tpu.memory_space<hbm>>) target(%arg7 : memref<80xi32, #tpu.memory_space<vmem>>) target_semaphore(%arg20 : memref<!tpu.dma_semaphore, #tpu.memory_space<semaphore_mem>>)
      %dma_start3A_165 = tpu.memref_slice %arg5[%multiple_of3A_162] : memref<320000xi32, #tpu.memory_space<hbm>> -> memref<80xi32, #tpu.memory_space<hbm>>
      %dma_start3A_166 = tpu.memref_slice %arg5[%multiple_of3A_162] : memref<320000xi32, #tpu.memory_space<hbm>> -> memref<80xi32, #tpu.memory_space<hbm>>
      tpu.enqueue_dma source(%dma_start3A_166 : memref<80xi32, #tpu.memory_space<hbm>>) target(%arg8 : memref<80xi32, #tpu.memory_space<vmem>>) target_semaphore(%arg20 : memref<!tpu.dma_semaphore, #tpu.memory_space<semaphore_mem>>)
      %dma_start3A_167 = arith.constant 0 : i32
      %dma_start3A_168 = tpu.memref_slice %arg3[%multiple_of3A_162, %dma_start3A_167] : memref<320000x16xf32, #tpu.memory_space<hbm>> -> memref<80x16xf32, #tpu.memory_space<hbm>>
      %dma_start3A_169 = arith.constant 0 : i32
      %dma_start3A_170 = tpu.memref_slice %arg3[%multiple_of3A_162, %dma_start3A_169] : memref<320000x16xf32, #tpu.memory_space<hbm>> -> memref<80x16xf32, #tpu.memory_space<hbm>>
      tpu.enqueue_dma source(%dma_start3A_170 : memref<80x16xf32, #tpu.memory_space<hbm>>) target(%arg9 : memref<80x16xf32, #tpu.memory_space<vmem>>) target_semaphore(%arg20 : memref<!tpu.dma_semaphore, #tpu.memory_space<semaphore_mem>>)
      %mul3A_171 = arith.constant 2 : i32
      %mul3A_172 = arith.muli %mul3A_171, %scan3A_103 : i32
      %add3A_173 = arith.constant 1 : i32
      %add3A_174 = arith.addi %mul3A_172, %add3A_173 : i32
      %add3A_175 = arith.constant 1 : i32
      %add3A_176 = arith.addi %add3A_174, %add3A_175 : i32
      %jit3A_177 = arith.constant 125 : i32
      %eq3A_178 = arith.constant 0 : i32
      %eq3A_179 = arith.cmpi eq, %jit3A_177, %eq3A_178 : i32
      %jit3A_180 = arith.constant 1 : i32
      %select_n3A_181 = arith.select %eq3A_179, %jit3A_180, %jit3A_177 : i32
      %rem3A_182 = arith.remsi %add3A_176, %select_n3A_181 : i32
      %ne3A_183 = arith.constant 0 : i32
      %ne3A_184 = arith.cmpi ne, %rem3A_182, %ne3A_183 : i32
      %lt3A_185 = arith.constant 0 : i32
      %lt3A_186 = arith.cmpi slt, %rem3A_182, %lt3A_185 : i32
      %lt3A_187 = arith.constant 0 : i32
      %lt3A_188 = arith.cmpi slt, %select_n3A_181, %lt3A_187 : i32
      %ne3A_189 = arith.xori %lt3A_186, %lt3A_188 : i1
      %and3A_190 = arith.andi %ne3A_189, %ne3A_184 : i1
      %add3A_191 = arith.addi %rem3A_182, %select_n3A_181 : i32
      %select_n3A_192 = arith.select %and3A_190, %add3A_191, %rem3A_182 : i32
      %mul3A_193 = arith.constant 80 : i32
      %mul3A_194 = arith.muli %select_n3A_192, %mul3A_193 : i32
      %add3A_195 = arith.addi %mul3A_10, %mul3A_194 : i32
      %multiple_of3A_196 = tpu.assume_multiple %add3A_195, 8 : i32
      %dma_wait3A_197 = tpu.memref_slice %arg4[%multiple_of3A_196] : memref<320000xi32, #tpu.memory_space<hbm>> -> memref<80xi32, #tpu.memory_space<hbm>>
      %dma_wait3A_198 = tpu.memref_slice %arg4[%multiple_of3A_196] : memref<320000xi32, #tpu.memory_space<hbm>> -> memref<80xi32, #tpu.memory_space<hbm>>
      tpu.wait_dma2 semaphore(%arg20 : memref<!tpu.dma_semaphore, #tpu.memory_space<semaphore_mem>>) src(%dma_wait3A_198 : memref<80xi32, #tpu.memory_space<hbm>>) dst(%arg7 : memref<80xi32, #tpu.memory_space<vmem>>)
      %dma_wait3A_199 = tpu.memref_slice %arg5[%multiple_of3A_196] : memref<320000xi32, #tpu.memory_space<hbm>> -> memref<80xi32, #tpu.memory_space<hbm>>
      %dma_wait3A_200 = tpu.memref_slice %arg5[%multiple_of3A_196] : memref<320000xi32, #tpu.memory_space<hbm>> -> memref<80xi32, #tpu.memory_space<hbm>>
      tpu.wait_dma2 semaphore(%arg20 : memref<!tpu.dma_semaphore, #tpu.memory_space<semaphore_mem>>) src(%dma_wait3A_200 : memref<80xi32, #tpu.memory_space<hbm>>) dst(%arg8 : memref<80xi32, #tpu.memory_space<vmem>>)
      %dma_wait3A_201 = arith.constant 0 : i32
      %dma_wait3A_202 = tpu.memref_slice %arg3[%multiple_of3A_196, %dma_wait3A_201] : memref<320000x16xf32, #tpu.memory_space<hbm>> -> memref<80x16xf32, #tpu.memory_space<hbm>>
      %dma_wait3A_203 = arith.constant 0 : i32
      %dma_wait3A_204 = tpu.memref_slice %arg3[%multiple_of3A_196, %dma_wait3A_203] : memref<320000x16xf32, #tpu.memory_space<hbm>> -> memref<80x16xf32, #tpu.memory_space<hbm>>
      tpu.wait_dma2 semaphore(%arg20 : memref<!tpu.dma_semaphore, #tpu.memory_space<semaphore_mem>>) src(%dma_wait3A_204 : memref<80x16xf32, #tpu.memory_space<hbm>>) dst(%arg9 : memref<80x16xf32, #tpu.memory_space<vmem>>)
      %dma_wait3A_205 = arith.constant 0 : i32
      %dma_wait3A_206 = arith.constant 0 : i32
      %dma_wait3A_207 = tpu.memref_slice %arg2[%dma_wait3A_205, %dma_wait3A_206] : memref<10000x512xf32, #tpu.memory_space<hbm>> -> memref<10000x512xf32, #tpu.memory_space<hbm>>
      tpu.wait_indirect_dma semaphore(%arg19 : memref<!tpu.dma_semaphore, #tpu.memory_space<semaphore_mem>>) src(%dma_wait3A_207 : memref<10000x512xf32, #tpu.memory_space<hbm>>) dst(%arg14 : memref<80x512xf32, #tpu.memory_space<vmem>>)
      %dma_start3A_208 = arith.constant 0 : i32
      %dma_start3A_209 = arith.constant 0 : i32
      %dma_start3A_210 = tpu.memref_slice %arg2[%dma_start3A_208, %dma_start3A_209] : memref<10000x512xf32, #tpu.memory_space<hbm>> -> memref<10000x512xf32, #tpu.memory_space<hbm>>
      tpu.enqueue_indirect_dma source(%dma_start3A_210 : memref<10000x512xf32, #tpu.memory_space<hbm>>) target(%arg10 : memref<80x512xf32, #tpu.memory_space<vmem>>) offsets(%arg7 : memref<80xi32, #tpu.memory_space<vmem>>) semaphore(%arg18 : memref<!tpu.dma_semaphore, #tpu.memory_space<semaphore_mem>>)
      %scan3A_211 = arith.constant 0 : i32
      %scan3A_212 = arith.constant 0 : i32
      %scan3A_213 = arith.constant 80 : i32
      %scan3A_214 = arith.addi %scan3A_212, %scan3A_213 : i32
      %scan3A_215 = arith.constant 1 : i32
      scf.for %scan3A_247 = %scan3A_212 to %scan3A_214 step %scan3A_215  : i32 {
        %broadcast_in_dim3A_248 = arith.constant 0.000000e+00 : f32
        %broadcast_in_dim3A_249 = vector.broadcast %broadcast_in_dim3A_248 : f32 to vector<16xf32>
        %broadcast_in_dim3A_250 = arith.constant 0.000000e+00 : f32
        %broadcast_in_dim3A_251 = vector.broadcast %broadcast_in_dim3A_250 : f32 to vector<16xf32>
        %get3A = arith.index_cast %scan3A_247 : i32 to index
        %get3A_252 = arith.constant 0 : index
        %get3A_253 = tpu.vector_load %arg13[%get3A, %get3A_252] {strides = array<i32>} : memref<80x16xf32, #tpu.memory_space<vmem>>, vector<1x16xf32>,
        %get3A_254 = vector.shape_cast %get3A_253 : vector<1x16xf32> to vector<16xf32>
        %slice3A = vector.extract_strided_slice %get3A_254 {offsets = [0], sizes = [1], strides = [1]} : vector<16xf32> to vector<1xf32>
        %squeeze3A = vector.extract %slice3A[0] : f32 from vector<1xf32>
        %get3A_255 = arith.index_cast %scan3A_247 : i32 to index
        %get3A_256 = arith.constant 0 : index
        %get3A_257 = tpu.vector_load %arg14[%get3A_255, %get3A_256] {strides = array<i32>} : memref<80x512xf32, #tpu.memory_space<vmem>>, vector<1x16xf32>,
        %get3A_258 = vector.shape_cast %get3A_257 : vector<1x16xf32> to vector<16xf32>
        %mul3A_259 = vector.broadcast %squeeze3A : f32 to vector<16xf32>
        %mul3A_260 = arith.mulf %mul3A_259, %get3A_258 : vector<16xf32>
        %add3A_261 = arith.addf %broadcast_in_dim3A_249, %mul3A_260 : vector<16xf32>
        %get3A_262 = arith.index_cast %scan3A_247 : i32 to index
        %get3A_263 = arith.constant 16 : index
        %get3A_264 = tpu.vector_load %arg14[%get3A_262, %get3A_263] {strides = array<i32>} : memref<80x512xf32, #tpu.memory_space<vmem>>, vector<1x16xf32>,
        %get3A_265 = vector.shape_cast %get3A_264 : vector<1x16xf32> to vector<16xf32>
        %mul3A_266 = vector.broadcast %squeeze3A : f32 to vector<16xf32>
        %mul3A_267 = arith.mulf %mul3A_266, %get3A_265 : vector<16xf32>
        %add3A_268 = arith.addf %broadcast_in_dim3A_251, %mul3A_267 : vector<16xf32>
        %slice3A_269 = vector.extract_strided_slice %get3A_254 {offsets = [1], sizes = [1], strides = [1]} : vector<16xf32> to vector<1xf32>
        %squeeze3A_270 = vector.extract %slice3A_269[0] : f32 from vector<1xf32>
        %get3A_271 = arith.index_cast %scan3A_247 : i32 to index
        %get3A_272 = arith.constant 32 : index
        %get3A_273 = tpu.vector_load %arg14[%get3A_271, %get3A_272] {strides = array<i32>} : memref<80x512xf32, #tpu.memory_space<vmem>>, vector<1x16xf32>,
        %get3A_274 = vector.shape_cast %get3A_273 : vector<1x16xf32> to vector<16xf32>
        %mul3A_275 = vector.broadcast %squeeze3A_270 : f32 to vector<16xf32>
        %mul3A_276 = arith.mulf %mul3A_275, %get3A_274 : vector<16xf32>
        %add3A_277 = arith.addf %add3A_261, %mul3A_276 : vector<16xf32>
        %get3A_278 = arith.index_cast %scan3A_247 : i32 to index
        %get3A_279 = arith.constant 48 : index
        %get3A_280 = tpu.vector_load %arg14[%get3A_278, %get3A_279] {strides = array<i32>} : memref<80x512xf32, #tpu.memory_space<vmem>>, vector<1x16xf32>,
        %get3A_281 = vector.shape_cast %get3A_280 : vector<1x16xf32> to vector<16xf32>
        %mul3A_282 = vector.broadcast %squeeze3A_270 : f32 to vector<16xf32>
        %mul3A_283 = arith.mulf %mul3A_282, %get3A_281 : vector<16xf32>
        %add3A_284 = arith.addf %add3A_268, %mul3A_283 : vector<16xf32>
        %slice3A_285 = vector.extract_strided_slice %get3A_254 {offsets = [2], sizes = [1], strides = [1]} : vector<16xf32> to vector<1xf32>
        %squeeze3A_286 = vector.extract %slice3A_285[0] : f32 from vector<1xf32>
        %get3A_287 = arith.index_cast %scan3A_247 : i32 to index
        %get3A_288 = arith.constant 64 : index
        %get3A_289 = tpu.vector_load %arg14[%get3A_287, %get3A_288] {strides = array<i32>} : memref<80x512xf32, #tpu.memory_space<vmem>>, vector<1x16xf32>,
        %get3A_290 = vector.shape_cast %get3A_289 : vector<1x16xf32> to vector<16xf32>
        %mul3A_291 = vector.broadcast %squeeze3A_286 : f32 to vector<16xf32>
        %mul3A_292 = arith.mulf %mul3A_291, %get3A_290 : vector<16xf32>
        %add3A_293 = arith.addf %add3A_277, %mul3A_292 : vector<16xf32>
        %get3A_294 = arith.index_cast %scan3A_247 : i32 to index
        %get3A_295 = arith.constant 80 : index
        %get3A_296 = tpu.vector_load %arg14[%get3A_294, %get3A_295] {strides = array<i32>} : memref<80x512xf32, #tpu.memory_space<vmem>>, vector<1x16xf32>,
        %get3A_297 = vector.shape_cast %get3A_296 : vector<1x16xf32> to vector<16xf32>
        %mul3A_298 = vector.broadcast %squeeze3A_286 : f32 to vector<16xf32>
        %mul3A_299 = arith.mulf %mul3A_298, %get3A_297 : vector<16xf32>
        %add3A_300 = arith.addf %add3A_284, %mul3A_299 : vector<16xf32>
        %slice3A_301 = vector.extract_strided_slice %get3A_254 {offsets = [3], sizes = [1], strides = [1]} : vector<16xf32> to vector<1xf32>
        %squeeze3A_302 = vector.extract %slice3A_301[0] : f32 from vector<1xf32>
        %get3A_303 = arith.index_cast %scan3A_247 : i32 to index
        %get3A_304 = arith.constant 96 : index
        %get3A_305 = tpu.vector_load %arg14[%get3A_303, %get3A_304] {strides = array<i32>} : memref<80x512xf32, #tpu.memory_space<vmem>>, vector<1x16xf32>,
        %get3A_306 = vector.shape_cast %get3A_305 : vector<1x16xf32> to vector<16xf32>
        %mul3A_307 = vector.broadcast %squeeze3A_302 : f32 to vector<16xf32>
        %mul3A_308 = arith.mulf %mul3A_307, %get3A_306 : vector<16xf32>
        %add3A_309 = arith.addf %add3A_293, %mul3A_308 : vector<16xf32>
        %get3A_310 = arith.index_cast %scan3A_247 : i32 to index
        %get3A_311 = arith.constant 112 : index
        %get3A_312 = tpu.vector_load %arg14[%get3A_310, %get3A_311] {strides = array<i32>} : memref<80x512xf32, #tpu.memory_space<vmem>>, vector<1x16xf32>,
        %get3A_313 = vector.shape_cast %get3A_312 : vector<1x16xf32> to vector<16xf32>
        %mul3A_314 = vector.broadcast %squeeze3A_302 : f32 to vector<16xf32>
        %mul3A_315 = arith.mulf %mul3A_314, %get3A_313 : vector<16xf32>
        %add3A_316 = arith.addf %add3A_300, %mul3A_315 : vector<16xf32>
        %slice3A_317 = vector.extract_strided_slice %get3A_254 {offsets = [4], sizes = [1], strides = [1]} : vector<16xf32> to vector<1xf32>
        %squeeze3A_318 = vector.extract %slice3A_317[0] : f32 from vector<1xf32>
        %get3A_319 = arith.index_cast %scan3A_247 : i32 to index
        %get3A_320 = arith.constant 128 : index
        %get3A_321 = tpu.vector_load %arg14[%get3A_319, %get3A_320] {strides = array<i32>} : memref<80x512xf32, #tpu.memory_space<vmem>>, vector<1x16xf32>,
        %get3A_322 = vector.shape_cast %get3A_321 : vector<1x16xf32> to vector<16xf32>
        %mul3A_323 = vector.broadcast %squeeze3A_318 : f32 to vector<16xf32>
        %mul3A_324 = arith.mulf %mul3A_323, %get3A_322 : vector<16xf32>
        %add3A_325 = arith.addf %add3A_309, %mul3A_324 : vector<16xf32>
        %get3A_326 = arith.index_cast %scan3A_247 : i32 to index
        %get3A_327 = arith.constant 144 : index
        %get3A_328 = tpu.vector_load %arg14[%get3A_326, %get3A_327] {strides = array<i32>} : memref<80x512xf32, #tpu.memory_space<vmem>>, vector<1x16xf32>,
        %get3A_329 = vector.shape_cast %get3A_328 : vector<1x16xf32> to vector<16xf32>
        %mul3A_330 = vector.broadcast %squeeze3A_318 : f32 to vector<16xf32>
        %mul3A_331 = arith.mulf %mul3A_330, %get3A_329 : vector<16xf32>
        %add3A_332 = arith.addf %add3A_316, %mul3A_331 : vector<16xf32>
        %slice3A_333 = vector.extract_strided_slice %get3A_254 {offsets = [5], sizes = [1], strides = [1]} : vector<16xf32> to vector<1xf32>
        %squeeze3A_334 = vector.extract %slice3A_333[0] : f32 from vector<1xf32>
        %get3A_335 = arith.index_cast %scan3A_247 : i32 to index
        %get3A_336 = arith.constant 160 : index
        %get3A_337 = tpu.vector_load %arg14[%get3A_335, %get3A_336] {strides = array<i32>} : memref<80x512xf32, #tpu.memory_space<vmem>>, vector<1x16xf32>,
        %get3A_338 = vector.shape_cast %get3A_337 : vector<1x16xf32> to vector<16xf32>
        %mul3A_339 = vector.broadcast %squeeze3A_334 : f32 to vector<16xf32>
        %mul3A_340 = arith.mulf %mul3A_339, %get3A_338 : vector<16xf32>
        %add3A_341 = arith.addf %add3A_325, %mul3A_340 : vector<16xf32>
        %get3A_342 = arith.index_cast %scan3A_247 : i32 to index
        %get3A_343 = arith.constant 176 : index
        %get3A_344 = tpu.vector_load %arg14[%get3A_342, %get3A_343] {strides = array<i32>} : memref<80x512xf32, #tpu.memory_space<vmem>>, vector<1x16xf32>,
        %get3A_345 = vector.shape_cast %get3A_344 : vector<1x16xf32> to vector<16xf32>
        %mul3A_346 = vector.broadcast %squeeze3A_334 : f32 to vector<16xf32>
        %mul3A_347 = arith.mulf %mul3A_346, %get3A_345 : vector<16xf32>
        %add3A_348 = arith.addf %add3A_332, %mul3A_347 : vector<16xf32>
        %slice3A_349 = vector.extract_strided_slice %get3A_254 {offsets = [6], sizes = [1], strides = [1]} : vector<16xf32> to vector<1xf32>
        %squeeze3A_350 = vector.extract %slice3A_349[0] : f32 from vector<1xf32>
        %get3A_351 = arith.index_cast %scan3A_247 : i32 to index
        %get3A_352 = arith.constant 192 : index
        %get3A_353 = tpu.vector_load %arg14[%get3A_351, %get3A_352] {strides = array<i32>} : memref<80x512xf32, #tpu.memory_space<vmem>>, vector<1x16xf32>,
        %get3A_354 = vector.shape_cast %get3A_353 : vector<1x16xf32> to vector<16xf32>
        %mul3A_355 = vector.broadcast %squeeze3A_350 : f32 to vector<16xf32>
        %mul3A_356 = arith.mulf %mul3A_355, %get3A_354 : vector<16xf32>
        %add3A_357 = arith.addf %add3A_341, %mul3A_356 : vector<16xf32>
        %get3A_358 = arith.index_cast %scan3A_247 : i32 to index
        %get3A_359 = arith.constant 208 : index
        %get3A_360 = tpu.vector_load %arg14[%get3A_358, %get3A_359] {strides = array<i32>} : memref<80x512xf32, #tpu.memory_space<vmem>>, vector<1x16xf32>,
        %get3A_361 = vector.shape_cast %get3A_360 : vector<1x16xf32> to vector<16xf32>
        %mul3A_362 = vector.broadcast %squeeze3A_350 : f32 to vector<16xf32>
        %mul3A_363 = arith.mulf %mul3A_362, %get3A_361 : vector<16xf32>
        %add3A_364 = arith.addf %add3A_348, %mul3A_363 : vector<16xf32>
        %slice3A_365 = vector.extract_strided_slice %get3A_254 {offsets = [7], sizes = [1], strides = [1]} : vector<16xf32> to vector<1xf32>
        %squeeze3A_366 = vector.extract %slice3A_365[0] : f32 from vector<1xf32>
        %get3A_367 = arith.index_cast %scan3A_247 : i32 to index
        %get3A_368 = arith.constant 224 : index
        %get3A_369 = tpu.vector_load %arg14[%get3A_367, %get3A_368] {strides = array<i32>} : memref<80x512xf32, #tpu.memory_space<vmem>>, vector<1x16xf32>,
        %get3A_370 = vector.shape_cast %get3A_369 : vector<1x16xf32> to vector<16xf32>
        %mul3A_371 = vector.broadcast %squeeze3A_366 : f32 to vector<16xf32>
        %mul3A_372 = arith.mulf %mul3A_371, %get3A_370 : vector<16xf32>
        %add3A_373 = arith.addf %add3A_357, %mul3A_372 : vector<16xf32>
        %get3A_374 = arith.index_cast %scan3A_247 : i32 to index
        %get3A_375 = arith.constant 240 : index
        %get3A_376 = tpu.vector_load %arg14[%get3A_374, %get3A_375] {strides = array<i32>} : memref<80x512xf32, #tpu.memory_space<vmem>>, vector<1x16xf32>,
        %get3A_377 = vector.shape_cast %get3A_376 : vector<1x16xf32> to vector<16xf32>
        %mul3A_378 = vector.broadcast %squeeze3A_366 : f32 to vector<16xf32>
        %mul3A_379 = arith.mulf %mul3A_378, %get3A_377 : vector<16xf32>
        %add3A_380 = arith.addf %add3A_364, %mul3A_379 : vector<16xf32>
        %slice3A_381 = vector.extract_strided_slice %get3A_254 {offsets = [8], sizes = [1], strides = [1]} : vector<16xf32> to vector<1xf32>
        %squeeze3A_382 = vector.extract %slice3A_381[0] : f32 from vector<1xf32>
        %get3A_383 = arith.index_cast %scan3A_247 : i32 to index
        %get3A_384 = arith.constant 256 : index
        %get3A_385 = tpu.vector_load %arg14[%get3A_383, %get3A_384] {strides = array<i32>} : memref<80x512xf32, #tpu.memory_space<vmem>>, vector<1x16xf32>,
        %get3A_386 = vector.shape_cast %get3A_385 : vector<1x16xf32> to vector<16xf32>
        %mul3A_387 = vector.broadcast %squeeze3A_382 : f32 to vector<16xf32>
        %mul3A_388 = arith.mulf %mul3A_387, %get3A_386 : vector<16xf32>
        %add3A_389 = arith.addf %add3A_373, %mul3A_388 : vector<16xf32>
        %get3A_390 = arith.index_cast %scan3A_247 : i32 to index
        %get3A_391 = arith.constant 272 : index
        %get3A_392 = tpu.vector_load %arg14[%get3A_390, %get3A_391] {strides = array<i32>} : memref<80x512xf32, #tpu.memory_space<vmem>>, vector<1x16xf32>,
        %get3A_393 = vector.shape_cast %get3A_392 : vector<1x16xf32> to vector<16xf32>
        %mul3A_394 = vector.broadcast %squeeze3A_382 : f32 to vector<16xf32>
        %mul3A_395 = arith.mulf %mul3A_394, %get3A_393 : vector<16xf32>
        %add3A_396 = arith.addf %add3A_380, %mul3A_395 : vector<16xf32>
        %slice3A_397 = vector.extract_strided_slice %get3A_254 {offsets = [9], sizes = [1], strides = [1]} : vector<16xf32> to vector<1xf32>
        %squeeze3A_398 = vector.extract %slice3A_397[0] : f32 from vector<1xf32>
        %get3A_399 = arith.index_cast %scan3A_247 : i32 to index
        %get3A_400 = arith.constant 288 : index
        %get3A_401 = tpu.vector_load %arg14[%get3A_399, %get3A_400] {strides = array<i32>} : memref<80x512xf32, #tpu.memory_space<vmem>>, vector<1x16xf32>,
        %get3A_402 = vector.shape_cast %get3A_401 : vector<1x16xf32> to vector<16xf32>
        %mul3A_403 = vector.broadcast %squeeze3A_398 : f32 to vector<16xf32>
        %mul3A_404 = arith.mulf %mul3A_403, %get3A_402 : vector<16xf32>
        %add3A_405 = arith.addf %add3A_389, %mul3A_404 : vector<16xf32>
        %get3A_406 = arith.index_cast %scan3A_247 : i32 to index
        %get3A_407 = arith.constant 304 : index
        %get3A_408 = tpu.vector_load %arg14[%get3A_406, %get3A_407] {strides = array<i32>} : memref<80x512xf32, #tpu.memory_space<vmem>>, vector<1x16xf32>,
        %get3A_409 = vector.shape_cast %get3A_408 : vector<1x16xf32> to vector<16xf32>
        %mul3A_410 = vector.broadcast %squeeze3A_398 : f32 to vector<16xf32>
        %mul3A_411 = arith.mulf %mul3A_410, %get3A_409 : vector<16xf32>
        %add3A_412 = arith.addf %add3A_396, %mul3A_411 : vector<16xf32>
        %slice3A_413 = vector.extract_strided_slice %get3A_254 {offsets = [10], sizes = [1], strides = [1]} : vector<16xf32> to vector<1xf32>
        %squeeze3A_414 = vector.extract %slice3A_413[0] : f32 from vector<1xf32>
        %get3A_415 = arith.index_cast %scan3A_247 : i32 to index
        %get3A_416 = arith.constant 320 : index
        %get3A_417 = tpu.vector_load %arg14[%get3A_415, %get3A_416] {strides = array<i32>} : memref<80x512xf32, #tpu.memory_space<vmem>>, vector<1x16xf32>,
        %get3A_418 = vector.shape_cast %get3A_417 : vector<1x16xf32> to vector<16xf32>
        %mul3A_419 = vector.broadcast %squeeze3A_414 : f32 to vector<16xf32>
        %mul3A_420 = arith.mulf %mul3A_419, %get3A_418 : vector<16xf32>
        %add3A_421 = arith.addf %add3A_405, %mul3A_420 : vector<16xf32>
        %get3A_422 = arith.index_cast %scan3A_247 : i32 to index
        %get3A_423 = arith.constant 336 : index
        %get3A_424 = tpu.vector_load %arg14[%get3A_422, %get3A_423] {strides = array<i32>} : memref<80x512xf32, #tpu.memory_space<vmem>>, vector<1x16xf32>,
        %get3A_425 = vector.shape_cast %get3A_424 : vector<1x16xf32> to vector<16xf32>
        %mul3A_426 = vector.broadcast %squeeze3A_414 : f32 to vector<16xf32>
        %mul3A_427 = arith.mulf %mul3A_426, %get3A_425 : vector<16xf32>
        %add3A_428 = arith.addf %add3A_412, %mul3A_427 : vector<16xf32>
        %slice3A_429 = vector.extract_strided_slice %get3A_254 {offsets = [11], sizes = [1], strides = [1]} : vector<16xf32> to vector<1xf32>
        %squeeze3A_430 = vector.extract %slice3A_429[0] : f32 from vector<1xf32>
        %get3A_431 = arith.index_cast %scan3A_247 : i32 to index
        %get3A_432 = arith.constant 352 : index
        %get3A_433 = tpu.vector_load %arg14[%get3A_431, %get3A_432] {strides = array<i32>} : memref<80x512xf32, #tpu.memory_space<vmem>>, vector<1x16xf32>,
        %get3A_434 = vector.shape_cast %get3A_433 : vector<1x16xf32> to vector<16xf32>
        %mul3A_435 = vector.broadcast %squeeze3A_430 : f32 to vector<16xf32>
        %mul3A_436 = arith.mulf %mul3A_435, %get3A_434 : vector<16xf32>
        %add3A_437 = arith.addf %add3A_421, %mul3A_436 : vector<16xf32>
        %get3A_438 = arith.index_cast %scan3A_247 : i32 to index
        %get3A_439 = arith.constant 368 : index
        %get3A_440 = tpu.vector_load %arg14[%get3A_438, %get3A_439] {strides = array<i32>} : memref<80x512xf32, #tpu.memory_space<vmem>>, vector<1x16xf32>,
        %get3A_441 = vector.shape_cast %get3A_440 : vector<1x16xf32> to vector<16xf32>
        %mul3A_442 = vector.broadcast %squeeze3A_430 : f32 to vector<16xf32>
        %mul3A_443 = arith.mulf %mul3A_442, %get3A_441 : vector<16xf32>
        %add3A_444 = arith.addf %add3A_428, %mul3A_443 : vector<16xf32>
        %slice3A_445 = vector.extract_strided_slice %get3A_254 {offsets = [12], sizes = [1], strides = [1]} : vector<16xf32> to vector<1xf32>
        %squeeze3A_446 = vector.extract %slice3A_445[0] : f32 from vector<1xf32>
        %get3A_447 = arith.index_cast %scan3A_247 : i32 to index
        %get3A_448 = arith.constant 384 : index
        %get3A_449 = tpu.vector_load %arg14[%get3A_447, %get3A_448] {strides = array<i32>} : memref<80x512xf32, #tpu.memory_space<vmem>>, vector<1x16xf32>,
        %get3A_450 = vector.shape_cast %get3A_449 : vector<1x16xf32> to vector<16xf32>
        %mul3A_451 = vector.broadcast %squeeze3A_446 : f32 to vector<16xf32>
        %mul3A_452 = arith.mulf %mul3A_451, %get3A_450 : vector<16xf32>
        %add3A_453 = arith.addf %add3A_437, %mul3A_452 : vector<16xf32>
        %get3A_454 = arith.index_cast %scan3A_247 : i32 to index
        %get3A_455 = arith.constant 400 : index
        %get3A_456 = tpu.vector_load %arg14[%get3A_454, %get3A_455] {strides = array<i32>} : memref<80x512xf32, #tpu.memory_space<vmem>>, vector<1x16xf32>,
        %get3A_457 = vector.shape_cast %get3A_456 : vector<1x16xf32> to vector<16xf32>
        %mul3A_458 = vector.broadcast %squeeze3A_446 : f32 to vector<16xf32>
        %mul3A_459 = arith.mulf %mul3A_458, %get3A_457 : vector<16xf32>
        %add3A_460 = arith.addf %add3A_444, %mul3A_459 : vector<16xf32>
        %slice3A_461 = vector.extract_strided_slice %get3A_254 {offsets = [13], sizes = [1], strides = [1]} : vector<16xf32> to vector<1xf32>
        %squeeze3A_462 = vector.extract %slice3A_461[0] : f32 from vector<1xf32>
        %get3A_463 = arith.index_cast %scan3A_247 : i32 to index
        %get3A_464 = arith.constant 416 : index
        %get3A_465 = tpu.vector_load %arg14[%get3A_463, %get3A_464] {strides = array<i32>} : memref<80x512xf32, #tpu.memory_space<vmem>>, vector<1x16xf32>,
        %get3A_466 = vector.shape_cast %get3A_465 : vector<1x16xf32> to vector<16xf32>
        %mul3A_467 = vector.broadcast %squeeze3A_462 : f32 to vector<16xf32>
        %mul3A_468 = arith.mulf %mul3A_467, %get3A_466 : vector<16xf32>
        %add3A_469 = arith.addf %add3A_453, %mul3A_468 : vector<16xf32>
        %get3A_470 = arith.index_cast %scan3A_247 : i32 to index
        %get3A_471 = arith.constant 432 : index
        %get3A_472 = tpu.vector_load %arg14[%get3A_470, %get3A_471] {strides = array<i32>} : memref<80x512xf32, #tpu.memory_space<vmem>>, vector<1x16xf32>,
        %get3A_473 = vector.shape_cast %get3A_472 : vector<1x16xf32> to vector<16xf32>
        %mul3A_474 = vector.broadcast %squeeze3A_462 : f32 to vector<16xf32>
        %mul3A_475 = arith.mulf %mul3A_474, %get3A_473 : vector<16xf32>
        %add3A_476 = arith.addf %add3A_460, %mul3A_475 : vector<16xf32>
        %slice3A_477 = vector.extract_strided_slice %get3A_254 {offsets = [14], sizes = [1], strides = [1]} : vector<16xf32> to vector<1xf32>
        %squeeze3A_478 = vector.extract %slice3A_477[0] : f32 from vector<1xf32>
        %get3A_479 = arith.index_cast %scan3A_247 : i32 to index
        %get3A_480 = arith.constant 448 : index
        %get3A_481 = tpu.vector_load %arg14[%get3A_479, %get3A_480] {strides = array<i32>} : memref<80x512xf32, #tpu.memory_space<vmem>>, vector<1x16xf32>,
        %get3A_482 = vector.shape_cast %get3A_481 : vector<1x16xf32> to vector<16xf32>
        %mul3A_483 = vector.broadcast %squeeze3A_478 : f32 to vector<16xf32>
        %mul3A_484 = arith.mulf %mul3A_483, %get3A_482 : vector<16xf32>
        %add3A_485 = arith.addf %add3A_469, %mul3A_484 : vector<16xf32>
        %get3A_486 = arith.index_cast %scan3A_247 : i32 to index
        %get3A_487 = arith.constant 464 : index
        %get3A_488 = tpu.vector_load %arg14[%get3A_486, %get3A_487] {strides = array<i32>} : memref<80x512xf32, #tpu.memory_space<vmem>>, vector<1x16xf32>,
        %get3A_489 = vector.shape_cast %get3A_488 : vector<1x16xf32> to vector<16xf32>
        %mul3A_490 = vector.broadcast %squeeze3A_478 : f32 to vector<16xf32>
        %mul3A_491 = arith.mulf %mul3A_490, %get3A_489 : vector<16xf32>
        %add3A_492 = arith.addf %add3A_476, %mul3A_491 : vector<16xf32>
        %slice3A_493 = vector.extract_strided_slice %get3A_254 {offsets = [15], sizes = [1], strides = [1]} : vector<16xf32> to vector<1xf32>
        %squeeze3A_494 = vector.extract %slice3A_493[0] : f32 from vector<1xf32>
        %get3A_495 = arith.index_cast %scan3A_247 : i32 to index
        %get3A_496 = arith.constant 480 : index
        %get3A_497 = tpu.vector_load %arg14[%get3A_495, %get3A_496] {strides = array<i32>} : memref<80x512xf32, #tpu.memory_space<vmem>>, vector<1x16xf32>,
        %get3A_498 = vector.shape_cast %get3A_497 : vector<1x16xf32> to vector<16xf32>
        %mul3A_499 = vector.broadcast %squeeze3A_494 : f32 to vector<16xf32>
        %mul3A_500 = arith.mulf %mul3A_499, %get3A_498 : vector<16xf32>
        %add3A_501 = arith.addf %add3A_485, %mul3A_500 : vector<16xf32>
        %get3A_502 = arith.index_cast %scan3A_247 : i32 to index
        %get3A_503 = arith.constant 496 : index
        %get3A_504 = tpu.vector_load %arg14[%get3A_502, %get3A_503] {strides = array<i32>} : memref<80x512xf32, #tpu.memory_space<vmem>>, vector<1x16xf32>,
        %get3A_505 = vector.shape_cast %get3A_504 : vector<1x16xf32> to vector<16xf32>
        %mul3A_506 = vector.broadcast %squeeze3A_494 : f32 to vector<16xf32>
        %mul3A_507 = arith.mulf %mul3A_506, %get3A_505 : vector<16xf32>
        %add3A_508 = arith.addf %add3A_492, %mul3A_507 : vector<16xf32>
        %swap3A = arith.index_cast %scan3A_247 : i32 to index
        %swap3A_509 = arith.constant 0 : index
        %swap3A_510 = tpu.vector_load %arg15[%swap3A, %swap3A_509] {strides = array<i32>} : memref<80x32xf32, #tpu.memory_space<vmem>>, vector<1x16xf32>,
        %swap3A_511 = vector.shape_cast %swap3A_510 : vector<1x16xf32> to vector<16xf32>
        %swap3A_512 = vector.shape_cast %add3A_501 : vector<16xf32> to vector<1x16xf32>
        tpu.vector_store %arg15[%swap3A, %swap3A_509], %swap3A_512 {strides = array<i32>} : memref<80x32xf32, #tpu.memory_space<vmem>>, vector<1x16xf32>,
        %swap3A_513 = arith.index_cast %scan3A_247 : i32 to index
        %swap3A_514 = arith.constant 16 : index
        %swap3A_515 = tpu.vector_load %arg15[%swap3A_513, %swap3A_514] {strides = array<i32>} : memref<80x32xf32, #tpu.memory_space<vmem>>, vector<1x16xf32>,
        %swap3A_516 = vector.shape_cast %swap3A_515 : vector<1x16xf32> to vector<16xf32>
        %swap3A_517 = vector.shape_cast %add3A_508 : vector<16xf32> to vector<1x16xf32>
        tpu.vector_store %arg15[%swap3A_513, %swap3A_514], %swap3A_517 {strides = array<i32>} : memref<80x32xf32, #tpu.memory_space<vmem>>, vector<1x16xf32>,
      }
      %scan3A_216 = arith.constant 80 : i32
      "tpu.region"() ({
        %run_scoped3A = tpu.sem_alloc : memref<!tpu.dma_semaphore, #tpu.memory_space<semaphore_mem>>
        %dma_start3A_247 = arith.constant 0 : i32
        %dma_start3A_248 = arith.constant 0 : i32
        %dma_start3A_249 = tpu.memref_slice %arg17[%dma_start3A_247, %dma_start3A_248] : memref<10240x32xf32, #tpu.memory_space<vmem_shared>> -> memref<10240x32xf32, #tpu.memory_space<vmem_shared>>
        tpu.enqueue_indirect_dma source(%arg15 : memref<80x32xf32, #tpu.memory_space<vmem>>) target(%dma_start3A_249 : memref<10240x32xf32, #tpu.memory_space<vmem_shared>>) offsets(%arg12 : memref<80xi32, #tpu.memory_space<vmem>>) semaphore(%run_scoped3A : memref<!tpu.dma_semaphore, #tpu.memory_space<semaphore_mem>>) {add = true}
        %dma_wait3A_250 = arith.constant 0 : i32
        %dma_wait3A_251 = arith.constant 0 : i32
        %dma_wait3A_252 = tpu.memref_slice %arg17[%dma_wait3A_250, %dma_wait3A_251] : memref<10240x32xf32, #tpu.memory_space<vmem_shared>> -> memref<10240x32xf32, #tpu.memory_space<vmem_shared>>
        tpu.wait_indirect_dma semaphore(%run_scoped3A : memref<!tpu.dma_semaphore, #tpu.memory_space<semaphore_mem>>) src(%arg15 : memref<80x32xf32, #tpu.memory_space<vmem>>) dst(%dma_wait3A_252 : memref<10240x32xf32, #tpu.memory_space<vmem_shared>>)
        tpu.yield
      }) : () -> ()
      %add3A_217 = arith.constant 2 : i32
      %add3A_218 = arith.addi %add3A_174, %add3A_217 : i32
      %jit3A_219 = arith.constant 125 : i32
      %eq3A_220 = arith.constant 0 : i32
      %eq3A_221 = arith.cmpi eq, %jit3A_219, %eq3A_220 : i32
      %jit3A_222 = arith.constant 1 : i32
      %select_n3A_223 = arith.select %eq3A_221, %jit3A_222, %jit3A_219 : i32
      %rem3A_224 = arith.remsi %add3A_218, %select_n3A_223 : i32
      %ne3A_225 = arith.constant 0 : i32
      %ne3A_226 = arith.cmpi ne, %rem3A_224, %ne3A_225 : i32
      %lt3A_227 = arith.constant 0 : i32
      %lt3A_228 = arith.cmpi slt, %rem3A_224, %lt3A_227 : i32
      %lt3A_229 = arith.constant 0 : i32
      %lt3A_230 = arith.cmpi slt, %select_n3A_223, %lt3A_229 : i32
      %ne3A_231 = arith.xori %lt3A_228, %lt3A_230 : i1
      %and3A_232 = arith.andi %ne3A_231, %ne3A_226 : i1
      %add3A_233 = arith.addi %rem3A_224, %select_n3A_223 : i32
      %select_n3A_234 = arith.select %and3A_232, %add3A_233, %rem3A_224 : i32
      %mul3A_235 = arith.constant 80 : i32
      %mul3A_236 = arith.muli %select_n3A_234, %mul3A_235 : i32
      %add3A_237 = arith.addi %mul3A_10, %mul3A_236 : i32
      %multiple_of3A_238 = tpu.assume_multiple %add3A_237, 8 : i32
      %dma_start3A_239 = tpu.memref_slice %arg4[%multiple_of3A_238] : memref<320000xi32, #tpu.memory_space<hbm>> -> memref<80xi32, #tpu.memory_space<hbm>>
      %dma_start3A_240 = tpu.memref_slice %arg4[%multiple_of3A_238] : memref<320000xi32, #tpu.memory_space<hbm>> -> memref<80xi32, #tpu.memory_space<hbm>>
      tpu.enqueue_dma source(%dma_start3A_240 : memref<80xi32, #tpu.memory_space<hbm>>) target(%arg11 : memref<80xi32, #tpu.memory_space<vmem>>) target_semaphore(%arg20 : memref<!tpu.dma_semaphore, #tpu.memory_space<semaphore_mem>>)
      %dma_start3A_241 = tpu.memref_slice %arg5[%multiple_of3A_238] : memref<320000xi32, #tpu.memory_space<hbm>> -> memref<80xi32, #tpu.memory_space<hbm>>
      %dma_start3A_242 = tpu.memref_slice %arg5[%multiple_of3A_238] : memref<320000xi32, #tpu.memory_space<hbm>> -> memref<80xi32, #tpu.memory_space<hbm>>
      tpu.enqueue_dma source(%dma_start3A_242 : memref<80xi32, #tpu.memory_space<hbm>>) target(%arg12 : memref<80xi32, #tpu.memory_space<vmem>>) target_semaphore(%arg20 : memref<!tpu.dma_semaphore, #tpu.memory_space<semaphore_mem>>)
      %dma_start3A_243 = arith.constant 0 : i32
      %dma_start3A_244 = tpu.memref_slice %arg3[%multiple_of3A_238, %dma_start3A_243] : memref<320000x16xf32, #tpu.memory_space<hbm>> -> memref<80x16xf32, #tpu.memory_space<hbm>>
      %dma_start3A_245 = arith.constant 0 : i32
      %dma_start3A_246 = tpu.memref_slice %arg3[%multiple_of3A_238, %dma_start3A_245] : memref<320000x16xf32, #tpu.memory_space<hbm>> -> memref<80x16xf32, #tpu.memory_space<hbm>>
      tpu.enqueue_dma source(%dma_start3A_246 : memref<80x16xf32, #tpu.memory_space<hbm>>) target(%arg13 : memref<80x16xf32, #tpu.memory_space<vmem>>) target_semaphore(%arg20 : memref<!tpu.dma_semaphore, #tpu.memory_space<semaphore_mem>>)
    }
    %scan3A_49 = arith.constant 62 : i32
    %add3A_50 = arith.constant 0 : i32
    %add3A_51 = arith.addi %mul3A_10, %add3A_50 : i32
    %multiple_of3A_52 = tpu.assume_multiple %add3A_51, 8 : i32
    %dma_wait3A_53 = tpu.memref_slice %arg4[%multiple_of3A_52] : memref<320000xi32, #tpu.memory_space<hbm>> -> memref<80xi32, #tpu.memory_space<hbm>>
    %dma_wait3A_54 = tpu.memref_slice %arg4[%multiple_of3A_52] : memref<320000xi32, #tpu.memory_space<hbm>> -> memref<80xi32, #tpu.memory_space<hbm>>
    tpu.wait_dma2 semaphore(%arg20 : memref<!tpu.dma_semaphore, #tpu.memory_space<semaphore_mem>>) src(%dma_wait3A_54 : memref<80xi32, #tpu.memory_space<hbm>>) dst(%arg11 : memref<80xi32, #tpu.memory_space<vmem>>)
    %dma_wait3A_55 = tpu.memref_slice %arg5[%multiple_of3A_52] : memref<320000xi32, #tpu.memory_space<hbm>> -> memref<80xi32, #tpu.memory_space<hbm>>
    %dma_wait3A_56 = tpu.memref_slice %arg5[%multiple_of3A_52] : memref<320000xi32, #tpu.memory_space<hbm>> -> memref<80xi32, #tpu.memory_space<hbm>>
    tpu.wait_dma2 semaphore(%arg20 : memref<!tpu.dma_semaphore, #tpu.memory_space<semaphore_mem>>) src(%dma_wait3A_56 : memref<80xi32, #tpu.memory_space<hbm>>) dst(%arg12 : memref<80xi32, #tpu.memory_space<vmem>>)
    %dma_wait3A_57 = arith.constant 0 : i32
    %dma_wait3A_58 = tpu.memref_slice %arg3[%multiple_of3A_52, %dma_wait3A_57] : memref<320000x16xf32, #tpu.memory_space<hbm>> -> memref<80x16xf32, #tpu.memory_space<hbm>>
    %dma_wait3A_59 = arith.constant 0 : i32
    %dma_wait3A_60 = tpu.memref_slice %arg3[%multiple_of3A_52, %dma_wait3A_59] : memref<320000x16xf32, #tpu.memory_space<hbm>> -> memref<80x16xf32, #tpu.memory_space<hbm>>
    tpu.wait_dma2 semaphore(%arg20 : memref<!tpu.dma_semaphore, #tpu.memory_space<semaphore_mem>>) src(%dma_wait3A_60 : memref<80x16xf32, #tpu.memory_space<hbm>>) dst(%arg13 : memref<80x16xf32, #tpu.memory_space<vmem>>)
    %dma_wait3A_61 = arith.constant 0 : i32
    %dma_wait3A_62 = arith.constant 0 : i32
    %dma_wait3A_63 = tpu.memref_slice %arg2[%dma_wait3A_61, %dma_wait3A_62] : memref<10000x512xf32, #tpu.memory_space<hbm>> -> memref<10000x512xf32, #tpu.memory_space<hbm>>
    tpu.wait_indirect_dma semaphore(%arg18 : memref<!tpu.dma_semaphore, #tpu.memory_space<semaphore_mem>>) src(%dma_wait3A_63 : memref<10000x512xf32, #tpu.memory_space<hbm>>) dst(%arg10 : memref<80x512xf32, #tpu.memory_space<vmem>>)
    %dma_start3A_64 = arith.constant 0 : i32
    %dma_start3A_65 = arith.constant 0 : i32
    %dma_start3A_66 = tpu.memref_slice %arg2[%dma_start3A_64, %dma_start3A_65] : memref<10000x512xf32, #tpu.memory_space<hbm>> -> memref<10000x512xf32, #tpu.memory_space<hbm>>
    tpu.enqueue_indirect_dma source(%dma_start3A_66 : memref<10000x512xf32, #tpu.memory_space<hbm>>) target(%arg14 : memref<80x512xf32, #tpu.memory_space<vmem>>) offsets(%arg11 : memref<80xi32, #tpu.memory_space<vmem>>) semaphore(%arg19 : memref<!tpu.dma_semaphore, #tpu.memory_space<semaphore_mem>>)
    %scan3A_67 = arith.constant 0 : i32
    %scan3A_68 = arith.constant 0 : i32
    %scan3A_69 = arith.constant 80 : i32
    %scan3A_70 = arith.addi %scan3A_68, %scan3A_69 : i32
    %scan3A_71 = arith.constant 1 : i32
    scf.for %scan3A_103 = %scan3A_68 to %scan3A_70 step %scan3A_71  : i32 {
      %broadcast_in_dim3A_104 = arith.constant 0.000000e+00 : f32
      %broadcast_in_dim3A_105 = vector.broadcast %broadcast_in_dim3A_104 : f32 to vector<16xf32>
      %broadcast_in_dim3A_106 = arith.constant 0.000000e+00 : f32
      %broadcast_in_dim3A_107 = vector.broadcast %broadcast_in_dim3A_106 : f32 to vector<16xf32>
      %get3A = arith.index_cast %scan3A_103 : i32 to index
      %get3A_108 = arith.constant 0 : index
      %get3A_109 = tpu.vector_load %arg9[%get3A, %get3A_108] {strides = array<i32>} : memref<80x16xf32, #tpu.memory_space<vmem>>, vector<1x16xf32>,
      %get3A_110 = vector.shape_cast %get3A_109 : vector<1x16xf32> to vector<16xf32>
      %slice3A = vector.extract_strided_slice %get3A_110 {offsets = [0], sizes = [1], strides = [1]} : vector<16xf32> to vector<1xf32>
      %squeeze3A = vector.extract %slice3A[0] : f32 from vector<1xf32>
      %get3A_111 = arith.index_cast %scan3A_103 : i32 to index
      %get3A_112 = arith.constant 0 : index
      %get3A_113 = tpu.vector_load %arg10[%get3A_111, %get3A_112] {strides = array<i32>} : memref<80x512xf32, #tpu.memory_space<vmem>>, vector<1x16xf32>,
      %get3A_114 = vector.shape_cast %get3A_113 : vector<1x16xf32> to vector<16xf32>
      %mul3A_115 = vector.broadcast %squeeze3A : f32 to vector<16xf32>
      %mul3A_116 = arith.mulf %mul3A_115, %get3A_114 : vector<16xf32>
      %add3A_117 = arith.addf %broadcast_in_dim3A_105, %mul3A_116 : vector<16xf32>
      %get3A_118 = arith.index_cast %scan3A_103 : i32 to index
      %get3A_119 = arith.constant 16 : index
      %get3A_120 = tpu.vector_load %arg10[%get3A_118, %get3A_119] {strides = array<i32>} : memref<80x512xf32, #tpu.memory_space<vmem>>, vector<1x16xf32>,
      %get3A_121 = vector.shape_cast %get3A_120 : vector<1x16xf32> to vector<16xf32>
      %mul3A_122 = vector.broadcast %squeeze3A : f32 to vector<16xf32>
      %mul3A_123 = arith.mulf %mul3A_122, %get3A_121 : vector<16xf32>
      %add3A_124 = arith.addf %broadcast_in_dim3A_107, %mul3A_123 : vector<16xf32>
      %slice3A_125 = vector.extract_strided_slice %get3A_110 {offsets = [1], sizes = [1], strides = [1]} : vector<16xf32> to vector<1xf32>
      %squeeze3A_126 = vector.extract %slice3A_125[0] : f32 from vector<1xf32>
      %get3A_127 = arith.index_cast %scan3A_103 : i32 to index
      %get3A_128 = arith.constant 32 : index
      %get3A_129 = tpu.vector_load %arg10[%get3A_127, %get3A_128] {strides = array<i32>} : memref<80x512xf32, #tpu.memory_space<vmem>>, vector<1x16xf32>,
      %get3A_130 = vector.shape_cast %get3A_129 : vector<1x16xf32> to vector<16xf32>
      %mul3A_131 = vector.broadcast %squeeze3A_126 : f32 to vector<16xf32>
      %mul3A_132 = arith.mulf %mul3A_131, %get3A_130 : vector<16xf32>
      %add3A_133 = arith.addf %add3A_117, %mul3A_132 : vector<16xf32>
      %get3A_134 = arith.index_cast %scan3A_103 : i32 to index
      %get3A_135 = arith.constant 48 : index
      %get3A_136 = tpu.vector_load %arg10[%get3A_134, %get3A_135] {strides = array<i32>} : memref<80x512xf32, #tpu.memory_space<vmem>>, vector<1x16xf32>,
      %get3A_137 = vector.shape_cast %get3A_136 : vector<1x16xf32> to vector<16xf32>
      %mul3A_138 = vector.broadcast %squeeze3A_126 : f32 to vector<16xf32>
      %mul3A_139 = arith.mulf %mul3A_138, %get3A_137 : vector<16xf32>
      %add3A_140 = arith.addf %add3A_124, %mul3A_139 : vector<16xf32>
      %slice3A_141 = vector.extract_strided_slice %get3A_110 {offsets = [2], sizes = [1], strides = [1]} : vector<16xf32> to vector<1xf32>
      %squeeze3A_142 = vector.extract %slice3A_141[0] : f32 from vector<1xf32>
      %get3A_143 = arith.index_cast %scan3A_103 : i32 to index
      %get3A_144 = arith.constant 64 : index
      %get3A_145 = tpu.vector_load %arg10[%get3A_143, %get3A_144] {strides = array<i32>} : memref<80x512xf32, #tpu.memory_space<vmem>>, vector<1x16xf32>,
      %get3A_146 = vector.shape_cast %get3A_145 : vector<1x16xf32> to vector<16xf32>
      %mul3A_147 = vector.broadcast %squeeze3A_142 : f32 to vector<16xf32>
      %mul3A_148 = arith.mulf %mul3A_147, %get3A_146 : vector<16xf32>
      %add3A_149 = arith.addf %add3A_133, %mul3A_148 : vector<16xf32>
      %get3A_150 = arith.index_cast %scan3A_103 : i32 to index
      %get3A_151 = arith.constant 80 : index
      %get3A_152 = tpu.vector_load %arg10[%get3A_150, %get3A_151] {strides = array<i32>} : memref<80x512xf32, #tpu.memory_space<vmem>>, vector<1x16xf32>,
      %get3A_153 = vector.shape_cast %get3A_152 : vector<1x16xf32> to vector<16xf32>
      %mul3A_154 = vector.broadcast %squeeze3A_142 : f32 to vector<16xf32>
      %mul3A_155 = arith.mulf %mul3A_154, %get3A_153 : vector<16xf32>
      %add3A_156 = arith.addf %add3A_140, %mul3A_155 : vector<16xf32>
      %slice3A_157 = vector.extract_strided_slice %get3A_110 {offsets = [3], sizes = [1], strides = [1]} : vector<16xf32> to vector<1xf32>
      %squeeze3A_158 = vector.extract %slice3A_157[0] : f32 from vector<1xf32>
      %get3A_159 = arith.index_cast %scan3A_103 : i32 to index
      %get3A_160 = arith.constant 96 : index
      %get3A_161 = tpu.vector_load %arg10[%get3A_159, %get3A_160] {strides = array<i32>} : memref<80x512xf32, #tpu.memory_space<vmem>>, vector<1x16xf32>,
      %get3A_162 = vector.shape_cast %get3A_161 : vector<1x16xf32> to vector<16xf32>
      %mul3A_163 = vector.broadcast %squeeze3A_158 : f32 to vector<16xf32>
      %mul3A_164 = arith.mulf %mul3A_163, %get3A_162 : vector<16xf32>
      %add3A_165 = arith.addf %add3A_149, %mul3A_164 : vector<16xf32>
      %get3A_166 = arith.index_cast %scan3A_103 : i32 to index
      %get3A_167 = arith.constant 112 : index
      %get3A_168 = tpu.vector_load %arg10[%get3A_166, %get3A_167] {strides = array<i32>} : memref<80x512xf32, #tpu.memory_space<vmem>>, vector<1x16xf32>,
      %get3A_169 = vector.shape_cast %get3A_168 : vector<1x16xf32> to vector<16xf32>
      %mul3A_170 = vector.broadcast %squeeze3A_158 : f32 to vector<16xf32>
      %mul3A_171 = arith.mulf %mul3A_170, %get3A_169 : vector<16xf32>
      %add3A_172 = arith.addf %add3A_156, %mul3A_171 : vector<16xf32>
      %slice3A_173 = vector.extract_strided_slice %get3A_110 {offsets = [4], sizes = [1], strides = [1]} : vector<16xf32> to vector<1xf32>
      %squeeze3A_174 = vector.extract %slice3A_173[0] : f32 from vector<1xf32>
      %get3A_175 = arith.index_cast %scan3A_103 : i32 to index
      %get3A_176 = arith.constant 128 : index
      %get3A_177 = tpu.vector_load %arg10[%get3A_175, %get3A_176] {strides = array<i32>} : memref<80x512xf32, #tpu.memory_space<vmem>>, vector<1x16xf32>,
      %get3A_178 = vector.shape_cast %get3A_177 : vector<1x16xf32> to vector<16xf32>
      %mul3A_179 = vector.broadcast %squeeze3A_174 : f32 to vector<16xf32>
      %mul3A_180 = arith.mulf %mul3A_179, %get3A_178 : vector<16xf32>
      %add3A_181 = arith.addf %add3A_165, %mul3A_180 : vector<16xf32>
      %get3A_182 = arith.index_cast %scan3A_103 : i32 to index
      %get3A_183 = arith.constant 144 : index
      %get3A_184 = tpu.vector_load %arg10[%get3A_182, %get3A_183] {strides = array<i32>} : memref<80x512xf32, #tpu.memory_space<vmem>>, vector<1x16xf32>,
      %get3A_185 = vector.shape_cast %get3A_184 : vector<1x16xf32> to vector<16xf32>
      %mul3A_186 = vector.broadcast %squeeze3A_174 : f32 to vector<16xf32>
      %mul3A_187 = arith.mulf %mul3A_186, %get3A_185 : vector<16xf32>
      %add3A_188 = arith.addf %add3A_172, %mul3A_187 : vector<16xf32>
      %slice3A_189 = vector.extract_strided_slice %get3A_110 {offsets = [5], sizes = [1], strides = [1]} : vector<16xf32> to vector<1xf32>
      %squeeze3A_190 = vector.extract %slice3A_189[0] : f32 from vector<1xf32>
      %get3A_191 = arith.index_cast %scan3A_103 : i32 to index
      %get3A_192 = arith.constant 160 : index
      %get3A_193 = tpu.vector_load %arg10[%get3A_191, %get3A_192] {strides = array<i32>} : memref<80x512xf32, #tpu.memory_space<vmem>>, vector<1x16xf32>,
      %get3A_194 = vector.shape_cast %get3A_193 : vector<1x16xf32> to vector<16xf32>
      %mul3A_195 = vector.broadcast %squeeze3A_190 : f32 to vector<16xf32>
      %mul3A_196 = arith.mulf %mul3A_195, %get3A_194 : vector<16xf32>
      %add3A_197 = arith.addf %add3A_181, %mul3A_196 : vector<16xf32>
      %get3A_198 = arith.index_cast %scan3A_103 : i32 to index
      %get3A_199 = arith.constant 176 : index
      %get3A_200 = tpu.vector_load %arg10[%get3A_198, %get3A_199] {strides = array<i32>} : memref<80x512xf32, #tpu.memory_space<vmem>>, vector<1x16xf32>,
      %get3A_201 = vector.shape_cast %get3A_200 : vector<1x16xf32> to vector<16xf32>
      %mul3A_202 = vector.broadcast %squeeze3A_190 : f32 to vector<16xf32>
      %mul3A_203 = arith.mulf %mul3A_202, %get3A_201 : vector<16xf32>
      %add3A_204 = arith.addf %add3A_188, %mul3A_203 : vector<16xf32>
      %slice3A_205 = vector.extract_strided_slice %get3A_110 {offsets = [6], sizes = [1], strides = [1]} : vector<16xf32> to vector<1xf32>
      %squeeze3A_206 = vector.extract %slice3A_205[0] : f32 from vector<1xf32>
      %get3A_207 = arith.index_cast %scan3A_103 : i32 to index
      %get3A_208 = arith.constant 192 : index
      %get3A_209 = tpu.vector_load %arg10[%get3A_207, %get3A_208] {strides = array<i32>} : memref<80x512xf32, #tpu.memory_space<vmem>>, vector<1x16xf32>,
      %get3A_210 = vector.shape_cast %get3A_209 : vector<1x16xf32> to vector<16xf32>
      %mul3A_211 = vector.broadcast %squeeze3A_206 : f32 to vector<16xf32>
      %mul3A_212 = arith.mulf %mul3A_211, %get3A_210 : vector<16xf32>
      %add3A_213 = arith.addf %add3A_197, %mul3A_212 : vector<16xf32>
      %get3A_214 = arith.index_cast %scan3A_103 : i32 to index
      %get3A_215 = arith.constant 208 : index
      %get3A_216 = tpu.vector_load %arg10[%get3A_214, %get3A_215] {strides = array<i32>} : memref<80x512xf32, #tpu.memory_space<vmem>>, vector<1x16xf32>,
      %get3A_217 = vector.shape_cast %get3A_216 : vector<1x16xf32> to vector<16xf32>
      %mul3A_218 = vector.broadcast %squeeze3A_206 : f32 to vector<16xf32>
      %mul3A_219 = arith.mulf %mul3A_218, %get3A_217 : vector<16xf32>
      %add3A_220 = arith.addf %add3A_204, %mul3A_219 : vector<16xf32>
      %slice3A_221 = vector.extract_strided_slice %get3A_110 {offsets = [7], sizes = [1], strides = [1]} : vector<16xf32> to vector<1xf32>
      %squeeze3A_222 = vector.extract %slice3A_221[0] : f32 from vector<1xf32>
      %get3A_223 = arith.index_cast %scan3A_103 : i32 to index
      %get3A_224 = arith.constant 224 : index
      %get3A_225 = tpu.vector_load %arg10[%get3A_223, %get3A_224] {strides = array<i32>} : memref<80x512xf32, #tpu.memory_space<vmem>>, vector<1x16xf32>,
      %get3A_226 = vector.shape_cast %get3A_225 : vector<1x16xf32> to vector<16xf32>
      %mul3A_227 = vector.broadcast %squeeze3A_222 : f32 to vector<16xf32>
      %mul3A_228 = arith.mulf %mul3A_227, %get3A_226 : vector<16xf32>
      %add3A_229 = arith.addf %add3A_213, %mul3A_228 : vector<16xf32>
      %get3A_230 = arith.index_cast %scan3A_103 : i32 to index
      %get3A_231 = arith.constant 240 : index
      %get3A_232 = tpu.vector_load %arg10[%get3A_230, %get3A_231] {strides = array<i32>} : memref<80x512xf32, #tpu.memory_space<vmem>>, vector<1x16xf32>,
      %get3A_233 = vector.shape_cast %get3A_232 : vector<1x16xf32> to vector<16xf32>
      %mul3A_234 = vector.broadcast %squeeze3A_222 : f32 to vector<16xf32>
      %mul3A_235 = arith.mulf %mul3A_234, %get3A_233 : vector<16xf32>
      %add3A_236 = arith.addf %add3A_220, %mul3A_235 : vector<16xf32>
      %slice3A_237 = vector.extract_strided_slice %get3A_110 {offsets = [8], sizes = [1], strides = [1]} : vector<16xf32> to vector<1xf32>
      %squeeze3A_238 = vector.extract %slice3A_237[0] : f32 from vector<1xf32>
      %get3A_239 = arith.index_cast %scan3A_103 : i32 to index
      %get3A_240 = arith.constant 256 : index
      %get3A_241 = tpu.vector_load %arg10[%get3A_239, %get3A_240] {strides = array<i32>} : memref<80x512xf32, #tpu.memory_space<vmem>>, vector<1x16xf32>,
      %get3A_242 = vector.shape_cast %get3A_241 : vector<1x16xf32> to vector<16xf32>
      %mul3A_243 = vector.broadcast %squeeze3A_238 : f32 to vector<16xf32>
      %mul3A_244 = arith.mulf %mul3A_243, %get3A_242 : vector<16xf32>
      %add3A_245 = arith.addf %add3A_229, %mul3A_244 : vector<16xf32>
      %get3A_246 = arith.index_cast %scan3A_103 : i32 to index
      %get3A_247 = arith.constant 272 : index
      %get3A_248 = tpu.vector_load %arg10[%get3A_246, %get3A_247] {strides = array<i32>} : memref<80x512xf32, #tpu.memory_space<vmem>>, vector<1x16xf32>,
      %get3A_249 = vector.shape_cast %get3A_248 : vector<1x16xf32> to vector<16xf32>
      %mul3A_250 = vector.broadcast %squeeze3A_238 : f32 to vector<16xf32>
      %mul3A_251 = arith.mulf %mul3A_250, %get3A_249 : vector<16xf32>
      %add3A_252 = arith.addf %add3A_236, %mul3A_251 : vector<16xf32>
      %slice3A_253 = vector.extract_strided_slice %get3A_110 {offsets = [9], sizes = [1], strides = [1]} : vector<16xf32> to vector<1xf32>
      %squeeze3A_254 = vector.extract %slice3A_253[0] : f32 from vector<1xf32>
      %get3A_255 = arith.index_cast %scan3A_103 : i32 to index
      %get3A_256 = arith.constant 288 : index
      %get3A_257 = tpu.vector_load %arg10[%get3A_255, %get3A_256] {strides = array<i32>} : memref<80x512xf32, #tpu.memory_space<vmem>>, vector<1x16xf32>,
      %get3A_258 = vector.shape_cast %get3A_257 : vector<1x16xf32> to vector<16xf32>
      %mul3A_259 = vector.broadcast %squeeze3A_254 : f32 to vector<16xf32>
      %mul3A_260 = arith.mulf %mul3A_259, %get3A_258 : vector<16xf32>
      %add3A_261 = arith.addf %add3A_245, %mul3A_260 : vector<16xf32>
      %get3A_262 = arith.index_cast %scan3A_103 : i32 to index
      %get3A_263 = arith.constant 304 : index
      %get3A_264 = tpu.vector_load %arg10[%get3A_262, %get3A_263] {strides = array<i32>} : memref<80x512xf32, #tpu.memory_space<vmem>>, vector<1x16xf32>,
      %get3A_265 = vector.shape_cast %get3A_264 : vector<1x16xf32> to vector<16xf32>
      %mul3A_266 = vector.broadcast %squeeze3A_254 : f32 to vector<16xf32>
      %mul3A_267 = arith.mulf %mul3A_266, %get3A_265 : vector<16xf32>
      %add3A_268 = arith.addf %add3A_252, %mul3A_267 : vector<16xf32>
      %slice3A_269 = vector.extract_strided_slice %get3A_110 {offsets = [10], sizes = [1], strides = [1]} : vector<16xf32> to vector<1xf32>
      %squeeze3A_270 = vector.extract %slice3A_269[0] : f32 from vector<1xf32>
      %get3A_271 = arith.index_cast %scan3A_103 : i32 to index
      %get3A_272 = arith.constant 320 : index
      %get3A_273 = tpu.vector_load %arg10[%get3A_271, %get3A_272] {strides = array<i32>} : memref<80x512xf32, #tpu.memory_space<vmem>>, vector<1x16xf32>,
      %get3A_274 = vector.shape_cast %get3A_273 : vector<1x16xf32> to vector<16xf32>
      %mul3A_275 = vector.broadcast %squeeze3A_270 : f32 to vector<16xf32>
      %mul3A_276 = arith.mulf %mul3A_275, %get3A_274 : vector<16xf32>
      %add3A_277 = arith.addf %add3A_261, %mul3A_276 : vector<16xf32>
      %get3A_278 = arith.index_cast %scan3A_103 : i32 to index
      %get3A_279 = arith.constant 336 : index
      %get3A_280 = tpu.vector_load %arg10[%get3A_278, %get3A_279] {strides = array<i32>} : memref<80x512xf32, #tpu.memory_space<vmem>>, vector<1x16xf32>,
      %get3A_281 = vector.shape_cast %get3A_280 : vector<1x16xf32> to vector<16xf32>
      %mul3A_282 = vector.broadcast %squeeze3A_270 : f32 to vector<16xf32>
      %mul3A_283 = arith.mulf %mul3A_282, %get3A_281 : vector<16xf32>
      %add3A_284 = arith.addf %add3A_268, %mul3A_283 : vector<16xf32>
      %slice3A_285 = vector.extract_strided_slice %get3A_110 {offsets = [11], sizes = [1], strides = [1]} : vector<16xf32> to vector<1xf32>
      %squeeze3A_286 = vector.extract %slice3A_285[0] : f32 from vector<1xf32>
      %get3A_287 = arith.index_cast %scan3A_103 : i32 to index
      %get3A_288 = arith.constant 352 : index
      %get3A_289 = tpu.vector_load %arg10[%get3A_287, %get3A_288] {strides = array<i32>} : memref<80x512xf32, #tpu.memory_space<vmem>>, vector<1x16xf32>,
      %get3A_290 = vector.shape_cast %get3A_289 : vector<1x16xf32> to vector<16xf32>
      %mul3A_291 = vector.broadcast %squeeze3A_286 : f32 to vector<16xf32>
      %mul3A_292 = arith.mulf %mul3A_291, %get3A_290 : vector<16xf32>
      %add3A_293 = arith.addf %add3A_277, %mul3A_292 : vector<16xf32>
      %get3A_294 = arith.index_cast %scan3A_103 : i32 to index
      %get3A_295 = arith.constant 368 : index
      %get3A_296 = tpu.vector_load %arg10[%get3A_294, %get3A_295] {strides = array<i32>} : memref<80x512xf32, #tpu.memory_space<vmem>>, vector<1x16xf32>,
      %get3A_297 = vector.shape_cast %get3A_296 : vector<1x16xf32> to vector<16xf32>
      %mul3A_298 = vector.broadcast %squeeze3A_286 : f32 to vector<16xf32>
      %mul3A_299 = arith.mulf %mul3A_298, %get3A_297 : vector<16xf32>
      %add3A_300 = arith.addf %add3A_284, %mul3A_299 : vector<16xf32>
      %slice3A_301 = vector.extract_strided_slice %get3A_110 {offsets = [12], sizes = [1], strides = [1]} : vector<16xf32> to vector<1xf32>
      %squeeze3A_302 = vector.extract %slice3A_301[0] : f32 from vector<1xf32>
      %get3A_303 = arith.index_cast %scan3A_103 : i32 to index
      %get3A_304 = arith.constant 384 : index
      %get3A_305 = tpu.vector_load %arg10[%get3A_303, %get3A_304] {strides = array<i32>} : memref<80x512xf32, #tpu.memory_space<vmem>>, vector<1x16xf32>,
      %get3A_306 = vector.shape_cast %get3A_305 : vector<1x16xf32> to vector<16xf32>
      %mul3A_307 = vector.broadcast %squeeze3A_302 : f32 to vector<16xf32>
      %mul3A_308 = arith.mulf %mul3A_307, %get3A_306 : vector<16xf32>
      %add3A_309 = arith.addf %add3A_293, %mul3A_308 : vector<16xf32>
      %get3A_310 = arith.index_cast %scan3A_103 : i32 to index
      %get3A_311 = arith.constant 400 : index
      %get3A_312 = tpu.vector_load %arg10[%get3A_310, %get3A_311] {strides = array<i32>} : memref<80x512xf32, #tpu.memory_space<vmem>>, vector<1x16xf32>,
      %get3A_313 = vector.shape_cast %get3A_312 : vector<1x16xf32> to vector<16xf32>
      %mul3A_314 = vector.broadcast %squeeze3A_302 : f32 to vector<16xf32>
      %mul3A_315 = arith.mulf %mul3A_314, %get3A_313 : vector<16xf32>
      %add3A_316 = arith.addf %add3A_300, %mul3A_315 : vector<16xf32>
      %slice3A_317 = vector.extract_strided_slice %get3A_110 {offsets = [13], sizes = [1], strides = [1]} : vector<16xf32> to vector<1xf32>
      %squeeze3A_318 = vector.extract %slice3A_317[0] : f32 from vector<1xf32>
      %get3A_319 = arith.index_cast %scan3A_103 : i32 to index
      %get3A_320 = arith.constant 416 : index
      %get3A_321 = tpu.vector_load %arg10[%get3A_319, %get3A_320] {strides = array<i32>} : memref<80x512xf32, #tpu.memory_space<vmem>>, vector<1x16xf32>,
      %get3A_322 = vector.shape_cast %get3A_321 : vector<1x16xf32> to vector<16xf32>
      %mul3A_323 = vector.broadcast %squeeze3A_318 : f32 to vector<16xf32>
      %mul3A_324 = arith.mulf %mul3A_323, %get3A_322 : vector<16xf32>
      %add3A_325 = arith.addf %add3A_309, %mul3A_324 : vector<16xf32>
      %get3A_326 = arith.index_cast %scan3A_103 : i32 to index
      %get3A_327 = arith.constant 432 : index
      %get3A_328 = tpu.vector_load %arg10[%get3A_326, %get3A_327] {strides = array<i32>} : memref<80x512xf32, #tpu.memory_space<vmem>>, vector<1x16xf32>,
      %get3A_329 = vector.shape_cast %get3A_328 : vector<1x16xf32> to vector<16xf32>
      %mul3A_330 = vector.broadcast %squeeze3A_318 : f32 to vector<16xf32>
      %mul3A_331 = arith.mulf %mul3A_330, %get3A_329 : vector<16xf32>
      %add3A_332 = arith.addf %add3A_316, %mul3A_331 : vector<16xf32>
      %slice3A_333 = vector.extract_strided_slice %get3A_110 {offsets = [14], sizes = [1], strides = [1]} : vector<16xf32> to vector<1xf32>
      %squeeze3A_334 = vector.extract %slice3A_333[0] : f32 from vector<1xf32>
      %get3A_335 = arith.index_cast %scan3A_103 : i32 to index
      %get3A_336 = arith.constant 448 : index
      %get3A_337 = tpu.vector_load %arg10[%get3A_335, %get3A_336] {strides = array<i32>} : memref<80x512xf32, #tpu.memory_space<vmem>>, vector<1x16xf32>,
      %get3A_338 = vector.shape_cast %get3A_337 : vector<1x16xf32> to vector<16xf32>
      %mul3A_339 = vector.broadcast %squeeze3A_334 : f32 to vector<16xf32>
      %mul3A_340 = arith.mulf %mul3A_339, %get3A_338 : vector<16xf32>
      %add3A_341 = arith.addf %add3A_325, %mul3A_340 : vector<16xf32>
      %get3A_342 = arith.index_cast %scan3A_103 : i32 to index
      %get3A_343 = arith.constant 464 : index
      %get3A_344 = tpu.vector_load %arg10[%get3A_342, %get3A_343] {strides = array<i32>} : memref<80x512xf32, #tpu.memory_space<vmem>>, vector<1x16xf32>,
      %get3A_345 = vector.shape_cast %get3A_344 : vector<1x16xf32> to vector<16xf32>
      %mul3A_346 = vector.broadcast %squeeze3A_334 : f32 to vector<16xf32>
      %mul3A_347 = arith.mulf %mul3A_346, %get3A_345 : vector<16xf32>
      %add3A_348 = arith.addf %add3A_332, %mul3A_347 : vector<16xf32>
      %slice3A_349 = vector.extract_strided_slice %get3A_110 {offsets = [15], sizes = [1], strides = [1]} : vector<16xf32> to vector<1xf32>
      %squeeze3A_350 = vector.extract %slice3A_349[0] : f32 from vector<1xf32>
      %get3A_351 = arith.index_cast %scan3A_103 : i32 to index
      %get3A_352 = arith.constant 480 : index
      %get3A_353 = tpu.vector_load %arg10[%get3A_351, %get3A_352] {strides = array<i32>} : memref<80x512xf32, #tpu.memory_space<vmem>>, vector<1x16xf32>,
      %get3A_354 = vector.shape_cast %get3A_353 : vector<1x16xf32> to vector<16xf32>
      %mul3A_355 = vector.broadcast %squeeze3A_350 : f32 to vector<16xf32>
      %mul3A_356 = arith.mulf %mul3A_355, %get3A_354 : vector<16xf32>
      %add3A_357 = arith.addf %add3A_341, %mul3A_356 : vector<16xf32>
      %get3A_358 = arith.index_cast %scan3A_103 : i32 to index
      %get3A_359 = arith.constant 496 : index
      %get3A_360 = tpu.vector_load %arg10[%get3A_358, %get3A_359] {strides = array<i32>} : memref<80x512xf32, #tpu.memory_space<vmem>>, vector<1x16xf32>,
      %get3A_361 = vector.shape_cast %get3A_360 : vector<1x16xf32> to vector<16xf32>
      %mul3A_362 = vector.broadcast %squeeze3A_350 : f32 to vector<16xf32>
      %mul3A_363 = arith.mulf %mul3A_362, %get3A_361 : vector<16xf32>
      %add3A_364 = arith.addf %add3A_348, %mul3A_363 : vector<16xf32>
      %swap3A = arith.index_cast %scan3A_103 : i32 to index
      %swap3A_365 = arith.constant 0 : index
      %swap3A_366 = tpu.vector_load %arg15[%swap3A, %swap3A_365] {strides = array<i32>} : memref<80x32xf32, #tpu.memory_space<vmem>>, vector<1x16xf32>,
      %swap3A_367 = vector.shape_cast %swap3A_366 : vector<1x16xf32> to vector<16xf32>
      %swap3A_368 = vector.shape_cast %add3A_357 : vector<16xf32> to vector<1x16xf32>
      tpu.vector_store %arg15[%swap3A, %swap3A_365], %swap3A_368 {strides = array<i32>} : memref<80x32xf32, #tpu.memory_space<vmem>>, vector<1x16xf32>,
      %swap3A_369 = arith.index_cast %scan3A_103 : i32 to index
      %swap3A_370 = arith.constant 16 : index
      %swap3A_371 = tpu.vector_load %arg15[%swap3A_369, %swap3A_370] {strides = array<i32>} : memref<80x32xf32, #tpu.memory_space<vmem>>, vector<1x16xf32>,
      %swap3A_372 = vector.shape_cast %swap3A_371 : vector<1x16xf32> to vector<16xf32>
      %swap3A_373 = vector.shape_cast %add3A_364 : vector<16xf32> to vector<1x16xf32>
      tpu.vector_store %arg15[%swap3A_369, %swap3A_370], %swap3A_373 {strides = array<i32>} : memref<80x32xf32, #tpu.memory_space<vmem>>, vector<1x16xf32>,
    }
    %scan3A_72 = arith.constant 80 : i32
    "tpu.region"() ({
      %run_scoped3A = tpu.sem_alloc : memref<!tpu.dma_semaphore, #tpu.memory_space<semaphore_mem>>
      %dma_start3A_103 = arith.constant 0 : i32
      %dma_start3A_104 = arith.constant 0 : i32
      %dma_start3A_105 = tpu.memref_slice %arg17[%dma_start3A_103, %dma_start3A_104] : memref<10240x32xf32, #tpu.memory_space<vmem_shared>> -> memref<10240x32xf32, #tpu.memory_space<vmem_shared>>
      tpu.enqueue_indirect_dma source(%arg15 : memref<80x32xf32, #tpu.memory_space<vmem>>) target(%dma_start3A_105 : memref<10240x32xf32, #tpu.memory_space<vmem_shared>>) offsets(%arg8 : memref<80xi32, #tpu.memory_space<vmem>>) semaphore(%run_scoped3A : memref<!tpu.dma_semaphore, #tpu.memory_space<semaphore_mem>>) {add = true}
      %dma_wait3A_106 = arith.constant 0 : i32
      %dma_wait3A_107 = arith.constant 0 : i32
      %dma_wait3A_108 = tpu.memref_slice %arg17[%dma_wait3A_106, %dma_wait3A_107] : memref<10240x32xf32, #tpu.memory_space<vmem_shared>> -> memref<10240x32xf32, #tpu.memory_space<vmem_shared>>
      tpu.wait_indirect_dma semaphore(%run_scoped3A : memref<!tpu.dma_semaphore, #tpu.memory_space<semaphore_mem>>) src(%arg15 : memref<80x32xf32, #tpu.memory_space<vmem>>) dst(%dma_wait3A_108 : memref<10240x32xf32, #tpu.memory_space<vmem_shared>>)
      tpu.yield
    }) : () -> ()
    %add3A_73 = arith.constant 80 : i32
    %add3A_74 = arith.addi %mul3A_10, %add3A_73 : i32
    %multiple_of3A_75 = tpu.assume_multiple %add3A_74, 8 : i32
    %dma_start3A_76 = tpu.memref_slice %arg4[%multiple_of3A_75] : memref<320000xi32, #tpu.memory_space<hbm>> -> memref<80xi32, #tpu.memory_space<hbm>>
    %dma_start3A_77 = tpu.memref_slice %arg4[%multiple_of3A_75] : memref<320000xi32, #tpu.memory_space<hbm>> -> memref<80xi32, #tpu.memory_space<hbm>>
    tpu.enqueue_dma source(%dma_start3A_77 : memref<80xi32, #tpu.memory_space<hbm>>) target(%arg7 : memref<80xi32, #tpu.memory_space<vmem>>) target_semaphore(%arg20 : memref<!tpu.dma_semaphore, #tpu.memory_space<semaphore_mem>>)
    %dma_start3A_78 = tpu.memref_slice %arg5[%multiple_of3A_75] : memref<320000xi32, #tpu.memory_space<hbm>> -> memref<80xi32, #tpu.memory_space<hbm>>
    %dma_start3A_79 = tpu.memref_slice %arg5[%multiple_of3A_75] : memref<320000xi32, #tpu.memory_space<hbm>> -> memref<80xi32, #tpu.memory_space<hbm>>
    tpu.enqueue_dma source(%dma_start3A_79 : memref<80xi32, #tpu.memory_space<hbm>>) target(%arg8 : memref<80xi32, #tpu.memory_space<vmem>>) target_semaphore(%arg20 : memref<!tpu.dma_semaphore, #tpu.memory_space<semaphore_mem>>)
    %dma_start3A_80 = arith.constant 0 : i32
    %dma_start3A_81 = tpu.memref_slice %arg3[%multiple_of3A_75, %dma_start3A_80] : memref<320000x16xf32, #tpu.memory_space<hbm>> -> memref<80x16xf32, #tpu.memory_space<hbm>>
    %dma_start3A_82 = arith.constant 0 : i32
    %dma_start3A_83 = tpu.memref_slice %arg3[%multiple_of3A_75, %dma_start3A_82] : memref<320000x16xf32, #tpu.memory_space<hbm>> -> memref<80x16xf32, #tpu.memory_space<hbm>>
    tpu.enqueue_dma source(%dma_start3A_83 : memref<80x16xf32, #tpu.memory_space<hbm>>) target(%arg9 : memref<80x16xf32, #tpu.memory_space<vmem>>) target_semaphore(%arg20 : memref<!tpu.dma_semaphore, #tpu.memory_space<semaphore_mem>>)
    %dma_wait3A_84 = arith.constant 0 : i32
    %dma_wait3A_85 = arith.constant 0 : i32
    %dma_wait3A_86 = tpu.memref_slice %arg2[%dma_wait3A_84, %dma_wait3A_85] : memref<10000x512xf32, #tpu.memory_space<hbm>> -> memref<10000x512xf32, #tpu.memory_space<hbm>>
    tpu.wait_indirect_dma semaphore(%arg19 : memref<!tpu.dma_semaphore, #tpu.memory_space<semaphore_mem>>) src(%dma_wait3A_86 : memref<10000x512xf32, #tpu.memory_space<hbm>>) dst(%arg14 : memref<80x512xf32, #tpu.memory_space<vmem>>)
    %add3A_87 = arith.constant 0 : i32
    %add3A_88 = arith.addi %mul3A_10, %add3A_87 : i32
    %multiple_of3A_89 = tpu.assume_multiple %add3A_88, 8 : i32
    %dma_wait3A_90 = tpu.memref_slice %arg4[%multiple_of3A_89] : memref<320000xi32, #tpu.memory_space<hbm>> -> memref<80xi32, #tpu.memory_space<hbm>>
    %dma_wait3A_91 = tpu.memref_slice %arg4[%multiple_of3A_89] : memref<320000xi32, #tpu.memory_space<hbm>> -> memref<80xi32, #tpu.memory_space<hbm>>
    tpu.wait_dma2 semaphore(%arg20 : memref<!tpu.dma_semaphore, #tpu.memory_space<semaphore_mem>>) src(%dma_wait3A_91 : memref<80xi32, #tpu.memory_space<hbm>>) dst(%arg7 : memref<80xi32, #tpu.memory_space<vmem>>)
    %dma_wait3A_92 = tpu.memref_slice %arg5[%multiple_of3A_89] : memref<320000xi32, #tpu.memory_space<hbm>> -> memref<80xi32, #tpu.memory_space<hbm>>
    %dma_wait3A_93 = tpu.memref_slice %arg5[%multiple_of3A_89] : memref<320000xi32, #tpu.memory_space<hbm>> -> memref<80xi32, #tpu.memory_space<hbm>>
    tpu.wait_dma2 semaphore(%arg20 : memref<!tpu.dma_semaphore, #tpu.memory_space<semaphore_mem>>) src(%dma_wait3A_93 : memref<80xi32, #tpu.memory_space<hbm>>) dst(%arg8 : memref<80xi32, #tpu.memory_space<vmem>>)
    %dma_wait3A_94 = arith.constant 0 : i32
    %dma_wait3A_95 = tpu.memref_slice %arg3[%multiple_of3A_89, %dma_wait3A_94] : memref<320000x16xf32, #tpu.memory_space<hbm>> -> memref<80x16xf32, #tpu.memory_space<hbm>>
    %dma_wait3A_96 = arith.constant 0 : i32
    %dma_wait3A_97 = tpu.memref_slice %arg3[%multiple_of3A_89, %dma_wait3A_96] : memref<320000x16xf32, #tpu.memory_space<hbm>> -> memref<80x16xf32, #tpu.memory_space<hbm>>
    tpu.wait_dma2 semaphore(%arg20 : memref<!tpu.dma_semaphore, #tpu.memory_space<semaphore_mem>>) src(%dma_wait3A_97 : memref<80x16xf32, #tpu.memory_space<hbm>>) dst(%arg9 : memref<80x16xf32, #tpu.memory_space<vmem>>)
    %barrier3A_98 = arith.constant 0 : index
    tpu.barrier barrier_id(%barrier3A_98)
    %mul3A_99 = arith.constant 640 : i32
    %mul3A_100 = arith.muli %arg1, %mul3A_99 : i32
    %mul3A_101 = arith.constant 640 : i32
    %mul3A_102 = arith.muli %arg1, %mul3A_101 : i32
    "tpu.region"() ({
      %run_scoped3A = tpu.sem_alloc : memref<!tpu.dma_semaphore, #tpu.memory_space<semaphore_mem>>
      %dma_start3A_103 = arith.constant 0 : i32
      %dma_start3A_104 = tpu.memref_slice %arg6[%arg0, %mul3A_102, %dma_start3A_103] : memref<2x10240x32xf32, #tpu.memory_space<hbm>> -> memref<1x640x32xf32, #tpu.memory_space<hbm>>
      %dma_start3A_105 = tpu.memref_squeeze %dma_start3A_104 : memref<1x640x32xf32, #tpu.memory_space<hbm>> -> memref<640x32xf32, #tpu.memory_space<hbm>>
      %dma_start3A_106 = arith.constant 0 : i32
      %dma_start3A_107 = tpu.memref_slice %arg17[%mul3A_100, %dma_start3A_106] : memref<10240x32xf32, #tpu.memory_space<vmem_shared>> -> memref<640x32xf32, #tpu.memory_space<vmem_shared>>
      tpu.enqueue_dma source(%dma_start3A_107 : memref<640x32xf32, #tpu.memory_space<vmem_shared>>) target(%dma_start3A_105 : memref<640x32xf32, #tpu.memory_space<hbm>>) target_semaphore(%run_scoped3A : memref<!tpu.dma_semaphore, #tpu.memory_space<semaphore_mem>>)
      %dma_wait3A_108 = arith.constant 0 : i32
      %dma_wait3A_109 = tpu.memref_slice %arg6[%arg0, %mul3A_102, %dma_wait3A_108] : memref<2x10240x32xf32, #tpu.memory_space<hbm>> -> memref<1x640x32xf32, #tpu.memory_space<hbm>>
      %dma_wait3A_110 = tpu.memref_squeeze %dma_wait3A_109 : memref<1x640x32xf32, #tpu.memory_space<hbm>> -> memref<640x32xf32, #tpu.memory_space<hbm>>
      %dma_wait3A_111 = arith.constant 0 : i32
      %dma_wait3A_112 = tpu.memref_slice %arg17[%mul3A_100, %dma_wait3A_111] : memref<10240x32xf32, #tpu.memory_space<vmem_shared>> -> memref<640x32xf32, #tpu.memory_space<vmem_shared>>
      tpu.wait_dma2 semaphore(%run_scoped3A : memref<!tpu.dma_semaphore, #tpu.memory_space<semaphore_mem>>) src(%dma_wait3A_112 : memref<640x32xf32, #tpu.memory_space<vmem_shared>>) dst(%dma_wait3A_110 : memref<640x32xf32, #tpu.memory_space<hbm>>)
      tpu.yield
    }) : () -> ()
    return
  }
}

module attributes {stable_mosaic.version = 14 : i64} {
  func.func @body(%arg0: i32, %arg1: memref<4000x16xf32, #tpu.memory_space<vmem>>, %arg2: memref<16x288xf32, #tpu.memory_space<vmem>>, %arg3: memref<64x16xf32, #tpu.memory_space<vmem>>, %arg4: memref<64x16xf32, #tpu.memory_space<vmem>>, %arg5: memref<64x16xf32, #tpu.memory_space<vmem>>, %arg6: memref<4000x16xf32, #tpu.memory_space<vmem>>, %arg7: memref<4000x16xf32, #tpu.memory_space<vmem>>, %arg8: memref<4000x16xf32, #tpu.memory_space<vmem>>) attributes {dimension_semantics = [#tpu.dimension_semantics<arbitrary>], iteration_bounds = array<i64: 80>, scalar_prefetch = 0 : i64, scratch_operands = 0 : i64, tpu.core_type = #tpu.core_type<tc>, window_params = [{transform_indices = @transform_0, window_bounds = array<i64: 4000, 16>}, {pipeline_mode = #tpu.pipeline_mode<synchronous>, transform_indices = @transform_1, window_bounds = array<i64: 16, 288>}, {pipeline_mode = #tpu.pipeline_mode<synchronous>, transform_indices = @transform_2, window_bounds = array<i64: 64, 16>}, {pipeline_mode = #tpu.pipeline_mode<synchronous>, transform_indices = @transform_3, window_bounds = array<i64: 64, 16>}, {pipeline_mode = #tpu.pipeline_mode<synchronous>, transform_indices = @transform_4, window_bounds = array<i64: 64, 16>}, {transform_indices = @transform_5, window_bounds = array<i64: 4000, 16>}, {transform_indices = @transform_6, window_bounds = array<i64: 4000, 16>}, {transform_indices = @transform_7, window_bounds = array<i64: 4000, 16>}]} {
    %get3A = arith.constant 0 : index
    %get3A_0 = arith.constant 0 : index
    %get3A_1 = vector.load %arg1[%get3A, %get3A_0] : memref<4000x16xf32, #tpu.memory_space<vmem>>, vector<4000x16xf32>
    %get3A_2 = arith.constant 0 : index
    %get3A_3 = arith.constant 0 : index
    %get3A_4 = vector.load %arg2[%get3A_2, %get3A_3] : memref<16x288xf32, #tpu.memory_space<vmem>>, vector<16x288xf32>
    %dot_general3A = arith.constant dense<0.000000e+00> : vector<4000x288xf32>
    %dot_general3A_5 = tpu.matmul %get3A_1, %get3A_4, %dot_general3A {dimension_numbers = #tpu.dot_dimension_numbers<[1], [0], [0], [1], [0, 0, 1, 1], [], []>, transpose_lhs_hint = false} : vector<4000x16xf32>, vector<16x288xf32>, vector<4000x288xf32> -> vector<4000x288xf32>
    %slice3A = vector.extract_strided_slice %dot_general3A_5 {offsets = [0, 0], sizes = [4000, 96], strides = [1, 1]} : vector<4000x288xf32> to vector<4000x96xf32>
    %slice3A_6 = vector.extract_strided_slice %slice3A {offsets = [0, 0], sizes = [4000, 32], strides = [1, 1]} : vector<4000x96xf32> to vector<4000x32xf32>
    %max3A = arith.constant 0.000000e+00 : f32
    %max3A_7 = vector.broadcast %max3A : f32 to vector<4000x32xf32>
    %max3A_8 = arith.maximumf %slice3A_6, %max3A_7 : vector<4000x32xf32>
    %slice3A_9 = vector.extract_strided_slice %slice3A {offsets = [0, 32], sizes = [4000, 32], strides = [1, 1]} : vector<4000x96xf32> to vector<4000x32xf32>
    %max3A_10 = arith.constant 0.000000e+00 : f32
    %max3A_11 = vector.broadcast %max3A_10 : f32 to vector<4000x32xf32>
    %max3A_12 = arith.maximumf %slice3A_9, %max3A_11 : vector<4000x32xf32>
    %slice3A_13 = vector.extract_strided_slice %slice3A {offsets = [0, 64], sizes = [4000, 32], strides = [1, 1]} : vector<4000x96xf32> to vector<4000x32xf32>
    %max3A_14 = arith.constant 0.000000e+00 : f32
    %max3A_15 = vector.broadcast %max3A_14 : f32 to vector<4000x32xf32>
    %max3A_16 = arith.maximumf %slice3A_13, %max3A_15 : vector<4000x32xf32>
    %mul3A = arith.mulf %max3A_12, %max3A_16 : vector<4000x32xf32>
    %concatenate3A = tpu.concatenate %max3A_8, %mul3A in 1 : vector<4000x32xf32>, vector<4000x32xf32> -> vector<4000x64xf32>
    %get3A_17 = arith.constant 0 : index
    %get3A_18 = arith.constant 0 : index
    %get3A_19 = vector.load %arg3[%get3A_17, %get3A_18] : memref<64x16xf32, #tpu.memory_space<vmem>>, vector<64x16xf32>
    %dot_general3A_20 = arith.constant dense<0.000000e+00> : vector<4000x16xf32>
    %dot_general3A_21 = tpu.matmul %concatenate3A, %get3A_19, %dot_general3A_20 {dimension_numbers = #tpu.dot_dimension_numbers<[1], [0], [0], [1], [0, 0, 1, 1], [], []>, transpose_lhs_hint = false} : vector<4000x64xf32>, vector<64x16xf32>, vector<4000x16xf32> -> vector<4000x16xf32>
    %max3A_22 = arith.constant 0.000000e+00 : f32
    %max3A_23 = vector.broadcast %max3A_22 : f32 to vector<4000x16xf32>
    %max3A_24 = arith.maximumf %dot_general3A_21, %max3A_23 : vector<4000x16xf32>
    %swap3A = arith.constant 0 : index
    %swap3A_25 = arith.constant 0 : index
    %swap3A_26 = vector.load %arg6[%swap3A, %swap3A_25] : memref<4000x16xf32, #tpu.memory_space<vmem>>, vector<4000x16xf32>
    tpu.vector_store %arg6[%swap3A, %swap3A_25], %max3A_24 {strides = array<i32>} : memref<4000x16xf32, #tpu.memory_space<vmem>>, vector<4000x16xf32>,
    %slice3A_27 = vector.extract_strided_slice %dot_general3A_5 {offsets = [0, 96], sizes = [4000, 96], strides = [1, 1]} : vector<4000x288xf32> to vector<4000x96xf32>
    %slice3A_28 = vector.extract_strided_slice %slice3A_27 {offsets = [0, 0], sizes = [4000, 32], strides = [1, 1]} : vector<4000x96xf32> to vector<4000x32xf32>
    %max3A_29 = arith.constant 0.000000e+00 : f32
    %max3A_30 = vector.broadcast %max3A_29 : f32 to vector<4000x32xf32>
    %max3A_31 = arith.maximumf %slice3A_28, %max3A_30 : vector<4000x32xf32>
    %slice3A_32 = vector.extract_strided_slice %slice3A_27 {offsets = [0, 32], sizes = [4000, 32], strides = [1, 1]} : vector<4000x96xf32> to vector<4000x32xf32>
    %max3A_33 = arith.constant 0.000000e+00 : f32
    %max3A_34 = vector.broadcast %max3A_33 : f32 to vector<4000x32xf32>
    %max3A_35 = arith.maximumf %slice3A_32, %max3A_34 : vector<4000x32xf32>
    %slice3A_36 = vector.extract_strided_slice %slice3A_27 {offsets = [0, 64], sizes = [4000, 32], strides = [1, 1]} : vector<4000x96xf32> to vector<4000x32xf32>
    %max3A_37 = arith.constant 0.000000e+00 : f32
    %max3A_38 = vector.broadcast %max3A_37 : f32 to vector<4000x32xf32>
    %max3A_39 = arith.maximumf %slice3A_36, %max3A_38 : vector<4000x32xf32>
    %mul3A_40 = arith.mulf %max3A_35, %max3A_39 : vector<4000x32xf32>
    %concatenate3A_41 = tpu.concatenate %max3A_31, %mul3A_40 in 1 : vector<4000x32xf32>, vector<4000x32xf32> -> vector<4000x64xf32>
    %get3A_42 = arith.constant 0 : index
    %get3A_43 = arith.constant 0 : index
    %get3A_44 = vector.load %arg4[%get3A_42, %get3A_43] : memref<64x16xf32, #tpu.memory_space<vmem>>, vector<64x16xf32>
    %dot_general3A_45 = arith.constant dense<0.000000e+00> : vector<4000x16xf32>
    %dot_general3A_46 = tpu.matmul %concatenate3A_41, %get3A_44, %dot_general3A_45 {dimension_numbers = #tpu.dot_dimension_numbers<[1], [0], [0], [1], [0, 0, 1, 1], [], []>, transpose_lhs_hint = false} : vector<4000x64xf32>, vector<64x16xf32>, vector<4000x16xf32> -> vector<4000x16xf32>
    %max3A_47 = arith.constant 0.000000e+00 : f32
    %max3A_48 = vector.broadcast %max3A_47 : f32 to vector<4000x16xf32>
    %max3A_49 = arith.maximumf %dot_general3A_46, %max3A_48 : vector<4000x16xf32>
    %swap3A_50 = arith.constant 0 : index
    %swap3A_51 = arith.constant 0 : index
    %swap3A_52 = vector.load %arg7[%swap3A_50, %swap3A_51] : memref<4000x16xf32, #tpu.memory_space<vmem>>, vector<4000x16xf32>
    tpu.vector_store %arg7[%swap3A_50, %swap3A_51], %max3A_49 {strides = array<i32>} : memref<4000x16xf32, #tpu.memory_space<vmem>>, vector<4000x16xf32>,
    %slice3A_53 = vector.extract_strided_slice %dot_general3A_5 {offsets = [0, 192], sizes = [4000, 96], strides = [1, 1]} : vector<4000x288xf32> to vector<4000x96xf32>
    %slice3A_54 = vector.extract_strided_slice %slice3A_53 {offsets = [0, 0], sizes = [4000, 32], strides = [1, 1]} : vector<4000x96xf32> to vector<4000x32xf32>
    %max3A_55 = arith.constant 0.000000e+00 : f32
    %max3A_56 = vector.broadcast %max3A_55 : f32 to vector<4000x32xf32>
    %max3A_57 = arith.maximumf %slice3A_54, %max3A_56 : vector<4000x32xf32>
    %slice3A_58 = vector.extract_strided_slice %slice3A_53 {offsets = [0, 32], sizes = [4000, 32], strides = [1, 1]} : vector<4000x96xf32> to vector<4000x32xf32>
    %max3A_59 = arith.constant 0.000000e+00 : f32
    %max3A_60 = vector.broadcast %max3A_59 : f32 to vector<4000x32xf32>
    %max3A_61 = arith.maximumf %slice3A_58, %max3A_60 : vector<4000x32xf32>
    %slice3A_62 = vector.extract_strided_slice %slice3A_53 {offsets = [0, 64], sizes = [4000, 32], strides = [1, 1]} : vector<4000x96xf32> to vector<4000x32xf32>
    %max3A_63 = arith.constant 0.000000e+00 : f32
    %max3A_64 = vector.broadcast %max3A_63 : f32 to vector<4000x32xf32>
    %max3A_65 = arith.maximumf %slice3A_62, %max3A_64 : vector<4000x32xf32>
    %mul3A_66 = arith.mulf %max3A_61, %max3A_65 : vector<4000x32xf32>
    %concatenate3A_67 = tpu.concatenate %max3A_57, %mul3A_66 in 1 : vector<4000x32xf32>, vector<4000x32xf32> -> vector<4000x64xf32>
    %get3A_68 = arith.constant 0 : index
    %get3A_69 = arith.constant 0 : index
    %get3A_70 = vector.load %arg5[%get3A_68, %get3A_69] : memref<64x16xf32, #tpu.memory_space<vmem>>, vector<64x16xf32>
    %dot_general3A_71 = arith.constant dense<0.000000e+00> : vector<4000x16xf32>
    %dot_general3A_72 = tpu.matmul %concatenate3A_67, %get3A_70, %dot_general3A_71 {dimension_numbers = #tpu.dot_dimension_numbers<[1], [0], [0], [1], [0, 0, 1, 1], [], []>, transpose_lhs_hint = false} : vector<4000x64xf32>, vector<64x16xf32>, vector<4000x16xf32> -> vector<4000x16xf32>
    %max3A_73 = arith.constant 0.000000e+00 : f32
    %max3A_74 = vector.broadcast %max3A_73 : f32 to vector<4000x16xf32>
    %max3A_75 = arith.maximumf %dot_general3A_72, %max3A_74 : vector<4000x16xf32>
    %swap3A_76 = arith.constant 0 : index
    %swap3A_77 = arith.constant 0 : index
    %swap3A_78 = vector.load %arg8[%swap3A_76, %swap3A_77] : memref<4000x16xf32, #tpu.memory_space<vmem>>, vector<4000x16xf32>
    tpu.vector_store %arg8[%swap3A_76, %swap3A_77], %max3A_75 {strides = array<i32>} : memref<4000x16xf32, #tpu.memory_space<vmem>>, vector<4000x16xf32>,
    return
  }
  func.func @transform_0(%arg0: i32) -> (i32, i32) {
    %c0_i32 = arith.constant 0 : i32
    %c0_i32_0 = arith.constant 0 : i32
    return %arg0, %c0_i32 : i32, i32
  }
  func.func @transform_1(%arg0: i32) -> (i32, i32) {
    %c0_i32 = arith.constant 0 : i32
    %c0_i32_0 = arith.constant 0 : i32
    %c0_i32_1 = arith.constant 0 : i32
    return %c0_i32, %c0_i32_0 : i32, i32
  }
  func.func @transform_2(%arg0: i32) -> (i32, i32) {
    %c0_i32 = arith.constant 0 : i32
    %c0_i32_0 = arith.constant 0 : i32
    %c0_i32_1 = arith.constant 0 : i32
    return %c0_i32, %c0_i32_0 : i32, i32
  }
  func.func @transform_3(%arg0: i32) -> (i32, i32) {
    %c0_i32 = arith.constant 0 : i32
    %c0_i32_0 = arith.constant 0 : i32
    %c0_i32_1 = arith.constant 0 : i32
    return %c0_i32, %c0_i32_0 : i32, i32
  }
  func.func @transform_4(%arg0: i32) -> (i32, i32) {
    %c0_i32 = arith.constant 0 : i32
    %c0_i32_0 = arith.constant 0 : i32
    %c0_i32_1 = arith.constant 0 : i32
    return %c0_i32, %c0_i32_0 : i32, i32
  }
  func.func @transform_5(%arg0: i32) -> (i32, i32) {
    %c0_i32 = arith.constant 0 : i32
    %c0_i32_0 = arith.constant 0 : i32
    return %arg0, %c0_i32 : i32, i32
  }
  func.func @transform_6(%arg0: i32) -> (i32, i32) {
    %c0_i32 = arith.constant 0 : i32
    %c0_i32_0 = arith.constant 0 : i32
    return %arg0, %c0_i32 : i32, i32
  }
  func.func @transform_7(%arg0: i32) -> (i32, i32) {
    %c0_i32 = arith.constant 0 : i32
    %c0_i32_0 = arith.constant 0 : i32
    return %arg0, %c0_i32 : i32, i32
  }
}

module attributes {stable_mosaic.version = 14 : i64} {
  func.func @body(%arg0: i32, %arg1: memref<2000x128xf32, #tpu.memory_space<vmem>>, %arg2: memref<128x512xf32, #tpu.memory_space<vmem>>, %arg3: memref<128x32xf32, #tpu.memory_space<vmem>>, %arg4: memref<1x32xf32, #tpu.memory_space<vmem>>, %arg5: memref<2000x512xf32, #tpu.memory_space<vmem>>, %arg6: memref<2000x16xf32, #tpu.memory_space<vmem>>) attributes {dimension_semantics = [#tpu.dimension_semantics<arbitrary>], iteration_bounds = array<i64: 5>, scalar_prefetch = 0 : i64, scratch_operands = 0 : i64, tpu.core_type = #tpu.core_type<tc>, window_params = [{transform_indices = @transform_0, window_bounds = array<i64: 2000, 128>}, {pipeline_mode = #tpu.pipeline_mode<synchronous>, transform_indices = @transform_1, window_bounds = array<i64: 128, 512>}, {pipeline_mode = #tpu.pipeline_mode<synchronous>, transform_indices = @transform_2, window_bounds = array<i64: 128, 32>}, {pipeline_mode = #tpu.pipeline_mode<synchronous>, transform_indices = @transform_3, window_bounds = array<i64: 1, 32>}, {transform_indices = @transform_4, window_bounds = array<i64: 2000, 512>}, {transform_indices = @transform_5, window_bounds = array<i64: 2000, 16>}]} {
    %get3A = arith.constant 0 : index
    %get3A_0 = arith.constant 0 : index
    %get3A_1 = vector.load %arg1[%get3A, %get3A_0] : memref<2000x128xf32, #tpu.memory_space<vmem>>, vector<2000x128xf32>
    %get3A_2 = arith.constant 0 : index
    %get3A_3 = arith.constant 0 : index
    %get3A_4 = vector.load %arg2[%get3A_2, %get3A_3] : memref<128x512xf32, #tpu.memory_space<vmem>>, vector<128x512xf32>
    %dot_general3A = arith.constant dense<0.000000e+00> : vector<2000x512xf32>
    %dot_general3A_5 = tpu.matmul %get3A_1, %get3A_4, %dot_general3A {dimension_numbers = #tpu.dot_dimension_numbers<[1], [0], [0], [1], [0, 0, 1, 1], [], []>, transpose_lhs_hint = false} : vector<2000x128xf32>, vector<128x512xf32>, vector<2000x512xf32> -> vector<2000x512xf32>
    %swap3A = arith.constant 0 : index
    %swap3A_6 = arith.constant 0 : index
    %swap3A_7 = vector.load %arg5[%swap3A, %swap3A_6] : memref<2000x512xf32, #tpu.memory_space<vmem>>, vector<2000x512xf32>
    tpu.vector_store %arg5[%swap3A, %swap3A_6], %dot_general3A_5 {strides = array<i32>} : memref<2000x512xf32, #tpu.memory_space<vmem>>, vector<2000x512xf32>,
    %get3A_8 = arith.constant 0 : index
    %get3A_9 = arith.constant 0 : index
    %get3A_10 = vector.load %arg3[%get3A_8, %get3A_9] : memref<128x32xf32, #tpu.memory_space<vmem>>, vector<128x32xf32>
    %dot_general3A_11 = arith.constant dense<0.000000e+00> : vector<2000x32xf32>
    %dot_general3A_12 = tpu.matmul %get3A_1, %get3A_10, %dot_general3A_11 {dimension_numbers = #tpu.dot_dimension_numbers<[1], [0], [0], [1], [0, 0, 1, 1], [], []>, transpose_lhs_hint = false} : vector<2000x128xf32>, vector<128x32xf32>, vector<2000x32xf32> -> vector<2000x32xf32>
    %get3A_13 = arith.constant 0 : index
    %get3A_14 = arith.constant 0 : index
    %get3A_15 = vector.load %arg4[%get3A_13, %get3A_14] : memref<1x32xf32, #tpu.memory_space<vmem>>, vector<1x32xf32>
    %add3A = vector.broadcast %get3A_15 : vector<1x32xf32> to vector<2000x32xf32>
    %add3A_16 = arith.addf %dot_general3A_12, %add3A : vector<2000x32xf32>
    %slice3A = vector.extract_strided_slice %add3A_16 {offsets = [0, 0], sizes = [2000, 16], strides = [1, 1]} : vector<2000x32xf32> to vector<2000x16xf32>
    %max3A = arith.constant 0.000000e+00 : f32
    %max3A_17 = vector.broadcast %max3A : f32 to vector<2000x16xf32>
    %max3A_18 = arith.maximumf %slice3A, %max3A_17 : vector<2000x16xf32>
    %slice3A_19 = vector.extract_strided_slice %add3A_16 {offsets = [0, 16], sizes = [2000, 16], strides = [1, 1]} : vector<2000x32xf32> to vector<2000x16xf32>
    %max3A_20 = arith.constant 0.000000e+00 : f32
    %max3A_21 = vector.broadcast %max3A_20 : f32 to vector<2000x16xf32>
    %max3A_22 = arith.maximumf %slice3A_19, %max3A_21 : vector<2000x16xf32>
    %mul3A = arith.mulf %max3A_18, %max3A_22 : vector<2000x16xf32>
    %swap3A_23 = arith.constant 0 : index
    %swap3A_24 = arith.constant 0 : index
    %swap3A_25 = vector.load %arg6[%swap3A_23, %swap3A_24] : memref<2000x16xf32, #tpu.memory_space<vmem>>, vector<2000x16xf32>
    tpu.vector_store %arg6[%swap3A_23, %swap3A_24], %mul3A {strides = array<i32>} : memref<2000x16xf32, #tpu.memory_space<vmem>>, vector<2000x16xf32>,
    return
  }
  func.func @transform_0(%arg0: i32) -> (i32, i32) {
    %c0_i32 = arith.constant 0 : i32
    %c0_i32_0 = arith.constant 0 : i32
    return %arg0, %c0_i32 : i32, i32
  }
  func.func @transform_1(%arg0: i32) -> (i32, i32) {
    %c0_i32 = arith.constant 0 : i32
    %c0_i32_0 = arith.constant 0 : i32
    %c0_i32_1 = arith.constant 0 : i32
    return %c0_i32, %c0_i32_0 : i32, i32
  }
  func.func @transform_2(%arg0: i32) -> (i32, i32) {
    %c0_i32 = arith.constant 0 : i32
    %c0_i32_0 = arith.constant 0 : i32
    %c0_i32_1 = arith.constant 0 : i32
    return %c0_i32, %c0_i32_0 : i32, i32
  }
  func.func @transform_3(%arg0: i32) -> (i32, i32) {
    %c0_i32 = arith.constant 0 : i32
    %c0_i32_0 = arith.constant 0 : i32
    %c0_i32_1 = arith.constant 0 : i32
    return %c0_i32, %c0_i32_0 : i32, i32
  }
  func.func @transform_4(%arg0: i32) -> (i32, i32) {
    %c0_i32 = arith.constant 0 : i32
    %c0_i32_0 = arith.constant 0 : i32
    return %arg0, %c0_i32 : i32, i32
  }
  func.func @transform_5(%arg0: i32) -> (i32, i32) {
    %c0_i32 = arith.constant 0 : i32
    %c0_i32_0 = arith.constant 0 : i32
    return %arg0, %c0_i32 : i32, i32
  }
}

module attributes {stable_mosaic.version = 14 : i64} {
  func.func @body(%arg0: i32, %arg1: memref<2x2000x32xf32, #tpu.memory_space<vmem>>, %arg2: memref<1x32xf32, #tpu.memory_space<vmem>>, %arg3: memref<2000x16xf32, #tpu.memory_space<vmem>>, %arg4: memref<48x512xf32, #tpu.memory_space<vmem>>, %arg5: memref<48x32xf32, #tpu.memory_space<vmem>>, %arg6: memref<1x32xf32, #tpu.memory_space<vmem>>, %arg7: memref<2000x512xf32, #tpu.memory_space<vmem>>, %arg8: memref<2000x16xf32, #tpu.memory_space<vmem>>) attributes {dimension_semantics = [#tpu.dimension_semantics<arbitrary>], iteration_bounds = array<i64: 5>, scalar_prefetch = 0 : i64, scratch_operands = 0 : i64, tpu.core_type = #tpu.core_type<tc>, window_params = [{transform_indices = @transform_0, window_bounds = array<i64: 2, 2000, 32>}, {pipeline_mode = #tpu.pipeline_mode<synchronous>, transform_indices = @transform_1, window_bounds = array<i64: 1, 32>}, {transform_indices = @transform_2, window_bounds = array<i64: 2000, 16>}, {pipeline_mode = #tpu.pipeline_mode<synchronous>, transform_indices = @transform_3, window_bounds = array<i64: 48, 512>}, {pipeline_mode = #tpu.pipeline_mode<synchronous>, transform_indices = @transform_4, window_bounds = array<i64: 48, 32>}, {pipeline_mode = #tpu.pipeline_mode<synchronous>, transform_indices = @transform_5, window_bounds = array<i64: 1, 32>}, {transform_indices = @transform_6, window_bounds = array<i64: 2000, 512>}, {transform_indices = @transform_7, window_bounds = array<i64: 2000, 16>}]} {
    %get3A = arith.constant 0 : index
    %get3A_0 = arith.constant 0 : index
    %get3A_1 = arith.constant 0 : index
    %get3A_2 = vector.load %arg1[%get3A, %get3A_0, %get3A_1] : memref<2x2000x32xf32, #tpu.memory_space<vmem>>, vector<1x2000x32xf32>
    %get3A_3 = vector.shape_cast %get3A_2 : vector<1x2000x32xf32> to vector<2000x32xf32>
    %get3A_4 = arith.constant 1 : index
    %get3A_5 = arith.constant 0 : index
    %get3A_6 = arith.constant 0 : index
    %get3A_7 = vector.load %arg1[%get3A_4, %get3A_5, %get3A_6] : memref<2x2000x32xf32, #tpu.memory_space<vmem>>, vector<1x2000x32xf32>
    %get3A_8 = vector.shape_cast %get3A_7 : vector<1x2000x32xf32> to vector<2000x32xf32>
    %add3A = arith.addf %get3A_3, %get3A_8 : vector<2000x32xf32>
    %get3A_9 = arith.constant 0 : index
    %get3A_10 = arith.constant 0 : index
    %get3A_11 = vector.load %arg2[%get3A_9, %get3A_10] : memref<1x32xf32, #tpu.memory_space<vmem>>, vector<1x32xf32>
    %add3A_12 = vector.broadcast %get3A_11 : vector<1x32xf32> to vector<2000x32xf32>
    %add3A_13 = arith.addf %add3A, %add3A_12 : vector<2000x32xf32>
    %max3A = arith.constant 0.000000e+00 : f32
    %max3A_14 = vector.broadcast %max3A : f32 to vector<2000x32xf32>
    %max3A_15 = arith.maximumf %add3A_13, %max3A_14 : vector<2000x32xf32>
    %get3A_16 = arith.constant 0 : index
    %get3A_17 = arith.constant 0 : index
    %get3A_18 = vector.load %arg3[%get3A_16, %get3A_17] : memref<2000x16xf32, #tpu.memory_space<vmem>>, vector<2000x16xf32>
    %concatenate3A = tpu.concatenate %max3A_15, %get3A_18 in 1 : vector<2000x32xf32>, vector<2000x16xf32> -> vector<2000x48xf32>
    %get3A_19 = arith.constant 0 : index
    %get3A_20 = arith.constant 0 : index
    %get3A_21 = vector.load %arg4[%get3A_19, %get3A_20] : memref<48x512xf32, #tpu.memory_space<vmem>>, vector<48x512xf32>
    %dot_general3A = arith.constant dense<0.000000e+00> : vector<2000x512xf32>
    %dot_general3A_22 = tpu.matmul %concatenate3A, %get3A_21, %dot_general3A {dimension_numbers = #tpu.dot_dimension_numbers<[1], [0], [0], [1], [0, 0, 1, 1], [], []>, transpose_lhs_hint = false} : vector<2000x48xf32>, vector<48x512xf32>, vector<2000x512xf32> -> vector<2000x512xf32>
    %swap3A = arith.constant 0 : index
    %swap3A_23 = arith.constant 0 : index
    %swap3A_24 = vector.load %arg7[%swap3A, %swap3A_23] : memref<2000x512xf32, #tpu.memory_space<vmem>>, vector<2000x512xf32>
    tpu.vector_store %arg7[%swap3A, %swap3A_23], %dot_general3A_22 {strides = array<i32>} : memref<2000x512xf32, #tpu.memory_space<vmem>>, vector<2000x512xf32>,
    %get3A_25 = arith.constant 0 : index
    %get3A_26 = arith.constant 0 : index
    %get3A_27 = vector.load %arg5[%get3A_25, %get3A_26] : memref<48x32xf32, #tpu.memory_space<vmem>>, vector<48x32xf32>
    %dot_general3A_28 = arith.constant dense<0.000000e+00> : vector<2000x32xf32>
    %dot_general3A_29 = tpu.matmul %concatenate3A, %get3A_27, %dot_general3A_28 {dimension_numbers = #tpu.dot_dimension_numbers<[1], [0], [0], [1], [0, 0, 1, 1], [], []>, transpose_lhs_hint = false} : vector<2000x48xf32>, vector<48x32xf32>, vector<2000x32xf32> -> vector<2000x32xf32>
    %get3A_30 = arith.constant 0 : index
    %get3A_31 = arith.constant 0 : index
    %get3A_32 = vector.load %arg6[%get3A_30, %get3A_31] : memref<1x32xf32, #tpu.memory_space<vmem>>, vector<1x32xf32>
    %add3A_33 = vector.broadcast %get3A_32 : vector<1x32xf32> to vector<2000x32xf32>
    %add3A_34 = arith.addf %dot_general3A_29, %add3A_33 : vector<2000x32xf32>
    %slice3A = vector.extract_strided_slice %add3A_34 {offsets = [0, 0], sizes = [2000, 16], strides = [1, 1]} : vector<2000x32xf32> to vector<2000x16xf32>
    %max3A_35 = arith.constant 0.000000e+00 : f32
    %max3A_36 = vector.broadcast %max3A_35 : f32 to vector<2000x16xf32>
    %max3A_37 = arith.maximumf %slice3A, %max3A_36 : vector<2000x16xf32>
    %slice3A_38 = vector.extract_strided_slice %add3A_34 {offsets = [0, 16], sizes = [2000, 16], strides = [1, 1]} : vector<2000x32xf32> to vector<2000x16xf32>
    %max3A_39 = arith.constant 0.000000e+00 : f32
    %max3A_40 = vector.broadcast %max3A_39 : f32 to vector<2000x16xf32>
    %max3A_41 = arith.maximumf %slice3A_38, %max3A_40 : vector<2000x16xf32>
    %mul3A = arith.mulf %max3A_37, %max3A_41 : vector<2000x16xf32>
    %swap3A_42 = arith.constant 0 : index
    %swap3A_43 = arith.constant 0 : index
    %swap3A_44 = vector.load %arg8[%swap3A_42, %swap3A_43] : memref<2000x16xf32, #tpu.memory_space<vmem>>, vector<2000x16xf32>
    tpu.vector_store %arg8[%swap3A_42, %swap3A_43], %mul3A {strides = array<i32>} : memref<2000x16xf32, #tpu.memory_space<vmem>>, vector<2000x16xf32>,
    return
  }
  func.func @transform_0(%arg0: i32) -> (i32, i32, i32) {
    %c0_i32 = arith.constant 0 : i32
    %c0_i32_0 = arith.constant 0 : i32
    %c0_i32_1 = arith.constant 0 : i32
    return %c0_i32, %arg0, %c0_i32_0 : i32, i32, i32
  }
  func.func @transform_1(%arg0: i32) -> (i32, i32) {
    %c0_i32 = arith.constant 0 : i32
    %c0_i32_0 = arith.constant 0 : i32
    %c0_i32_1 = arith.constant 0 : i32
    return %c0_i32, %c0_i32_0 : i32, i32
  }
  func.func @transform_2(%arg0: i32) -> (i32, i32) {
    %c0_i32 = arith.constant 0 : i32
    %c0_i32_0 = arith.constant 0 : i32
    return %arg0, %c0_i32 : i32, i32
  }
  func.func @transform_3(%arg0: i32) -> (i32, i32) {
    %c0_i32 = arith.constant 0 : i32
    %c0_i32_0 = arith.constant 0 : i32
    %c0_i32_1 = arith.constant 0 : i32
    return %c0_i32, %c0_i32_0 : i32, i32
  }
  func.func @transform_4(%arg0: i32) -> (i32, i32) {
    %c0_i32 = arith.constant 0 : i32
    %c0_i32_0 = arith.constant 0 : i32
    %c0_i32_1 = arith.constant 0 : i32
    return %c0_i32, %c0_i32_0 : i32, i32
  }
  func.func @transform_5(%arg0: i32) -> (i32, i32) {
    %c0_i32 = arith.constant 0 : i32
    %c0_i32_0 = arith.constant 0 : i32
    %c0_i32_1 = arith.constant 0 : i32
    return %c0_i32, %c0_i32_0 : i32, i32
  }
  func.func @transform_6(%arg0: i32) -> (i32, i32) {
    %c0_i32 = arith.constant 0 : i32
    %c0_i32_0 = arith.constant 0 : i32
    return %arg0, %c0_i32 : i32, i32
  }
  func.func @transform_7(%arg0: i32) -> (i32, i32) {
    %c0_i32 = arith.constant 0 : i32
    %c0_i32_0 = arith.constant 0 : i32
    return %arg0, %c0_i32 : i32, i32
  }
}

module attributes {stable_mosaic.version = 14 : i64} {
  func.func @body(%arg0: i32, %arg1: memref<2x2000x32xf32, #tpu.memory_space<vmem>>, %arg2: memref<1x32xf32, #tpu.memory_space<vmem>>, %arg3: memref<2000x16xf32, #tpu.memory_space<vmem>>, %arg4: memref<1x1x2000xi32, #tpu.memory_space<vmem>>, %arg5: memref<48x10xf32, #tpu.memory_space<vmem>>, %arg6: memref<1x10xf32, #tpu.memory_space<vmem>>, %arg7: memref<200x10xf32, #tpu.memory_space<vmem>>, %arg8: memref<200x48xf32, #tpu.memory_space<vmem>>) attributes {dimension_semantics = [#tpu.dimension_semantics<arbitrary>], iteration_bounds = array<i64: 5>, scalar_prefetch = 0 : i64, scratch_operands = 1 : i64, tpu.core_type = #tpu.core_type<tc>, window_params = [{transform_indices = @transform_0, window_bounds = array<i64: 2, 2000, 32>}, {pipeline_mode = #tpu.pipeline_mode<synchronous>, transform_indices = @transform_1, window_bounds = array<i64: 1, 32>}, {transform_indices = @transform_2, window_bounds = array<i64: 2000, 16>}, {transform_indices = @transform_3, window_bounds = array<i64: 1, 1, 2000>}, {pipeline_mode = #tpu.pipeline_mode<synchronous>, transform_indices = @transform_4, window_bounds = array<i64: 48, 10>}, {pipeline_mode = #tpu.pipeline_mode<synchronous>, transform_indices = @transform_5, window_bounds = array<i64: 1, 10>}, {pipeline_mode = #tpu.pipeline_mode<synchronous>, transform_indices = @transform_6, window_bounds = array<i64: 200, 10>}]} {
    %eq3A = arith.constant 0 : i32
    %eq3A_0 = arith.cmpi eq, %arg0, %eq3A : i32
    %convert_element_type3A = arith.extui %eq3A_0 : i1 to i32
    %cond3A = arith.constant 0 : i32
    %cond3A_1 = arith.cmpi ne, %convert_element_type3A, %cond3A : i32
    scf.if %cond3A_1 {
      %broadcast_in_dim3A = arith.constant 0.000000e+00 : f32
      %broadcast_in_dim3A_43 = vector.broadcast %broadcast_in_dim3A : f32 to vector<200x48xf32>
      %swap3A_44 = arith.constant 0 : index
      %swap3A_45 = arith.constant 0 : index
      %swap3A_46 = vector.load %arg8[%swap3A_44, %swap3A_45] : memref<200x48xf32, #tpu.memory_space<vmem>>, vector<200x48xf32>
      tpu.vector_store %arg8[%swap3A_44, %swap3A_45], %broadcast_in_dim3A_43 {strides = array<i32>} : memref<200x48xf32, #tpu.memory_space<vmem>>, vector<200x48xf32>,
    } else {
    }
    %get3A = arith.constant 0 : index
    %get3A_2 = arith.constant 0 : index
    %get3A_3 = arith.constant 0 : index
    %get3A_4 = vector.load %arg1[%get3A, %get3A_2, %get3A_3] : memref<2x2000x32xf32, #tpu.memory_space<vmem>>, vector<1x2000x32xf32>
    %get3A_5 = vector.shape_cast %get3A_4 : vector<1x2000x32xf32> to vector<2000x32xf32>
    %get3A_6 = arith.constant 1 : index
    %get3A_7 = arith.constant 0 : index
    %get3A_8 = arith.constant 0 : index
    %get3A_9 = vector.load %arg1[%get3A_6, %get3A_7, %get3A_8] : memref<2x2000x32xf32, #tpu.memory_space<vmem>>, vector<1x2000x32xf32>
    %get3A_10 = vector.shape_cast %get3A_9 : vector<1x2000x32xf32> to vector<2000x32xf32>
    %add3A = arith.addf %get3A_5, %get3A_10 : vector<2000x32xf32>
    %get3A_11 = arith.constant 0 : index
    %get3A_12 = arith.constant 0 : index
    %get3A_13 = vector.load %arg2[%get3A_11, %get3A_12] : memref<1x32xf32, #tpu.memory_space<vmem>>, vector<1x32xf32>
    %add3A_14 = vector.broadcast %get3A_13 : vector<1x32xf32> to vector<2000x32xf32>
    %add3A_15 = arith.addf %add3A, %add3A_14 : vector<2000x32xf32>
    %max3A = arith.constant 0.000000e+00 : f32
    %max3A_16 = vector.broadcast %max3A : f32 to vector<2000x32xf32>
    %max3A_17 = arith.maximumf %add3A_15, %max3A_16 : vector<2000x32xf32>
    %get3A_18 = arith.constant 0 : index
    %get3A_19 = arith.constant 0 : index
    %get3A_20 = vector.load %arg3[%get3A_18, %get3A_19] : memref<2000x16xf32, #tpu.memory_space<vmem>>, vector<2000x16xf32>
    %concatenate3A = tpu.concatenate %max3A_17, %get3A_20 in 1 : vector<2000x32xf32>, vector<2000x16xf32> -> vector<2000x48xf32>
    %get3A_21 = arith.constant 0 : index
    %get3A_22 = arith.constant 0 : index
    %get3A_23 = arith.constant 0 : index
    %get3A_24 = vector.load %arg4[%get3A_21, %get3A_22, %get3A_23] : memref<1x1x2000xi32, #tpu.memory_space<vmem>>, vector<1x1x2000xi32>
    %get3A_25 = vector.shape_cast %get3A_24 : vector<1x1x2000xi32> to vector<1x2000xi32>
    %iota3A = tpu.iota {dimensions = array<i32: 0>} : vector<200x1xi32>
    %eq3A_26 = vector.broadcast %get3A_25 : vector<1x2000xi32> to vector<200x2000xi32>
    %eq3A_27 = vector.broadcast %iota3A : vector<200x1xi32> to vector<200x2000xi32>
    %eq3A_28 = arith.cmpi eq, %eq3A_26, %eq3A_27 : vector<200x2000xi32>
    %convert_element_type3A_29 = arith.extui %eq3A_28 : vector<200x2000xi1> to vector<200x2000xi32>
    %convert_element_type3A_30 = arith.sitofp %convert_element_type3A_29 : vector<200x2000xi32> to vector<200x2000xf32>
    %get3A_31 = arith.constant 0 : index
    %get3A_32 = arith.constant 0 : index
    %get3A_33 = vector.load %arg8[%get3A_31, %get3A_32] : memref<200x48xf32, #tpu.memory_space<vmem>>, vector<200x48xf32>
    %dot_general3A = arith.constant dense<0.000000e+00> : vector<200x48xf32>
    %dot_general3A_34 = tpu.matmul %convert_element_type3A_30, %concatenate3A, %dot_general3A {dimension_numbers = #tpu.dot_dimension_numbers<[1], [0], [0], [1], [0, 0, 1, 1], [], []>, transpose_lhs_hint = false} : vector<200x2000xf32>, vector<2000x48xf32>, vector<200x48xf32> -> vector<200x48xf32>
    %add3A_35 = arith.addf %get3A_33, %dot_general3A_34 : vector<200x48xf32>
    %swap3A = arith.constant 0 : index
    %swap3A_36 = arith.constant 0 : index
    %swap3A_37 = vector.load %arg8[%swap3A, %swap3A_36] : memref<200x48xf32, #tpu.memory_space<vmem>>, vector<200x48xf32>
    tpu.vector_store %arg8[%swap3A, %swap3A_36], %add3A_35 {strides = array<i32>} : memref<200x48xf32, #tpu.memory_space<vmem>>, vector<200x48xf32>,
    %eq3A_38 = arith.constant 4 : i32
    %eq3A_39 = arith.cmpi eq, %arg0, %eq3A_38 : i32
    %convert_element_type3A_40 = arith.extui %eq3A_39 : i1 to i32
    %cond3A_41 = arith.constant 0 : i32
    %cond3A_42 = arith.cmpi ne, %convert_element_type3A_40, %cond3A_41 : i32
    scf.if %cond3A_42 {
      %get3A_43 = arith.constant 0 : index
      %get3A_44 = arith.constant 0 : index
      %get3A_45 = vector.load %arg8[%get3A_43, %get3A_44] : memref<200x48xf32, #tpu.memory_space<vmem>>, vector<200x48xf32>
      %get3A_46 = arith.constant 0 : index
      %get3A_47 = arith.constant 0 : index
      %get3A_48 = vector.load %arg5[%get3A_46, %get3A_47] : memref<48x10xf32, #tpu.memory_space<vmem>>, vector<48x10xf32>
      %dot_general3A_49 = arith.constant dense<0.000000e+00> : vector<200x10xf32>
      %dot_general3A_50 = tpu.matmul %get3A_45, %get3A_48, %dot_general3A_49 {dimension_numbers = #tpu.dot_dimension_numbers<[1], [0], [0], [1], [0, 0, 1, 1], [], []>, transpose_lhs_hint = false} : vector<200x48xf32>, vector<48x10xf32>, vector<200x10xf32> -> vector<200x10xf32>
      %get3A_51 = arith.constant 0 : index
      %get3A_52 = arith.constant 0 : index
      %get3A_53 = vector.load %arg6[%get3A_51, %get3A_52] : memref<1x10xf32, #tpu.memory_space<vmem>>, vector<1x10xf32>
      %add3A_54 = vector.broadcast %get3A_53 : vector<1x10xf32> to vector<200x10xf32>
      %add3A_55 = arith.addf %dot_general3A_50, %add3A_54 : vector<200x10xf32>
      %tanh3A = math.tanh %add3A_55 : vector<200x10xf32>
      %swap3A_56 = arith.constant 0 : index
      %swap3A_57 = arith.constant 0 : index
      %swap3A_58 = vector.load %arg7[%swap3A_56, %swap3A_57] : memref<200x10xf32, #tpu.memory_space<vmem>>, vector<200x10xf32>
      tpu.vector_store %arg7[%swap3A_56, %swap3A_57], %tanh3A {strides = array<i32>} : memref<200x10xf32, #tpu.memory_space<vmem>>, vector<200x10xf32>,
    } else {
    }
    return
  }
  func.func @transform_0(%arg0: i32) -> (i32, i32, i32) {
    %c0_i32 = arith.constant 0 : i32
    %c0_i32_0 = arith.constant 0 : i32
    %c0_i32_1 = arith.constant 0 : i32
    return %c0_i32, %arg0, %c0_i32_0 : i32, i32, i32
  }
  func.func @transform_1(%arg0: i32) -> (i32, i32) {
    %c0_i32 = arith.constant 0 : i32
    %c0_i32_0 = arith.constant 0 : i32
    %c0_i32_1 = arith.constant 0 : i32
    return %c0_i32, %c0_i32_0 : i32, i32
  }
  func.func @transform_2(%arg0: i32) -> (i32, i32) {
    %c0_i32 = arith.constant 0 : i32
    %c0_i32_0 = arith.constant 0 : i32
    return %arg0, %c0_i32 : i32, i32
  }
  func.func @transform_3(%arg0: i32) -> (i32, i32, i32) {
    %c0_i32 = arith.constant 0 : i32
    %c0_i32_0 = arith.constant 0 : i32
    %c0_i32_1 = arith.constant 0 : i32
    return %arg0, %c0_i32, %c0_i32_0 : i32, i32, i32
  }
  func.func @transform_4(%arg0: i32) -> (i32, i32) {
    %c0_i32 = arith.constant 0 : i32
    %c0_i32_0 = arith.constant 0 : i32
    %c0_i32_1 = arith.constant 0 : i32
    return %c0_i32, %c0_i32_0 : i32, i32
  }
  func.func @transform_5(%arg0: i32) -> (i32, i32) {
    %c0_i32 = arith.constant 0 : i32
    %c0_i32_0 = arith.constant 0 : i32
    %c0_i32_1 = arith.constant 0 : i32
    return %c0_i32, %c0_i32_0 : i32, i32
  }
  func.func @transform_6(%arg0: i32) -> (i32, i32) {
    %c0_i32 = arith.constant 0 : i32
    %c0_i32_0 = arith.constant 0 : i32
    %c0_i32_1 = arith.constant 0 : i32
    return %c0_i32, %c0_i32_0 : i32, i32
  }
}

</mosaic_0001>

<sc_bundles>
// kernel: kernel.10.cloned.1.call-start
scs
__scs_entry_jumppad:
0x0: {  	(pc) =	sbr.rel $0x88, $3  }
0x1: {  	(tag) =	ssettag $0x0;
	lr =	simm.s32 $0x1  }
0x2: {  	[smem:$0x3F7D] =	sst lr;
	_ =	strace $0xD0000000  }
0x3: {  	_ = 	snop  }
0x4: {  	_ = 	snop  }
0x5: {  	_ = 	snop  }
0x6: {  	_ = 	snop  }
0x7: {  	_ = 	snop  }
__scs_overlays_trampoline_lowered:
0x8: {  	[smem:$0x3F8C] =	sst s0  }
0x9: {  	[smem:$0x3F8D] =	sst s1  }
0xa: {  	[smem:$0x3F8E] =	sst s2  }
0xb: {  	[smem:$0x3F8F] =	sst s3  }
0xc: {  	[smem:$0x3F90] =	sst s4  }
0xd: {  	[smem:$0x3F91] =	sst s5  }
0xe: {  	[smem:$0x3F92] =	sst s6  }
0xf: {  	[smem:$0x3F93] =	sst s7  }
0x10: {  	[smem:$0x3F94] =	sst s8  }
0x11: {  	[smem:$0x3F95] =	sst s9;
	s0 =	simm.s32 @!p0 $0x0  }
0x12: {  	s1 =	sld [smem:$0x3F7B];
	s0 =	simm.s32 @p0 $0x1  }
0x13: {  	[smem:$0x3F96] =	sst s0;
	s0 =	simm.s32 @!p1 $0x0  }
0x14: {  	s2 =	sld [smem:$0x3F7A];
	s0 =	simm.s32 @p1 $0x1  }
0x15: {  	[smem:$0x3F97] =	sst s0;
	s0 =	simm.s32 @!p2 $0x0  }
0x16: {  	s3 =	sld [smem:$0x3FDB];
	s0 =	simm.s32 @p2 $0x1  }
0x17: {  	s4 =	simm.s32 $0x1BF5;
	[smem:$0x3F99] =	sst s0  }
0x18: {  	s0 =	sld [smem:$0x3F7C];
	_ =	swait.ge [sflag:s4], $0x0  }
0x19: {  	s7 =	sld [smem:$0x3F7D]  }
0x1a: {  	s8 =	sadd.s32 $0xFFFFE003, lr  }
0x1b: {  	s9 =	sadd.s32 $0xFFFFFEF7, lr;
	s5 =	simm.s32 $0xFFFFFFFF;
	p2 =	slt.u32 s8, $0xFFFFF086  }
0x1c: {  	p1 =	slt.u32 s9, $0xF7A;
	s5 =	simm.s32 @!p2 $0x0  }
0x1d: {  	s5 =	simm.s32 @p1 $0x1;
	p0 =	seq.s32 s7, s2  }
0x1e: {  	s7 =	smul.u32 @!p0 $0xF7A, s2;
	p2 =	seq.s32 @!p0 s5, $0x0  }
0x1f: {  	s9 =	smul.u32 $0xF7A, s1;
	s8 =	simm.s32 @!p0 $0x1BF5;
	p2 =	por !p2, p0  }
0x20: {  	[sflag:s8] =	ssyncset.s32 @!p0 $0xFFFFF086;
	s6 =	sadd.s32 @!p0 s3, s7;
	s7 =	simm.s32 @!p0 $0x108  }
0x21: {  	s3 =	sadd.s32 s3, s9;
	s6 =	sadd.s32 @!p0 $0x88, s6;
	s7 =	simm.s32 @p2 $0x1082  }
0x22: {  	[simem:s7], [sflag:s8] =	dma.local @!p0 [hbm:s6], $0xF7A  }
0x23: {  	s9 =	sor.u32 $0xD0000000, s2;
	s6 =	simm.s32 $0x108;
	_ =	swait.ge @!p0 [sflag:s8], $0x0  }
0x24: {  	s3 =	sadd.s32 $0x88, s3;
	s6 =	simm.s32 @!p1 $0x1082;
	[sflag:s4] =	ssyncset.s32 $0xFFFFF086  }
0x25: {  	[simem:s6], [sflag:s4] =	dma.local [hbm:s3], $0xF7A  }
0x26: {  	[smem:$0x3F7D] =	sst s1;
	(tag) =	ssettag s2;
	_ =	strace s9  }
0x27: {  	s1 =	sld [smem:$0x3F8D]  }
0x28: {  	s2 =	sld [smem:$0x3F8E]  }
0x29: {  	s4 =	sld [smem:$0x3F90]  }
0x2a: {  	p0 =	seq.s32 s5, $0x0;
	s5 =	sld [smem:$0x3F91]  }
0x2b: {  	s6 =	sld [smem:$0x3F92]  }
0x2c: {  	s7 =	sld [smem:$0x3F93]  }
0x2d: {  	s3 =	simm.s32 $0x108;
	s8 =	sld [smem:$0x3F94]  }
0x2e: {  	s3 =	simm.s32 @!p0 $0x1082;
	s9 =	sld [smem:$0x3F95]  }
0x2f: {  	lr =	sadd.s32 s0, s3;
	s0 =	sld [smem:$0x3F8C]  }
0x30: {  	s3 =	sld [smem:$0x3F8F]  }
0x31: {  	[smem:$0x3F98] =	sst s10  }
0x32: {  	s10 =	sld [smem:$0x3F96];
	_ =	sdelay $0x3  }
0x33: {  	p0 =	seq.s32 s10, $0x1;
	s10 =	sld [smem:$0x3F98];
	_ =	sdelay $0x3  }
0x34: {  	[smem:$0x3F98] =	sst s10  }
0x35: {  	s10 =	sld [smem:$0x3F97];
	_ =	sdelay $0x3  }
0x36: {  	p1 =	seq.s32 s10, $0x1;
	s10 =	sld [smem:$0x3F98];
	_ =	sdelay $0x3  }
0x37: {  	[smem:$0x3F98] =	sst s10  }
0x38: {  	s10 =	sld [smem:$0x3F99]  }
0x39: {  	_ = 	snop;
	(pc) =	sbr.ind lr, $3  }
0x3a: {  	_ = 	snop  }
0x3b: {  	_ = 	snop  }
0x3c: {  	p2 =	seq.s32 s10, $0x1;
	s10 =	sld [smem:$0x3F98]  }
0x3d: {  	_ =	shalt  }
0x3e: {  	_ =	shalt  }
0x3f: {  	_ =	shalt  }
0x40: {  	_ =	shalt  }
0x41: {  	_ =	shalt  }
0x42: {  	_ =	shalt  }
0x43: {  	_ =	shalt  }
0x44: {  	_ =	shalt  }
0x45: {  	_ =	shalt  }
0x46: {  	_ =	shalt  }
0x47: {  	_ =	shalt  }
0x48: {  	_ =	shalt  }
0x49: {  	_ =	shalt  }
0x4a: {  	_ =	shalt  }
0x4b: {  	_ =	shalt  }
0x4c: {  	_ =	shalt  }
0x4d: {  	_ =	shalt  }
0x4e: {  	_ =	shalt  }
0x4f: {  	_ =	shalt  }
0x50: {  	_ =	shalt  }
0x51: {  	_ =	shalt  }
0x52: {  	_ =	shalt  }
0x53: {  	_ =	shalt  }
0x54: {  	_ =	shalt  }
0x55: {  	_ =	shalt  }
0x56: {  	_ =	shalt  }
0x57: {  	_ =	shalt  }
0x58: {  	_ =	shalt  }
0x59: {  	_ =	shalt  }
0x5a: {  	_ =	shalt  }
0x5b: {  	_ =	shalt  }
0x5c: {  	_ =	shalt  }
0x5d: {  	_ =	shalt  }
0x5e: {  	_ =	shalt  }
0x5f: {  	_ =	shalt  }
0x60: {  	_ =	shalt  }
0x61: {  	_ =	shalt  }
0x62: {  	_ =	shalt  }
0x63: {  	_ =	shalt  }
0x64: {  	_ =	shalt  }
0x65: {  	_ =	shalt  }
0x66: {  	_ =	shalt  }
0x67: {  	_ =	shalt  }
0x68: {  	_ =	shalt  }
0x69: {  	_ =	shalt  }
0x6a: {  	_ =	shalt  }
0x6b: {  	_ =	shalt  }
0x6c: {  	_ =	shalt  }
0x6d: {  	_ =	shalt  }
0x6e: {  	_ =	shalt  }
0x6f: {  	_ =	shalt  }
0x70: {  	_ =	shalt  }
0x71: {  	_ =	shalt  }
0x72: {  	_ =	shalt  }
0x73: {  	_ =	shalt  }
0x74: {  	_ =	shalt  }
0x75: {  	_ =	shalt  }
0x76: {  	_ =	shalt  }
0x77: {  	_ =	shalt  }
0x78: {  	_ =	shalt  }
0x79: {  	_ =	shalt  }
0x7a: {  	_ =	shalt  }
0x7b: {  	_ =	shalt  }
0x7c: {  	_ =	shalt  }
0x7d: {  	_ =	shalt  }
0x7e: {  	_ =	shalt  }
0x7f: {  	_ =	shalt  }
0x80: {  	_ =	shalt  }
0x81: {  	_ =	shalt  }
0x82: {  	_ =	shalt  }
0x83: {  	_ =	shalt  }
0x84: {  	_ =	shalt  }
0x85: {  	_ =	shalt  }
0x86: {  	_ =	shalt  }
0x87: {  	_ =	shalt  }
.Lfunc_end0:
.L_simem_size_0:
called_computation_lowered:
.L_overlay_start_0:
0x88: {  	s2 =	sld [smem:$0x3FD9]  }
0x89: {  	s3 =	sld [smem:$0x3FFE];
	_ =	sdelay $0x1  }
0x8a: {  	s1 =	srdreg.scid  }
0x8b: {  	s0 =	sand.u32 $0x1, s1  }
0x8c: {  	s16 =	sshll.u32 s0, $0xA;
	s2 =	sadd.s32 s3, s2  }
0x8d: {  	s2 =	sadd.s32 s2, s16  }
0x8e: {  	[smem:$0x3FA4] =	sst s2  }
0x8f: {  	_ = 	snop  }
0x90: {  	(tm) =	ssettm $0x1  }
0x91: {  	s17 =	sld [smem:$0x3FFB];
	_ =	sdelay $0x3  }
0x92: {  	_ =	strace s17  }
0x93: {  	s2 =	sld [smem:$0x3FFC];
	_ =	sdelay $0x3  }
0x94: {  	_ =	strace s2  }
0x95: {  	s2 =	sld [smem:$0x3FFD];
	_ =	sdelay $0x3  }
0x96: {  	_ =	strace s2  }
0x97: {  	_ =	strace $0x8FFFFFFF  }
0x98: {  	s18 =	sld [smem:$0x3FDB];
	_ =	sdelay $0x1  }
0x99: {  	s19 =	simm.s32 $_scs_section_size  }
0x9a: {  	s4 =	simm.s32 $_size__tile_overlayer_lowered;
	s5 =	simm.s32 $_tile_overlayer_lowered  }
0x9b: {  	s22 =	simm.s32 $0x1BFF;
	s21 =	sshll.u32 s5, $0x1;
	s2 =	sadd.s32 s19, s18  }
0x9c: {  	s6 =	simm.s32 $0x0;
	s20 =	sshll.u32 s4, $0x1;
	s4 =	sadd.s32 s21, s2  }
0x9d: {  	[timem:s6], [sflag:s22] =	dma.local [hbm:s4], s20  }
0x9e: {  	_ =	swait.ge [sflag:s22], s20  }
0x9f: {  	s3 =	ssub.s32 $0x0, s20;
	[sflag:s22] =	ssyncset.done $0x0  }
0xa0: {  	[sflag:s22] =	ssyncadd.s32 s3;
	_ =	sdelay $0x1  }
0xa1: {  	s23 =	simm.s32 $0x1B8B  }
0xa2: {  	_ =	swait.ge [sflag:s23], $0x1  }
0xa3: {  	[sflag:s23] =	ssyncset.done $0x0  }
0xa4: {  	s25 =	simm.s32 $0x1B8E;
	s24 =	sld [smem:$0x3FFE];
	[sflag:s23] =	ssyncadd.s32 $0xFFFFFFFF  }
0xa5: {  	s26 =	simm.s32 $execute0_lowered;
	[smem:$0x3FD2] =	sst s25  }
0xa6: {  	s4 =	sshll.u32 s26, $0x1;
	_ =	strace $0x80000046;
	[dreg:$0x1] =	wrdreg $0xFFFFFFFF  }
0xa7: {  	s28 =	simm.s32 $_size_execute0_lowered;
	s2 =	sadd.s32 s2, s4;
	[dreg:$0x0] =	wrdreg $0x0  }
0xa8: {  	s4 =	sshll.u32 s28, $0x1;
	[dreg:$0x2] =	wrdreg s2  }
0xa9: {  	[dreg:$0x3] =	wrdreg s4  }
0xaa: {  	[dreg:$0x4] =	wrdreg $0xC0  }
0xab: {  	_ =	task [dreg:s6], $0x5FFFF  }
0xac: {  	[dreg:$0x1] =	wrdreg $0xFFFFFFFF  }
0xad: {  	[dreg:$0x0] =	wrdreg $0x60  }
0xae: {  	[dreg:$0x2] =	wrdreg s24  }
0xaf: {  	[dreg:$0x3] =	wrdreg $0x1A5400  }
0xb0: {  	[dreg:$0x4] =	wrdreg $0x9  }
0xb1: {  	_ =	task.clear_ibuf [dreg:s6], $0x5FFFF;
	_ =	strace $0x90000046  }
0xb2: {  	s29 =	simm.s32 $0x9;
	_ =	strace $0x80000048  }
0xb3: {  	_ =	swait.ge [sflag:s29], $0x1  }
0xb4: {  	[sflag:s29] =	ssyncadd.s32 $0xFFFFFFFF  }
0xb5: {  	_ =	strace $0x90000048  }
0xb6: {  	_ =	sfence  }
0xb7: {  	s30 =	sld [smem:$0x0];
	_ =	sdelay $0x2  }
0xb8: {  	s31 =	sshll.u32 s1, $0xD;
	s1 =	sshrl.u32 s1, $0x2  }
0xb9: {  	s3 =	sand.u32 $0x4000, s31;
	s1 =	sadd.s32 s1, s30  }
0xba: {  	s0 =	sor.u32 s3, s0;
	s1 =	sshll.u32 s1, $0x11  }
0xbb: {  	s0 =	sor.u32 s1, s0  }
0xbc: {  	s0 =	sadd.s32 $0x8F2B, s0  }
0xbd: {  	[sflag:s0] =	ssyncadd.remote.s32 $0x1  }
0xbe: {  	_ =	sfence.sel $0xFFFF  }
0xbf: {  	[dreg:$0x0] =	wrdreg $0xFFFFFFFF;
	(pc) =	sbr.abs _section_cstart, $3  }
0xc0: {  	[dreg:$0x1] =	wrdreg $0xFFFFFFFF  }
0xc1: {  	_ =	task.clear_ibuf [dreg:s6], $0x2FFFF;
	_ =	strace $0x9FFFFFFF  }
0xc2: {  	(tm) =	ssettm $0x7FFFFFFF  }
0xc3: {  	_ =	shalt  }
tec
execute0_lowered:
.L_overlay_start_1:
0x0: {  	(tag) =	ssettag $0x1  }
0x1: {  	s0 =	rddreg [dreg:$0x0]  }
0x2: {  	s2 =	rddreg [dreg:$0x1];
	s3 =	simm.s32 $0x0  }
0x3: {  	s1 =	srdreg.scid;
	s10 =	stileid.u32;
	s28 =	simm.s32 $0xA640  }
0x4: {  	s29 =	simm.s32 $0x1;
	s30 =	simm.s32 $0xAB40;
	s31 =	simm.s32 $0x14B40  }
0x5: {  	[smem:$0x7FF] =	sst s3;
	s1 =	sand.u32 $0x1, s1;
	s9 =	smul.u32 $0x5000, s10  }
0x6: {  	s4 =	sadd.s32 $0x151A00, s0;
	s5 =	sadd.s32 $0x19200, s0;
	s6 =	sadd.s32 $0xF400, s0  }
0x7: {  	_ =	strace $0x80000047;
	s7 =	smul.u32 $0x50000, s1;
	s8 =	sshll.u32 s1, $0x4  }
0x8: {  	s1 =	ssub.s32 $0x2, s1;
	s10 =	sor.u32 s10, s8;
	s8 =	sadd.s32 $0x5600, s0  }
0x9: {  	s18 =	sshrl.u32 s1, $0x1;
	s16 =	sadd.s32 s9, s2;
	s7 =	sadd.s32 s9, s7  }
0xa: {  	s1 =	ssub.s32 s1, s18;
	s11 =	sshrl.u32 s7, $0x3;
	s7 =	smul.u32 $0x2710, s10  }
0xb: {  	s10 =	smul.u32 $0x4E20, s10;
	s26 =	smax.u32 s1, $0x1;
	s0 =	sadd.s32 s11, s0  }
0xc: {  	[dreg:$0x8] =	wrdreg s26;
	s26 =	simm.s32 $0xA5F0;
	s19 =	sshrl.u32 s7, $0x3  }
0xd: {  	s12 =	sadd.s32 $0x50, s7;
	s22 =	sadd.s32 s5, s10;
	s0 =	sadd.s32 $0xB5600, s0  }
0xe: {  	s18 =	sadd.s32 $0xA0, s7;
	s20 =	sadd.s32 s6, s19;
	[dreg:$0x5] =	wrdreg s22  }
0xf: {  	s21 =	sadd.s32 s8, s19;
	s23 =	sshrl.u32 s12, $0x3;
	[dreg:$0x7] =	wrdreg s0  }
0x10: {  	s25 =	sshll.u32 s12, $0x1;
	s22 =	simm.s32 $0xA0;
	[dreg:$0x3] =	wrdreg s20  }
0x11: {  	s0 =	simm.s32 $0x2;
	s19 =	simm.s32 $0x0;
	[dreg:$0x4] =	wrdreg s21  }
0x12: {  	s17 =	sadd.s32 s6, s23;
	s24 =	sadd.s32 s8, s23;
	s15 =	sadd.s32 s5, s25  }
0x13: {  	s20 =	simm.s32 $0x4;
	s21 =	simm.s32 $0x50;
	s23 =	simm.s32 $0x3  }
0x14: {  	v0 =	vimm.f32 $0.0e+00;
	s25 =	simm.s32 $0xA5A0;
	[dreg:$0x6] =	wrdreg s24;
	s24 =	simm.s32 $0x5A0  }
.LBB2_1:
0x15: {  	s1 =	simm.s32 $0x80;
	s10 =	simm.s32 $0x0  }
.LBB2_2:
0x16: {  	p0 =	sne.s32 s1, $0x13F80;
	[tilespmem:s10+$0x15540] =	vst v0;
	s11 =	smov.u32 s1;
	s1 =	sadd.s32 $0x80, s1  }
.Ltmp0:
0x17: {  	[tilespmem:s10+$0x15550] =	vst v0;
	(pc) =	sbr.rel @p0 .LBB2_2-.Ltmp0, $2  }
0x18: {  	_ =	sdelay $0x2  }
0x19: {  	s10 =	sshra.s32 s11, $0x2  }
0x1a: {  	[tilespmem:s10+$0x15540] =	vst v0  }
0x1b: {  	[tilespmem:s10+$0x15550] =	vst v0;
	s1 =	simm.s32 $0x15540  }
0x1c: {  	[spmem:s16] =	stream.linear.scatter [tilespmem:s1], [sflag:$0x4], $0x5000, $0x38;
	[tilespmem:$0x1F540] =	vst v63  }
0x1d: {  	_ =	swait.ge [sflag:s20], $0x5000  }
0x1e: {  	[sflag:s20] =	ssyncset.done $0x0  }
0x1f: {  	[sflag:s20] =	ssyncadd.s32 $0xFFFFB000  }
0x20: {  	[bflag:$0x0] =	sbarrier.arrive $0xFFFF  }
0x21: {  	s1 =	simm.s32 $0x0;
	s9 =	rddreg [dreg:$0x3]  }
0x22: {  	[tilespmem:s1], [sflag:$0x3] =	stream.linear.gather [hbm4b:s9+s1], $0x50, $0x38;
	[tilespmem:$0x1F540] =	vst v63  }
0x23: {  	s14 =	rddreg [dreg:$0x4]  }
0x24: {  	[tilespmem:s21], [sflag:$0x3] =	stream.linear.gather [hbm4b:s14+s1], $0x50, $0x38;
	[tilespmem:$0x1F540] =	vst v63  }
0x25: {  	s13 =	smov.u32 s16;
	s16 =	rddreg [dreg:$0x5]  }
0x26: {  	[tilespmem:s22], [sflag:$0x3] =	stream.linear.gather [hbm4b:s16+s1], $0x500, $0x38;
	[tilespmem:$0x1F540] =	vst v63  }
0x27: {  	_ =	swait.ge [sflag:s23], $0x50  }
0x28: {  	[sflag:s23] =	ssyncset.done $0x0  }
0x29: {  	[sflag:s23] =	ssyncadd.s32 $0xFFFFFFB0  }
0x2a: {  	_ =	swait.ge [sflag:s23], $0x50  }
0x2b: {  	[sflag:s23] =	ssyncset.done $0x0  }
0x2c: {  	[sflag:s23] =	ssyncadd.s32 $0xFFFFFFB0  }
0x2d: {  	_ =	swait.ge [sflag:s23], $0x500  }
0x2e: {  	[sflag:s23] =	ssyncset.done $0x0  }
0x2f: {  	[sflag:s23] =	ssyncadd.s32 $0xFFFFFB00  }
0x30: {  	[tilespmem:s24], [sflag:$0x1] =	stream.indirect.gather [hbm4b:s4+s21], $0x200, s1, s21, $0xb8;
	[tilespmem:$0x1F540] =	vst v63  }
0x31: {  	_ = 	snop  }
0x32: {  	[tilespmem:s25], [sflag:$0x3] =	stream.linear.gather [hbm4b:s17+s1], $0x50, $0x38;
	[tilespmem:$0x1F540] =	vst v63  }
0x33: {  	s14 =	smov.u32 s17;
	s17 =	rddreg [dreg:$0x6]  }
0x34: {  	[tilespmem:s26], [sflag:$0x3] =	stream.linear.gather [hbm4b:s17+s1], $0x50, $0x38;
	[tilespmem:$0x1F540] =	vst v63  }
0x35: {  	_ = 	snop  }
0x36: {  	[tilespmem:s28], [sflag:$0x3] =	stream.linear.gather [hbm4b:s15+s1], $0x500, $0x38;
	[tilespmem:$0x1F540] =	vst v63  }
.LBB2_4:
0x37: {  	_ =	swait.ge [sflag:s23], $0x50  }
0x38: {  	[sflag:s23] =	ssyncset.done $0x0  }
0x39: {  	[sflag:s23] =	ssyncadd.s32 $0xFFFFFFB0  }
0x3a: {  	_ =	swait.ge [sflag:s23], $0x50  }
0x3b: {  	[sflag:s23] =	ssyncset.done $0x0  }
0x3c: {  	[sflag:s23] =	ssyncadd.s32 $0xFFFFFFB0  }
0x3d: {  	_ =	swait.ge [sflag:s23], $0x500  }
0x3e: {  	[sflag:s23] =	ssyncset.done $0x0  }
0x3f: {  	[sflag:s23] =	ssyncadd.s32 $0xFFFFFB00  }
0x40: {  	_ =	swait.ge [sflag:s29], $0xA000  }
0x41: {  	[sflag:s29] =	ssyncset.done $0x0  }
0x42: {  	s11 =	simm.s32 $0x0;
	[sflag:s29] =	ssyncadd.s32 $0xFFFF6000  }
0x43: {  	[tilespmem:s30], [sflag:$0x2] =	stream.indirect.gather [hbm4b:s4+s21], $0x200, s25, s21, $0xb8;
	[tilespmem:$0x1F540] =	vst v63  }
0x44: {  	s10 =	simm.s32 $0x6A0;
	v1 =	vld [tilespmem:s11+$0xA0]  }
0x45: {  	v2 =	vld [tilespmem:s10+$0xFFFFFF10]  }
0x46: {  	v3 =	vld [tilespmem:s10+$0xFFFFFF00]  }
0x47: {  	v4 =	vld [tilespmem:s10+$0xFFFFFF30]  }
0x48: {  	v5 =	vld [tilespmem:s10+$0xFFFFFF20]  }
0x49: {  	v7 =	vld [tilespmem:s10+$0xFFFFFF50];
	v6 =	vbroadcast v1, $0x0  }
0x4a: {  	v9 =	vld [tilespmem:s10+$0xFFFFFF40];
	v8 =	vbroadcast v1, $0x1  }
0x4b: {  	v62 =	vld [tilespmem:s10+$0xFFFFFF70];
	v3 =	vmul.f32 v3, v6;
	v2 =	vmul.f32 v2, v6  }
0x4c: {  	v11 =	vld [tilespmem:s10+$0xFFFFFF60];
	v10 =	vbroadcast v1, $0x2;
	v4 =	vmul.f32 v4, v8  }
0x4d: {  	v63 =	vld [tilespmem:s10+$0xFFFFFF90];
	v5 =	vmul.f32 v5, v8;
	v3 =	vadd.f32 $0.0e+00, v3;
	v2 =	vadd.f32 $0.0e+00, v2  }
0x4e: {  	v13 =	vld [tilespmem:s10+$0xFFFFFF80];
	v12 =	vbroadcast v1, $0x3;
	v7 =	vmul.f32 v7, v10  }
0x4f: {  	v19 =	vld [tilespmem:s10+$0xFFFFFFA0];
	v16 =	vmul.f32 v9, v10;
	v3 =	vadd.f32 v5, v3;
	v2 =	vadd.f32 v4, v2  }
0x50: {  	v17 =	vld [tilespmem:s10+$0xFFFFFFB0];
	v18 =	vbroadcast v1, $0x4;
	v6 =	vmul.f32 v62, v12  }
0x51: {  	v23 =	vld [tilespmem:s10+$0xFFFFFFC0];
	v20 =	vmul.f32 v11, v12;
	v3 =	vadd.f32 v16, v3;
	v2 =	vadd.f32 v7, v2  }
0x52: {  	v21 =	vld [tilespmem:s10+$0xFFFFFFD0];
	v22 =	vbroadcast v1, $0x5;
	v8 =	vmul.f32 v63, v18  }
0x53: {  	v27 =	vld [tilespmem:s10+$0xFFFFFFE0];
	v24 =	vmul.f32 v13, v18;
	v3 =	vadd.f32 v20, v3;
	v2 =	vadd.f32 v6, v2  }
0x54: {  	v25 =	vld [tilespmem:s10+$0xFFFFFFF0];
	v26 =	vbroadcast v1, $0x6;
	v28 =	vmul.f32 v19, v22  }
0x55: {  	v31 =	vld [tilespmem:s10+$0x0];
	v5 =	vmul.f32 v17, v22;
	v3 =	vadd.f32 v24, v3;
	v2 =	vadd.f32 v8, v2  }
0x56: {  	v29 =	vld [tilespmem:s10+$0x10];
	v30 =	vbroadcast v1, $0x7;
	v32 =	vmul.f32 v23, v26  }
0x57: {  	v35 =	vld [tilespmem:s10+$0x20];
	v7 =	vmul.f32 v21, v26;
	v3 =	vadd.f32 v28, v3;
	v2 =	vadd.f32 v5, v2  }
0x58: {  	v33 =	vld [tilespmem:s10+$0x30];
	v34 =	vbroadcast v1, $0x8;
	v36 =	vmul.f32 v27, v30  }
0x59: {  	v39 =	vld [tilespmem:s10+$0x40];
	v6 =	vmul.f32 v25, v30;
	v3 =	vadd.f32 v32, v3;
	v2 =	vadd.f32 v7, v2  }
0x5a: {  	v37 =	vld [tilespmem:s10+$0x50];
	v38 =	vbroadcast v1, $0x9;
	v40 =	vmul.f32 v31, v34  }
0x5b: {  	v43 =	vld [tilespmem:s10+$0x60];
	v8 =	vmul.f32 v29, v34;
	v3 =	vadd.f32 v36, v3;
	v2 =	vadd.f32 v6, v2  }
0x5c: {  	v41 =	vld [tilespmem:s10+$0x70];
	v42 =	vbroadcast v1, $0xA;
	v44 =	vmul.f32 v35, v38  }
0x5d: {  	v47 =	vld [tilespmem:s10+$0x80];
	v5 =	vmul.f32 v33, v38;
	v3 =	vadd.f32 v40, v3;
	v2 =	vadd.f32 v8, v2  }
0x5e: {  	v45 =	vld [tilespmem:s10+$0x90];
	v46 =	vbroadcast v1, $0xB;
	v48 =	vmul.f32 v39, v42  }
0x5f: {  	v51 =	vld [tilespmem:s10+$0xA0];
	v7 =	vmul.f32 v37, v42;
	v3 =	vadd.f32 v44, v3;
	v2 =	vadd.f32 v5, v2  }
0x60: {  	v49 =	vld [tilespmem:s10+$0xB0];
	v50 =	vbroadcast v1, $0xC;
	v52 =	vmul.f32 v43, v46  }
0x61: {  	v55 =	vld [tilespmem:s10+$0xC0];
	v6 =	vmul.f32 v41, v46;
	v3 =	vadd.f32 v48, v3;
	v2 =	vadd.f32 v7, v2  }
0x62: {  	v53 =	vld [tilespmem:s10+$0xD0];
	v54 =	vbroadcast v1, $0xD;
	v56 =	vmul.f32 v47, v50  }
0x63: {  	v57 =	vld [tilespmem:s10+$0xF0];
	v8 =	vmul.f32 v45, v50;
	v3 =	vadd.f32 v52, v3;
	v2 =	vadd.f32 v6, v2  }
0x64: {  	v59 =	vld [tilespmem:s10+$0xE0];
	v58 =	vbroadcast v1, $0xE;
	v60 =	vmul.f32 v51, v54  }
0x65: {  	v5 =	vmul.f32 v49, v54;
	v3 =	vadd.f32 v56, v3;
	v2 =	vadd.f32 v8, v2  }
0x66: {  	v1 =	vbroadcast v1, $0xF;
	v61 =	vmul.f32 v55, v58  }
0x67: {  	v7 =	vmul.f32 v53, v58;
	v3 =	vadd.f32 v60, v3;
	v2 =	vadd.f32 v5, v2  }
0x68: {  	v62 =	vmul.f32 v57, v1  }
0x69: {  	v1 =	vmul.f32 v59, v1;
	v3 =	vadd.f32 v61, v3;
	v63 =	vadd.f32 v7, v2;
	_ =	sdelay $0x1  }
0x6a: {  	s12 =	simm.s32 $0x40;
	s16 =	simm.s32 $0x14B50;
	s11 =	simm.s32 $0x14B50;
	v2 =	vadd.f32 v1, v3;
	v1 =	vadd.f32 v62, v63  }
.LBB2_5:
0x6b: {  	_ = 	snop  }
0x6c: {  	p0 =	sne.s32 s12, $0x13C0;
	s16 =	sadd.s32 $0x20, s16;
	s10 =	sadd.s32 $0x200, s10;
	[tilespmem:s11+$0xFFFFFFF0] =	vst v2  }
0x6d: {  	s17 =	sshra.s32 s12, $0x2;
	s12 =	sadd.s32 $0x40, s12;
	[tilespmem:s11+$0x0] =	vst v1;
	s11 =	smov.u32 s16  }
0x6e: {  	v1 =	vld [tilespmem:s17+$0xA0]  }
0x6f: {  	v2 =	vld [tilespmem:s10+$0xFFFFFF10]  }
0x70: {  	v3 =	vld [tilespmem:s10+$0xFFFFFF00]  }
0x71: {  	v4 =	vld [tilespmem:s10+$0xFFFFFF30]  }
0x72: {  	v5 =	vld [tilespmem:s10+$0xFFFFFF20]  }
0x73: {  	v6 =	vbroadcast v1, $0x0;
	v7 =	vbroadcast v1, $0x1;
	v8 =	vld [tilespmem:s10+$0xFFFFFF50]  }
0x74: {  	v10 =	vbroadcast v1, $0x2;
	v11 =	vbroadcast v1, $0x3;
	v9 =	vld [tilespmem:s10+$0xFFFFFF40]  }
0x75: {  	v3 =	vmul.f32 v3, v6;
	v2 =	vmul.f32 v2, v6;
	v6 =	vld [tilespmem:s10+$0xFFFFFF70]  }
0x76: {  	v13 =	vbroadcast v1, $0x4;
	v4 =	vmul.f32 v4, v7;
	v12 =	vld [tilespmem:s10+$0xFFFFFF60]  }
0x77: {  	v3 =	vadd.f32 $0.0e+00, v3;
	v2 =	vadd.f32 $0.0e+00, v2;
	v5 =	vmul.f32 v5, v7;
	v7 =	vld [tilespmem:s10+$0xFFFFFF90]  }
0x78: {  	v15 =	vbroadcast v1, $0x5;
	v8 =	vmul.f32 v8, v10;
	v14 =	vld [tilespmem:s10+$0xFFFFFF80]  }
0x79: {  	v3 =	vadd.f32 v5, v3;
	v2 =	vadd.f32 v4, v2;
	v4 =	vmul.f32 v9, v10;
	v5 =	vld [tilespmem:s10+$0xFFFFFFB0]  }
0x7a: {  	v10 =	vbroadcast v1, $0x6;
	v6 =	vmul.f32 v6, v11;
	v9 =	vld [tilespmem:s10+$0xFFFFFFA0]  }
0x7b: {  	v3 =	vadd.f32 v4, v3;
	v2 =	vadd.f32 v8, v2;
	v4 =	vmul.f32 v12, v11;
	v8 =	vld [tilespmem:s10+$0xFFFFFFD0]  }
0x7c: {  	v12 =	vbroadcast v1, $0x7;
	v7 =	vmul.f32 v7, v13;
	v11 =	vld [tilespmem:s10+$0xFFFFFFC0]  }
0x7d: {  	v3 =	vadd.f32 v4, v3;
	v2 =	vadd.f32 v6, v2;
	v4 =	vmul.f32 v14, v13;
	v6 =	vld [tilespmem:s10+$0xFFFFFFF0]  }
0x7e: {  	v14 =	vbroadcast v1, $0x8;
	v5 =	vmul.f32 v5, v15;
	v13 =	vld [tilespmem:s10+$0xFFFFFFE0]  }
0x7f: {  	v3 =	vadd.f32 v4, v3;
	v2 =	vadd.f32 v7, v2;
	v4 =	vmul.f32 v9, v15;
	v7 =	vld [tilespmem:s10+$0x10]  }
0x80: {  	v15 =	vbroadcast v1, $0x9;
	v8 =	vmul.f32 v8, v10;
	v9 =	vld [tilespmem:s10+$0x0]  }
0x81: {  	v3 =	vadd.f32 v4, v3;
	v2 =	vadd.f32 v5, v2;
	v4 =	vmul.f32 v11, v10;
	v5 =	vld [tilespmem:s10+$0x30]  }
0x82: {  	v11 =	vbroadcast v1, $0xA;
	v6 =	vmul.f32 v6, v12;
	v10 =	vld [tilespmem:s10+$0x20]  }
0x83: {  	v3 =	vadd.f32 v4, v3;
	v2 =	vadd.f32 v8, v2;
	v4 =	vmul.f32 v13, v12;
	v8 =	vld [tilespmem:s10+$0x50]  }
0x84: {  	v13 =	vbroadcast v1, $0xB;
	v7 =	vmul.f32 v7, v14;
	v12 =	vld [tilespmem:s10+$0x40]  }
0x85: {  	v3 =	vadd.f32 v4, v3;
	v2 =	vadd.f32 v6, v2;
	v4 =	vmul.f32 v9, v14;
	v6 =	vld [tilespmem:s10+$0x70]  }
0x86: {  	v14 =	vbroadcast v1, $0xC;
	v5 =	vmul.f32 v5, v15;
	v9 =	vld [tilespmem:s10+$0x60]  }
0x87: {  	v3 =	vadd.f32 v4, v3;
	v2 =	vadd.f32 v7, v2;
	v4 =	vmul.f32 v10, v15;
	v7 =	vld [tilespmem:s10+$0x90]  }
0x88: {  	v15 =	vbroadcast v1, $0xD;
	v8 =	vmul.f32 v8, v11;
	v10 =	vld [tilespmem:s10+$0x80]  }
0x89: {  	v3 =	vadd.f32 v4, v3;
	v2 =	vadd.f32 v5, v2;
	v4 =	vmul.f32 v12, v11;
	v5 =	vld [tilespmem:s10+$0xB0]  }
0x8a: {  	v12 =	vbroadcast v1, $0xE;
	v6 =	vmul.f32 v6, v13;
	v11 =	vld [tilespmem:s10+$0xA0]  }
0x8b: {  	v3 =	vadd.f32 v4, v3;
	v2 =	vadd.f32 v8, v2;
	v4 =	vmul.f32 v9, v13;
	v8 =	vld [tilespmem:s10+$0xD0]  }
0x8c: {  	v1 =	vbroadcast v1, $0xF;
	v7 =	vmul.f32 v7, v14;
	v9 =	vld [tilespmem:s10+$0xC0]  }
0x8d: {  	v3 =	vadd.f32 v4, v3;
	v2 =	vadd.f32 v6, v2;
	v4 =	vmul.f32 v10, v14;
	v6 =	vld [tilespmem:s10+$0xF0]  }
0x8e: {  	v5 =	vmul.f32 v5, v15;
	v10 =	vld [tilespmem:s10+$0xE0]  }
0x8f: {  	v3 =	vadd.f32 v4, v3;
	v2 =	vadd.f32 v7, v2;
	v4 =	vmul.f32 v11, v15  }
0x90: {  	v7 =	vmul.f32 v8, v12  }
.Ltmp1:
0x91: {  	v3 =	vadd.f32 v4, v3;
	v2 =	vadd.f32 v5, v2;
	v4 =	vmul.f32 v9, v12;
	(pc) =	sbr.rel @p0 .LBB2_5-.Ltmp1, $3  }
0x92: {  	v5 =	vmul.f32 v6, v1  }
0x93: {  	v3 =	vadd.f32 v4, v3;
	v4 =	vadd.f32 v7, v2;
	v1 =	vmul.f32 v10, v1;
	_ =	sdelay $0x1  }
0x94: {  	v2 =	vadd.f32 v1, v3;
	v1 =	vadd.f32 v5, v4  }
0x95: {  	_ = 	snop  }
0x96: {  	[tilespmem:s11+$0xFFFFFFF0] =	vst v2  }
0x97: {  	s10 =	smul.u32 $0xA0, s1;
	[tilespmem:s11+$0x0] =	vst v1  }
0x98: {  	[spmem:s2] =	stream.indirect.scatter.add.f32 [tilespmem:s31], [sflag:$0x4], $0x20, s21, s21, $0xb8;
	[tilespmem:$0x1F540] =	vst v63  }
0x99: {  	s10 =	sadd.s32 s18, s10;
	_ =	swait.ge [sflag:s20], $0xA00  }
0x9a: {  	s16 =	simm.s32 $0x0;
	s9 =	sshrl.u32 s10, $0x3;
	[sflag:s20] =	ssyncset.done $0x0  }
0x9b: {  	s10 =	sshll.u32 s10, $0x1;
	s12 =	sadd.s32 s6, s9;
	[sflag:s20] =	ssyncadd.s32 $0xFFFFF600  }
0x9c: {  	[tilespmem:s16], [sflag:$0x3] =	stream.linear.gather [hbm4b:s12+s16], $0x50, $0x38;
	[tilespmem:$0x1F540] =	vst v63  }
0x9d: {  	s11 =	sadd.s32 s8, s9;
	s10 =	sand.u32 $0x1FFFFFE0, s10  }
0x9e: {  	[tilespmem:s21], [sflag:$0x3] =	stream.linear.gather [hbm4b:s11+s16], $0x50, $0x38;
	[tilespmem:$0x1F540] =	vst v63  }
0x9f: {  	s10 =	sadd.s32 s5, s10  }
0xa0: {  	[tilespmem:s22], [sflag:$0x3] =	stream.linear.gather [hbm4b:s10+s16], $0x500, $0x38;
	[tilespmem:$0x1F540] =	vst v63  }
0xa1: {  	_ =	swait.ge [sflag:s23], $0x50  }
0xa2: {  	[sflag:s23] =	ssyncset.done $0x0  }
0xa3: {  	[sflag:s23] =	ssyncadd.s32 $0xFFFFFFB0  }
0xa4: {  	_ =	swait.ge [sflag:s23], $0x50  }
0xa5: {  	[sflag:s23] =	ssyncset.done $0x0  }
0xa6: {  	[sflag:s23] =	ssyncadd.s32 $0xFFFFFFB0  }
0xa7: {  	_ =	swait.ge [sflag:s23], $0x500  }
0xa8: {  	[sflag:s23] =	ssyncset.done $0x0  }
0xa9: {  	[sflag:s23] =	ssyncadd.s32 $0xFFFFFB00  }
0xaa: {  	_ =	swait.ge [sflag:s0], $0xA000  }
0xab: {  	[sflag:s0] =	ssyncset.done $0x0  }
0xac: {  	s17 =	simm.s32 $0x0;
	[sflag:s0] =	ssyncadd.s32 $0xFFFF6000  }
0xad: {  	[tilespmem:s24], [sflag:$0x1] =	stream.indirect.gather [hbm4b:s4+s21], $0x200, s16, s21, $0xb8;
	[tilespmem:$0x1F540] =	vst v63  }
0xae: {  	s10 =	simm.s32 $0xAC40;
	v1 =	vld [tilespmem:s17+$0xA640]  }
0xaf: {  	v2 =	vld [tilespmem:s10+$0xFFFFFF10]  }
0xb0: {  	v3 =	vld [tilespmem:s10+$0xFFFFFF00]  }
0xb1: {  	v4 =	vld [tilespmem:s10+$0xFFFFFF30]  }
0xb2: {  	v5 =	vld [tilespmem:s10+$0xFFFFFF20]  }
0xb3: {  	v7 =	vld [tilespmem:s10+$0xFFFFFF50];
	v6 =	vbroadcast v1, $0x0  }
0xb4: {  	v9 =	vld [tilespmem:s10+$0xFFFFFF40];
	v8 =	vbroadcast v1, $0x1  }
0xb5: {  	v62 =	vld [tilespmem:s10+$0xFFFFFF70];
	v3 =	vmul.f32 v3, v6;
	v2 =	vmul.f32 v2, v6  }
0xb6: {  	v11 =	vld [tilespmem:s10+$0xFFFFFF60];
	v10 =	vbroadcast v1, $0x2;
	v4 =	vmul.f32 v4, v8  }
0xb7: {  	v63 =	vld [tilespmem:s10+$0xFFFFFF90];
	v5 =	vmul.f32 v5, v8;
	v3 =	vadd.f32 $0.0e+00, v3;
	v2 =	vadd.f32 $0.0e+00, v2  }
0xb8: {  	v13 =	vld [tilespmem:s10+$0xFFFFFF80];
	v12 =	vbroadcast v1, $0x3;
	v7 =	vmul.f32 v7, v10  }
0xb9: {  	v19 =	vld [tilespmem:s10+$0xFFFFFFA0];
	v16 =	vmul.f32 v9, v10;
	v3 =	vadd.f32 v5, v3;
	v2 =	vadd.f32 v4, v2  }
0xba: {  	v17 =	vld [tilespmem:s10+$0xFFFFFFB0];
	v18 =	vbroadcast v1, $0x4;
	v6 =	vmul.f32 v62, v12  }
0xbb: {  	v23 =	vld [tilespmem:s10+$0xFFFFFFC0];
	v20 =	vmul.f32 v11, v12;
	v3 =	vadd.f32 v16, v3;
	v2 =	vadd.f32 v7, v2  }
0xbc: {  	v21 =	vld [tilespmem:s10+$0xFFFFFFD0];
	v22 =	vbroadcast v1, $0x5;
	v8 =	vmul.f32 v63, v18  }
0xbd: {  	v27 =	vld [tilespmem:s10+$0xFFFFFFE0];
	v24 =	vmul.f32 v13, v18;
	v3 =	vadd.f32 v20, v3;
	v2 =	vadd.f32 v6, v2  }
0xbe: {  	v25 =	vld [tilespmem:s10+$0xFFFFFFF0];
	v26 =	vbroadcast v1, $0x6;
	v28 =	vmul.f32 v19, v22  }
0xbf: {  	v31 =	vld [tilespmem:s10+$0x0];
	v5 =	vmul.f32 v17, v22;
	v3 =	vadd.f32 v24, v3;
	v2 =	vadd.f32 v8, v2  }
0xc0: {  	v29 =	vld [tilespmem:s10+$0x10];
	v30 =	vbroadcast v1, $0x7;
	v32 =	vmul.f32 v23, v26  }
0xc1: {  	v35 =	vld [tilespmem:s10+$0x20];
	v7 =	vmul.f32 v21, v26;
	v3 =	vadd.f32 v28, v3;
	v2 =	vadd.f32 v5, v2  }
0xc2: {  	v33 =	vld [tilespmem:s10+$0x30];
	v34 =	vbroadcast v1, $0x8;
	v36 =	vmul.f32 v27, v30  }
0xc3: {  	v39 =	vld [tilespmem:s10+$0x40];
	v6 =	vmul.f32 v25, v30;
	v3 =	vadd.f32 v32, v3;
	v2 =	vadd.f32 v7, v2  }
0xc4: {  	v37 =	vld [tilespmem:s10+$0x50];
	v38 =	vbroadcast v1, $0x9;
	v40 =	vmul.f32 v31, v34  }
0xc5: {  	v43 =	vld [tilespmem:s10+$0x60];
	v8 =	vmul.f32 v29, v34;
	v3 =	vadd.f32 v36, v3;
	v2 =	vadd.f32 v6, v2  }
0xc6: {  	v41 =	vld [tilespmem:s10+$0x70];
	v42 =	vbroadcast v1, $0xA;
	v44 =	vmul.f32 v35, v38  }
0xc7: {  	v47 =	vld [tilespmem:s10+$0x80];
	v5 =	vmul.f32 v33, v38;
	v3 =	vadd.f32 v40, v3;
	v2 =	vadd.f32 v8, v2  }
0xc8: {  	v45 =	vld [tilespmem:s10+$0x90];
	v46 =	vbroadcast v1, $0xB;
	v48 =	vmul.f32 v39, v42  }
0xc9: {  	v51 =	vld [tilespmem:s10+$0xA0];
	v7 =	vmul.f32 v37, v42;
	v3 =	vadd.f32 v44, v3;
	v2 =	vadd.f32 v5, v2  }
0xca: {  	v49 =	vld [tilespmem:s10+$0xB0];
	v50 =	vbroadcast v1, $0xC;
	v52 =	vmul.f32 v43, v46  }
0xcb: {  	v55 =	vld [tilespmem:s10+$0xC0];
	v6 =	vmul.f32 v41, v46;
	v3 =	vadd.f32 v48, v3;
	v2 =	vadd.f32 v7, v2  }
0xcc: {  	v53 =	vld [tilespmem:s10+$0xD0];
	v54 =	vbroadcast v1, $0xD;
	v56 =	vmul.f32 v47, v50  }
0xcd: {  	v57 =	vld [tilespmem:s10+$0xF0];
	v8 =	vmul.f32 v45, v50;
	v3 =	vadd.f32 v52, v3;
	v2 =	vadd.f32 v6, v2  }
0xce: {  	v59 =	vld [tilespmem:s10+$0xE0];
	v58 =	vbroadcast v1, $0xE;
	v60 =	vmul.f32 v51, v54  }
0xcf: {  	v5 =	vmul.f32 v49, v54;
	v3 =	vadd.f32 v56, v3;
	v2 =	vadd.f32 v8, v2  }
0xd0: {  	v1 =	vbroadcast v1, $0xF;
	v61 =	vmul.f32 v55, v58  }
0xd1: {  	v7 =	vmul.f32 v53, v58;
	v3 =	vadd.f32 v60, v3;
	v2 =	vadd.f32 v5, v2  }
0xd2: {  	v62 =	vmul.f32 v57, v1  }
0xd3: {  	v1 =	vmul.f32 v59, v1;
	v3 =	vadd.f32 v61, v3;
	v63 =	vadd.f32 v7, v2  }
0xd4: {  	s12 =	simm.s32 $0x14B50  }
0xd5: {  	s11 =	sshll.u32 s1, $0x1;
	s16 =	simm.s32 $0x40;
	s17 =	simm.s32 $0x14B50;
	v2 =	vadd.f32 v1, v3;
	v1 =	vadd.f32 v62, v63  }
.LBB2_7:
0xd6: {  	_ = 	snop  }
0xd7: {  	p0 =	sne.s32 s16, $0x13C0;
	s17 =	sadd.s32 $0x20, s17;
	s10 =	sadd.s32 $0x200, s10;
	[tilespmem:s12+$0xFFFFFFF0] =	vst v2  }
0xd8: {  	s9 =	sshra.s32 s16, $0x2;
	s16 =	sadd.s32 $0x40, s16;
	[tilespmem:s12+$0x0] =	vst v1;
	s12 =	smov.u32 s17  }
0xd9: {  	v1 =	vld [tilespmem:s9+$0xA640]  }
0xda: {  	v2 =	vld [tilespmem:s10+$0xFFFFFF10]  }
0xdb: {  	v3 =	vld [tilespmem:s10+$0xFFFFFF00]  }
0xdc: {  	v4 =	vld [tilespmem:s10+$0xFFFFFF30]  }
0xdd: {  	v5 =	vld [tilespmem:s10+$0xFFFFFF20]  }
0xde: {  	v6 =	vbroadcast v1, $0x0;
	v7 =	vbroadcast v1, $0x1;
	v8 =	vld [tilespmem:s10+$0xFFFFFF50]  }
0xdf: {  	v10 =	vbroadcast v1, $0x2;
	v11 =	vbroadcast v1, $0x3;
	v9 =	vld [tilespmem:s10+$0xFFFFFF40]  }
0xe0: {  	v3 =	vmul.f32 v3, v6;
	v2 =	vmul.f32 v2, v6;
	v6 =	vld [tilespmem:s10+$0xFFFFFF70]  }
0xe1: {  	v13 =	vbroadcast v1, $0x4;
	v4 =	vmul.f32 v4, v7;
	v12 =	vld [tilespmem:s10+$0xFFFFFF60]  }
0xe2: {  	v3 =	vadd.f32 $0.0e+00, v3;
	v2 =	vadd.f32 $0.0e+00, v2;
	v5 =	vmul.f32 v5, v7;
	v7 =	vld [tilespmem:s10+$0xFFFFFF90]  }
0xe3: {  	v15 =	vbroadcast v1, $0x5;
	v8 =	vmul.f32 v8, v10;
	v14 =	vld [tilespmem:s10+$0xFFFFFF80]  }
0xe4: {  	v3 =	vadd.f32 v5, v3;
	v2 =	vadd.f32 v4, v2;
	v4 =	vmul.f32 v9, v10;
	v5 =	vld [tilespmem:s10+$0xFFFFFFB0]  }
0xe5: {  	v10 =	vbroadcast v1, $0x6;
	v6 =	vmul.f32 v6, v11;
	v9 =	vld [tilespmem:s10+$0xFFFFFFA0]  }
0xe6: {  	v3 =	vadd.f32 v4, v3;
	v2 =	vadd.f32 v8, v2;
	v4 =	vmul.f32 v12, v11;
	v8 =	vld [tilespmem:s10+$0xFFFFFFD0]  }
0xe7: {  	v12 =	vbroadcast v1, $0x7;
	v7 =	vmul.f32 v7, v13;
	v11 =	vld [tilespmem:s10+$0xFFFFFFC0]  }
0xe8: {  	v3 =	vadd.f32 v4, v3;
	v2 =	vadd.f32 v6, v2;
	v4 =	vmul.f32 v14, v13;
	v6 =	vld [tilespmem:s10+$0xFFFFFFF0]  }
0xe9: {  	v14 =	vbroadcast v1, $0x8;
	v5 =	vmul.f32 v5, v15;
	v13 =	vld [tilespmem:s10+$0xFFFFFFE0]  }
0xea: {  	v3 =	vadd.f32 v4, v3;
	v2 =	vadd.f32 v7, v2;
	v4 =	vmul.f32 v9, v15;
	v7 =	vld [tilespmem:s10+$0x10]  }
0xeb: {  	v15 =	vbroadcast v1, $0x9;
	v8 =	vmul.f32 v8, v10;
	v9 =	vld [tilespmem:s10+$0x0]  }
0xec: {  	v3 =	vadd.f32 v4, v3;
	v2 =	vadd.f32 v5, v2;
	v4 =	vmul.f32 v11, v10;
	v5 =	vld [tilespmem:s10+$0x30]  }
0xed: {  	v11 =	vbroadcast v1, $0xA;
	v6 =	vmul.f32 v6, v12;
	v10 =	vld [tilespmem:s10+$0x20]  }
0xee: {  	v3 =	vadd.f32 v4, v3;
	v2 =	vadd.f32 v8, v2;
	v4 =	vmul.f32 v13, v12;
	v8 =	vld [tilespmem:s10+$0x50]  }
0xef: {  	v13 =	vbroadcast v1, $0xB;
	v7 =	vmul.f32 v7, v14;
	v12 =	vld [tilespmem:s10+$0x40]  }
0xf0: {  	v3 =	vadd.f32 v4, v3;
	v2 =	vadd.f32 v6, v2;
	v4 =	vmul.f32 v9, v14;
	v6 =	vld [tilespmem:s10+$0x70]  }
0xf1: {  	v14 =	vbroadcast v1, $0xC;
	v5 =	vmul.f32 v5, v15;
	v9 =	vld [tilespmem:s10+$0x60]  }
0xf2: {  	v3 =	vadd.f32 v4, v3;
	v2 =	vadd.f32 v7, v2;
	v4 =	vmul.f32 v10, v15;
	v7 =	vld [tilespmem:s10+$0x90]  }
0xf3: {  	v15 =	vbroadcast v1, $0xD;
	v8 =	vmul.f32 v8, v11;
	v10 =	vld [tilespmem:s10+$0x80]  }
0xf4: {  	v3 =	vadd.f32 v4, v3;
	v2 =	vadd.f32 v5, v2;
	v4 =	vmul.f32 v12, v11;
	v5 =	vld [tilespmem:s10+$0xB0]  }
0xf5: {  	v12 =	vbroadcast v1, $0xE;
	v6 =	vmul.f32 v6, v13;
	v11 =	vld [tilespmem:s10+$0xA0]  }
0xf6: {  	v3 =	vadd.f32 v4, v3;
	v2 =	vadd.f32 v8, v2;
	v4 =	vmul.f32 v9, v13;
	v8 =	vld [tilespmem:s10+$0xD0]  }
0xf7: {  	v1 =	vbroadcast v1, $0xF;
	v7 =	vmul.f32 v7, v14;
	v9 =	vld [tilespmem:s10+$0xC0]  }
0xf8: {  	v3 =	vadd.f32 v4, v3;
	v2 =	vadd.f32 v6, v2;
	v4 =	vmul.f32 v10, v14;
	v6 =	vld [tilespmem:s10+$0xF0]  }
0xf9: {  	v5 =	vmul.f32 v5, v15;
	v10 =	vld [tilespmem:s10+$0xE0]  }
0xfa: {  	v3 =	vadd.f32 v4, v3;
	v2 =	vadd.f32 v7, v2;
	v4 =	vmul.f32 v11, v15  }
0xfb: {  	v7 =	vmul.f32 v8, v12  }
.Ltmp2:
0xfc: {  	v3 =	vadd.f32 v4, v3;
	v2 =	vadd.f32 v5, v2;
	v4 =	vmul.f32 v9, v12;
	(pc) =	sbr.rel @p0 .LBB2_7-.Ltmp2, $3  }
0xfd: {  	v5 =	vmul.f32 v6, v1  }
0xfe: {  	v3 =	vadd.f32 v4, v3;
	v4 =	vadd.f32 v7, v2;
	v1 =	vmul.f32 v10, v1;
	_ =	sdelay $0x1  }
0xff: {  	v2 =	vadd.f32 v1, v3;
	v1 =	vadd.f32 v5, v4  }
0x100: {  	_ = 	snop  }
0x101: {  	s9 =	sadd.s32 $0x3, s11;
	[tilespmem:s12+$0xFFFFFFF0] =	vst v2  }
0x102: {  	[tilespmem:s12+$0x0] =	vst v1;
	s10 =	smul.u32 $0x50, s9;
	p0 =	seq.s32 s9, $0x7D  }
0x103: {  	[spmem:s2] =	stream.indirect.scatter.add.f32 [tilespmem:s31], [sflag:$0x4], $0x20, s26, s21, $0xb8;
	[tilespmem:$0x1F540] =	vst v63  }
0x104: {  	s10 =	simm.s32 @p0 $0x0  }
0x105: {  	_ =	swait.ge [sflag:s20], $0xA00;
	s16 =	sadd.s32 s7, s10  }
0x106: {  	s1 =	sadd.s32 $0x1, s1;
	[sflag:s20] =	ssyncset.done $0x0;
	s10 =	sshrl.u32 s16, $0x3  }
0x107: {  	p0 =	sne.s32 s1, $0x3E;
	[sflag:s20] =	ssyncadd.s32 $0xFFFFF600;
	s17 =	sadd.s32 s6, s10  }
0x108: {  	[tilespmem:s25], [sflag:$0x3] =	stream.linear.gather [hbm4b:s17+s3], $0x50, $0x38;
	[tilespmem:$0x1F540] =	vst v63  }
.Ltmp3:
0x109: {  	s9 =	sshll.u32 s16, $0x1;
	(pc) =	sbr.rel @p0 .LBB2_4-.Ltmp3, $4  }
0x10a: {  	s10 =	sadd.s32 s8, s10;
	s9 =	sand.u32 $0x1FFFFFE0, s9  }
0x10b: {  	[tilespmem:s26], [sflag:$0x3] =	stream.linear.gather [hbm4b:s10+s3], $0x50, $0x38;
	[tilespmem:$0x1F540] =	vst v63  }
0x10c: {  	s9 =	sadd.s32 s5, s9  }
0x10d: {  	[tilespmem:s28], [sflag:$0x3] =	stream.linear.gather [hbm4b:s9+s3], $0x500, $0x38;
	[tilespmem:$0x1F540] =	vst v63  }
0x10e: {  	_ =	swait.ge [sflag:s23], $0x50  }
0x10f: {  	[sflag:s23] =	ssyncset.done $0x0  }
0x110: {  	[sflag:s23] =	ssyncadd.s32 $0xFFFFFFB0  }
0x111: {  	_ =	swait.ge [sflag:s23], $0x50  }
0x112: {  	[sflag:s23] =	ssyncset.done $0x0  }
0x113: {  	[sflag:s23] =	ssyncadd.s32 $0xFFFFFFB0  }
0x114: {  	_ =	swait.ge [sflag:s23], $0x500  }
0x115: {  	[sflag:s23] =	ssyncset.done $0x0  }
0x116: {  	[sflag:s23] =	ssyncadd.s32 $0xFFFFFB00  }
0x117: {  	_ =	swait.ge [sflag:s29], $0xA000  }
0x118: {  	[sflag:s29] =	ssyncset.done $0x0  }
0x119: {  	s9 =	simm.s32 $0x0;
	[sflag:s29] =	ssyncadd.s32 $0xFFFF6000  }
0x11a: {  	[tilespmem:s30], [sflag:$0x2] =	stream.indirect.gather [hbm4b:s4+s21], $0x200, s25, s21, $0xb8;
	[tilespmem:$0x1F540] =	vst v63  }
0x11b: {  	s1 =	simm.s32 $0x6A0;
	v1 =	vld [tilespmem:s9+$0xA0]  }
0x11c: {  	v2 =	vld [tilespmem:s1+$0xFFFFFF10]  }
0x11d: {  	v3 =	vld [tilespmem:s1+$0xFFFFFF00]  }
0x11e: {  	v4 =	vld [tilespmem:s1+$0xFFFFFF30]  }
0x11f: {  	v5 =	vld [tilespmem:s1+$0xFFFFFF20]  }
0x120: {  	v7 =	vld [tilespmem:s1+$0xFFFFFF50];
	v6 =	vbroadcast v1, $0x0  }
0x121: {  	v9 =	vld [tilespmem:s1+$0xFFFFFF40];
	v8 =	vbroadcast v1, $0x1  }
0x122: {  	v62 =	vld [tilespmem:s1+$0xFFFFFF70];
	v3 =	vmul.f32 v3, v6;
	v2 =	vmul.f32 v2, v6  }
0x123: {  	v11 =	vld [tilespmem:s1+$0xFFFFFF60];
	v10 =	vbroadcast v1, $0x2;
	v4 =	vmul.f32 v4, v8  }
0x124: {  	v63 =	vld [tilespmem:s1+$0xFFFFFF90];
	v5 =	vmul.f32 v5, v8;
	v3 =	vadd.f32 $0.0e+00, v3;
	v2 =	vadd.f32 $0.0e+00, v2  }
0x125: {  	v13 =	vld [tilespmem:s1+$0xFFFFFF80];
	v12 =	vbroadcast v1, $0x3;
	v7 =	vmul.f32 v7, v10  }
0x126: {  	v19 =	vld [tilespmem:s1+$0xFFFFFFA0];
	v16 =	vmul.f32 v9, v10;
	v3 =	vadd.f32 v5, v3;
	v2 =	vadd.f32 v4, v2  }
0x127: {  	v17 =	vld [tilespmem:s1+$0xFFFFFFB0];
	v18 =	vbroadcast v1, $0x4;
	v6 =	vmul.f32 v62, v12  }
0x128: {  	v23 =	vld [tilespmem:s1+$0xFFFFFFC0];
	v20 =	vmul.f32 v11, v12;
	v3 =	vadd.f32 v16, v3;
	v2 =	vadd.f32 v7, v2  }
0x129: {  	v21 =	vld [tilespmem:s1+$0xFFFFFFD0];
	v22 =	vbroadcast v1, $0x5;
	v8 =	vmul.f32 v63, v18  }
0x12a: {  	v27 =	vld [tilespmem:s1+$0xFFFFFFE0];
	v24 =	vmul.f32 v13, v18;
	v3 =	vadd.f32 v20, v3;
	v2 =	vadd.f32 v6, v2  }
0x12b: {  	v25 =	vld [tilespmem:s1+$0xFFFFFFF0];
	v26 =	vbroadcast v1, $0x6;
	v28 =	vmul.f32 v19, v22  }
0x12c: {  	v31 =	vld [tilespmem:s1+$0x0];
	v5 =	vmul.f32 v17, v22;
	v3 =	vadd.f32 v24, v3;
	v2 =	vadd.f32 v8, v2  }
0x12d: {  	v29 =	vld [tilespmem:s1+$0x10];
	v30 =	vbroadcast v1, $0x7;
	v32 =	vmul.f32 v23, v26  }
0x12e: {  	v35 =	vld [tilespmem:s1+$0x20];
	v7 =	vmul.f32 v21, v26;
	v3 =	vadd.f32 v28, v3;
	v2 =	vadd.f32 v5, v2  }
0x12f: {  	v33 =	vld [tilespmem:s1+$0x30];
	v34 =	vbroadcast v1, $0x8;
	v36 =	vmul.f32 v27, v30  }
0x130: {  	v39 =	vld [tilespmem:s1+$0x40];
	v6 =	vmul.f32 v25, v30;
	v3 =	vadd.f32 v32, v3;
	v2 =	vadd.f32 v7, v2  }
0x131: {  	v37 =	vld [tilespmem:s1+$0x50];
	v38 =	vbroadcast v1, $0x9;
	v40 =	vmul.f32 v31, v34  }
0x132: {  	v43 =	vld [tilespmem:s1+$0x60];
	v8 =	vmul.f32 v29, v34;
	v3 =	vadd.f32 v36, v3;
	v2 =	vadd.f32 v6, v2  }
0x133: {  	v41 =	vld [tilespmem:s1+$0x70];
	v42 =	vbroadcast v1, $0xA;
	v44 =	vmul.f32 v35, v38  }
0x134: {  	v47 =	vld [tilespmem:s1+$0x80];
	v5 =	vmul.f32 v33, v38;
	v3 =	vadd.f32 v40, v3;
	v2 =	vadd.f32 v8, v2  }
0x135: {  	v45 =	vld [tilespmem:s1+$0x90];
	v46 =	vbroadcast v1, $0xB;
	v48 =	vmul.f32 v39, v42  }
0x136: {  	v51 =	vld [tilespmem:s1+$0xA0];
	v7 =	vmul.f32 v37, v42;
	v3 =	vadd.f32 v44, v3;
	v2 =	vadd.f32 v5, v2  }
0x137: {  	v49 =	vld [tilespmem:s1+$0xB0];
	v50 =	vbroadcast v1, $0xC;
	v52 =	vmul.f32 v43, v46  }
0x138: {  	v55 =	vld [tilespmem:s1+$0xC0];
	v6 =	vmul.f32 v41, v46;
	v3 =	vadd.f32 v48, v3;
	v2 =	vadd.f32 v7, v2  }
0x139: {  	v53 =	vld [tilespmem:s1+$0xD0];
	v54 =	vbroadcast v1, $0xD;
	v56 =	vmul.f32 v47, v50  }
0x13a: {  	v57 =	vld [tilespmem:s1+$0xF0];
	v8 =	vmul.f32 v45, v50;
	v3 =	vadd.f32 v52, v3;
	v2 =	vadd.f32 v6, v2  }
0x13b: {  	v59 =	vld [tilespmem:s1+$0xE0];
	v58 =	vbroadcast v1, $0xE;
	v60 =	vmul.f32 v51, v54  }
0x13c: {  	v5 =	vmul.f32 v49, v54;
	v3 =	vadd.f32 v56, v3;
	v2 =	vadd.f32 v8, v2  }
0x13d: {  	v1 =	vbroadcast v1, $0xF;
	v61 =	vmul.f32 v55, v58  }
0x13e: {  	v7 =	vmul.f32 v53, v58;
	v3 =	vadd.f32 v60, v3;
	v2 =	vadd.f32 v5, v2  }
0x13f: {  	v62 =	vmul.f32 v57, v1  }
0x140: {  	v1 =	vmul.f32 v59, v1;
	v3 =	vadd.f32 v61, v3;
	v63 =	vadd.f32 v7, v2;
	_ =	sdelay $0x1  }
0x141: {  	s10 =	simm.s32 $0x14B50;
	s11 =	simm.s32 $0x40;
	s12 =	simm.s32 $0x14B50;
	v2 =	vadd.f32 v1, v3;
	v1 =	vadd.f32 v62, v63  }
.LBB2_10:
0x142: {  	_ = 	snop  }
0x143: {  	p0 =	sne.s32 s11, $0x13C0;
	s12 =	sadd.s32 $0x20, s12;
	s1 =	sadd.s32 $0x200, s1;
	[tilespmem:s10+$0xFFFFFFF0] =	vst v2  }
0x144: {  	s9 =	sshra.s32 s11, $0x2;
	s11 =	sadd.s32 $0x40, s11;
	[tilespmem:s10+$0x0] =	vst v1;
	s10 =	smov.u32 s12  }
0x145: {  	v1 =	vld [tilespmem:s9+$0xA0]  }
0x146: {  	v2 =	vld [tilespmem:s1+$0xFFFFFF10]  }
0x147: {  	v3 =	vld [tilespmem:s1+$0xFFFFFF00]  }
0x148: {  	v4 =	vld [tilespmem:s1+$0xFFFFFF30]  }
0x149: {  	v5 =	vld [tilespmem:s1+$0xFFFFFF20]  }
0x14a: {  	v6 =	vbroadcast v1, $0x0;
	v7 =	vbroadcast v1, $0x1;
	v8 =	vld [tilespmem:s1+$0xFFFFFF50]  }
0x14b: {  	v10 =	vbroadcast v1, $0x2;
	v11 =	vbroadcast v1, $0x3;
	v9 =	vld [tilespmem:s1+$0xFFFFFF40]  }
0x14c: {  	v3 =	vmul.f32 v3, v6;
	v2 =	vmul.f32 v2, v6;
	v6 =	vld [tilespmem:s1+$0xFFFFFF70]  }
0x14d: {  	v13 =	vbroadcast v1, $0x4;
	v4 =	vmul.f32 v4, v7;
	v12 =	vld [tilespmem:s1+$0xFFFFFF60]  }
0x14e: {  	v3 =	vadd.f32 $0.0e+00, v3;
	v2 =	vadd.f32 $0.0e+00, v2;
	v5 =	vmul.f32 v5, v7;
	v7 =	vld [tilespmem:s1+$0xFFFFFF90]  }
0x14f: {  	v15 =	vbroadcast v1, $0x5;
	v8 =	vmul.f32 v8, v10;
	v14 =	vld [tilespmem:s1+$0xFFFFFF80]  }
0x150: {  	v3 =	vadd.f32 v5, v3;
	v2 =	vadd.f32 v4, v2;
	v4 =	vmul.f32 v9, v10;
	v5 =	vld [tilespmem:s1+$0xFFFFFFB0]  }
0x151: {  	v10 =	vbroadcast v1, $0x6;
	v6 =	vmul.f32 v6, v11;
	v9 =	vld [tilespmem:s1+$0xFFFFFFA0]  }
0x152: {  	v3 =	vadd.f32 v4, v3;
	v2 =	vadd.f32 v8, v2;
	v4 =	vmul.f32 v12, v11;
	v8 =	vld [tilespmem:s1+$0xFFFFFFD0]  }
0x153: {  	v12 =	vbroadcast v1, $0x7;
	v7 =	vmul.f32 v7, v13;
	v11 =	vld [tilespmem:s1+$0xFFFFFFC0]  }
0x154: {  	v3 =	vadd.f32 v4, v3;
	v2 =	vadd.f32 v6, v2;
	v4 =	vmul.f32 v14, v13;
	v6 =	vld [tilespmem:s1+$0xFFFFFFF0]  }
0x155: {  	v14 =	vbroadcast v1, $0x8;
	v5 =	vmul.f32 v5, v15;
	v13 =	vld [tilespmem:s1+$0xFFFFFFE0]  }
0x156: {  	v3 =	vadd.f32 v4, v3;
	v2 =	vadd.f32 v7, v2;
	v4 =	vmul.f32 v9, v15;
	v7 =	vld [tilespmem:s1+$0x10]  }
0x157: {  	v15 =	vbroadcast v1, $0x9;
	v8 =	vmul.f32 v8, v10;
	v9 =	vld [tilespmem:s1+$0x0]  }
0x158: {  	v3 =	vadd.f32 v4, v3;
	v2 =	vadd.f32 v5, v2;
	v4 =	vmul.f32 v11, v10;
	v5 =	vld [tilespmem:s1+$0x30]  }
0x159: {  	v11 =	vbroadcast v1, $0xA;
	v6 =	vmul.f32 v6, v12;
	v10 =	vld [tilespmem:s1+$0x20]  }
0x15a: {  	v3 =	vadd.f32 v4, v3;
	v2 =	vadd.f32 v8, v2;
	v4 =	vmul.f32 v13, v12;
	v8 =	vld [tilespmem:s1+$0x50]  }
0x15b: {  	v13 =	vbroadcast v1, $0xB;
	v7 =	vmul.f32 v7, v14;
	v12 =	vld [tilespmem:s1+$0x40]  }
0x15c: {  	v3 =	vadd.f32 v4, v3;
	v2 =	vadd.f32 v6, v2;
	v4 =	vmul.f32 v9, v14;
	v6 =	vld [tilespmem:s1+$0x70]  }
0x15d: {  	v14 =	vbroadcast v1, $0xC;
	v5 =	vmul.f32 v5, v15;
	v9 =	vld [tilespmem:s1+$0x60]  }
0x15e: {  	v3 =	vadd.f32 v4, v3;
	v2 =	vadd.f32 v7, v2;
	v4 =	vmul.f32 v10, v15;
	v7 =	vld [tilespmem:s1+$0x90]  }
0x15f: {  	v15 =	vbroadcast v1, $0xD;
	v8 =	vmul.f32 v8, v11;
	v10 =	vld [tilespmem:s1+$0x80]  }
0x160: {  	v3 =	vadd.f32 v4, v3;
	v2 =	vadd.f32 v5, v2;
	v4 =	vmul.f32 v12, v11;
	v5 =	vld [tilespmem:s1+$0xB0]  }
0x161: {  	v12 =	vbroadcast v1, $0xE;
	v6 =	vmul.f32 v6, v13;
	v11 =	vld [tilespmem:s1+$0xA0]  }
0x162: {  	v3 =	vadd.f32 v4, v3;
	v2 =	vadd.f32 v8, v2;
	v4 =	vmul.f32 v9, v13;
	v8 =	vld [tilespmem:s1+$0xD0]  }
0x163: {  	v1 =	vbroadcast v1, $0xF;
	v7 =	vmul.f32 v7, v14;
	v9 =	vld [tilespmem:s1+$0xC0]  }
0x164: {  	v3 =	vadd.f32 v4, v3;
	v2 =	vadd.f32 v6, v2;
	v4 =	vmul.f32 v10, v14;
	v6 =	vld [tilespmem:s1+$0xF0]  }
0x165: {  	v5 =	vmul.f32 v5, v15;
	v10 =	vld [tilespmem:s1+$0xE0]  }
0x166: {  	v3 =	vadd.f32 v4, v3;
	v2 =	vadd.f32 v7, v2;
	v4 =	vmul.f32 v11, v15  }
0x167: {  	v7 =	vmul.f32 v8, v12  }
.Ltmp4:
0x168: {  	v3 =	vadd.f32 v4, v3;
	v2 =	vadd.f32 v5, v2;
	v4 =	vmul.f32 v9, v12;
	(pc) =	sbr.rel @p0 .LBB2_10-.Ltmp4, $3  }
0x169: {  	v5 =	vmul.f32 v6, v1  }
0x16a: {  	v3 =	vadd.f32 v4, v3;
	v4 =	vadd.f32 v7, v2;
	v1 =	vmul.f32 v10, v1;
	_ =	sdelay $0x1  }
0x16b: {  	v2 =	vadd.f32 v1, v3;
	v1 =	vadd.f32 v5, v4  }
0x16c: {  	_ = 	snop  }
0x16d: {  	[tilespmem:s10+$0xFFFFFFF0] =	vst v2  }
0x16e: {  	[tilespmem:s10+$0x0] =	vst v1  }
0x16f: {  	[spmem:s2] =	stream.indirect.scatter.add.f32 [tilespmem:s31], [sflag:$0x4], $0x20, s21, s21, $0xb8;
	[tilespmem:$0x1F540] =	vst v63  }
0x170: {  	_ =	swait.ge [sflag:s20], $0xA00  }
0x171: {  	[sflag:s20] =	ssyncset.done $0x0  }
0x172: {  	[sflag:s20] =	ssyncadd.s32 $0xFFFFF600  }
0x173: {  	[tilespmem:s3], [sflag:$0x3] =	stream.linear.gather [hbm4b:s14+s3], $0x50, $0x38;
	[tilespmem:$0x1F540] =	vst v63  }
0x174: {  	s1 =	rddreg [dreg:$0x6]  }
0x175: {  	[tilespmem:s21], [sflag:$0x3] =	stream.linear.gather [hbm4b:s1+s3], $0x50, $0x38;
	[tilespmem:$0x1F540] =	vst v63  }
0x176: {  	_ = 	snop  }
0x177: {  	[tilespmem:s22], [sflag:$0x3] =	stream.linear.gather [hbm4b:s15+s3], $0x500, $0x38;
	[tilespmem:$0x1F540] =	vst v63  }
0x178: {  	_ =	swait.ge [sflag:s0], $0xA000  }
0x179: {  	[sflag:s0] =	ssyncset.done $0x0  }
0x17a: {  	[sflag:s0] =	ssyncadd.s32 $0xFFFF6000  }
0x17b: {  	_ =	swait.ge [sflag:s23], $0x50  }
0x17c: {  	[sflag:s23] =	ssyncset.done $0x0  }
0x17d: {  	[sflag:s23] =	ssyncadd.s32 $0xFFFFFFB0  }
0x17e: {  	_ =	swait.ge [sflag:s23], $0x50  }
0x17f: {  	[sflag:s23] =	ssyncset.done $0x0  }
0x180: {  	[sflag:s23] =	ssyncadd.s32 $0xFFFFFFB0  }
0x181: {  	_ =	swait.ge [sflag:s23], $0x500  }
0x182: {  	[sflag:s23] =	ssyncset.done $0x0  }
0x183: {  	s12 =	stileid.u32;
	[sflag:s23] =	ssyncadd.s32 $0xFFFFFB00  }
0x184: {  	s16 =	smov.u32 s13;
	s1 =	sshll.u32 s12, $0x6;
	[bflag:$0x0] =	sbarrier.arrive $0xFFFF  }
0x185: {  	s9 =	sshrl.u32 s13, $0x3;
	s1 =	sor.u32 $0x1C04, s1;
	s13 =	rddreg [dreg:$0x7]  }
0x186: {  	[hbm:s13], [sflag:s1] =	dma.local [spmem:s9], $0xA00  }
0x187: {  	_ =	swait.ge [sflag:s20], $0xA00  }
0x188: {  	s17 =	smov.u32 s14;
	s19 =	sadd.s32 $0x1, s19;
	s14 =	rddreg [dreg:$0x8]  }
0x189: {  	p0 =	sne.s32 s19, s14  }
.Ltmp5:
0x18a: {  	_ = 	snop;
	(pc) =	sbr.rel @p0 .LBB2_1-.Ltmp5, $3  }
0x18b: {  	_ =	sdelay $0x1  }
0x18c: {  	[sflag:s20] =	ssyncset.done $0x0  }
0x18d: {  	[sflag:s20] =	ssyncadd.s32 $0xFFFFF600  }
0x18e: {  	_ =	sfence.sel $0x180000  }
0x18f: {  	[bflag:$0x0] =	sbarrier.arrive $0xFFFF  }
0x190: {  	_ =	strace $0x90000047  }
0x191: {  	s0 =	stileid.u32;
	[bflag:$0x2] =	sbarrier.arrive $0xFFFF  }
0x192: {  	p0 =	sne.s32 s0, $0x0;
	s0 =	rddreg [dreg:$0x2]  }
0x193: {  	s0 =	sadd.s32 @!p0 $0x100000, s0  }
0x194: {  	[sflag:s0] =	ssyncadd.tile.s32 @!p0 $0x1;
	_ =	shalt  }
.Lfunc_end2:
_tile_overlayer_lowered:
.L_overlay_start_2:
0x195: {  	(tag) =	ssettag $0x2  }
0x196: {  	s0 =	rddreg [dreg:$0x0];
	s2 =	stileid.u32  }
0x197: {  	s1 =	rddreg [dreg:$0x1];
	p0 =	sne.s32 s2, $0x0  }
0x198: {  	s3 =	rddreg [dreg:$0x2];
	[bflag:$0x3] =	sbarrier.arrive $0xFFFF;
	s2 =	simm.s32 @!p0 $0x1C04  }
0x199: {  	[timem:s3], [sflag:s2] =	dma.local @!p0 [hbm:s0], s1  }
0x19a: {  	s0 =	simm.s32 @!p0 $0x4  }
0x19b: {  	_ =	swait.ge @!p0 [sflag:s0], s1  }
0x19c: {  	s1 =	ssub.s32 @!p0 $0x0, s1;
	[sflag:s0] =	ssyncset.done @!p0 $0x0  }
0x19d: {  	[sflag:s0] =	ssyncadd.s32 @!p0 s1  }
0x19e: {  	[bflag:$0x3] =	sbarrier.arrive $0xFFFF  }
0x19f: {  	_ =	shalt  }

// kernel: kernel.13.cloned.1.call-start
scs
__scs_entry_jumppad:
0x0: {  	(pc) =	sbr.rel $0x88, $3  }
0x1: {  	(tag) =	ssettag $0x0;
	lr =	simm.s32 $0x1  }
0x2: {  	[smem:$0x3F7D] =	sst lr;
	_ =	strace $0xD0000000  }
0x3: {  	_ = 	snop  }
0x4: {  	_ = 	snop  }
0x5: {  	_ = 	snop  }
0x6: {  	_ = 	snop  }
0x7: {  	_ = 	snop  }
__scs_overlays_trampoline_lowered:
0x8: {  	[smem:$0x3F8C] =	sst s0  }
0x9: {  	[smem:$0x3F8D] =	sst s1  }
0xa: {  	[smem:$0x3F8E] =	sst s2  }
0xb: {  	[smem:$0x3F8F] =	sst s3  }
0xc: {  	[smem:$0x3F90] =	sst s4  }
0xd: {  	[smem:$0x3F91] =	sst s5  }
0xe: {  	[smem:$0x3F92] =	sst s6  }
0xf: {  	[smem:$0x3F93] =	sst s7  }
0x10: {  	[smem:$0x3F94] =	sst s8  }
0x11: {  	[smem:$0x3F95] =	sst s9;
	s0 =	simm.s32 @!p0 $0x0  }
0x12: {  	s1 =	sld [smem:$0x3F7B];
	s0 =	simm.s32 @p0 $0x1  }
0x13: {  	[smem:$0x3F96] =	sst s0;
	s0 =	simm.s32 @!p1 $0x0  }
0x14: {  	s2 =	sld [smem:$0x3F7A];
	s0 =	simm.s32 @p1 $0x1  }
0x15: {  	[smem:$0x3F97] =	sst s0;
	s0 =	simm.s32 @!p2 $0x0  }
0x16: {  	s3 =	sld [smem:$0x3FDB];
	s0 =	simm.s32 @p2 $0x1  }
0x17: {  	s4 =	simm.s32 $0x1BF5;
	[smem:$0x3F99] =	sst s0  }
0x18: {  	s0 =	sld [smem:$0x3F7C];
	_ =	swait.ge [sflag:s4], $0x0  }
0x19: {  	s7 =	sld [smem:$0x3F7D]  }
0x1a: {  	s8 =	sadd.s32 $0xFFFFE003, lr  }
0x1b: {  	s9 =	sadd.s32 $0xFFFFFEF7, lr;
	s5 =	simm.s32 $0xFFFFFFFF;
	p2 =	slt.u32 s8, $0xFFFFF086  }
0x1c: {  	p1 =	slt.u32 s9, $0xF7A;
	s5 =	simm.s32 @!p2 $0x0  }
0x1d: {  	s5 =	simm.s32 @p1 $0x1;
	p0 =	seq.s32 s7, s2  }
0x1e: {  	s7 =	smul.u32 @!p0 $0xF7A, s2;
	p2 =	seq.s32 @!p0 s5, $0x0  }
0x1f: {  	s9 =	smul.u32 $0xF7A, s1;
	s8 =	simm.s32 @!p0 $0x1BF5;
	p2 =	por !p2, p0  }
0x20: {  	[sflag:s8] =	ssyncset.s32 @!p0 $0xFFFFF086;
	s6 =	sadd.s32 @!p0 s3, s7;
	s7 =	simm.s32 @!p0 $0x108  }
0x21: {  	s3 =	sadd.s32 s3, s9;
	s6 =	sadd.s32 @!p0 $0x88, s6;
	s7 =	simm.s32 @p2 $0x1082  }
0x22: {  	[simem:s7], [sflag:s8] =	dma.local @!p0 [hbm:s6], $0xF7A  }
0x23: {  	s9 =	sor.u32 $0xD0000000, s2;
	s6 =	simm.s32 $0x108;
	_ =	swait.ge @!p0 [sflag:s8], $0x0  }
0x24: {  	s3 =	sadd.s32 $0x88, s3;
	s6 =	simm.s32 @!p1 $0x1082;
	[sflag:s4] =	ssyncset.s32 $0xFFFFF086  }
0x25: {  	[simem:s6], [sflag:s4] =	dma.local [hbm:s3], $0xF7A  }
0x26: {  	[smem:$0x3F7D] =	sst s1;
	(tag) =	ssettag s2;
	_ =	strace s9  }
0x27: {  	s1 =	sld [smem:$0x3F8D]  }
0x28: {  	s2 =	sld [smem:$0x3F8E]  }
0x29: {  	s4 =	sld [smem:$0x3F90]  }
0x2a: {  	p0 =	seq.s32 s5, $0x0;
	s5 =	sld [smem:$0x3F91]  }
0x2b: {  	s6 =	sld [smem:$0x3F92]  }
0x2c: {  	s7 =	sld [smem:$0x3F93]  }
0x2d: {  	s3 =	simm.s32 $0x108;
	s8 =	sld [smem:$0x3F94]  }
0x2e: {  	s3 =	simm.s32 @!p0 $0x1082;
	s9 =	sld [smem:$0x3F95]  }
0x2f: {  	lr =	sadd.s32 s0, s3;
	s0 =	sld [smem:$0x3F8C]  }
0x30: {  	s3 =	sld [smem:$0x3F8F]  }
0x31: {  	[smem:$0x3F98] =	sst s10  }
0x32: {  	s10 =	sld [smem:$0x3F96];
	_ =	sdelay $0x3  }
0x33: {  	p0 =	seq.s32 s10, $0x1;
	s10 =	sld [smem:$0x3F98];
	_ =	sdelay $0x3  }
0x34: {  	[smem:$0x3F98] =	sst s10  }
0x35: {  	s10 =	sld [smem:$0x3F97];
	_ =	sdelay $0x3  }
0x36: {  	p1 =	seq.s32 s10, $0x1;
	s10 =	sld [smem:$0x3F98];
	_ =	sdelay $0x3  }
0x37: {  	[smem:$0x3F98] =	sst s10  }
0x38: {  	s10 =	sld [smem:$0x3F99]  }
0x39: {  	_ = 	snop;
	(pc) =	sbr.ind lr, $3  }
0x3a: {  	_ = 	snop  }
0x3b: {  	_ = 	snop  }
0x3c: {  	p2 =	seq.s32 s10, $0x1;
	s10 =	sld [smem:$0x3F98]  }
0x3d: {  	_ =	shalt  }
0x3e: {  	_ =	shalt  }
0x3f: {  	_ =	shalt  }
0x40: {  	_ =	shalt  }
0x41: {  	_ =	shalt  }
0x42: {  	_ =	shalt  }
0x43: {  	_ =	shalt  }
0x44: {  	_ =	shalt  }
0x45: {  	_ =	shalt  }
0x46: {  	_ =	shalt  }
0x47: {  	_ =	shalt  }
0x48: {  	_ =	shalt  }
0x49: {  	_ =	shalt  }
0x4a: {  	_ =	shalt  }
0x4b: {  	_ =	shalt  }
0x4c: {  	_ =	shalt  }
0x4d: {  	_ =	shalt  }
0x4e: {  	_ =	shalt  }
0x4f: {  	_ =	shalt  }
0x50: {  	_ =	shalt  }
0x51: {  	_ =	shalt  }
0x52: {  	_ =	shalt  }
0x53: {  	_ =	shalt  }
0x54: {  	_ =	shalt  }
0x55: {  	_ =	shalt  }
0x56: {  	_ =	shalt  }
0x57: {  	_ =	shalt  }
0x58: {  	_ =	shalt  }
0x59: {  	_ =	shalt  }
0x5a: {  	_ =	shalt  }
0x5b: {  	_ =	shalt  }
0x5c: {  	_ =	shalt  }
0x5d: {  	_ =	shalt  }
0x5e: {  	_ =	shalt  }
0x5f: {  	_ =	shalt  }
0x60: {  	_ =	shalt  }
0x61: {  	_ =	shalt  }
0x62: {  	_ =	shalt  }
0x63: {  	_ =	shalt  }
0x64: {  	_ =	shalt  }
0x65: {  	_ =	shalt  }
0x66: {  	_ =	shalt  }
0x67: {  	_ =	shalt  }
0x68: {  	_ =	shalt  }
0x69: {  	_ =	shalt  }
0x6a: {  	_ =	shalt  }
0x6b: {  	_ =	shalt  }
0x6c: {  	_ =	shalt  }
0x6d: {  	_ =	shalt  }
0x6e: {  	_ =	shalt  }
0x6f: {  	_ =	shalt  }
0x70: {  	_ =	shalt  }
0x71: {  	_ =	shalt  }
0x72: {  	_ =	shalt  }
0x73: {  	_ =	shalt  }
0x74: {  	_ =	shalt  }
0x75: {  	_ =	shalt  }
0x76: {  	_ =	shalt  }
0x77: {  	_ =	shalt  }
0x78: {  	_ =	shalt  }
0x79: {  	_ =	shalt  }
0x7a: {  	_ =	shalt  }
0x7b: {  	_ =	shalt  }
0x7c: {  	_ =	shalt  }
0x7d: {  	_ =	shalt  }
0x7e: {  	_ =	shalt  }
0x7f: {  	_ =	shalt  }
0x80: {  	_ =	shalt  }
0x81: {  	_ =	shalt  }
0x82: {  	_ =	shalt  }
0x83: {  	_ =	shalt  }
0x84: {  	_ =	shalt  }
0x85: {  	_ =	shalt  }
0x86: {  	_ =	shalt  }
0x87: {  	_ =	shalt  }
.Lfunc_end0:
.L_simem_size_0:
called_computation.1_lowered:
.L_overlay_start_0:
0x88: {  	s2 =	sld [smem:$0x3FD9]  }
0x89: {  	s3 =	sld [smem:$0x3FFE];
	_ =	sdelay $0x1  }
0x8a: {  	s1 =	srdreg.scid  }
0x8b: {  	s0 =	sand.u32 $0x1, s1  }
0x8c: {  	s16 =	sshll.u32 s0, $0xA;
	s2 =	sadd.s32 s3, s2  }
0x8d: {  	s2 =	sadd.s32 s2, s16  }
0x8e: {  	[smem:$0x3FA4] =	sst s2  }
0x8f: {  	_ = 	snop  }
0x90: {  	(tm) =	ssettm $0x1  }
0x91: {  	s17 =	sld [smem:$0x3FFB];
	_ =	sdelay $0x3  }
0x92: {  	_ =	strace s17  }
0x93: {  	s2 =	sld [smem:$0x3FFC];
	_ =	sdelay $0x3  }
0x94: {  	_ =	strace s2  }
0x95: {  	s2 =	sld [smem:$0x3FFD];
	_ =	sdelay $0x3  }
0x96: {  	_ =	strace s2  }
0x97: {  	_ =	strace $0x8FFFFFFF  }
0x98: {  	s18 =	sld [smem:$0x3FDB];
	_ =	sdelay $0x1  }
0x99: {  	s19 =	simm.s32 $_scs_section_size  }
0x9a: {  	s4 =	simm.s32 $_size__tile_overlayer_lowered;
	s5 =	simm.s32 $_tile_overlayer_lowered  }
0x9b: {  	s22 =	simm.s32 $0x1BFF;
	s21 =	sshll.u32 s5, $0x1;
	s2 =	sadd.s32 s19, s18  }
0x9c: {  	s6 =	simm.s32 $0x0;
	s20 =	sshll.u32 s4, $0x1;
	s4 =	sadd.s32 s21, s2  }
0x9d: {  	[timem:s6], [sflag:s22] =	dma.local [hbm:s4], s20  }
0x9e: {  	_ =	swait.ge [sflag:s22], s20  }
0x9f: {  	s3 =	ssub.s32 $0x0, s20;
	[sflag:s22] =	ssyncset.done $0x0  }
0xa0: {  	[sflag:s22] =	ssyncadd.s32 s3;
	_ =	sdelay $0x1  }
0xa1: {  	s23 =	simm.s32 $0x1B8B  }
0xa2: {  	_ =	swait.ge [sflag:s23], $0x1  }
0xa3: {  	[sflag:s23] =	ssyncset.done $0x0  }
0xa4: {  	s25 =	simm.s32 $0x1B8E;
	s24 =	sld [smem:$0x3FFE];
	[sflag:s23] =	ssyncadd.s32 $0xFFFFFFFF  }
0xa5: {  	s26 =	simm.s32 $execute0_lowered;
	[smem:$0x3FD2] =	sst s25  }
0xa6: {  	s4 =	sshll.u32 s26, $0x1;
	_ =	strace $0x80000049;
	[dreg:$0x1] =	wrdreg $0xFFFFFFFF  }
0xa7: {  	s28 =	simm.s32 $_size_execute0_lowered;
	s2 =	sadd.s32 s2, s4;
	[dreg:$0x0] =	wrdreg $0x0  }
0xa8: {  	s4 =	sshll.u32 s28, $0x1;
	[dreg:$0x2] =	wrdreg s2  }
0xa9: {  	[dreg:$0x3] =	wrdreg s4  }
0xaa: {  	[dreg:$0x4] =	wrdreg $0xC0  }
0xab: {  	_ =	task [dreg:s6], $0x5FFFF  }
0xac: {  	[dreg:$0x1] =	wrdreg $0xFFFFFFFF  }
0xad: {  	[dreg:$0x0] =	wrdreg $0x60  }
0xae: {  	[dreg:$0x2] =	wrdreg s24  }
0xaf: {  	[dreg:$0x3] =	wrdreg $0x1A5400  }
0xb0: {  	[dreg:$0x4] =	wrdreg $0x9  }
0xb1: {  	_ =	task.clear_ibuf [dreg:s6], $0x5FFFF;
	_ =	strace $0x90000049  }
0xb2: {  	s29 =	simm.s32 $0x9;
	_ =	strace $0x8000004B  }
0xb3: {  	_ =	swait.ge [sflag:s29], $0x1  }
0xb4: {  	[sflag:s29] =	ssyncadd.s32 $0xFFFFFFFF  }
0xb5: {  	_ =	strace $0x9000004B  }
0xb6: {  	_ =	sfence  }
0xb7: {  	s30 =	sld [smem:$0x0];
	_ =	sdelay $0x2  }
0xb8: {  	s31 =	sshll.u32 s1, $0xD;
	s1 =	sshrl.u32 s1, $0x2  }
0xb9: {  	s3 =	sand.u32 $0x4000, s31;
	s1 =	sadd.s32 s1, s30  }
0xba: {  	s0 =	sor.u32 s3, s0;
	s1 =	sshll.u32 s1, $0x11  }
0xbb: {  	s0 =	sor.u32 s1, s0  }
0xbc: {  	s0 =	sadd.s32 $0x8F2B, s0  }
0xbd: {  	[sflag:s0] =	ssyncadd.remote.s32 $0x1  }
0xbe: {  	_ =	sfence.sel $0xFFFF  }
0xbf: {  	[dreg:$0x0] =	wrdreg $0xFFFFFFFF;
	(pc) =	sbr.abs _section_cstart, $3  }
0xc0: {  	[dreg:$0x1] =	wrdreg $0xFFFFFFFF  }
0xc1: {  	_ =	task.clear_ibuf [dreg:s6], $0x2FFFF;
	_ =	strace $0x9FFFFFFF  }
0xc2: {  	(tm) =	ssettm $0x7FFFFFFF  }
0xc3: {  	_ =	shalt  }
tec
execute0_lowered:
.L_overlay_start_1:
0x0: {  	(tag) =	ssettag $0x1  }
0x1: {  	s0 =	rddreg [dreg:$0x0]  }
0x2: {  	s2 =	rddreg [dreg:$0x1];
	s3 =	simm.s32 $0x0  }
0x3: {  	s1 =	srdreg.scid;
	s10 =	stileid.u32;
	s28 =	simm.s32 $0xA640  }
0x4: {  	s29 =	simm.s32 $0x1;
	s30 =	simm.s32 $0xAB40;
	s31 =	simm.s32 $0x14B40  }
0x5: {  	[smem:$0x7FF] =	sst s3;
	s1 =	sand.u32 $0x1, s1;
	s9 =	smul.u32 $0x5000, s10  }
0x6: {  	s4 =	sadd.s32 $0xB5600, s0;
	s5 =	sadd.s32 $0x1EDE00, s0;
	s6 =	sadd.s32 $0xF400, s0  }
0x7: {  	_ =	strace $0x8000004A;
	s7 =	smul.u32 $0x50000, s1;
	s8 =	sshll.u32 s1, $0x4  }
0x8: {  	s1 =	ssub.s32 $0x2, s1;
	s10 =	sor.u32 s10, s8;
	s8 =	sadd.s32 $0x5600, s0  }
0x9: {  	s18 =	sshrl.u32 s1, $0x1;
	s16 =	sadd.s32 s9, s2;
	s7 =	sadd.s32 s9, s7  }
0xa: {  	s1 =	ssub.s32 s1, s18;
	s11 =	sshrl.u32 s7, $0x3;
	s7 =	smul.u32 $0x2710, s10  }
0xb: {  	s10 =	smul.u32 $0x4E20, s10;
	s26 =	smax.u32 s1, $0x1;
	s0 =	sadd.s32 s11, s0  }
0xc: {  	[dreg:$0x8] =	wrdreg s26;
	s26 =	simm.s32 $0xA5F0;
	s19 =	sshrl.u32 s7, $0x3  }
0xd: {  	s12 =	sadd.s32 $0x50, s7;
	s22 =	sadd.s32 s5, s10;
	s0 =	sadd.s32 $0x19200, s0  }
0xe: {  	s18 =	sadd.s32 $0xA0, s7;
	s20 =	sadd.s32 s6, s19;
	[dreg:$0x5] =	wrdreg s22  }
0xf: {  	s21 =	sadd.s32 s8, s19;
	s23 =	sshrl.u32 s12, $0x3;
	[dreg:$0x7] =	wrdreg s0  }
0x10: {  	s25 =	sshll.u32 s12, $0x1;
	s22 =	simm.s32 $0xA0;
	[dreg:$0x3] =	wrdreg s20  }
0x11: {  	s0 =	simm.s32 $0x2;
	s19 =	simm.s32 $0x0;
	[dreg:$0x4] =	wrdreg s21  }
0x12: {  	s17 =	sadd.s32 s6, s23;
	s24 =	sadd.s32 s8, s23;
	s15 =	sadd.s32 s5, s25  }
0x13: {  	s20 =	simm.s32 $0x4;
	s21 =	simm.s32 $0x50;
	s23 =	simm.s32 $0x3  }
0x14: {  	v0 =	vimm.f32 $0.0e+00;
	s25 =	simm.s32 $0xA5A0;
	[dreg:$0x6] =	wrdreg s24;
	s24 =	simm.s32 $0x5A0  }
.LBB2_1:
0x15: {  	s1 =	simm.s32 $0x80;
	s10 =	simm.s32 $0x0  }
.LBB2_2:
0x16: {  	p0 =	sne.s32 s1, $0x13F80;
	[tilespmem:s10+$0x15540] =	vst v0;
	s11 =	smov.u32 s1;
	s1 =	sadd.s32 $0x80, s1  }
.Ltmp0:
0x17: {  	[tilespmem:s10+$0x15550] =	vst v0;
	(pc) =	sbr.rel @p0 .LBB2_2-.Ltmp0, $2  }
0x18: {  	_ =	sdelay $0x2  }
0x19: {  	s10 =	sshra.s32 s11, $0x2  }
0x1a: {  	[tilespmem:s10+$0x15540] =	vst v0  }
0x1b: {  	[tilespmem:s10+$0x15550] =	vst v0;
	s1 =	simm.s32 $0x15540  }
0x1c: {  	[spmem:s16] =	stream.linear.scatter [tilespmem:s1], [sflag:$0x4], $0x5000, $0x38;
	[tilespmem:$0x1F540] =	vst v63  }
0x1d: {  	_ =	swait.ge [sflag:s20], $0x5000  }
0x1e: {  	[sflag:s20] =	ssyncset.done $0x0  }
0x1f: {  	[sflag:s20] =	ssyncadd.s32 $0xFFFFB000  }
0x20: {  	[bflag:$0x0] =	sbarrier.arrive $0xFFFF  }
0x21: {  	s1 =	simm.s32 $0x0;
	s9 =	rddreg [dreg:$0x3]  }
0x22: {  	[tilespmem:s1], [sflag:$0x3] =	stream.linear.gather [hbm4b:s9+s1], $0x50, $0x38;
	[tilespmem:$0x1F540] =	vst v63  }
0x23: {  	s14 =	rddreg [dreg:$0x4]  }
0x24: {  	[tilespmem:s21], [sflag:$0x3] =	stream.linear.gather [hbm4b:s14+s1], $0x50, $0x38;
	[tilespmem:$0x1F540] =	vst v63  }
0x25: {  	s13 =	smov.u32 s16;
	s16 =	rddreg [dreg:$0x5]  }
0x26: {  	[tilespmem:s22], [sflag:$0x3] =	stream.linear.gather [hbm4b:s16+s1], $0x500, $0x38;
	[tilespmem:$0x1F540] =	vst v63  }
0x27: {  	_ =	swait.ge [sflag:s23], $0x50  }
0x28: {  	[sflag:s23] =	ssyncset.done $0x0  }
0x29: {  	[sflag:s23] =	ssyncadd.s32 $0xFFFFFFB0  }
0x2a: {  	_ =	swait.ge [sflag:s23], $0x50  }
0x2b: {  	[sflag:s23] =	ssyncset.done $0x0  }
0x2c: {  	[sflag:s23] =	ssyncadd.s32 $0xFFFFFFB0  }
0x2d: {  	_ =	swait.ge [sflag:s23], $0x500  }
0x2e: {  	[sflag:s23] =	ssyncset.done $0x0  }
0x2f: {  	[sflag:s23] =	ssyncadd.s32 $0xFFFFFB00  }
0x30: {  	[tilespmem:s24], [sflag:$0x1] =	stream.indirect.gather [hbm4b:s4+s21], $0x200, s1, s21, $0xb8;
	[tilespmem:$0x1F540] =	vst v63  }
0x31: {  	_ = 	snop  }
0x32: {  	[tilespmem:s25], [sflag:$0x3] =	stream.linear.gather [hbm4b:s17+s1], $0x50, $0x38;
	[tilespmem:$0x1F540] =	vst v63  }
0x33: {  	s14 =	smov.u32 s17;
	s17 =	rddreg [dreg:$0x6]  }
0x34: {  	[tilespmem:s26], [sflag:$0x3] =	stream.linear.gather [hbm4b:s17+s1], $0x50, $0x38;
	[tilespmem:$0x1F540] =	vst v63  }
0x35: {  	_ = 	snop  }
0x36: {  	[tilespmem:s28], [sflag:$0x3] =	stream.linear.gather [hbm4b:s15+s1], $0x500, $0x38;
	[tilespmem:$0x1F540] =	vst v63  }
.LBB2_4:
0x37: {  	_ =	swait.ge [sflag:s23], $0x50  }
0x38: {  	[sflag:s23] =	ssyncset.done $0x0  }
0x39: {  	[sflag:s23] =	ssyncadd.s32 $0xFFFFFFB0  }
0x3a: {  	_ =	swait.ge [sflag:s23], $0x50  }
0x3b: {  	[sflag:s23] =	ssyncset.done $0x0  }
0x3c: {  	[sflag:s23] =	ssyncadd.s32 $0xFFFFFFB0  }
0x3d: {  	_ =	swait.ge [sflag:s23], $0x500  }
0x3e: {  	[sflag:s23] =	ssyncset.done $0x0  }
0x3f: {  	[sflag:s23] =	ssyncadd.s32 $0xFFFFFB00  }
0x40: {  	_ =	swait.ge [sflag:s29], $0xA000  }
0x41: {  	[sflag:s29] =	ssyncset.done $0x0  }
0x42: {  	s11 =	simm.s32 $0x0;
	[sflag:s29] =	ssyncadd.s32 $0xFFFF6000  }
0x43: {  	[tilespmem:s30], [sflag:$0x2] =	stream.indirect.gather [hbm4b:s4+s21], $0x200, s25, s21, $0xb8;
	[tilespmem:$0x1F540] =	vst v63  }
0x44: {  	s10 =	simm.s32 $0x6A0;
	v1 =	vld [tilespmem:s11+$0xA0]  }
0x45: {  	v2 =	vld [tilespmem:s10+$0xFFFFFF10]  }
0x46: {  	v3 =	vld [tilespmem:s10+$0xFFFFFF00]  }
0x47: {  	v4 =	vld [tilespmem:s10+$0xFFFFFF30]  }
0x48: {  	v5 =	vld [tilespmem:s10+$0xFFFFFF20]  }
0x49: {  	v7 =	vld [tilespmem:s10+$0xFFFFFF50];
	v6 =	vbroadcast v1, $0x0  }
0x4a: {  	v9 =	vld [tilespmem:s10+$0xFFFFFF40];
	v8 =	vbroadcast v1, $0x1  }
0x4b: {  	v62 =	vld [tilespmem:s10+$0xFFFFFF70];
	v3 =	vmul.f32 v3, v6;
	v2 =	vmul.f32 v2, v6  }
0x4c: {  	v11 =	vld [tilespmem:s10+$0xFFFFFF60];
	v10 =	vbroadcast v1, $0x2;
	v4 =	vmul.f32 v4, v8  }
0x4d: {  	v63 =	vld [tilespmem:s10+$0xFFFFFF90];
	v5 =	vmul.f32 v5, v8;
	v3 =	vadd.f32 $0.0e+00, v3;
	v2 =	vadd.f32 $0.0e+00, v2  }
0x4e: {  	v13 =	vld [tilespmem:s10+$0xFFFFFF80];
	v12 =	vbroadcast v1, $0x3;
	v7 =	vmul.f32 v7, v10  }
0x4f: {  	v19 =	vld [tilespmem:s10+$0xFFFFFFA0];
	v16 =	vmul.f32 v9, v10;
	v3 =	vadd.f32 v5, v3;
	v2 =	vadd.f32 v4, v2  }
0x50: {  	v17 =	vld [tilespmem:s10+$0xFFFFFFB0];
	v18 =	vbroadcast v1, $0x4;
	v6 =	vmul.f32 v62, v12  }
0x51: {  	v23 =	vld [tilespmem:s10+$0xFFFFFFC0];
	v20 =	vmul.f32 v11, v12;
	v3 =	vadd.f32 v16, v3;
	v2 =	vadd.f32 v7, v2  }
0x52: {  	v21 =	vld [tilespmem:s10+$0xFFFFFFD0];
	v22 =	vbroadcast v1, $0x5;
	v8 =	vmul.f32 v63, v18  }
0x53: {  	v27 =	vld [tilespmem:s10+$0xFFFFFFE0];
	v24 =	vmul.f32 v13, v18;
	v3 =	vadd.f32 v20, v3;
	v2 =	vadd.f32 v6, v2  }
0x54: {  	v25 =	vld [tilespmem:s10+$0xFFFFFFF0];
	v26 =	vbroadcast v1, $0x6;
	v28 =	vmul.f32 v19, v22  }
0x55: {  	v31 =	vld [tilespmem:s10+$0x0];
	v5 =	vmul.f32 v17, v22;
	v3 =	vadd.f32 v24, v3;
	v2 =	vadd.f32 v8, v2  }
0x56: {  	v29 =	vld [tilespmem:s10+$0x10];
	v30 =	vbroadcast v1, $0x7;
	v32 =	vmul.f32 v23, v26  }
0x57: {  	v35 =	vld [tilespmem:s10+$0x20];
	v7 =	vmul.f32 v21, v26;
	v3 =	vadd.f32 v28, v3;
	v2 =	vadd.f32 v5, v2  }
0x58: {  	v33 =	vld [tilespmem:s10+$0x30];
	v34 =	vbroadcast v1, $0x8;
	v36 =	vmul.f32 v27, v30  }
0x59: {  	v39 =	vld [tilespmem:s10+$0x40];
	v6 =	vmul.f32 v25, v30;
	v3 =	vadd.f32 v32, v3;
	v2 =	vadd.f32 v7, v2  }
0x5a: {  	v37 =	vld [tilespmem:s10+$0x50];
	v38 =	vbroadcast v1, $0x9;
	v40 =	vmul.f32 v31, v34  }
0x5b: {  	v43 =	vld [tilespmem:s10+$0x60];
	v8 =	vmul.f32 v29, v34;
	v3 =	vadd.f32 v36, v3;
	v2 =	vadd.f32 v6, v2  }
0x5c: {  	v41 =	vld [tilespmem:s10+$0x70];
	v42 =	vbroadcast v1, $0xA;
	v44 =	vmul.f32 v35, v38  }
0x5d: {  	v47 =	vld [tilespmem:s10+$0x80];
	v5 =	vmul.f32 v33, v38;
	v3 =	vadd.f32 v40, v3;
	v2 =	vadd.f32 v8, v2  }
0x5e: {  	v45 =	vld [tilespmem:s10+$0x90];
	v46 =	vbroadcast v1, $0xB;
	v48 =	vmul.f32 v39, v42  }
0x5f: {  	v51 =	vld [tilespmem:s10+$0xA0];
	v7 =	vmul.f32 v37, v42;
	v3 =	vadd.f32 v44, v3;
	v2 =	vadd.f32 v5, v2  }
0x60: {  	v49 =	vld [tilespmem:s10+$0xB0];
	v50 =	vbroadcast v1, $0xC;
	v52 =	vmul.f32 v43, v46  }
0x61: {  	v55 =	vld [tilespmem:s10+$0xC0];
	v6 =	vmul.f32 v41, v46;
	v3 =	vadd.f32 v48, v3;
	v2 =	vadd.f32 v7, v2  }
0x62: {  	v53 =	vld [tilespmem:s10+$0xD0];
	v54 =	vbroadcast v1, $0xD;
	v56 =	vmul.f32 v47, v50  }
0x63: {  	v57 =	vld [tilespmem:s10+$0xF0];
	v8 =	vmul.f32 v45, v50;
	v3 =	vadd.f32 v52, v3;
	v2 =	vadd.f32 v6, v2  }
0x64: {  	v59 =	vld [tilespmem:s10+$0xE0];
	v58 =	vbroadcast v1, $0xE;
	v60 =	vmul.f32 v51, v54  }
0x65: {  	v5 =	vmul.f32 v49, v54;
	v3 =	vadd.f32 v56, v3;
	v2 =	vadd.f32 v8, v2  }
0x66: {  	v1 =	vbroadcast v1, $0xF;
	v61 =	vmul.f32 v55, v58  }
0x67: {  	v7 =	vmul.f32 v53, v58;
	v3 =	vadd.f32 v60, v3;
	v2 =	vadd.f32 v5, v2  }
0x68: {  	v62 =	vmul.f32 v57, v1  }
0x69: {  	v1 =	vmul.f32 v59, v1;
	v3 =	vadd.f32 v61, v3;
	v63 =	vadd.f32 v7, v2;
	_ =	sdelay $0x1  }
0x6a: {  	s12 =	simm.s32 $0x40;
	s16 =	simm.s32 $0x14B50;
	s11 =	simm.s32 $0x14B50;
	v2 =	vadd.f32 v1, v3;
	v1 =	vadd.f32 v62, v63  }
.LBB2_5:
0x6b: {  	_ = 	snop  }
0x6c: {  	p0 =	sne.s32 s12, $0x13C0;
	s16 =	sadd.s32 $0x20, s16;
	s10 =	sadd.s32 $0x200, s10;
	[tilespmem:s11+$0xFFFFFFF0] =	vst v2  }
0x6d: {  	s17 =	sshra.s32 s12, $0x2;
	s12 =	sadd.s32 $0x40, s12;
	[tilespmem:s11+$0x0] =	vst v1;
	s11 =	smov.u32 s16  }
0x6e: {  	v1 =	vld [tilespmem:s17+$0xA0]  }
0x6f: {  	v2 =	vld [tilespmem:s10+$0xFFFFFF10]  }
0x70: {  	v3 =	vld [tilespmem:s10+$0xFFFFFF00]  }
0x71: {  	v4 =	vld [tilespmem:s10+$0xFFFFFF30]  }
0x72: {  	v5 =	vld [tilespmem:s10+$0xFFFFFF20]  }
0x73: {  	v6 =	vbroadcast v1, $0x0;
	v7 =	vbroadcast v1, $0x1;
	v8 =	vld [tilespmem:s10+$0xFFFFFF50]  }
0x74: {  	v10 =	vbroadcast v1, $0x2;
	v11 =	vbroadcast v1, $0x3;
	v9 =	vld [tilespmem:s10+$0xFFFFFF40]  }
0x75: {  	v3 =	vmul.f32 v3, v6;
	v2 =	vmul.f32 v2, v6;
	v6 =	vld [tilespmem:s10+$0xFFFFFF70]  }
0x76: {  	v13 =	vbroadcast v1, $0x4;
	v4 =	vmul.f32 v4, v7;
	v12 =	vld [tilespmem:s10+$0xFFFFFF60]  }
0x77: {  	v3 =	vadd.f32 $0.0e+00, v3;
	v2 =	vadd.f32 $0.0e+00, v2;
	v5 =	vmul.f32 v5, v7;
	v7 =	vld [tilespmem:s10+$0xFFFFFF90]  }
0x78: {  	v15 =	vbroadcast v1, $0x5;
	v8 =	vmul.f32 v8, v10;
	v14 =	vld [tilespmem:s10+$0xFFFFFF80]  }
0x79: {  	v3 =	vadd.f32 v5, v3;
	v2 =	vadd.f32 v4, v2;
	v4 =	vmul.f32 v9, v10;
	v5 =	vld [tilespmem:s10+$0xFFFFFFB0]  }
0x7a: {  	v10 =	vbroadcast v1, $0x6;
	v6 =	vmul.f32 v6, v11;
	v9 =	vld [tilespmem:s10+$0xFFFFFFA0]  }
0x7b: {  	v3 =	vadd.f32 v4, v3;
	v2 =	vadd.f32 v8, v2;
	v4 =	vmul.f32 v12, v11;
	v8 =	vld [tilespmem:s10+$0xFFFFFFD0]  }
0x7c: {  	v12 =	vbroadcast v1, $0x7;
	v7 =	vmul.f32 v7, v13;
	v11 =	vld [tilespmem:s10+$0xFFFFFFC0]  }
0x7d: {  	v3 =	vadd.f32 v4, v3;
	v2 =	vadd.f32 v6, v2;
	v4 =	vmul.f32 v14, v13;
	v6 =	vld [tilespmem:s10+$0xFFFFFFF0]  }
0x7e: {  	v14 =	vbroadcast v1, $0x8;
	v5 =	vmul.f32 v5, v15;
	v13 =	vld [tilespmem:s10+$0xFFFFFFE0]  }
0x7f: {  	v3 =	vadd.f32 v4, v3;
	v2 =	vadd.f32 v7, v2;
	v4 =	vmul.f32 v9, v15;
	v7 =	vld [tilespmem:s10+$0x10]  }
0x80: {  	v15 =	vbroadcast v1, $0x9;
	v8 =	vmul.f32 v8, v10;
	v9 =	vld [tilespmem:s10+$0x0]  }
0x81: {  	v3 =	vadd.f32 v4, v3;
	v2 =	vadd.f32 v5, v2;
	v4 =	vmul.f32 v11, v10;
	v5 =	vld [tilespmem:s10+$0x30]  }
0x82: {  	v11 =	vbroadcast v1, $0xA;
	v6 =	vmul.f32 v6, v12;
	v10 =	vld [tilespmem:s10+$0x20]  }
0x83: {  	v3 =	vadd.f32 v4, v3;
	v2 =	vadd.f32 v8, v2;
	v4 =	vmul.f32 v13, v12;
	v8 =	vld [tilespmem:s10+$0x50]  }
0x84: {  	v13 =	vbroadcast v1, $0xB;
	v7 =	vmul.f32 v7, v14;
	v12 =	vld [tilespmem:s10+$0x40]  }
0x85: {  	v3 =	vadd.f32 v4, v3;
	v2 =	vadd.f32 v6, v2;
	v4 =	vmul.f32 v9, v14;
	v6 =	vld [tilespmem:s10+$0x70]  }
0x86: {  	v14 =	vbroadcast v1, $0xC;
	v5 =	vmul.f32 v5, v15;
	v9 =	vld [tilespmem:s10+$0x60]  }
0x87: {  	v3 =	vadd.f32 v4, v3;
	v2 =	vadd.f32 v7, v2;
	v4 =	vmul.f32 v10, v15;
	v7 =	vld [tilespmem:s10+$0x90]  }
0x88: {  	v15 =	vbroadcast v1, $0xD;
	v8 =	vmul.f32 v8, v11;
	v10 =	vld [tilespmem:s10+$0x80]  }
0x89: {  	v3 =	vadd.f32 v4, v3;
	v2 =	vadd.f32 v5, v2;
	v4 =	vmul.f32 v12, v11;
	v5 =	vld [tilespmem:s10+$0xB0]  }
0x8a: {  	v12 =	vbroadcast v1, $0xE;
	v6 =	vmul.f32 v6, v13;
	v11 =	vld [tilespmem:s10+$0xA0]  }
0x8b: {  	v3 =	vadd.f32 v4, v3;
	v2 =	vadd.f32 v8, v2;
	v4 =	vmul.f32 v9, v13;
	v8 =	vld [tilespmem:s10+$0xD0]  }
0x8c: {  	v1 =	vbroadcast v1, $0xF;
	v7 =	vmul.f32 v7, v14;
	v9 =	vld [tilespmem:s10+$0xC0]  }
0x8d: {  	v3 =	vadd.f32 v4, v3;
	v2 =	vadd.f32 v6, v2;
	v4 =	vmul.f32 v10, v14;
	v6 =	vld [tilespmem:s10+$0xF0]  }
0x8e: {  	v5 =	vmul.f32 v5, v15;
	v10 =	vld [tilespmem:s10+$0xE0]  }
0x8f: {  	v3 =	vadd.f32 v4, v3;
	v2 =	vadd.f32 v7, v2;
	v4 =	vmul.f32 v11, v15  }
0x90: {  	v7 =	vmul.f32 v8, v12  }
.Ltmp1:
0x91: {  	v3 =	vadd.f32 v4, v3;
	v2 =	vadd.f32 v5, v2;
	v4 =	vmul.f32 v9, v12;
	(pc) =	sbr.rel @p0 .LBB2_5-.Ltmp1, $3  }
0x92: {  	v5 =	vmul.f32 v6, v1  }
0x93: {  	v3 =	vadd.f32 v4, v3;
	v4 =	vadd.f32 v7, v2;
	v1 =	vmul.f32 v10, v1;
	_ =	sdelay $0x1  }
0x94: {  	v2 =	vadd.f32 v1, v3;
	v1 =	vadd.f32 v5, v4  }
0x95: {  	_ = 	snop  }
0x96: {  	[tilespmem:s11+$0xFFFFFFF0] =	vst v2  }
0x97: {  	s10 =	smul.u32 $0xA0, s1;
	[tilespmem:s11+$0x0] =	vst v1  }
0x98: {  	[spmem:s2] =	stream.indirect.scatter.add.f32 [tilespmem:s31], [sflag:$0x4], $0x20, s21, s21, $0xb8;
	[tilespmem:$0x1F540] =	vst v63  }
0x99: {  	s10 =	sadd.s32 s18, s10;
	_ =	swait.ge [sflag:s20], $0xA00  }
0x9a: {  	s16 =	simm.s32 $0x0;
	s9 =	sshrl.u32 s10, $0x3;
	[sflag:s20] =	ssyncset.done $0x0  }
0x9b: {  	s10 =	sshll.u32 s10, $0x1;
	s12 =	sadd.s32 s6, s9;
	[sflag:s20] =	ssyncadd.s32 $0xFFFFF600  }
0x9c: {  	[tilespmem:s16], [sflag:$0x3] =	stream.linear.gather [hbm4b:s12+s16], $0x50, $0x38;
	[tilespmem:$0x1F540] =	vst v63  }
0x9d: {  	s11 =	sadd.s32 s8, s9;
	s10 =	sand.u32 $0x1FFFFFE0, s10  }
0x9e: {  	[tilespmem:s21], [sflag:$0x3] =	stream.linear.gather [hbm4b:s11+s16], $0x50, $0x38;
	[tilespmem:$0x1F540] =	vst v63  }
0x9f: {  	s10 =	sadd.s32 s5, s10  }
0xa0: {  	[tilespmem:s22], [sflag:$0x3] =	stream.linear.gather [hbm4b:s10+s16], $0x500, $0x38;
	[tilespmem:$0x1F540] =	vst v63  }
0xa1: {  	_ =	swait.ge [sflag:s23], $0x50  }
0xa2: {  	[sflag:s23] =	ssyncset.done $0x0  }
0xa3: {  	[sflag:s23] =	ssyncadd.s32 $0xFFFFFFB0  }
0xa4: {  	_ =	swait.ge [sflag:s23], $0x50  }
0xa5: {  	[sflag:s23] =	ssyncset.done $0x0  }
0xa6: {  	[sflag:s23] =	ssyncadd.s32 $0xFFFFFFB0  }
0xa7: {  	_ =	swait.ge [sflag:s23], $0x500  }
0xa8: {  	[sflag:s23] =	ssyncset.done $0x0  }
0xa9: {  	[sflag:s23] =	ssyncadd.s32 $0xFFFFFB00  }
0xaa: {  	_ =	swait.ge [sflag:s0], $0xA000  }
0xab: {  	[sflag:s0] =	ssyncset.done $0x0  }
0xac: {  	s17 =	simm.s32 $0x0;
	[sflag:s0] =	ssyncadd.s32 $0xFFFF6000  }
0xad: {  	[tilespmem:s24], [sflag:$0x1] =	stream.indirect.gather [hbm4b:s4+s21], $0x200, s16, s21, $0xb8;
	[tilespmem:$0x1F540] =	vst v63  }
0xae: {  	s10 =	simm.s32 $0xAC40;
	v1 =	vld [tilespmem:s17+$0xA640]  }
0xaf: {  	v2 =	vld [tilespmem:s10+$0xFFFFFF10]  }
0xb0: {  	v3 =	vld [tilespmem:s10+$0xFFFFFF00]  }
0xb1: {  	v4 =	vld [tilespmem:s10+$0xFFFFFF30]  }
0xb2: {  	v5 =	vld [tilespmem:s10+$0xFFFFFF20]  }
0xb3: {  	v7 =	vld [tilespmem:s10+$0xFFFFFF50];
	v6 =	vbroadcast v1, $0x0  }
0xb4: {  	v9 =	vld [tilespmem:s10+$0xFFFFFF40];
	v8 =	vbroadcast v1, $0x1  }
0xb5: {  	v62 =	vld [tilespmem:s10+$0xFFFFFF70];
	v3 =	vmul.f32 v3, v6;
	v2 =	vmul.f32 v2, v6  }
0xb6: {  	v11 =	vld [tilespmem:s10+$0xFFFFFF60];
	v10 =	vbroadcast v1, $0x2;
	v4 =	vmul.f32 v4, v8  }
0xb7: {  	v63 =	vld [tilespmem:s10+$0xFFFFFF90];
	v5 =	vmul.f32 v5, v8;
	v3 =	vadd.f32 $0.0e+00, v3;
	v2 =	vadd.f32 $0.0e+00, v2  }
0xb8: {  	v13 =	vld [tilespmem:s10+$0xFFFFFF80];
	v12 =	vbroadcast v1, $0x3;
	v7 =	vmul.f32 v7, v10  }
0xb9: {  	v19 =	vld [tilespmem:s10+$0xFFFFFFA0];
	v16 =	vmul.f32 v9, v10;
	v3 =	vadd.f32 v5, v3;
	v2 =	vadd.f32 v4, v2  }
0xba: {  	v17 =	vld [tilespmem:s10+$0xFFFFFFB0];
	v18 =	vbroadcast v1, $0x4;
	v6 =	vmul.f32 v62, v12  }
0xbb: {  	v23 =	vld [tilespmem:s10+$0xFFFFFFC0];
	v20 =	vmul.f32 v11, v12;
	v3 =	vadd.f32 v16, v3;
	v2 =	vadd.f32 v7, v2  }
0xbc: {  	v21 =	vld [tilespmem:s10+$0xFFFFFFD0];
	v22 =	vbroadcast v1, $0x5;
	v8 =	vmul.f32 v63, v18  }
0xbd: {  	v27 =	vld [tilespmem:s10+$0xFFFFFFE0];
	v24 =	vmul.f32 v13, v18;
	v3 =	vadd.f32 v20, v3;
	v2 =	vadd.f32 v6, v2  }
0xbe: {  	v25 =	vld [tilespmem:s10+$0xFFFFFFF0];
	v26 =	vbroadcast v1, $0x6;
	v28 =	vmul.f32 v19, v22  }
0xbf: {  	v31 =	vld [tilespmem:s10+$0x0];
	v5 =	vmul.f32 v17, v22;
	v3 =	vadd.f32 v24, v3;
	v2 =	vadd.f32 v8, v2  }
0xc0: {  	v29 =	vld [tilespmem:s10+$0x10];
	v30 =	vbroadcast v1, $0x7;
	v32 =	vmul.f32 v23, v26  }
0xc1: {  	v35 =	vld [tilespmem:s10+$0x20];
	v7 =	vmul.f32 v21, v26;
	v3 =	vadd.f32 v28, v3;
	v2 =	vadd.f32 v5, v2  }
0xc2: {  	v33 =	vld [tilespmem:s10+$0x30];
	v34 =	vbroadcast v1, $0x8;
	v36 =	vmul.f32 v27, v30  }
0xc3: {  	v39 =	vld [tilespmem:s10+$0x40];
	v6 =	vmul.f32 v25, v30;
	v3 =	vadd.f32 v32, v3;
	v2 =	vadd.f32 v7, v2  }
0xc4: {  	v37 =	vld [tilespmem:s10+$0x50];
	v38 =	vbroadcast v1, $0x9;
	v40 =	vmul.f32 v31, v34  }
0xc5: {  	v43 =	vld [tilespmem:s10+$0x60];
	v8 =	vmul.f32 v29, v34;
	v3 =	vadd.f32 v36, v3;
	v2 =	vadd.f32 v6, v2  }
0xc6: {  	v41 =	vld [tilespmem:s10+$0x70];
	v42 =	vbroadcast v1, $0xA;
	v44 =	vmul.f32 v35, v38  }
0xc7: {  	v47 =	vld [tilespmem:s10+$0x80];
	v5 =	vmul.f32 v33, v38;
	v3 =	vadd.f32 v40, v3;
	v2 =	vadd.f32 v8, v2  }
0xc8: {  	v45 =	vld [tilespmem:s10+$0x90];
	v46 =	vbroadcast v1, $0xB;
	v48 =	vmul.f32 v39, v42  }
0xc9: {  	v51 =	vld [tilespmem:s10+$0xA0];
	v7 =	vmul.f32 v37, v42;
	v3 =	vadd.f32 v44, v3;
	v2 =	vadd.f32 v5, v2  }
0xca: {  	v49 =	vld [tilespmem:s10+$0xB0];
	v50 =	vbroadcast v1, $0xC;
	v52 =	vmul.f32 v43, v46  }
0xcb: {  	v55 =	vld [tilespmem:s10+$0xC0];
	v6 =	vmul.f32 v41, v46;
	v3 =	vadd.f32 v48, v3;
	v2 =	vadd.f32 v7, v2  }
0xcc: {  	v53 =	vld [tilespmem:s10+$0xD0];
	v54 =	vbroadcast v1, $0xD;
	v56 =	vmul.f32 v47, v50  }
0xcd: {  	v57 =	vld [tilespmem:s10+$0xF0];
	v8 =	vmul.f32 v45, v50;
	v3 =	vadd.f32 v52, v3;
	v2 =	vadd.f32 v6, v2  }
0xce: {  	v59 =	vld [tilespmem:s10+$0xE0];
	v58 =	vbroadcast v1, $0xE;
	v60 =	vmul.f32 v51, v54  }
0xcf: {  	v5 =	vmul.f32 v49, v54;
	v3 =	vadd.f32 v56, v3;
	v2 =	vadd.f32 v8, v2  }
0xd0: {  	v1 =	vbroadcast v1, $0xF;
	v61 =	vmul.f32 v55, v58  }
0xd1: {  	v7 =	vmul.f32 v53, v58;
	v3 =	vadd.f32 v60, v3;
	v2 =	vadd.f32 v5, v2  }
0xd2: {  	v62 =	vmul.f32 v57, v1  }
0xd3: {  	v1 =	vmul.f32 v59, v1;
	v3 =	vadd.f32 v61, v3;
	v63 =	vadd.f32 v7, v2  }
0xd4: {  	s12 =	simm.s32 $0x14B50  }
0xd5: {  	s11 =	sshll.u32 s1, $0x1;
	s16 =	simm.s32 $0x40;
	s17 =	simm.s32 $0x14B50;
	v2 =	vadd.f32 v1, v3;
	v1 =	vadd.f32 v62, v63  }
.LBB2_7:
0xd6: {  	_ = 	snop  }
0xd7: {  	p0 =	sne.s32 s16, $0x13C0;
	s17 =	sadd.s32 $0x20, s17;
	s10 =	sadd.s32 $0x200, s10;
	[tilespmem:s12+$0xFFFFFFF0] =	vst v2  }
0xd8: {  	s9 =	sshra.s32 s16, $0x2;
	s16 =	sadd.s32 $0x40, s16;
	[tilespmem:s12+$0x0] =	vst v1;
	s12 =	smov.u32 s17  }
0xd9: {  	v1 =	vld [tilespmem:s9+$0xA640]  }
0xda: {  	v2 =	vld [tilespmem:s10+$0xFFFFFF10]  }
0xdb: {  	v3 =	vld [tilespmem:s10+$0xFFFFFF00]  }
0xdc: {  	v4 =	vld [tilespmem:s10+$0xFFFFFF30]  }
0xdd: {  	v5 =	vld [tilespmem:s10+$0xFFFFFF20]  }
0xde: {  	v6 =	vbroadcast v1, $0x0;
	v7 =	vbroadcast v1, $0x1;
	v8 =	vld [tilespmem:s10+$0xFFFFFF50]  }
0xdf: {  	v10 =	vbroadcast v1, $0x2;
	v11 =	vbroadcast v1, $0x3;
	v9 =	vld [tilespmem:s10+$0xFFFFFF40]  }
0xe0: {  	v3 =	vmul.f32 v3, v6;
	v2 =	vmul.f32 v2, v6;
	v6 =	vld [tilespmem:s10+$0xFFFFFF70]  }
0xe1: {  	v13 =	vbroadcast v1, $0x4;
	v4 =	vmul.f32 v4, v7;
	v12 =	vld [tilespmem:s10+$0xFFFFFF60]  }
0xe2: {  	v3 =	vadd.f32 $0.0e+00, v3;
	v2 =	vadd.f32 $0.0e+00, v2;
	v5 =	vmul.f32 v5, v7;
	v7 =	vld [tilespmem:s10+$0xFFFFFF90]  }
0xe3: {  	v15 =	vbroadcast v1, $0x5;
	v8 =	vmul.f32 v8, v10;
	v14 =	vld [tilespmem:s10+$0xFFFFFF80]  }
0xe4: {  	v3 =	vadd.f32 v5, v3;
	v2 =	vadd.f32 v4, v2;
	v4 =	vmul.f32 v9, v10;
	v5 =	vld [tilespmem:s10+$0xFFFFFFB0]  }
0xe5: {  	v10 =	vbroadcast v1, $0x6;
	v6 =	vmul.f32 v6, v11;
	v9 =	vld [tilespmem:s10+$0xFFFFFFA0]  }
0xe6: {  	v3 =	vadd.f32 v4, v3;
	v2 =	vadd.f32 v8, v2;
	v4 =	vmul.f32 v12, v11;
	v8 =	vld [tilespmem:s10+$0xFFFFFFD0]  }
0xe7: {  	v12 =	vbroadcast v1, $0x7;
	v7 =	vmul.f32 v7, v13;
	v11 =	vld [tilespmem:s10+$0xFFFFFFC0]  }
0xe8: {  	v3 =	vadd.f32 v4, v3;
	v2 =	vadd.f32 v6, v2;
	v4 =	vmul.f32 v14, v13;
	v6 =	vld [tilespmem:s10+$0xFFFFFFF0]  }
0xe9: {  	v14 =	vbroadcast v1, $0x8;
	v5 =	vmul.f32 v5, v15;
	v13 =	vld [tilespmem:s10+$0xFFFFFFE0]  }
0xea: {  	v3 =	vadd.f32 v4, v3;
	v2 =	vadd.f32 v7, v2;
	v4 =	vmul.f32 v9, v15;
	v7 =	vld [tilespmem:s10+$0x10]  }
0xeb: {  	v15 =	vbroadcast v1, $0x9;
	v8 =	vmul.f32 v8, v10;
	v9 =	vld [tilespmem:s10+$0x0]  }
0xec: {  	v3 =	vadd.f32 v4, v3;
	v2 =	vadd.f32 v5, v2;
	v4 =	vmul.f32 v11, v10;
	v5 =	vld [tilespmem:s10+$0x30]  }
0xed: {  	v11 =	vbroadcast v1, $0xA;
	v6 =	vmul.f32 v6, v12;
	v10 =	vld [tilespmem:s10+$0x20]  }
0xee: {  	v3 =	vadd.f32 v4, v3;
	v2 =	vadd.f32 v8, v2;
	v4 =	vmul.f32 v13, v12;
	v8 =	vld [tilespmem:s10+$0x50]  }
0xef: {  	v13 =	vbroadcast v1, $0xB;
	v7 =	vmul.f32 v7, v14;
	v12 =	vld [tilespmem:s10+$0x40]  }
0xf0: {  	v3 =	vadd.f32 v4, v3;
	v2 =	vadd.f32 v6, v2;
	v4 =	vmul.f32 v9, v14;
	v6 =	vld [tilespmem:s10+$0x70]  }
0xf1: {  	v14 =	vbroadcast v1, $0xC;
	v5 =	vmul.f32 v5, v15;
	v9 =	vld [tilespmem:s10+$0x60]  }
0xf2: {  	v3 =	vadd.f32 v4, v3;
	v2 =	vadd.f32 v7, v2;
	v4 =	vmul.f32 v10, v15;
	v7 =	vld [tilespmem:s10+$0x90]  }
0xf3: {  	v15 =	vbroadcast v1, $0xD;
	v8 =	vmul.f32 v8, v11;
	v10 =	vld [tilespmem:s10+$0x80]  }
0xf4: {  	v3 =	vadd.f32 v4, v3;
	v2 =	vadd.f32 v5, v2;
	v4 =	vmul.f32 v12, v11;
	v5 =	vld [tilespmem:s10+$0xB0]  }
0xf5: {  	v12 =	vbroadcast v1, $0xE;
	v6 =	vmul.f32 v6, v13;
	v11 =	vld [tilespmem:s10+$0xA0]  }
0xf6: {  	v3 =	vadd.f32 v4, v3;
	v2 =	vadd.f32 v8, v2;
	v4 =	vmul.f32 v9, v13;
	v8 =	vld [tilespmem:s10+$0xD0]  }
0xf7: {  	v1 =	vbroadcast v1, $0xF;
	v7 =	vmul.f32 v7, v14;
	v9 =	vld [tilespmem:s10+$0xC0]  }
0xf8: {  	v3 =	vadd.f32 v4, v3;
	v2 =	vadd.f32 v6, v2;
	v4 =	vmul.f32 v10, v14;
	v6 =	vld [tilespmem:s10+$0xF0]  }
0xf9: {  	v5 =	vmul.f32 v5, v15;
	v10 =	vld [tilespmem:s10+$0xE0]  }
0xfa: {  	v3 =	vadd.f32 v4, v3;
	v2 =	vadd.f32 v7, v2;
	v4 =	vmul.f32 v11, v15  }
0xfb: {  	v7 =	vmul.f32 v8, v12  }
.Ltmp2:
0xfc: {  	v3 =	vadd.f32 v4, v3;
	v2 =	vadd.f32 v5, v2;
	v4 =	vmul.f32 v9, v12;
	(pc) =	sbr.rel @p0 .LBB2_7-.Ltmp2, $3  }
0xfd: {  	v5 =	vmul.f32 v6, v1  }
0xfe: {  	v3 =	vadd.f32 v4, v3;
	v4 =	vadd.f32 v7, v2;
	v1 =	vmul.f32 v10, v1;
	_ =	sdelay $0x1  }
0xff: {  	v2 =	vadd.f32 v1, v3;
	v1 =	vadd.f32 v5, v4  }
0x100: {  	_ = 	snop  }
0x101: {  	s9 =	sadd.s32 $0x3, s11;
	[tilespmem:s12+$0xFFFFFFF0] =	vst v2  }
0x102: {  	[tilespmem:s12+$0x0] =	vst v1;
	s10 =	smul.u32 $0x50, s9;
	p0 =	seq.s32 s9, $0x7D  }
0x103: {  	[spmem:s2] =	stream.indirect.scatter.add.f32 [tilespmem:s31], [sflag:$0x4], $0x20, s26, s21, $0xb8;
	[tilespmem:$0x1F540] =	vst v63  }
0x104: {  	s10 =	simm.s32 @p0 $0x0  }
0x105: {  	_ =	swait.ge [sflag:s20], $0xA00;
	s16 =	sadd.s32 s7, s10  }
0x106: {  	s1 =	sadd.s32 $0x1, s1;
	[sflag:s20] =	ssyncset.done $0x0;
	s10 =	sshrl.u32 s16, $0x3  }
0x107: {  	p0 =	sne.s32 s1, $0x3E;
	[sflag:s20] =	ssyncadd.s32 $0xFFFFF600;
	s17 =	sadd.s32 s6, s10  }
0x108: {  	[tilespmem:s25], [sflag:$0x3] =	stream.linear.gather [hbm4b:s17+s3], $0x50, $0x38;
	[tilespmem:$0x1F540] =	vst v63  }
.Ltmp3:
0x109: {  	s9 =	sshll.u32 s16, $0x1;
	(pc) =	sbr.rel @p0 .LBB2_4-.Ltmp3, $4  }
0x10a: {  	s10 =	sadd.s32 s8, s10;
	s9 =	sand.u32 $0x1FFFFFE0, s9  }
0x10b: {  	[tilespmem:s26], [sflag:$0x3] =	stream.linear.gather [hbm4b:s10+s3], $0x50, $0x38;
	[tilespmem:$0x1F540] =	vst v63  }
0x10c: {  	s9 =	sadd.s32 s5, s9  }
0x10d: {  	[tilespmem:s28], [sflag:$0x3] =	stream.linear.gather [hbm4b:s9+s3], $0x500, $0x38;
	[tilespmem:$0x1F540] =	vst v63  }
0x10e: {  	_ =	swait.ge [sflag:s23], $0x50  }
0x10f: {  	[sflag:s23] =	ssyncset.done $0x0  }
0x110: {  	[sflag:s23] =	ssyncadd.s32 $0xFFFFFFB0  }
0x111: {  	_ =	swait.ge [sflag:s23], $0x50  }
0x112: {  	[sflag:s23] =	ssyncset.done $0x0  }
0x113: {  	[sflag:s23] =	ssyncadd.s32 $0xFFFFFFB0  }
0x114: {  	_ =	swait.ge [sflag:s23], $0x500  }
0x115: {  	[sflag:s23] =	ssyncset.done $0x0  }
0x116: {  	[sflag:s23] =	ssyncadd.s32 $0xFFFFFB00  }
0x117: {  	_ =	swait.ge [sflag:s29], $0xA000  }
0x118: {  	[sflag:s29] =	ssyncset.done $0x0  }
0x119: {  	s9 =	simm.s32 $0x0;
	[sflag:s29] =	ssyncadd.s32 $0xFFFF6000  }
0x11a: {  	[tilespmem:s30], [sflag:$0x2] =	stream.indirect.gather [hbm4b:s4+s21], $0x200, s25, s21, $0xb8;
	[tilespmem:$0x1F540] =	vst v63  }
0x11b: {  	s1 =	simm.s32 $0x6A0;
	v1 =	vld [tilespmem:s9+$0xA0]  }
0x11c: {  	v2 =	vld [tilespmem:s1+$0xFFFFFF10]  }
0x11d: {  	v3 =	vld [tilespmem:s1+$0xFFFFFF00]  }
0x11e: {  	v4 =	vld [tilespmem:s1+$0xFFFFFF30]  }
0x11f: {  	v5 =	vld [tilespmem:s1+$0xFFFFFF20]  }
0x120: {  	v7 =	vld [tilespmem:s1+$0xFFFFFF50];
	v6 =	vbroadcast v1, $0x0  }
0x121: {  	v9 =	vld [tilespmem:s1+$0xFFFFFF40];
	v8 =	vbroadcast v1, $0x1  }
0x122: {  	v62 =	vld [tilespmem:s1+$0xFFFFFF70];
	v3 =	vmul.f32 v3, v6;
	v2 =	vmul.f32 v2, v6  }
0x123: {  	v11 =	vld [tilespmem:s1+$0xFFFFFF60];
	v10 =	vbroadcast v1, $0x2;
	v4 =	vmul.f32 v4, v8  }
0x124: {  	v63 =	vld [tilespmem:s1+$0xFFFFFF90];
	v5 =	vmul.f32 v5, v8;
	v3 =	vadd.f32 $0.0e+00, v3;
	v2 =	vadd.f32 $0.0e+00, v2  }
0x125: {  	v13 =	vld [tilespmem:s1+$0xFFFFFF80];
	v12 =	vbroadcast v1, $0x3;
	v7 =	vmul.f32 v7, v10  }
0x126: {  	v19 =	vld [tilespmem:s1+$0xFFFFFFA0];
	v16 =	vmul.f32 v9, v10;
	v3 =	vadd.f32 v5, v3;
	v2 =	vadd.f32 v4, v2  }
0x127: {  	v17 =	vld [tilespmem:s1+$0xFFFFFFB0];
	v18 =	vbroadcast v1, $0x4;
	v6 =	vmul.f32 v62, v12  }
0x128: {  	v23 =	vld [tilespmem:s1+$0xFFFFFFC0];
	v20 =	vmul.f32 v11, v12;
	v3 =	vadd.f32 v16, v3;
	v2 =	vadd.f32 v7, v2  }
0x129: {  	v21 =	vld [tilespmem:s1+$0xFFFFFFD0];
	v22 =	vbroadcast v1, $0x5;
	v8 =	vmul.f32 v63, v18  }
0x12a: {  	v27 =	vld [tilespmem:s1+$0xFFFFFFE0];
	v24 =	vmul.f32 v13, v18;
	v3 =	vadd.f32 v20, v3;
	v2 =	vadd.f32 v6, v2  }
0x12b: {  	v25 =	vld [tilespmem:s1+$0xFFFFFFF0];
	v26 =	vbroadcast v1, $0x6;
	v28 =	vmul.f32 v19, v22  }
0x12c: {  	v31 =	vld [tilespmem:s1+$0x0];
	v5 =	vmul.f32 v17, v22;
	v3 =	vadd.f32 v24, v3;
	v2 =	vadd.f32 v8, v2  }
0x12d: {  	v29 =	vld [tilespmem:s1+$0x10];
	v30 =	vbroadcast v1, $0x7;
	v32 =	vmul.f32 v23, v26  }
0x12e: {  	v35 =	vld [tilespmem:s1+$0x20];
	v7 =	vmul.f32 v21, v26;
	v3 =	vadd.f32 v28, v3;
	v2 =	vadd.f32 v5, v2  }
0x12f: {  	v33 =	vld [tilespmem:s1+$0x30];
	v34 =	vbroadcast v1, $0x8;
	v36 =	vmul.f32 v27, v30  }
0x130: {  	v39 =	vld [tilespmem:s1+$0x40];
	v6 =	vmul.f32 v25, v30;
	v3 =	vadd.f32 v32, v3;
	v2 =	vadd.f32 v7, v2  }
0x131: {  	v37 =	vld [tilespmem:s1+$0x50];
	v38 =	vbroadcast v1, $0x9;
	v40 =	vmul.f32 v31, v34  }
0x132: {  	v43 =	vld [tilespmem:s1+$0x60];
	v8 =	vmul.f32 v29, v34;
	v3 =	vadd.f32 v36, v3;
	v2 =	vadd.f32 v6, v2  }
0x133: {  	v41 =	vld [tilespmem:s1+$0x70];
	v42 =	vbroadcast v1, $0xA;
	v44 =	vmul.f32 v35, v38  }
0x134: {  	v47 =	vld [tilespmem:s1+$0x80];
	v5 =	vmul.f32 v33, v38;
	v3 =	vadd.f32 v40, v3;
	v2 =	vadd.f32 v8, v2  }
0x135: {  	v45 =	vld [tilespmem:s1+$0x90];
	v46 =	vbroadcast v1, $0xB;
	v48 =	vmul.f32 v39, v42  }
0x136: {  	v51 =	vld [tilespmem:s1+$0xA0];
	v7 =	vmul.f32 v37, v42;
	v3 =	vadd.f32 v44, v3;
	v2 =	vadd.f32 v5, v2  }
0x137: {  	v49 =	vld [tilespmem:s1+$0xB0];
	v50 =	vbroadcast v1, $0xC;
	v52 =	vmul.f32 v43, v46  }
0x138: {  	v55 =	vld [tilespmem:s1+$0xC0];
	v6 =	vmul.f32 v41, v46;
	v3 =	vadd.f32 v48, v3;
	v2 =	vadd.f32 v7, v2  }
0x139: {  	v53 =	vld [tilespmem:s1+$0xD0];
	v54 =	vbroadcast v1, $0xD;
	v56 =	vmul.f32 v47, v50  }
0x13a: {  	v57 =	vld [tilespmem:s1+$0xF0];
	v8 =	vmul.f32 v45, v50;
	v3 =	vadd.f32 v52, v3;
	v2 =	vadd.f32 v6, v2  }
0x13b: {  	v59 =	vld [tilespmem:s1+$0xE0];
	v58 =	vbroadcast v1, $0xE;
	v60 =	vmul.f32 v51, v54  }
0x13c: {  	v5 =	vmul.f32 v49, v54;
	v3 =	vadd.f32 v56, v3;
	v2 =	vadd.f32 v8, v2  }
0x13d: {  	v1 =	vbroadcast v1, $0xF;
	v61 =	vmul.f32 v55, v58  }
0x13e: {  	v7 =	vmul.f32 v53, v58;
	v3 =	vadd.f32 v60, v3;
	v2 =	vadd.f32 v5, v2  }
0x13f: {  	v62 =	vmul.f32 v57, v1  }
0x140: {  	v1 =	vmul.f32 v59, v1;
	v3 =	vadd.f32 v61, v3;
	v63 =	vadd.f32 v7, v2;
	_ =	sdelay $0x1  }
0x141: {  	s10 =	simm.s32 $0x14B50;
	s11 =	simm.s32 $0x40;
	s12 =	simm.s32 $0x14B50;
	v2 =	vadd.f32 v1, v3;
	v1 =	vadd.f32 v62, v63  }
.LBB2_10:
0x142: {  	_ = 	snop  }
0x143: {  	p0 =	sne.s32 s11, $0x13C0;
	s12 =	sadd.s32 $0x20, s12;
	s1 =	sadd.s32 $0x200, s1;
	[tilespmem:s10+$0xFFFFFFF0] =	vst v2  }
0x144: {  	s9 =	sshra.s32 s11, $0x2;
	s11 =	sadd.s32 $0x40, s11;
	[tilespmem:s10+$0x0] =	vst v1;
	s10 =	smov.u32 s12  }
0x145: {  	v1 =	vld [tilespmem:s9+$0xA0]  }
0x146: {  	v2 =	vld [tilespmem:s1+$0xFFFFFF10]  }
0x147: {  	v3 =	vld [tilespmem:s1+$0xFFFFFF00]  }
0x148: {  	v4 =	vld [tilespmem:s1+$0xFFFFFF30]  }
0x149: {  	v5 =	vld [tilespmem:s1+$0xFFFFFF20]  }
0x14a: {  	v6 =	vbroadcast v1, $0x0;
	v7 =	vbroadcast v1, $0x1;
	v8 =	vld [tilespmem:s1+$0xFFFFFF50]  }
0x14b: {  	v10 =	vbroadcast v1, $0x2;
	v11 =	vbroadcast v1, $0x3;
	v9 =	vld [tilespmem:s1+$0xFFFFFF40]  }
0x14c: {  	v3 =	vmul.f32 v3, v6;
	v2 =	vmul.f32 v2, v6;
	v6 =	vld [tilespmem:s1+$0xFFFFFF70]  }
0x14d: {  	v13 =	vbroadcast v1, $0x4;
	v4 =	vmul.f32 v4, v7;
	v12 =	vld [tilespmem:s1+$0xFFFFFF60]  }
0x14e: {  	v3 =	vadd.f32 $0.0e+00, v3;
	v2 =	vadd.f32 $0.0e+00, v2;
	v5 =	vmul.f32 v5, v7;
	v7 =	vld [tilespmem:s1+$0xFFFFFF90]  }
0x14f: {  	v15 =	vbroadcast v1, $0x5;
	v8 =	vmul.f32 v8, v10;
	v14 =	vld [tilespmem:s1+$0xFFFFFF80]  }
0x150: {  	v3 =	vadd.f32 v5, v3;
	v2 =	vadd.f32 v4, v2;
	v4 =	vmul.f32 v9, v10;
	v5 =	vld [tilespmem:s1+$0xFFFFFFB0]  }
0x151: {  	v10 =	vbroadcast v1, $0x6;
	v6 =	vmul.f32 v6, v11;
	v9 =	vld [tilespmem:s1+$0xFFFFFFA0]  }
0x152: {  	v3 =	vadd.f32 v4, v3;
	v2 =	vadd.f32 v8, v2;
	v4 =	vmul.f32 v12, v11;
	v8 =	vld [tilespmem:s1+$0xFFFFFFD0]  }
0x153: {  	v12 =	vbroadcast v1, $0x7;
	v7 =	vmul.f32 v7, v13;
	v11 =	vld [tilespmem:s1+$0xFFFFFFC0]  }
0x154: {  	v3 =	vadd.f32 v4, v3;
	v2 =	vadd.f32 v6, v2;
	v4 =	vmul.f32 v14, v13;
	v6 =	vld [tilespmem:s1+$0xFFFFFFF0]  }
0x155: {  	v14 =	vbroadcast v1, $0x8;
	v5 =	vmul.f32 v5, v15;
	v13 =	vld [tilespmem:s1+$0xFFFFFFE0]  }
0x156: {  	v3 =	vadd.f32 v4, v3;
	v2 =	vadd.f32 v7, v2;
	v4 =	vmul.f32 v9, v15;
	v7 =	vld [tilespmem:s1+$0x10]  }
0x157: {  	v15 =	vbroadcast v1, $0x9;
	v8 =	vmul.f32 v8, v10;
	v9 =	vld [tilespmem:s1+$0x0]  }
0x158: {  	v3 =	vadd.f32 v4, v3;
	v2 =	vadd.f32 v5, v2;
	v4 =	vmul.f32 v11, v10;
	v5 =	vld [tilespmem:s1+$0x30]  }
0x159: {  	v11 =	vbroadcast v1, $0xA;
	v6 =	vmul.f32 v6, v12;
	v10 =	vld [tilespmem:s1+$0x20]  }
0x15a: {  	v3 =	vadd.f32 v4, v3;
	v2 =	vadd.f32 v8, v2;
	v4 =	vmul.f32 v13, v12;
	v8 =	vld [tilespmem:s1+$0x50]  }
0x15b: {  	v13 =	vbroadcast v1, $0xB;
	v7 =	vmul.f32 v7, v14;
	v12 =	vld [tilespmem:s1+$0x40]  }
0x15c: {  	v3 =	vadd.f32 v4, v3;
	v2 =	vadd.f32 v6, v2;
	v4 =	vmul.f32 v9, v14;
	v6 =	vld [tilespmem:s1+$0x70]  }
0x15d: {  	v14 =	vbroadcast v1, $0xC;
	v5 =	vmul.f32 v5, v15;
	v9 =	vld [tilespmem:s1+$0x60]  }
0x15e: {  	v3 =	vadd.f32 v4, v3;
	v2 =	vadd.f32 v7, v2;
	v4 =	vmul.f32 v10, v15;
	v7 =	vld [tilespmem:s1+$0x90]  }
0x15f: {  	v15 =	vbroadcast v1, $0xD;
	v8 =	vmul.f32 v8, v11;
	v10 =	vld [tilespmem:s1+$0x80]  }
0x160: {  	v3 =	vadd.f32 v4, v3;
	v2 =	vadd.f32 v5, v2;
	v4 =	vmul.f32 v12, v11;
	v5 =	vld [tilespmem:s1+$0xB0]  }
0x161: {  	v12 =	vbroadcast v1, $0xE;
	v6 =	vmul.f32 v6, v13;
	v11 =	vld [tilespmem:s1+$0xA0]  }
0x162: {  	v3 =	vadd.f32 v4, v3;
	v2 =	vadd.f32 v8, v2;
	v4 =	vmul.f32 v9, v13;
	v8 =	vld [tilespmem:s1+$0xD0]  }
0x163: {  	v1 =	vbroadcast v1, $0xF;
	v7 =	vmul.f32 v7, v14;
	v9 =	vld [tilespmem:s1+$0xC0]  }
0x164: {  	v3 =	vadd.f32 v4, v3;
	v2 =	vadd.f32 v6, v2;
	v4 =	vmul.f32 v10, v14;
	v6 =	vld [tilespmem:s1+$0xF0]  }
0x165: {  	v5 =	vmul.f32 v5, v15;
	v10 =	vld [tilespmem:s1+$0xE0]  }
0x166: {  	v3 =	vadd.f32 v4, v3;
	v2 =	vadd.f32 v7, v2;
	v4 =	vmul.f32 v11, v15  }
0x167: {  	v7 =	vmul.f32 v8, v12  }
.Ltmp4:
0x168: {  	v3 =	vadd.f32 v4, v3;
	v2 =	vadd.f32 v5, v2;
	v4 =	vmul.f32 v9, v12;
	(pc) =	sbr.rel @p0 .LBB2_10-.Ltmp4, $3  }
0x169: {  	v5 =	vmul.f32 v6, v1  }
0x16a: {  	v3 =	vadd.f32 v4, v3;
	v4 =	vadd.f32 v7, v2;
	v1 =	vmul.f32 v10, v1;
	_ =	sdelay $0x1  }
0x16b: {  	v2 =	vadd.f32 v1, v3;
	v1 =	vadd.f32 v5, v4  }
0x16c: {  	_ = 	snop  }
0x16d: {  	[tilespmem:s10+$0xFFFFFFF0] =	vst v2  }
0x16e: {  	[tilespmem:s10+$0x0] =	vst v1  }
0x16f: {  	[spmem:s2] =	stream.indirect.scatter.add.f32 [tilespmem:s31], [sflag:$0x4], $0x20, s21, s21, $0xb8;
	[tilespmem:$0x1F540] =	vst v63  }
0x170: {  	_ =	swait.ge [sflag:s20], $0xA00  }
0x171: {  	[sflag:s20] =	ssyncset.done $0x0  }
0x172: {  	[sflag:s20] =	ssyncadd.s32 $0xFFFFF600  }
0x173: {  	[tilespmem:s3], [sflag:$0x3] =	stream.linear.gather [hbm4b:s14+s3], $0x50, $0x38;
	[tilespmem:$0x1F540] =	vst v63  }
0x174: {  	s1 =	rddreg [dreg:$0x6]  }
0x175: {  	[tilespmem:s21], [sflag:$0x3] =	stream.linear.gather [hbm4b:s1+s3], $0x50, $0x38;
	[tilespmem:$0x1F540] =	vst v63  }
0x176: {  	_ = 	snop  }
0x177: {  	[tilespmem:s22], [sflag:$0x3] =	stream.linear.gather [hbm4b:s15+s3], $0x500, $0x38;
	[tilespmem:$0x1F540] =	vst v63  }
0x178: {  	_ =	swait.ge [sflag:s0], $0xA000  }
0x179: {  	[sflag:s0] =	ssyncset.done $0x0  }
0x17a: {  	[sflag:s0] =	ssyncadd.s32 $0xFFFF6000  }
0x17b: {  	_ =	swait.ge [sflag:s23], $0x50  }
0x17c: {  	[sflag:s23] =	ssyncset.done $0x0  }
0x17d: {  	[sflag:s23] =	ssyncadd.s32 $0xFFFFFFB0  }
0x17e: {  	_ =	swait.ge [sflag:s23], $0x50  }
0x17f: {  	[sflag:s23] =	ssyncset.done $0x0  }
0x180: {  	[sflag:s23] =	ssyncadd.s32 $0xFFFFFFB0  }
0x181: {  	_ =	swait.ge [sflag:s23], $0x500  }
0x182: {  	[sflag:s23] =	ssyncset.done $0x0  }
0x183: {  	s12 =	stileid.u32;
	[sflag:s23] =	ssyncadd.s32 $0xFFFFFB00  }
0x184: {  	s16 =	smov.u32 s13;
	s1 =	sshll.u32 s12, $0x6;
	[bflag:$0x0] =	sbarrier.arrive $0xFFFF  }
0x185: {  	s9 =	sshrl.u32 s13, $0x3;
	s1 =	sor.u32 $0x1C04, s1;
	s13 =	rddreg [dreg:$0x7]  }
0x186: {  	[hbm:s13], [sflag:s1] =	dma.local [spmem:s9], $0xA00  }
0x187: {  	_ =	swait.ge [sflag:s20], $0xA00  }
0x188: {  	s17 =	smov.u32 s14;
	s19 =	sadd.s32 $0x1, s19;
	s14 =	rddreg [dreg:$0x8]  }
0x189: {  	p0 =	sne.s32 s19, s14  }
.Ltmp5:
0x18a: {  	_ = 	snop;
	(pc) =	sbr.rel @p0 .LBB2_1-.Ltmp5, $3  }
0x18b: {  	_ =	sdelay $0x1  }
0x18c: {  	[sflag:s20] =	ssyncset.done $0x0  }
0x18d: {  	[sflag:s20] =	ssyncadd.s32 $0xFFFFF600  }
0x18e: {  	_ =	sfence.sel $0x180000  }
0x18f: {  	[bflag:$0x0] =	sbarrier.arrive $0xFFFF  }
0x190: {  	_ =	strace $0x9000004A  }
0x191: {  	s0 =	stileid.u32;
	[bflag:$0x2] =	sbarrier.arrive $0xFFFF  }
0x192: {  	p0 =	sne.s32 s0, $0x0;
	s0 =	rddreg [dreg:$0x2]  }
0x193: {  	s0 =	sadd.s32 @!p0 $0x100000, s0  }
0x194: {  	[sflag:s0] =	ssyncadd.tile.s32 @!p0 $0x1;
	_ =	shalt  }
.Lfunc_end2:
_tile_overlayer_lowered:
.L_overlay_start_2:
0x195: {  	(tag) =	ssettag $0x2  }
0x196: {  	s0 =	rddreg [dreg:$0x0];
	s2 =	stileid.u32  }
0x197: {  	s1 =	rddreg [dreg:$0x1];
	p0 =	sne.s32 s2, $0x0  }
0x198: {  	s3 =	rddreg [dreg:$0x2];
	[bflag:$0x3] =	sbarrier.arrive $0xFFFF;
	s2 =	simm.s32 @!p0 $0x1C04  }
0x199: {  	[timem:s3], [sflag:s2] =	dma.local @!p0 [hbm:s0], s1  }
0x19a: {  	s0 =	simm.s32 @!p0 $0x4  }
0x19b: {  	_ =	swait.ge @!p0 [sflag:s0], s1  }
0x19c: {  	s1 =	ssub.s32 @!p0 $0x0, s1;
	[sflag:s0] =	ssyncset.done @!p0 $0x0  }
0x19d: {  	[sflag:s0] =	ssyncadd.s32 @!p0 s1  }
0x19e: {  	[bflag:$0x3] =	sbarrier.arrive $0xFFFF  }
0x19f: {  	_ =	shalt  }

// kernel: kernel.16.cloned.1.call-start
scs
__scs_entry_jumppad:
0x0: {  	(pc) =	sbr.rel $0x88, $3  }
0x1: {  	(tag) =	ssettag $0x0;
	lr =	simm.s32 $0x1  }
0x2: {  	[smem:$0x3F7D] =	sst lr;
	_ =	strace $0xD0000000  }
0x3: {  	_ = 	snop  }
0x4: {  	_ = 	snop  }
0x5: {  	_ = 	snop  }
0x6: {  	_ = 	snop  }
0x7: {  	_ = 	snop  }
__scs_overlays_trampoline_lowered:
0x8: {  	[smem:$0x3F8C] =	sst s0  }
0x9: {  	[smem:$0x3F8D] =	sst s1  }
0xa: {  	[smem:$0x3F8E] =	sst s2  }
0xb: {  	[smem:$0x3F8F] =	sst s3  }
0xc: {  	[smem:$0x3F90] =	sst s4  }
0xd: {  	[smem:$0x3F91] =	sst s5  }
0xe: {  	[smem:$0x3F92] =	sst s6  }
0xf: {  	[smem:$0x3F93] =	sst s7  }
0x10: {  	[smem:$0x3F94] =	sst s8  }
0x11: {  	[smem:$0x3F95] =	sst s9;
	s0 =	simm.s32 @!p0 $0x0  }
0x12: {  	s1 =	sld [smem:$0x3F7B];
	s0 =	simm.s32 @p0 $0x1  }
0x13: {  	[smem:$0x3F96] =	sst s0;
	s0 =	simm.s32 @!p1 $0x0  }
0x14: {  	s2 =	sld [smem:$0x3F7A];
	s0 =	simm.s32 @p1 $0x1  }
0x15: {  	[smem:$0x3F97] =	sst s0;
	s0 =	simm.s32 @!p2 $0x0  }
0x16: {  	s3 =	sld [smem:$0x3FDB];
	s0 =	simm.s32 @p2 $0x1  }
0x17: {  	s4 =	simm.s32 $0x1BF5;
	[smem:$0x3F99] =	sst s0  }
0x18: {  	s0 =	sld [smem:$0x3F7C];
	_ =	swait.ge [sflag:s4], $0x0  }
0x19: {  	s7 =	sld [smem:$0x3F7D]  }
0x1a: {  	s8 =	sadd.s32 $0xFFFFE003, lr  }
0x1b: {  	s9 =	sadd.s32 $0xFFFFFEF7, lr;
	s5 =	simm.s32 $0xFFFFFFFF;
	p2 =	slt.u32 s8, $0xFFFFF086  }
0x1c: {  	p1 =	slt.u32 s9, $0xF7A;
	s5 =	simm.s32 @!p2 $0x0  }
0x1d: {  	s5 =	simm.s32 @p1 $0x1;
	p0 =	seq.s32 s7, s2  }
0x1e: {  	s7 =	smul.u32 @!p0 $0xF7A, s2;
	p2 =	seq.s32 @!p0 s5, $0x0  }
0x1f: {  	s9 =	smul.u32 $0xF7A, s1;
	s8 =	simm.s32 @!p0 $0x1BF5;
	p2 =	por !p2, p0  }
0x20: {  	[sflag:s8] =	ssyncset.s32 @!p0 $0xFFFFF086;
	s6 =	sadd.s32 @!p0 s3, s7;
	s7 =	simm.s32 @!p0 $0x108  }
0x21: {  	s3 =	sadd.s32 s3, s9;
	s6 =	sadd.s32 @!p0 $0x88, s6;
	s7 =	simm.s32 @p2 $0x1082  }
0x22: {  	[simem:s7], [sflag:s8] =	dma.local @!p0 [hbm:s6], $0xF7A  }
0x23: {  	s9 =	sor.u32 $0xD0000000, s2;
	s6 =	simm.s32 $0x108;
	_ =	swait.ge @!p0 [sflag:s8], $0x0  }
0x24: {  	s3 =	sadd.s32 $0x88, s3;
	s6 =	simm.s32 @!p1 $0x1082;
	[sflag:s4] =	ssyncset.s32 $0xFFFFF086  }
0x25: {  	[simem:s6], [sflag:s4] =	dma.local [hbm:s3], $0xF7A  }
0x26: {  	[smem:$0x3F7D] =	sst s1;
	(tag) =	ssettag s2;
	_ =	strace s9  }
0x27: {  	s1 =	sld [smem:$0x3F8D]  }
0x28: {  	s2 =	sld [smem:$0x3F8E]  }
0x29: {  	s4 =	sld [smem:$0x3F90]  }
0x2a: {  	p0 =	seq.s32 s5, $0x0;
	s5 =	sld [smem:$0x3F91]  }
0x2b: {  	s6 =	sld [smem:$0x3F92]  }
0x2c: {  	s7 =	sld [smem:$0x3F93]  }
0x2d: {  	s3 =	simm.s32 $0x108;
	s8 =	sld [smem:$0x3F94]  }
0x2e: {  	s3 =	simm.s32 @!p0 $0x1082;
	s9 =	sld [smem:$0x3F95]  }
0x2f: {  	lr =	sadd.s32 s0, s3;
	s0 =	sld [smem:$0x3F8C]  }
0x30: {  	s3 =	sld [smem:$0x3F8F]  }
0x31: {  	[smem:$0x3F98] =	sst s10  }
0x32: {  	s10 =	sld [smem:$0x3F96];
	_ =	sdelay $0x3  }
0x33: {  	p0 =	seq.s32 s10, $0x1;
	s10 =	sld [smem:$0x3F98];
	_ =	sdelay $0x3  }
0x34: {  	[smem:$0x3F98] =	sst s10  }
0x35: {  	s10 =	sld [smem:$0x3F97];
	_ =	sdelay $0x3  }
0x36: {  	p1 =	seq.s32 s10, $0x1;
	s10 =	sld [smem:$0x3F98];
	_ =	sdelay $0x3  }
0x37: {  	[smem:$0x3F98] =	sst s10  }
0x38: {  	s10 =	sld [smem:$0x3F99]  }
0x39: {  	_ = 	snop;
	(pc) =	sbr.ind lr, $3  }
0x3a: {  	_ = 	snop  }
0x3b: {  	_ = 	snop  }
0x3c: {  	p2 =	seq.s32 s10, $0x1;
	s10 =	sld [smem:$0x3F98]  }
0x3d: {  	_ =	shalt  }
0x3e: {  	_ =	shalt  }
0x3f: {  	_ =	shalt  }
0x40: {  	_ =	shalt  }
0x41: {  	_ =	shalt  }
0x42: {  	_ =	shalt  }
0x43: {  	_ =	shalt  }
0x44: {  	_ =	shalt  }
0x45: {  	_ =	shalt  }
0x46: {  	_ =	shalt  }
0x47: {  	_ =	shalt  }
0x48: {  	_ =	shalt  }
0x49: {  	_ =	shalt  }
0x4a: {  	_ =	shalt  }
0x4b: {  	_ =	shalt  }
0x4c: {  	_ =	shalt  }
0x4d: {  	_ =	shalt  }
0x4e: {  	_ =	shalt  }
0x4f: {  	_ =	shalt  }
0x50: {  	_ =	shalt  }
0x51: {  	_ =	shalt  }
0x52: {  	_ =	shalt  }
0x53: {  	_ =	shalt  }
0x54: {  	_ =	shalt  }
0x55: {  	_ =	shalt  }
0x56: {  	_ =	shalt  }
0x57: {  	_ =	shalt  }
0x58: {  	_ =	shalt  }
0x59: {  	_ =	shalt  }
0x5a: {  	_ =	shalt  }
0x5b: {  	_ =	shalt  }
0x5c: {  	_ =	shalt  }
0x5d: {  	_ =	shalt  }
0x5e: {  	_ =	shalt  }
0x5f: {  	_ =	shalt  }
0x60: {  	_ =	shalt  }
0x61: {  	_ =	shalt  }
0x62: {  	_ =	shalt  }
0x63: {  	_ =	shalt  }
0x64: {  	_ =	shalt  }
0x65: {  	_ =	shalt  }
0x66: {  	_ =	shalt  }
0x67: {  	_ =	shalt  }
0x68: {  	_ =	shalt  }
0x69: {  	_ =	shalt  }
0x6a: {  	_ =	shalt  }
0x6b: {  	_ =	shalt  }
0x6c: {  	_ =	shalt  }
0x6d: {  	_ =	shalt  }
0x6e: {  	_ =	shalt  }
0x6f: {  	_ =	shalt  }
0x70: {  	_ =	shalt  }
0x71: {  	_ =	shalt  }
0x72: {  	_ =	shalt  }
0x73: {  	_ =	shalt  }
0x74: {  	_ =	shalt  }
0x75: {  	_ =	shalt  }
0x76: {  	_ =	shalt  }
0x77: {  	_ =	shalt  }
0x78: {  	_ =	shalt  }
0x79: {  	_ =	shalt  }
0x7a: {  	_ =	shalt  }
0x7b: {  	_ =	shalt  }
0x7c: {  	_ =	shalt  }
0x7d: {  	_ =	shalt  }
0x7e: {  	_ =	shalt  }
0x7f: {  	_ =	shalt  }
0x80: {  	_ =	shalt  }
0x81: {  	_ =	shalt  }
0x82: {  	_ =	shalt  }
0x83: {  	_ =	shalt  }
0x84: {  	_ =	shalt  }
0x85: {  	_ =	shalt  }
0x86: {  	_ =	shalt  }
0x87: {  	_ =	shalt  }
.Lfunc_end0:
.L_simem_size_0:
called_computation.2_lowered:
.L_overlay_start_0:
0x88: {  	s2 =	sld [smem:$0x3FD9]  }
0x89: {  	s3 =	sld [smem:$0x3FFE];
	_ =	sdelay $0x1  }
0x8a: {  	s1 =	srdreg.scid  }
0x8b: {  	s0 =	sand.u32 $0x1, s1  }
0x8c: {  	s16 =	sshll.u32 s0, $0xA;
	s2 =	sadd.s32 s3, s2  }
0x8d: {  	s2 =	sadd.s32 s2, s16  }
0x8e: {  	[smem:$0x3FA4] =	sst s2  }
0x8f: {  	_ = 	snop  }
0x90: {  	(tm) =	ssettm $0x1  }
0x91: {  	s17 =	sld [smem:$0x3FFB];
	_ =	sdelay $0x3  }
0x92: {  	_ =	strace s17  }
0x93: {  	s2 =	sld [smem:$0x3FFC];
	_ =	sdelay $0x3  }
0x94: {  	_ =	strace s2  }
0x95: {  	s2 =	sld [smem:$0x3FFD];
	_ =	sdelay $0x3  }
0x96: {  	_ =	strace s2  }
0x97: {  	_ =	strace $0x8FFFFFFF  }
0x98: {  	s18 =	sld [smem:$0x3FDB];
	_ =	sdelay $0x1  }
0x99: {  	s19 =	simm.s32 $_scs_section_size  }
0x9a: {  	s4 =	simm.s32 $_size__tile_overlayer_lowered;
	s5 =	simm.s32 $_tile_overlayer_lowered  }
0x9b: {  	s22 =	simm.s32 $0x1BFF;
	s21 =	sshll.u32 s5, $0x1;
	s2 =	sadd.s32 s19, s18  }
0x9c: {  	s6 =	simm.s32 $0x0;
	s20 =	sshll.u32 s4, $0x1;
	s4 =	sadd.s32 s21, s2  }
0x9d: {  	[timem:s6], [sflag:s22] =	dma.local [hbm:s4], s20  }
0x9e: {  	_ =	swait.ge [sflag:s22], s20  }
0x9f: {  	s3 =	ssub.s32 $0x0, s20;
	[sflag:s22] =	ssyncset.done $0x0  }
0xa0: {  	[sflag:s22] =	ssyncadd.s32 s3;
	_ =	sdelay $0x1  }
0xa1: {  	s23 =	simm.s32 $0x1B8B  }
0xa2: {  	_ =	swait.ge [sflag:s23], $0x1  }
0xa3: {  	[sflag:s23] =	ssyncset.done $0x0  }
0xa4: {  	s25 =	simm.s32 $0x1B8E;
	s24 =	sld [smem:$0x3FFE];
	[sflag:s23] =	ssyncadd.s32 $0xFFFFFFFF  }
0xa5: {  	s26 =	simm.s32 $execute0_lowered;
	[smem:$0x3FD2] =	sst s25  }
0xa6: {  	s4 =	sshll.u32 s26, $0x1;
	_ =	strace $0x8000004C;
	[dreg:$0x1] =	wrdreg $0xFFFFFFFF  }
0xa7: {  	s28 =	simm.s32 $_size_execute0_lowered;
	s2 =	sadd.s32 s2, s4;
	[dreg:$0x0] =	wrdreg $0x0  }
0xa8: {  	s4 =	sshll.u32 s28, $0x1;
	[dreg:$0x2] =	wrdreg s2  }
0xa9: {  	[dreg:$0x3] =	wrdreg s4  }
0xaa: {  	[dreg:$0x4] =	wrdreg $0xC0  }
0xab: {  	_ =	task [dreg:s6], $0x5FFFF  }
0xac: {  	[dreg:$0x1] =	wrdreg $0xFFFFFFFF  }
0xad: {  	[dreg:$0x0] =	wrdreg $0x60  }
0xae: {  	[dreg:$0x2] =	wrdreg s24  }
0xaf: {  	[dreg:$0x3] =	wrdreg $0x1A5400  }
0xb0: {  	[dreg:$0x4] =	wrdreg $0x9  }
0xb1: {  	_ =	task.clear_ibuf [dreg:s6], $0x5FFFF;
	_ =	strace $0x9000004C  }
0xb2: {  	s29 =	simm.s32 $0x9;
	_ =	strace $0x8000004E  }
0xb3: {  	_ =	swait.ge [sflag:s29], $0x1  }
0xb4: {  	[sflag:s29] =	ssyncadd.s32 $0xFFFFFFFF  }
0xb5: {  	_ =	strace $0x9000004E  }
0xb6: {  	_ =	sfence  }
0xb7: {  	s30 =	sld [smem:$0x0];
	_ =	sdelay $0x2  }
0xb8: {  	s31 =	sshll.u32 s1, $0xD;
	s1 =	sshrl.u32 s1, $0x2  }
0xb9: {  	s3 =	sand.u32 $0x4000, s31;
	s1 =	sadd.s32 s1, s30  }
0xba: {  	s0 =	sor.u32 s3, s0;
	s1 =	sshll.u32 s1, $0x11  }
0xbb: {  	s0 =	sor.u32 s1, s0  }
0xbc: {  	s0 =	sadd.s32 $0x8F2B, s0  }
0xbd: {  	[sflag:s0] =	ssyncadd.remote.s32 $0x1  }
0xbe: {  	_ =	sfence.sel $0xFFFF  }
0xbf: {  	[dreg:$0x0] =	wrdreg $0xFFFFFFFF;
	(pc) =	sbr.abs _section_cstart, $3  }
0xc0: {  	[dreg:$0x1] =	wrdreg $0xFFFFFFFF  }
0xc1: {  	_ =	task.clear_ibuf [dreg:s6], $0x2FFFF;
	_ =	strace $0x9FFFFFFF  }
0xc2: {  	(tm) =	ssettm $0x7FFFFFFF  }
0xc3: {  	_ =	shalt  }
tec
execute0_lowered:
.L_overlay_start_1:
0x0: {  	(tag) =	ssettag $0x1  }
0x1: {  	s0 =	rddreg [dreg:$0x0]  }
0x2: {  	s2 =	rddreg [dreg:$0x1];
	s3 =	simm.s32 $0x0  }
0x3: {  	s1 =	srdreg.scid;
	s10 =	stileid.u32;
	s28 =	simm.s32 $0xA640  }
0x4: {  	s29 =	simm.s32 $0x1;
	s30 =	simm.s32 $0xAB40;
	s31 =	simm.s32 $0x14B40  }
0x5: {  	[smem:$0x7FF] =	sst s3;
	s1 =	sand.u32 $0x1, s1;
	s9 =	smul.u32 $0x5000, s10  }
0x6: {  	s4 =	sadd.s32 $0xB5600, s0;
	s5 =	sadd.s32 $0x151A00, s0;
	s6 =	sadd.s32 $0xF400, s0  }
0x7: {  	_ =	strace $0x8000004D;
	s7 =	smul.u32 $0x50000, s1;
	s8 =	sshll.u32 s1, $0x4  }
0x8: {  	s1 =	ssub.s32 $0x2, s1;
	s10 =	sor.u32 s10, s8;
	s8 =	sadd.s32 $0x5600, s0  }
0x9: {  	s18 =	sshrl.u32 s1, $0x1;
	s16 =	sadd.s32 s9, s2;
	s7 =	sadd.s32 s9, s7  }
0xa: {  	s1 =	ssub.s32 s1, s18;
	s11 =	sshrl.u32 s7, $0x3;
	s7 =	smul.u32 $0x2710, s10  }
0xb: {  	s10 =	smul.u32 $0x4E20, s10;
	s26 =	smax.u32 s1, $0x1;
	s0 =	sadd.s32 s11, s0  }
0xc: {  	[dreg:$0x8] =	wrdreg s26;
	s26 =	simm.s32 $0xA5F0;
	s19 =	sshrl.u32 s7, $0x3  }
0xd: {  	s12 =	sadd.s32 $0x50, s7;
	s22 =	sadd.s32 s5, s10;
	s0 =	sadd.s32 $0x19200, s0  }
0xe: {  	s18 =	sadd.s32 $0xA0, s7;
	s20 =	sadd.s32 s6, s19;
	[dreg:$0x5] =	wrdreg s22  }
0xf: {  	s21 =	sadd.s32 s8, s19;
	s23 =	sshrl.u32 s12, $0x3;
	[dreg:$0x7] =	wrdreg s0  }
0x10: {  	s25 =	sshll.u32 s12, $0x1;
	s22 =	simm.s32 $0xA0;
	[dreg:$0x3] =	wrdreg s20  }
0x11: {  	s0 =	simm.s32 $0x2;
	s19 =	simm.s32 $0x0;
	[dreg:$0x4] =	wrdreg s21  }
0x12: {  	s17 =	sadd.s32 s6, s23;
	s24 =	sadd.s32 s8, s23;
	s15 =	sadd.s32 s5, s25  }
0x13: {  	s20 =	simm.s32 $0x4;
	s21 =	simm.s32 $0x50;
	s23 =	simm.s32 $0x3  }
0x14: {  	v0 =	vimm.f32 $0.0e+00;
	s25 =	simm.s32 $0xA5A0;
	[dreg:$0x6] =	wrdreg s24;
	s24 =	simm.s32 $0x5A0  }
.LBB2_1:
0x15: {  	s1 =	simm.s32 $0x80;
	s10 =	simm.s32 $0x0  }
.LBB2_2:
0x16: {  	p0 =	sne.s32 s1, $0x13F80;
	[tilespmem:s10+$0x15540] =	vst v0;
	s11 =	smov.u32 s1;
	s1 =	sadd.s32 $0x80, s1  }
.Ltmp0:
0x17: {  	[tilespmem:s10+$0x15550] =	vst v0;
	(pc) =	sbr.rel @p0 .LBB2_2-.Ltmp0, $2  }
0x18: {  	_ =	sdelay $0x2  }
0x19: {  	s10 =	sshra.s32 s11, $0x2  }
0x1a: {  	[tilespmem:s10+$0x15540] =	vst v0  }
0x1b: {  	[tilespmem:s10+$0x15550] =	vst v0;
	s1 =	simm.s32 $0x15540  }
0x1c: {  	[spmem:s16] =	stream.linear.scatter [tilespmem:s1], [sflag:$0x4], $0x5000, $0x38;
	[tilespmem:$0x1F540] =	vst v63  }
0x1d: {  	_ =	swait.ge [sflag:s20], $0x5000  }
0x1e: {  	[sflag:s20] =	ssyncset.done $0x0  }
0x1f: {  	[sflag:s20] =	ssyncadd.s32 $0xFFFFB000  }
0x20: {  	[bflag:$0x0] =	sbarrier.arrive $0xFFFF  }
0x21: {  	s1 =	simm.s32 $0x0;
	s9 =	rddreg [dreg:$0x3]  }
0x22: {  	[tilespmem:s1], [sflag:$0x3] =	stream.linear.gather [hbm4b:s9+s1], $0x50, $0x38;
	[tilespmem:$0x1F540] =	vst v63  }
0x23: {  	s14 =	rddreg [dreg:$0x4]  }
0x24: {  	[tilespmem:s21], [sflag:$0x3] =	stream.linear.gather [hbm4b:s14+s1], $0x50, $0x38;
	[tilespmem:$0x1F540] =	vst v63  }
0x25: {  	s13 =	smov.u32 s16;
	s16 =	rddreg [dreg:$0x5]  }
0x26: {  	[tilespmem:s22], [sflag:$0x3] =	stream.linear.gather [hbm4b:s16+s1], $0x500, $0x38;
	[tilespmem:$0x1F540] =	vst v63  }
0x27: {  	_ =	swait.ge [sflag:s23], $0x50  }
0x28: {  	[sflag:s23] =	ssyncset.done $0x0  }
0x29: {  	[sflag:s23] =	ssyncadd.s32 $0xFFFFFFB0  }
0x2a: {  	_ =	swait.ge [sflag:s23], $0x50  }
0x2b: {  	[sflag:s23] =	ssyncset.done $0x0  }
0x2c: {  	[sflag:s23] =	ssyncadd.s32 $0xFFFFFFB0  }
0x2d: {  	_ =	swait.ge [sflag:s23], $0x500  }
0x2e: {  	[sflag:s23] =	ssyncset.done $0x0  }
0x2f: {  	[sflag:s23] =	ssyncadd.s32 $0xFFFFFB00  }
0x30: {  	[tilespmem:s24], [sflag:$0x1] =	stream.indirect.gather [hbm4b:s4+s21], $0x200, s1, s21, $0xb8;
	[tilespmem:$0x1F540] =	vst v63  }
0x31: {  	_ = 	snop  }
0x32: {  	[tilespmem:s25], [sflag:$0x3] =	stream.linear.gather [hbm4b:s17+s1], $0x50, $0x38;
	[tilespmem:$0x1F540] =	vst v63  }
0x33: {  	s14 =	smov.u32 s17;
	s17 =	rddreg [dreg:$0x6]  }
0x34: {  	[tilespmem:s26], [sflag:$0x3] =	stream.linear.gather [hbm4b:s17+s1], $0x50, $0x38;
	[tilespmem:$0x1F540] =	vst v63  }
0x35: {  	_ = 	snop  }
0x36: {  	[tilespmem:s28], [sflag:$0x3] =	stream.linear.gather [hbm4b:s15+s1], $0x500, $0x38;
	[tilespmem:$0x1F540] =	vst v63  }
.LBB2_4:
0x37: {  	_ =	swait.ge [sflag:s23], $0x50  }
0x38: {  	[sflag:s23] =	ssyncset.done $0x0  }
0x39: {  	[sflag:s23] =	ssyncadd.s32 $0xFFFFFFB0  }
0x3a: {  	_ =	swait.ge [sflag:s23], $0x50  }
0x3b: {  	[sflag:s23] =	ssyncset.done $0x0  }
0x3c: {  	[sflag:s23] =	ssyncadd.s32 $0xFFFFFFB0  }
0x3d: {  	_ =	swait.ge [sflag:s23], $0x500  }
0x3e: {  	[sflag:s23] =	ssyncset.done $0x0  }
0x3f: {  	[sflag:s23] =	ssyncadd.s32 $0xFFFFFB00  }
0x40: {  	_ =	swait.ge [sflag:s29], $0xA000  }
0x41: {  	[sflag:s29] =	ssyncset.done $0x0  }
0x42: {  	s11 =	simm.s32 $0x0;
	[sflag:s29] =	ssyncadd.s32 $0xFFFF6000  }
0x43: {  	[tilespmem:s30], [sflag:$0x2] =	stream.indirect.gather [hbm4b:s4+s21], $0x200, s25, s21, $0xb8;
	[tilespmem:$0x1F540] =	vst v63  }
0x44: {  	s10 =	simm.s32 $0x6A0;
	v1 =	vld [tilespmem:s11+$0xA0]  }
0x45: {  	v2 =	vld [tilespmem:s10+$0xFFFFFF10]  }
0x46: {  	v3 =	vld [tilespmem:s10+$0xFFFFFF00]  }
0x47: {  	v4 =	vld [tilespmem:s10+$0xFFFFFF30]  }
0x48: {  	v5 =	vld [tilespmem:s10+$0xFFFFFF20]  }
0x49: {  	v7 =	vld [tilespmem:s10+$0xFFFFFF50];
	v6 =	vbroadcast v1, $0x0  }
0x4a: {  	v9 =	vld [tilespmem:s10+$0xFFFFFF40];
	v8 =	vbroadcast v1, $0x1  }
0x4b: {  	v62 =	vld [tilespmem:s10+$0xFFFFFF70];
	v3 =	vmul.f32 v3, v6;
	v2 =	vmul.f32 v2, v6  }
0x4c: {  	v11 =	vld [tilespmem:s10+$0xFFFFFF60];
	v10 =	vbroadcast v1, $0x2;
	v4 =	vmul.f32 v4, v8  }
0x4d: {  	v63 =	vld [tilespmem:s10+$0xFFFFFF90];
	v5 =	vmul.f32 v5, v8;
	v3 =	vadd.f32 $0.0e+00, v3;
	v2 =	vadd.f32 $0.0e+00, v2  }
0x4e: {  	v13 =	vld [tilespmem:s10+$0xFFFFFF80];
	v12 =	vbroadcast v1, $0x3;
	v7 =	vmul.f32 v7, v10  }
0x4f: {  	v19 =	vld [tilespmem:s10+$0xFFFFFFA0];
	v16 =	vmul.f32 v9, v10;
	v3 =	vadd.f32 v5, v3;
	v2 =	vadd.f32 v4, v2  }
0x50: {  	v17 =	vld [tilespmem:s10+$0xFFFFFFB0];
	v18 =	vbroadcast v1, $0x4;
	v6 =	vmul.f32 v62, v12  }
0x51: {  	v23 =	vld [tilespmem:s10+$0xFFFFFFC0];
	v20 =	vmul.f32 v11, v12;
	v3 =	vadd.f32 v16, v3;
	v2 =	vadd.f32 v7, v2  }
0x52: {  	v21 =	vld [tilespmem:s10+$0xFFFFFFD0];
	v22 =	vbroadcast v1, $0x5;
	v8 =	vmul.f32 v63, v18  }
0x53: {  	v27 =	vld [tilespmem:s10+$0xFFFFFFE0];
	v24 =	vmul.f32 v13, v18;
	v3 =	vadd.f32 v20, v3;
	v2 =	vadd.f32 v6, v2  }
0x54: {  	v25 =	vld [tilespmem:s10+$0xFFFFFFF0];
	v26 =	vbroadcast v1, $0x6;
	v28 =	vmul.f32 v19, v22  }
0x55: {  	v31 =	vld [tilespmem:s10+$0x0];
	v5 =	vmul.f32 v17, v22;
	v3 =	vadd.f32 v24, v3;
	v2 =	vadd.f32 v8, v2  }
0x56: {  	v29 =	vld [tilespmem:s10+$0x10];
	v30 =	vbroadcast v1, $0x7;
	v32 =	vmul.f32 v23, v26  }
0x57: {  	v35 =	vld [tilespmem:s10+$0x20];
	v7 =	vmul.f32 v21, v26;
	v3 =	vadd.f32 v28, v3;
	v2 =	vadd.f32 v5, v2  }
0x58: {  	v33 =	vld [tilespmem:s10+$0x30];
	v34 =	vbroadcast v1, $0x8;
	v36 =	vmul.f32 v27, v30  }
0x59: {  	v39 =	vld [tilespmem:s10+$0x40];
	v6 =	vmul.f32 v25, v30;
	v3 =	vadd.f32 v32, v3;
	v2 =	vadd.f32 v7, v2  }
0x5a: {  	v37 =	vld [tilespmem:s10+$0x50];
	v38 =	vbroadcast v1, $0x9;
	v40 =	vmul.f32 v31, v34  }
0x5b: {  	v43 =	vld [tilespmem:s10+$0x60];
	v8 =	vmul.f32 v29, v34;
	v3 =	vadd.f32 v36, v3;
	v2 =	vadd.f32 v6, v2  }
0x5c: {  	v41 =	vld [tilespmem:s10+$0x70];
	v42 =	vbroadcast v1, $0xA;
	v44 =	vmul.f32 v35, v38  }
0x5d: {  	v47 =	vld [tilespmem:s10+$0x80];
	v5 =	vmul.f32 v33, v38;
	v3 =	vadd.f32 v40, v3;
	v2 =	vadd.f32 v8, v2  }
0x5e: {  	v45 =	vld [tilespmem:s10+$0x90];
	v46 =	vbroadcast v1, $0xB;
	v48 =	vmul.f32 v39, v42  }
0x5f: {  	v51 =	vld [tilespmem:s10+$0xA0];
	v7 =	vmul.f32 v37, v42;
	v3 =	vadd.f32 v44, v3;
	v2 =	vadd.f32 v5, v2  }
0x60: {  	v49 =	vld [tilespmem:s10+$0xB0];
	v50 =	vbroadcast v1, $0xC;
	v52 =	vmul.f32 v43, v46  }
0x61: {  	v55 =	vld [tilespmem:s10+$0xC0];
	v6 =	vmul.f32 v41, v46;
	v3 =	vadd.f32 v48, v3;
	v2 =	vadd.f32 v7, v2  }
0x62: {  	v53 =	vld [tilespmem:s10+$0xD0];
	v54 =	vbroadcast v1, $0xD;
	v56 =	vmul.f32 v47, v50  }
0x63: {  	v57 =	vld [tilespmem:s10+$0xF0];
	v8 =	vmul.f32 v45, v50;
	v3 =	vadd.f32 v52, v3;
	v2 =	vadd.f32 v6, v2  }
0x64: {  	v59 =	vld [tilespmem:s10+$0xE0];
	v58 =	vbroadcast v1, $0xE;
	v60 =	vmul.f32 v51, v54  }
0x65: {  	v5 =	vmul.f32 v49, v54;
	v3 =	vadd.f32 v56, v3;
	v2 =	vadd.f32 v8, v2  }
0x66: {  	v1 =	vbroadcast v1, $0xF;
	v61 =	vmul.f32 v55, v58  }
0x67: {  	v7 =	vmul.f32 v53, v58;
	v3 =	vadd.f32 v60, v3;
	v2 =	vadd.f32 v5, v2  }
0x68: {  	v62 =	vmul.f32 v57, v1  }
0x69: {  	v1 =	vmul.f32 v59, v1;
	v3 =	vadd.f32 v61, v3;
	v63 =	vadd.f32 v7, v2;
	_ =	sdelay $0x1  }
0x6a: {  	s12 =	simm.s32 $0x40;
	s16 =	simm.s32 $0x14B50;
	s11 =	simm.s32 $0x14B50;
	v2 =	vadd.f32 v1, v3;
	v1 =	vadd.f32 v62, v63  }
.LBB2_5:
0x6b: {  	_ = 	snop  }
0x6c: {  	p0 =	sne.s32 s12, $0x13C0;
	s16 =	sadd.s32 $0x20, s16;
	s10 =	sadd.s32 $0x200, s10;
	[tilespmem:s11+$0xFFFFFFF0] =	vst v2  }
0x6d: {  	s17 =	sshra.s32 s12, $0x2;
	s12 =	sadd.s32 $0x40, s12;
	[tilespmem:s11+$0x0] =	vst v1;
	s11 =	smov.u32 s16  }
0x6e: {  	v1 =	vld [tilespmem:s17+$0xA0]  }
0x6f: {  	v2 =	vld [tilespmem:s10+$0xFFFFFF10]  }
0x70: {  	v3 =	vld [tilespmem:s10+$0xFFFFFF00]  }
0x71: {  	v4 =	vld [tilespmem:s10+$0xFFFFFF30]  }
0x72: {  	v5 =	vld [tilespmem:s10+$0xFFFFFF20]  }
0x73: {  	v6 =	vbroadcast v1, $0x0;
	v7 =	vbroadcast v1, $0x1;
	v8 =	vld [tilespmem:s10+$0xFFFFFF50]  }
0x74: {  	v10 =	vbroadcast v1, $0x2;
	v11 =	vbroadcast v1, $0x3;
	v9 =	vld [tilespmem:s10+$0xFFFFFF40]  }
0x75: {  	v3 =	vmul.f32 v3, v6;
	v2 =	vmul.f32 v2, v6;
	v6 =	vld [tilespmem:s10+$0xFFFFFF70]  }
0x76: {  	v13 =	vbroadcast v1, $0x4;
	v4 =	vmul.f32 v4, v7;
	v12 =	vld [tilespmem:s10+$0xFFFFFF60]  }
0x77: {  	v3 =	vadd.f32 $0.0e+00, v3;
	v2 =	vadd.f32 $0.0e+00, v2;
	v5 =	vmul.f32 v5, v7;
	v7 =	vld [tilespmem:s10+$0xFFFFFF90]  }
0x78: {  	v15 =	vbroadcast v1, $0x5;
	v8 =	vmul.f32 v8, v10;
	v14 =	vld [tilespmem:s10+$0xFFFFFF80]  }
0x79: {  	v3 =	vadd.f32 v5, v3;
	v2 =	vadd.f32 v4, v2;
	v4 =	vmul.f32 v9, v10;
	v5 =	vld [tilespmem:s10+$0xFFFFFFB0]  }
0x7a: {  	v10 =	vbroadcast v1, $0x6;
	v6 =	vmul.f32 v6, v11;
	v9 =	vld [tilespmem:s10+$0xFFFFFFA0]  }
0x7b: {  	v3 =	vadd.f32 v4, v3;
	v2 =	vadd.f32 v8, v2;
	v4 =	vmul.f32 v12, v11;
	v8 =	vld [tilespmem:s10+$0xFFFFFFD0]  }
0x7c: {  	v12 =	vbroadcast v1, $0x7;
	v7 =	vmul.f32 v7, v13;
	v11 =	vld [tilespmem:s10+$0xFFFFFFC0]  }
0x7d: {  	v3 =	vadd.f32 v4, v3;
	v2 =	vadd.f32 v6, v2;
	v4 =	vmul.f32 v14, v13;
	v6 =	vld [tilespmem:s10+$0xFFFFFFF0]  }
0x7e: {  	v14 =	vbroadcast v1, $0x8;
	v5 =	vmul.f32 v5, v15;
	v13 =	vld [tilespmem:s10+$0xFFFFFFE0]  }
0x7f: {  	v3 =	vadd.f32 v4, v3;
	v2 =	vadd.f32 v7, v2;
	v4 =	vmul.f32 v9, v15;
	v7 =	vld [tilespmem:s10+$0x10]  }
0x80: {  	v15 =	vbroadcast v1, $0x9;
	v8 =	vmul.f32 v8, v10;
	v9 =	vld [tilespmem:s10+$0x0]  }
0x81: {  	v3 =	vadd.f32 v4, v3;
	v2 =	vadd.f32 v5, v2;
	v4 =	vmul.f32 v11, v10;
	v5 =	vld [tilespmem:s10+$0x30]  }
0x82: {  	v11 =	vbroadcast v1, $0xA;
	v6 =	vmul.f32 v6, v12;
	v10 =	vld [tilespmem:s10+$0x20]  }
0x83: {  	v3 =	vadd.f32 v4, v3;
	v2 =	vadd.f32 v8, v2;
	v4 =	vmul.f32 v13, v12;
	v8 =	vld [tilespmem:s10+$0x50]  }
0x84: {  	v13 =	vbroadcast v1, $0xB;
	v7 =	vmul.f32 v7, v14;
	v12 =	vld [tilespmem:s10+$0x40]  }
0x85: {  	v3 =	vadd.f32 v4, v3;
	v2 =	vadd.f32 v6, v2;
	v4 =	vmul.f32 v9, v14;
	v6 =	vld [tilespmem:s10+$0x70]  }
0x86: {  	v14 =	vbroadcast v1, $0xC;
	v5 =	vmul.f32 v5, v15;
	v9 =	vld [tilespmem:s10+$0x60]  }
0x87: {  	v3 =	vadd.f32 v4, v3;
	v2 =	vadd.f32 v7, v2;
	v4 =	vmul.f32 v10, v15;
	v7 =	vld [tilespmem:s10+$0x90]  }
0x88: {  	v15 =	vbroadcast v1, $0xD;
	v8 =	vmul.f32 v8, v11;
	v10 =	vld [tilespmem:s10+$0x80]  }
0x89: {  	v3 =	vadd.f32 v4, v3;
	v2 =	vadd.f32 v5, v2;
	v4 =	vmul.f32 v12, v11;
	v5 =	vld [tilespmem:s10+$0xB0]  }
0x8a: {  	v12 =	vbroadcast v1, $0xE;
	v6 =	vmul.f32 v6, v13;
	v11 =	vld [tilespmem:s10+$0xA0]  }
0x8b: {  	v3 =	vadd.f32 v4, v3;
	v2 =	vadd.f32 v8, v2;
	v4 =	vmul.f32 v9, v13;
	v8 =	vld [tilespmem:s10+$0xD0]  }
0x8c: {  	v1 =	vbroadcast v1, $0xF;
	v7 =	vmul.f32 v7, v14;
	v9 =	vld [tilespmem:s10+$0xC0]  }
0x8d: {  	v3 =	vadd.f32 v4, v3;
	v2 =	vadd.f32 v6, v2;
	v4 =	vmul.f32 v10, v14;
	v6 =	vld [tilespmem:s10+$0xF0]  }
0x8e: {  	v5 =	vmul.f32 v5, v15;
	v10 =	vld [tilespmem:s10+$0xE0]  }
0x8f: {  	v3 =	vadd.f32 v4, v3;
	v2 =	vadd.f32 v7, v2;
	v4 =	vmul.f32 v11, v15  }
0x90: {  	v7 =	vmul.f32 v8, v12  }
.Ltmp1:
0x91: {  	v3 =	vadd.f32 v4, v3;
	v2 =	vadd.f32 v5, v2;
	v4 =	vmul.f32 v9, v12;
	(pc) =	sbr.rel @p0 .LBB2_5-.Ltmp1, $3  }
0x92: {  	v5 =	vmul.f32 v6, v1  }
0x93: {  	v3 =	vadd.f32 v4, v3;
	v4 =	vadd.f32 v7, v2;
	v1 =	vmul.f32 v10, v1;
	_ =	sdelay $0x1  }
0x94: {  	v2 =	vadd.f32 v1, v3;
	v1 =	vadd.f32 v5, v4  }
0x95: {  	_ = 	snop  }
0x96: {  	[tilespmem:s11+$0xFFFFFFF0] =	vst v2  }
0x97: {  	s10 =	smul.u32 $0xA0, s1;
	[tilespmem:s11+$0x0] =	vst v1  }
0x98: {  	[spmem:s2] =	stream.indirect.scatter.add.f32 [tilespmem:s31], [sflag:$0x4], $0x20, s21, s21, $0xb8;
	[tilespmem:$0x1F540] =	vst v63  }
0x99: {  	s10 =	sadd.s32 s18, s10;
	_ =	swait.ge [sflag:s20], $0xA00  }
0x9a: {  	s16 =	simm.s32 $0x0;
	s9 =	sshrl.u32 s10, $0x3;
	[sflag:s20] =	ssyncset.done $0x0  }
0x9b: {  	s10 =	sshll.u32 s10, $0x1;
	s12 =	sadd.s32 s6, s9;
	[sflag:s20] =	ssyncadd.s32 $0xFFFFF600  }
0x9c: {  	[tilespmem:s16], [sflag:$0x3] =	stream.linear.gather [hbm4b:s12+s16], $0x50, $0x38;
	[tilespmem:$0x1F540] =	vst v63  }
0x9d: {  	s11 =	sadd.s32 s8, s9;
	s10 =	sand.u32 $0x1FFFFFE0, s10  }
0x9e: {  	[tilespmem:s21], [sflag:$0x3] =	stream.linear.gather [hbm4b:s11+s16], $0x50, $0x38;
	[tilespmem:$0x1F540] =	vst v63  }
0x9f: {  	s10 =	sadd.s32 s5, s10  }
0xa0: {  	[tilespmem:s22], [sflag:$0x3] =	stream.linear.gather [hbm4b:s10+s16], $0x500, $0x38;
	[tilespmem:$0x1F540] =	vst v63  }
0xa1: {  	_ =	swait.ge [sflag:s23], $0x50  }
0xa2: {  	[sflag:s23] =	ssyncset.done $0x0  }
0xa3: {  	[sflag:s23] =	ssyncadd.s32 $0xFFFFFFB0  }
0xa4: {  	_ =	swait.ge [sflag:s23], $0x50  }
0xa5: {  	[sflag:s23] =	ssyncset.done $0x0  }
0xa6: {  	[sflag:s23] =	ssyncadd.s32 $0xFFFFFFB0  }
0xa7: {  	_ =	swait.ge [sflag:s23], $0x500  }
0xa8: {  	[sflag:s23] =	ssyncset.done $0x0  }
0xa9: {  	[sflag:s23] =	ssyncadd.s32 $0xFFFFFB00  }
0xaa: {  	_ =	swait.ge [sflag:s0], $0xA000  }
0xab: {  	[sflag:s0] =	ssyncset.done $0x0  }
0xac: {  	s17 =	simm.s32 $0x0;
	[sflag:s0] =	ssyncadd.s32 $0xFFFF6000  }
0xad: {  	[tilespmem:s24], [sflag:$0x1] =	stream.indirect.gather [hbm4b:s4+s21], $0x200, s16, s21, $0xb8;
	[tilespmem:$0x1F540] =	vst v63  }
0xae: {  	s10 =	simm.s32 $0xAC40;
	v1 =	vld [tilespmem:s17+$0xA640]  }
0xaf: {  	v2 =	vld [tilespmem:s10+$0xFFFFFF10]  }
0xb0: {  	v3 =	vld [tilespmem:s10+$0xFFFFFF00]  }
0xb1: {  	v4 =	vld [tilespmem:s10+$0xFFFFFF30]  }
0xb2: {  	v5 =	vld [tilespmem:s10+$0xFFFFFF20]  }
0xb3: {  	v7 =	vld [tilespmem:s10+$0xFFFFFF50];
	v6 =	vbroadcast v1, $0x0  }
0xb4: {  	v9 =	vld [tilespmem:s10+$0xFFFFFF40];
	v8 =	vbroadcast v1, $0x1  }
0xb5: {  	v62 =	vld [tilespmem:s10+$0xFFFFFF70];
	v3 =	vmul.f32 v3, v6;
	v2 =	vmul.f32 v2, v6  }
0xb6: {  	v11 =	vld [tilespmem:s10+$0xFFFFFF60];
	v10 =	vbroadcast v1, $0x2;
	v4 =	vmul.f32 v4, v8  }
0xb7: {  	v63 =	vld [tilespmem:s10+$0xFFFFFF90];
	v5 =	vmul.f32 v5, v8;
	v3 =	vadd.f32 $0.0e+00, v3;
	v2 =	vadd.f32 $0.0e+00, v2  }
0xb8: {  	v13 =	vld [tilespmem:s10+$0xFFFFFF80];
	v12 =	vbroadcast v1, $0x3;
	v7 =	vmul.f32 v7, v10  }
0xb9: {  	v19 =	vld [tilespmem:s10+$0xFFFFFFA0];
	v16 =	vmul.f32 v9, v10;
	v3 =	vadd.f32 v5, v3;
	v2 =	vadd.f32 v4, v2  }
0xba: {  	v17 =	vld [tilespmem:s10+$0xFFFFFFB0];
	v18 =	vbroadcast v1, $0x4;
	v6 =	vmul.f32 v62, v12  }
0xbb: {  	v23 =	vld [tilespmem:s10+$0xFFFFFFC0];
	v20 =	vmul.f32 v11, v12;
	v3 =	vadd.f32 v16, v3;
	v2 =	vadd.f32 v7, v2  }
0xbc: {  	v21 =	vld [tilespmem:s10+$0xFFFFFFD0];
	v22 =	vbroadcast v1, $0x5;
	v8 =	vmul.f32 v63, v18  }
0xbd: {  	v27 =	vld [tilespmem:s10+$0xFFFFFFE0];
	v24 =	vmul.f32 v13, v18;
	v3 =	vadd.f32 v20, v3;
	v2 =	vadd.f32 v6, v2  }
0xbe: {  	v25 =	vld [tilespmem:s10+$0xFFFFFFF0];
	v26 =	vbroadcast v1, $0x6;
	v28 =	vmul.f32 v19, v22  }
0xbf: {  	v31 =	vld [tilespmem:s10+$0x0];
	v5 =	vmul.f32 v17, v22;
	v3 =	vadd.f32 v24, v3;
	v2 =	vadd.f32 v8, v2  }
0xc0: {  	v29 =	vld [tilespmem:s10+$0x10];
	v30 =	vbroadcast v1, $0x7;
	v32 =	vmul.f32 v23, v26  }
0xc1: {  	v35 =	vld [tilespmem:s10+$0x20];
	v7 =	vmul.f32 v21, v26;
	v3 =	vadd.f32 v28, v3;
	v2 =	vadd.f32 v5, v2  }
0xc2: {  	v33 =	vld [tilespmem:s10+$0x30];
	v34 =	vbroadcast v1, $0x8;
	v36 =	vmul.f32 v27, v30  }
0xc3: {  	v39 =	vld [tilespmem:s10+$0x40];
	v6 =	vmul.f32 v25, v30;
	v3 =	vadd.f32 v32, v3;
	v2 =	vadd.f32 v7, v2  }
0xc4: {  	v37 =	vld [tilespmem:s10+$0x50];
	v38 =	vbroadcast v1, $0x9;
	v40 =	vmul.f32 v31, v34  }
0xc5: {  	v43 =	vld [tilespmem:s10+$0x60];
	v8 =	vmul.f32 v29, v34;
	v3 =	vadd.f32 v36, v3;
	v2 =	vadd.f32 v6, v2  }
0xc6: {  	v41 =	vld [tilespmem:s10+$0x70];
	v42 =	vbroadcast v1, $0xA;
	v44 =	vmul.f32 v35, v38  }
0xc7: {  	v47 =	vld [tilespmem:s10+$0x80];
	v5 =	vmul.f32 v33, v38;
	v3 =	vadd.f32 v40, v3;
	v2 =	vadd.f32 v8, v2  }
0xc8: {  	v45 =	vld [tilespmem:s10+$0x90];
	v46 =	vbroadcast v1, $0xB;
	v48 =	vmul.f32 v39, v42  }
0xc9: {  	v51 =	vld [tilespmem:s10+$0xA0];
	v7 =	vmul.f32 v37, v42;
	v3 =	vadd.f32 v44, v3;
	v2 =	vadd.f32 v5, v2  }
0xca: {  	v49 =	vld [tilespmem:s10+$0xB0];
	v50 =	vbroadcast v1, $0xC;
	v52 =	vmul.f32 v43, v46  }
0xcb: {  	v55 =	vld [tilespmem:s10+$0xC0];
	v6 =	vmul.f32 v41, v46;
	v3 =	vadd.f32 v48, v3;
	v2 =	vadd.f32 v7, v2  }
0xcc: {  	v53 =	vld [tilespmem:s10+$0xD0];
	v54 =	vbroadcast v1, $0xD;
	v56 =	vmul.f32 v47, v50  }
0xcd: {  	v57 =	vld [tilespmem:s10+$0xF0];
	v8 =	vmul.f32 v45, v50;
	v3 =	vadd.f32 v52, v3;
	v2 =	vadd.f32 v6, v2  }
0xce: {  	v59 =	vld [tilespmem:s10+$0xE0];
	v58 =	vbroadcast v1, $0xE;
	v60 =	vmul.f32 v51, v54  }
0xcf: {  	v5 =	vmul.f32 v49, v54;
	v3 =	vadd.f32 v56, v3;
	v2 =	vadd.f32 v8, v2  }
0xd0: {  	v1 =	vbroadcast v1, $0xF;
	v61 =	vmul.f32 v55, v58  }
0xd1: {  	v7 =	vmul.f32 v53, v58;
	v3 =	vadd.f32 v60, v3;
	v2 =	vadd.f32 v5, v2  }
0xd2: {  	v62 =	vmul.f32 v57, v1  }
0xd3: {  	v1 =	vmul.f32 v59, v1;
	v3 =	vadd.f32 v61, v3;
	v63 =	vadd.f32 v7, v2  }
0xd4: {  	s12 =	simm.s32 $0x14B50  }
0xd5: {  	s11 =	sshll.u32 s1, $0x1;
	s16 =	simm.s32 $0x40;
	s17 =	simm.s32 $0x14B50;
	v2 =	vadd.f32 v1, v3;
	v1 =	vadd.f32 v62, v63  }
.LBB2_7:
0xd6: {  	_ = 	snop  }
0xd7: {  	p0 =	sne.s32 s16, $0x13C0;
	s17 =	sadd.s32 $0x20, s17;
	s10 =	sadd.s32 $0x200, s10;
	[tilespmem:s12+$0xFFFFFFF0] =	vst v2  }
0xd8: {  	s9 =	sshra.s32 s16, $0x2;
	s16 =	sadd.s32 $0x40, s16;
	[tilespmem:s12+$0x0] =	vst v1;
	s12 =	smov.u32 s17  }
0xd9: {  	v1 =	vld [tilespmem:s9+$0xA640]  }
0xda: {  	v2 =	vld [tilespmem:s10+$0xFFFFFF10]  }
0xdb: {  	v3 =	vld [tilespmem:s10+$0xFFFFFF00]  }
0xdc: {  	v4 =	vld [tilespmem:s10+$0xFFFFFF30]  }
0xdd: {  	v5 =	vld [tilespmem:s10+$0xFFFFFF20]  }
0xde: {  	v6 =	vbroadcast v1, $0x0;
	v7 =	vbroadcast v1, $0x1;
	v8 =	vld [tilespmem:s10+$0xFFFFFF50]  }
0xdf: {  	v10 =	vbroadcast v1, $0x2;
	v11 =	vbroadcast v1, $0x3;
	v9 =	vld [tilespmem:s10+$0xFFFFFF40]  }
0xe0: {  	v3 =	vmul.f32 v3, v6;
	v2 =	vmul.f32 v2, v6;
	v6 =	vld [tilespmem:s10+$0xFFFFFF70]  }
0xe1: {  	v13 =	vbroadcast v1, $0x4;
	v4 =	vmul.f32 v4, v7;
	v12 =	vld [tilespmem:s10+$0xFFFFFF60]  }
0xe2: {  	v3 =	vadd.f32 $0.0e+00, v3;
	v2 =	vadd.f32 $0.0e+00, v2;
	v5 =	vmul.f32 v5, v7;
	v7 =	vld [tilespmem:s10+$0xFFFFFF90]  }
0xe3: {  	v15 =	vbroadcast v1, $0x5;
	v8 =	vmul.f32 v8, v10;
	v14 =	vld [tilespmem:s10+$0xFFFFFF80]  }
0xe4: {  	v3 =	vadd.f32 v5, v3;
	v2 =	vadd.f32 v4, v2;
	v4 =	vmul.f32 v9, v10;
	v5 =	vld [tilespmem:s10+$0xFFFFFFB0]  }
0xe5: {  	v10 =	vbroadcast v1, $0x6;
	v6 =	vmul.f32 v6, v11;
	v9 =	vld [tilespmem:s10+$0xFFFFFFA0]  }
0xe6: {  	v3 =	vadd.f32 v4, v3;
	v2 =	vadd.f32 v8, v2;
	v4 =	vmul.f32 v12, v11;
	v8 =	vld [tilespmem:s10+$0xFFFFFFD0]  }
0xe7: {  	v12 =	vbroadcast v1, $0x7;
	v7 =	vmul.f32 v7, v13;
	v11 =	vld [tilespmem:s10+$0xFFFFFFC0]  }
0xe8: {  	v3 =	vadd.f32 v4, v3;
	v2 =	vadd.f32 v6, v2;
	v4 =	vmul.f32 v14, v13;
	v6 =	vld [tilespmem:s10+$0xFFFFFFF0]  }
0xe9: {  	v14 =	vbroadcast v1, $0x8;
	v5 =	vmul.f32 v5, v15;
	v13 =	vld [tilespmem:s10+$0xFFFFFFE0]  }
0xea: {  	v3 =	vadd.f32 v4, v3;
	v2 =	vadd.f32 v7, v2;
	v4 =	vmul.f32 v9, v15;
	v7 =	vld [tilespmem:s10+$0x10]  }
0xeb: {  	v15 =	vbroadcast v1, $0x9;
	v8 =	vmul.f32 v8, v10;
	v9 =	vld [tilespmem:s10+$0x0]  }
0xec: {  	v3 =	vadd.f32 v4, v3;
	v2 =	vadd.f32 v5, v2;
	v4 =	vmul.f32 v11, v10;
	v5 =	vld [tilespmem:s10+$0x30]  }
0xed: {  	v11 =	vbroadcast v1, $0xA;
	v6 =	vmul.f32 v6, v12;
	v10 =	vld [tilespmem:s10+$0x20]  }
0xee: {  	v3 =	vadd.f32 v4, v3;
	v2 =	vadd.f32 v8, v2;
	v4 =	vmul.f32 v13, v12;
	v8 =	vld [tilespmem:s10+$0x50]  }
0xef: {  	v13 =	vbroadcast v1, $0xB;
	v7 =	vmul.f32 v7, v14;
	v12 =	vld [tilespmem:s10+$0x40]  }
0xf0: {  	v3 =	vadd.f32 v4, v3;
	v2 =	vadd.f32 v6, v2;
	v4 =	vmul.f32 v9, v14;
	v6 =	vld [tilespmem:s10+$0x70]  }
0xf1: {  	v14 =	vbroadcast v1, $0xC;
	v5 =	vmul.f32 v5, v15;
	v9 =	vld [tilespmem:s10+$0x60]  }
0xf2: {  	v3 =	vadd.f32 v4, v3;
	v2 =	vadd.f32 v7, v2;
	v4 =	vmul.f32 v10, v15;
	v7 =	vld [tilespmem:s10+$0x90]  }
0xf3: {  	v15 =	vbroadcast v1, $0xD;
	v8 =	vmul.f32 v8, v11;
	v10 =	vld [tilespmem:s10+$0x80]  }
0xf4: {  	v3 =	vadd.f32 v4, v3;
	v2 =	vadd.f32 v5, v2;
	v4 =	vmul.f32 v12, v11;
	v5 =	vld [tilespmem:s10+$0xB0]  }
0xf5: {  	v12 =	vbroadcast v1, $0xE;
	v6 =	vmul.f32 v6, v13;
	v11 =	vld [tilespmem:s10+$0xA0]  }
0xf6: {  	v3 =	vadd.f32 v4, v3;
	v2 =	vadd.f32 v8, v2;
	v4 =	vmul.f32 v9, v13;
	v8 =	vld [tilespmem:s10+$0xD0]  }
0xf7: {  	v1 =	vbroadcast v1, $0xF;
	v7 =	vmul.f32 v7, v14;
	v9 =	vld [tilespmem:s10+$0xC0]  }
0xf8: {  	v3 =	vadd.f32 v4, v3;
	v2 =	vadd.f32 v6, v2;
	v4 =	vmul.f32 v10, v14;
	v6 =	vld [tilespmem:s10+$0xF0]  }
0xf9: {  	v5 =	vmul.f32 v5, v15;
	v10 =	vld [tilespmem:s10+$0xE0]  }
0xfa: {  	v3 =	vadd.f32 v4, v3;
	v2 =	vadd.f32 v7, v2;
	v4 =	vmul.f32 v11, v15  }
0xfb: {  	v7 =	vmul.f32 v8, v12  }
.Ltmp2:
0xfc: {  	v3 =	vadd.f32 v4, v3;
	v2 =	vadd.f32 v5, v2;
	v4 =	vmul.f32 v9, v12;
	(pc) =	sbr.rel @p0 .LBB2_7-.Ltmp2, $3  }
0xfd: {  	v5 =	vmul.f32 v6, v1  }
0xfe: {  	v3 =	vadd.f32 v4, v3;
	v4 =	vadd.f32 v7, v2;
	v1 =	vmul.f32 v10, v1;
	_ =	sdelay $0x1  }
0xff: {  	v2 =	vadd.f32 v1, v3;
	v1 =	vadd.f32 v5, v4  }
0x100: {  	_ = 	snop  }
0x101: {  	s9 =	sadd.s32 $0x3, s11;
	[tilespmem:s12+$0xFFFFFFF0] =	vst v2  }
0x102: {  	[tilespmem:s12+$0x0] =	vst v1;
	s10 =	smul.u32 $0x50, s9;
	p0 =	seq.s32 s9, $0x7D  }
0x103: {  	[spmem:s2] =	stream.indirect.scatter.add.f32 [tilespmem:s31], [sflag:$0x4], $0x20, s26, s21, $0xb8;
	[tilespmem:$0x1F540] =	vst v63  }
0x104: {  	s10 =	simm.s32 @p0 $0x0  }
0x105: {  	_ =	swait.ge [sflag:s20], $0xA00;
	s16 =	sadd.s32 s7, s10  }
0x106: {  	s1 =	sadd.s32 $0x1, s1;
	[sflag:s20] =	ssyncset.done $0x0;
	s10 =	sshrl.u32 s16, $0x3  }
0x107: {  	p0 =	sne.s32 s1, $0x3E;
	[sflag:s20] =	ssyncadd.s32 $0xFFFFF600;
	s17 =	sadd.s32 s6, s10  }
0x108: {  	[tilespmem:s25], [sflag:$0x3] =	stream.linear.gather [hbm4b:s17+s3], $0x50, $0x38;
	[tilespmem:$0x1F540] =	vst v63  }
.Ltmp3:
0x109: {  	s9 =	sshll.u32 s16, $0x1;
	(pc) =	sbr.rel @p0 .LBB2_4-.Ltmp3, $4  }
0x10a: {  	s10 =	sadd.s32 s8, s10;
	s9 =	sand.u32 $0x1FFFFFE0, s9  }
0x10b: {  	[tilespmem:s26], [sflag:$0x3] =	stream.linear.gather [hbm4b:s10+s3], $0x50, $0x38;
	[tilespmem:$0x1F540] =	vst v63  }
0x10c: {  	s9 =	sadd.s32 s5, s9  }
0x10d: {  	[tilespmem:s28], [sflag:$0x3] =	stream.linear.gather [hbm4b:s9+s3], $0x500, $0x38;
	[tilespmem:$0x1F540] =	vst v63  }
0x10e: {  	_ =	swait.ge [sflag:s23], $0x50  }
0x10f: {  	[sflag:s23] =	ssyncset.done $0x0  }
0x110: {  	[sflag:s23] =	ssyncadd.s32 $0xFFFFFFB0  }
0x111: {  	_ =	swait.ge [sflag:s23], $0x50  }
0x112: {  	[sflag:s23] =	ssyncset.done $0x0  }
0x113: {  	[sflag:s23] =	ssyncadd.s32 $0xFFFFFFB0  }
0x114: {  	_ =	swait.ge [sflag:s23], $0x500  }
0x115: {  	[sflag:s23] =	ssyncset.done $0x0  }
0x116: {  	[sflag:s23] =	ssyncadd.s32 $0xFFFFFB00  }
0x117: {  	_ =	swait.ge [sflag:s29], $0xA000  }
0x118: {  	[sflag:s29] =	ssyncset.done $0x0  }
0x119: {  	s9 =	simm.s32 $0x0;
	[sflag:s29] =	ssyncadd.s32 $0xFFFF6000  }
0x11a: {  	[tilespmem:s30], [sflag:$0x2] =	stream.indirect.gather [hbm4b:s4+s21], $0x200, s25, s21, $0xb8;
	[tilespmem:$0x1F540] =	vst v63  }
0x11b: {  	s1 =	simm.s32 $0x6A0;
	v1 =	vld [tilespmem:s9+$0xA0]  }
0x11c: {  	v2 =	vld [tilespmem:s1+$0xFFFFFF10]  }
0x11d: {  	v3 =	vld [tilespmem:s1+$0xFFFFFF00]  }
0x11e: {  	v4 =	vld [tilespmem:s1+$0xFFFFFF30]  }
0x11f: {  	v5 =	vld [tilespmem:s1+$0xFFFFFF20]  }
0x120: {  	v7 =	vld [tilespmem:s1+$0xFFFFFF50];
	v6 =	vbroadcast v1, $0x0  }
0x121: {  	v9 =	vld [tilespmem:s1+$0xFFFFFF40];
	v8 =	vbroadcast v1, $0x1  }
0x122: {  	v62 =	vld [tilespmem:s1+$0xFFFFFF70];
	v3 =	vmul.f32 v3, v6;
	v2 =	vmul.f32 v2, v6  }
0x123: {  	v11 =	vld [tilespmem:s1+$0xFFFFFF60];
	v10 =	vbroadcast v1, $0x2;
	v4 =	vmul.f32 v4, v8  }
0x124: {  	v63 =	vld [tilespmem:s1+$0xFFFFFF90];
	v5 =	vmul.f32 v5, v8;
	v3 =	vadd.f32 $0.0e+00, v3;
	v2 =	vadd.f32 $0.0e+00, v2  }
0x125: {  	v13 =	vld [tilespmem:s1+$0xFFFFFF80];
	v12 =	vbroadcast v1, $0x3;
	v7 =	vmul.f32 v7, v10  }
0x126: {  	v19 =	vld [tilespmem:s1+$0xFFFFFFA0];
	v16 =	vmul.f32 v9, v10;
	v3 =	vadd.f32 v5, v3;
	v2 =	vadd.f32 v4, v2  }
0x127: {  	v17 =	vld [tilespmem:s1+$0xFFFFFFB0];
	v18 =	vbroadcast v1, $0x4;
	v6 =	vmul.f32 v62, v12  }
0x128: {  	v23 =	vld [tilespmem:s1+$0xFFFFFFC0];
	v20 =	vmul.f32 v11, v12;
	v3 =	vadd.f32 v16, v3;
	v2 =	vadd.f32 v7, v2  }
0x129: {  	v21 =	vld [tilespmem:s1+$0xFFFFFFD0];
	v22 =	vbroadcast v1, $0x5;
	v8 =	vmul.f32 v63, v18  }
0x12a: {  	v27 =	vld [tilespmem:s1+$0xFFFFFFE0];
	v24 =	vmul.f32 v13, v18;
	v3 =	vadd.f32 v20, v3;
	v2 =	vadd.f32 v6, v2  }
0x12b: {  	v25 =	vld [tilespmem:s1+$0xFFFFFFF0];
	v26 =	vbroadcast v1, $0x6;
	v28 =	vmul.f32 v19, v22  }
0x12c: {  	v31 =	vld [tilespmem:s1+$0x0];
	v5 =	vmul.f32 v17, v22;
	v3 =	vadd.f32 v24, v3;
	v2 =	vadd.f32 v8, v2  }
0x12d: {  	v29 =	vld [tilespmem:s1+$0x10];
	v30 =	vbroadcast v1, $0x7;
	v32 =	vmul.f32 v23, v26  }
0x12e: {  	v35 =	vld [tilespmem:s1+$0x20];
	v7 =	vmul.f32 v21, v26;
	v3 =	vadd.f32 v28, v3;
	v2 =	vadd.f32 v5, v2  }
0x12f: {  	v33 =	vld [tilespmem:s1+$0x30];
	v34 =	vbroadcast v1, $0x8;
	v36 =	vmul.f32 v27, v30  }
0x130: {  	v39 =	vld [tilespmem:s1+$0x40];
	v6 =	vmul.f32 v25, v30;
	v3 =	vadd.f32 v32, v3;
	v2 =	vadd.f32 v7, v2  }
0x131: {  	v37 =	vld [tilespmem:s1+$0x50];
	v38 =	vbroadcast v1, $0x9;
	v40 =	vmul.f32 v31, v34  }
0x132: {  	v43 =	vld [tilespmem:s1+$0x60];
	v8 =	vmul.f32 v29, v34;
	v3 =	vadd.f32 v36, v3;
	v2 =	vadd.f32 v6, v2  }
0x133: {  	v41 =	vld [tilespmem:s1+$0x70];
	v42 =	vbroadcast v1, $0xA;
	v44 =	vmul.f32 v35, v38  }
0x134: {  	v47 =	vld [tilespmem:s1+$0x80];
	v5 =	vmul.f32 v33, v38;
	v3 =	vadd.f32 v40, v3;
	v2 =	vadd.f32 v8, v2  }
0x135: {  	v45 =	vld [tilespmem:s1+$0x90];
	v46 =	vbroadcast v1, $0xB;
	v48 =	vmul.f32 v39, v42  }
0x136: {  	v51 =	vld [tilespmem:s1+$0xA0];
	v7 =	vmul.f32 v37, v42;
	v3 =	vadd.f32 v44, v3;
	v2 =	vadd.f32 v5, v2  }
0x137: {  	v49 =	vld [tilespmem:s1+$0xB0];
	v50 =	vbroadcast v1, $0xC;
	v52 =	vmul.f32 v43, v46  }
0x138: {  	v55 =	vld [tilespmem:s1+$0xC0];
	v6 =	vmul.f32 v41, v46;
	v3 =	vadd.f32 v48, v3;
	v2 =	vadd.f32 v7, v2  }
0x139: {  	v53 =	vld [tilespmem:s1+$0xD0];
	v54 =	vbroadcast v1, $0xD;
	v56 =	vmul.f32 v47, v50  }
0x13a: {  	v57 =	vld [tilespmem:s1+$0xF0];
	v8 =	vmul.f32 v45, v50;
	v3 =	vadd.f32 v52, v3;
	v2 =	vadd.f32 v6, v2  }
0x13b: {  	v59 =	vld [tilespmem:s1+$0xE0];
	v58 =	vbroadcast v1, $0xE;
	v60 =	vmul.f32 v51, v54  }
0x13c: {  	v5 =	vmul.f32 v49, v54;
	v3 =	vadd.f32 v56, v3;
	v2 =	vadd.f32 v8, v2  }
0x13d: {  	v1 =	vbroadcast v1, $0xF;
	v61 =	vmul.f32 v55, v58  }
0x13e: {  	v7 =	vmul.f32 v53, v58;
	v3 =	vadd.f32 v60, v3;
	v2 =	vadd.f32 v5, v2  }
0x13f: {  	v62 =	vmul.f32 v57, v1  }
0x140: {  	v1 =	vmul.f32 v59, v1;
	v3 =	vadd.f32 v61, v3;
	v63 =	vadd.f32 v7, v2;
	_ =	sdelay $0x1  }
0x141: {  	s10 =	simm.s32 $0x14B50;
	s11 =	simm.s32 $0x40;
	s12 =	simm.s32 $0x14B50;
	v2 =	vadd.f32 v1, v3;
	v1 =	vadd.f32 v62, v63  }
.LBB2_10:
0x142: {  	_ = 	snop  }
0x143: {  	p0 =	sne.s32 s11, $0x13C0;
	s12 =	sadd.s32 $0x20, s12;
	s1 =	sadd.s32 $0x200, s1;
	[tilespmem:s10+$0xFFFFFFF0] =	vst v2  }
0x144: {  	s9 =	sshra.s32 s11, $0x2;
	s11 =	sadd.s32 $0x40, s11;
	[tilespmem:s10+$0x0] =	vst v1;
	s10 =	smov.u32 s12  }
0x145: {  	v1 =	vld [tilespmem:s9+$0xA0]  }
0x146: {  	v2 =	vld [tilespmem:s1+$0xFFFFFF10]  }
0x147: {  	v3 =	vld [tilespmem:s1+$0xFFFFFF00]  }
0x148: {  	v4 =	vld [tilespmem:s1+$0xFFFFFF30]  }
0x149: {  	v5 =	vld [tilespmem:s1+$0xFFFFFF20]  }
0x14a: {  	v6 =	vbroadcast v1, $0x0;
	v7 =	vbroadcast v1, $0x1;
	v8 =	vld [tilespmem:s1+$0xFFFFFF50]  }
0x14b: {  	v10 =	vbroadcast v1, $0x2;
	v11 =	vbroadcast v1, $0x3;
	v9 =	vld [tilespmem:s1+$0xFFFFFF40]  }
0x14c: {  	v3 =	vmul.f32 v3, v6;
	v2 =	vmul.f32 v2, v6;
	v6 =	vld [tilespmem:s1+$0xFFFFFF70]  }
0x14d: {  	v13 =	vbroadcast v1, $0x4;
	v4 =	vmul.f32 v4, v7;
	v12 =	vld [tilespmem:s1+$0xFFFFFF60]  }
0x14e: {  	v3 =	vadd.f32 $0.0e+00, v3;
	v2 =	vadd.f32 $0.0e+00, v2;
	v5 =	vmul.f32 v5, v7;
	v7 =	vld [tilespmem:s1+$0xFFFFFF90]  }
0x14f: {  	v15 =	vbroadcast v1, $0x5;
	v8 =	vmul.f32 v8, v10;
	v14 =	vld [tilespmem:s1+$0xFFFFFF80]  }
0x150: {  	v3 =	vadd.f32 v5, v3;
	v2 =	vadd.f32 v4, v2;
	v4 =	vmul.f32 v9, v10;
	v5 =	vld [tilespmem:s1+$0xFFFFFFB0]  }
0x151: {  	v10 =	vbroadcast v1, $0x6;
	v6 =	vmul.f32 v6, v11;
	v9 =	vld [tilespmem:s1+$0xFFFFFFA0]  }
0x152: {  	v3 =	vadd.f32 v4, v3;
	v2 =	vadd.f32 v8, v2;
	v4 =	vmul.f32 v12, v11;
	v8 =	vld [tilespmem:s1+$0xFFFFFFD0]  }
0x153: {  	v12 =	vbroadcast v1, $0x7;
	v7 =	vmul.f32 v7, v13;
	v11 =	vld [tilespmem:s1+$0xFFFFFFC0]  }
0x154: {  	v3 =	vadd.f32 v4, v3;
	v2 =	vadd.f32 v6, v2;
	v4 =	vmul.f32 v14, v13;
	v6 =	vld [tilespmem:s1+$0xFFFFFFF0]  }
0x155: {  	v14 =	vbroadcast v1, $0x8;
	v5 =	vmul.f32 v5, v15;
	v13 =	vld [tilespmem:s1+$0xFFFFFFE0]  }
0x156: {  	v3 =	vadd.f32 v4, v3;
	v2 =	vadd.f32 v7, v2;
	v4 =	vmul.f32 v9, v15;
	v7 =	vld [tilespmem:s1+$0x10]  }
0x157: {  	v15 =	vbroadcast v1, $0x9;
	v8 =	vmul.f32 v8, v10;
	v9 =	vld [tilespmem:s1+$0x0]  }
0x158: {  	v3 =	vadd.f32 v4, v3;
	v2 =	vadd.f32 v5, v2;
	v4 =	vmul.f32 v11, v10;
	v5 =	vld [tilespmem:s1+$0x30]  }
0x159: {  	v11 =	vbroadcast v1, $0xA;
	v6 =	vmul.f32 v6, v12;
	v10 =	vld [tilespmem:s1+$0x20]  }
0x15a: {  	v3 =	vadd.f32 v4, v3;
	v2 =	vadd.f32 v8, v2;
	v4 =	vmul.f32 v13, v12;
	v8 =	vld [tilespmem:s1+$0x50]  }
0x15b: {  	v13 =	vbroadcast v1, $0xB;
	v7 =	vmul.f32 v7, v14;
	v12 =	vld [tilespmem:s1+$0x40]  }
0x15c: {  	v3 =	vadd.f32 v4, v3;
	v2 =	vadd.f32 v6, v2;
	v4 =	vmul.f32 v9, v14;
	v6 =	vld [tilespmem:s1+$0x70]  }
0x15d: {  	v14 =	vbroadcast v1, $0xC;
	v5 =	vmul.f32 v5, v15;
	v9 =	vld [tilespmem:s1+$0x60]  }
0x15e: {  	v3 =	vadd.f32 v4, v3;
	v2 =	vadd.f32 v7, v2;
	v4 =	vmul.f32 v10, v15;
	v7 =	vld [tilespmem:s1+$0x90]  }
0x15f: {  	v15 =	vbroadcast v1, $0xD;
	v8 =	vmul.f32 v8, v11;
	v10 =	vld [tilespmem:s1+$0x80]  }
0x160: {  	v3 =	vadd.f32 v4, v3;
	v2 =	vadd.f32 v5, v2;
	v4 =	vmul.f32 v12, v11;
	v5 =	vld [tilespmem:s1+$0xB0]  }
0x161: {  	v12 =	vbroadcast v1, $0xE;
	v6 =	vmul.f32 v6, v13;
	v11 =	vld [tilespmem:s1+$0xA0]  }
0x162: {  	v3 =	vadd.f32 v4, v3;
	v2 =	vadd.f32 v8, v2;
	v4 =	vmul.f32 v9, v13;
	v8 =	vld [tilespmem:s1+$0xD0]  }
0x163: {  	v1 =	vbroadcast v1, $0xF;
	v7 =	vmul.f32 v7, v14;
	v9 =	vld [tilespmem:s1+$0xC0]  }
0x164: {  	v3 =	vadd.f32 v4, v3;
	v2 =	vadd.f32 v6, v2;
	v4 =	vmul.f32 v10, v14;
	v6 =	vld [tilespmem:s1+$0xF0]  }
0x165: {  	v5 =	vmul.f32 v5, v15;
	v10 =	vld [tilespmem:s1+$0xE0]  }
0x166: {  	v3 =	vadd.f32 v4, v3;
	v2 =	vadd.f32 v7, v2;
	v4 =	vmul.f32 v11, v15  }
0x167: {  	v7 =	vmul.f32 v8, v12  }
.Ltmp4:
0x168: {  	v3 =	vadd.f32 v4, v3;
	v2 =	vadd.f32 v5, v2;
	v4 =	vmul.f32 v9, v12;
	(pc) =	sbr.rel @p0 .LBB2_10-.Ltmp4, $3  }
0x169: {  	v5 =	vmul.f32 v6, v1  }
0x16a: {  	v3 =	vadd.f32 v4, v3;
	v4 =	vadd.f32 v7, v2;
	v1 =	vmul.f32 v10, v1;
	_ =	sdelay $0x1  }
0x16b: {  	v2 =	vadd.f32 v1, v3;
	v1 =	vadd.f32 v5, v4  }
0x16c: {  	_ = 	snop  }
0x16d: {  	[tilespmem:s10+$0xFFFFFFF0] =	vst v2  }
0x16e: {  	[tilespmem:s10+$0x0] =	vst v1  }
0x16f: {  	[spmem:s2] =	stream.indirect.scatter.add.f32 [tilespmem:s31], [sflag:$0x4], $0x20, s21, s21, $0xb8;
	[tilespmem:$0x1F540] =	vst v63  }
0x170: {  	_ =	swait.ge [sflag:s20], $0xA00  }
0x171: {  	[sflag:s20] =	ssyncset.done $0x0  }
0x172: {  	[sflag:s20] =	ssyncadd.s32 $0xFFFFF600  }
0x173: {  	[tilespmem:s3], [sflag:$0x3] =	stream.linear.gather [hbm4b:s14+s3], $0x50, $0x38;
	[tilespmem:$0x1F540] =	vst v63  }
0x174: {  	s1 =	rddreg [dreg:$0x6]  }
0x175: {  	[tilespmem:s21], [sflag:$0x3] =	stream.linear.gather [hbm4b:s1+s3], $0x50, $0x38;
	[tilespmem:$0x1F540] =	vst v63  }
0x176: {  	_ = 	snop  }
0x177: {  	[tilespmem:s22], [sflag:$0x3] =	stream.linear.gather [hbm4b:s15+s3], $0x500, $0x38;
	[tilespmem:$0x1F540] =	vst v63  }
0x178: {  	_ =	swait.ge [sflag:s0], $0xA000  }
0x179: {  	[sflag:s0] =	ssyncset.done $0x0  }
0x17a: {  	[sflag:s0] =	ssyncadd.s32 $0xFFFF6000  }
0x17b: {  	_ =	swait.ge [sflag:s23], $0x50  }
0x17c: {  	[sflag:s23] =	ssyncset.done $0x0  }
0x17d: {  	[sflag:s23] =	ssyncadd.s32 $0xFFFFFFB0  }
0x17e: {  	_ =	swait.ge [sflag:s23], $0x50  }
0x17f: {  	[sflag:s23] =	ssyncset.done $0x0  }
0x180: {  	[sflag:s23] =	ssyncadd.s32 $0xFFFFFFB0  }
0x181: {  	_ =	swait.ge [sflag:s23], $0x500  }
0x182: {  	[sflag:s23] =	ssyncset.done $0x0  }
0x183: {  	s12 =	stileid.u32;
	[sflag:s23] =	ssyncadd.s32 $0xFFFFFB00  }
0x184: {  	s16 =	smov.u32 s13;
	s1 =	sshll.u32 s12, $0x6;
	[bflag:$0x0] =	sbarrier.arrive $0xFFFF  }
0x185: {  	s9 =	sshrl.u32 s13, $0x3;
	s1 =	sor.u32 $0x1C04, s1;
	s13 =	rddreg [dreg:$0x7]  }
0x186: {  	[hbm:s13], [sflag:s1] =	dma.local [spmem:s9], $0xA00  }
0x187: {  	_ =	swait.ge [sflag:s20], $0xA00  }
0x188: {  	s17 =	smov.u32 s14;
	s19 =	sadd.s32 $0x1, s19;
	s14 =	rddreg [dreg:$0x8]  }
0x189: {  	p0 =	sne.s32 s19, s14  }
.Ltmp5:
0x18a: {  	_ = 	snop;
	(pc) =	sbr.rel @p0 .LBB2_1-.Ltmp5, $3  }
0x18b: {  	_ =	sdelay $0x1  }
0x18c: {  	[sflag:s20] =	ssyncset.done $0x0  }
0x18d: {  	[sflag:s20] =	ssyncadd.s32 $0xFFFFF600  }
0x18e: {  	_ =	sfence.sel $0x180000  }
0x18f: {  	[bflag:$0x0] =	sbarrier.arrive $0xFFFF  }
0x190: {  	_ =	strace $0x9000004D  }
0x191: {  	s0 =	stileid.u32;
	[bflag:$0x2] =	sbarrier.arrive $0xFFFF  }
0x192: {  	p0 =	sne.s32 s0, $0x0;
	s0 =	rddreg [dreg:$0x2]  }
0x193: {  	s0 =	sadd.s32 @!p0 $0x100000, s0  }
0x194: {  	[sflag:s0] =	ssyncadd.tile.s32 @!p0 $0x1;
	_ =	shalt  }
.Lfunc_end2:
_tile_overlayer_lowered:
.L_overlay_start_2:
0x195: {  	(tag) =	ssettag $0x2  }
0x196: {  	s0 =	rddreg [dreg:$0x0];
	s2 =	stileid.u32  }
0x197: {  	s1 =	rddreg [dreg:$0x1];
	p0 =	sne.s32 s2, $0x0  }
0x198: {  	s3 =	rddreg [dreg:$0x2];
	[bflag:$0x3] =	sbarrier.arrive $0xFFFF;
	s2 =	simm.s32 @!p0 $0x1C04  }
0x199: {  	[timem:s3], [sflag:s2] =	dma.local @!p0 [hbm:s0], s1  }
0x19a: {  	s0 =	simm.s32 @!p0 $0x4  }
0x19b: {  	_ =	swait.ge @!p0 [sflag:s0], s1  }
0x19c: {  	s1 =	ssub.s32 @!p0 $0x0, s1;
	[sflag:s0] =	ssyncset.done @!p0 $0x0  }
0x19d: {  	[sflag:s0] =	ssyncadd.s32 @!p0 s1  }
0x19e: {  	[bflag:$0x3] =	sbarrier.arrive $0xFFFF  }
0x19f: {  	_ =	shalt  }

</sc_bundles>
